<compile_context>
chip_gen: v7x
topology: tpu7x:2x2x1
jax: 0.10.2.dev20260603
libtpu: 0.0.44.dev20260713+nightly
codegen_flags: <defaults>
</compile_context>

<pallas_src>
import functools

import jax
import jax.numpy as jnp
from jax import lax
from jax.experimental import pallas as pl
from jax.experimental.pallas import tpu as pltpu
from jax.experimental.pallas import tpu_sc as plsc

_RANK = 32
_B = 1024
_D = 2 * _RANK
_L = 16

_info = plsc.get_sparse_core_info()
_NC, _NS = _info.num_cores, _info.num_subcores
_NW = _NC * _NS
_BPW = _B // _NW


def _sc_body(ent_hbm, rel_hbm, time_hbm, rnt_hbm, idx_hbm,
             q_hbm, idx_v, lhs_v, rel_v, rnt_v, tim_v, q_v, sem):
    wid = lax.axis_index("s") * _NC + lax.axis_index("c")
    base = wid * _BPW
    pltpu.sync_copy(idx_hbm.at[wid], idx_v)
    c1 = pltpu.async_copy(ent_hbm.at[idx_v.at[0]], lhs_v, sem)
    c2 = pltpu.async_copy(rel_hbm.at[idx_v.at[2]], rel_v, sem)
    c3 = pltpu.async_copy(rnt_hbm.at[idx_v.at[2]], rnt_v, sem)
    c4 = pltpu.async_copy(time_hbm.at[idx_v.at[4]], tim_v, sem)
    c1.wait()
    c2.wait()
    c3.wait()
    c4.wait()
    rows0 = lax.iota(jnp.int32, _L)
    for g in range(_BPW // _L):
        rows = rows0 + g * _L
        sl = pl.ds(g * _L, _L)
        pe = idx_v[1, sl]
        pr = idx_v[3, sl]
        pt = idx_v[5, sl]
        for k in range(_RANK):
            l0 = plsc.load_gather(lhs_v, [rows, pe + k])
            l1 = plsc.load_gather(lhs_v, [rows, pe + (k + _RANK)])
            r0 = plsc.load_gather(rel_v, [rows, pr + k])
            r1 = plsc.load_gather(rel_v, [rows, pr + (k + _RANK)])
            n0 = plsc.load_gather(rnt_v, [rows, pr + k])
            n1 = plsc.load_gather(rnt_v, [rows, pr + (k + _RANK)])
            t0 = plsc.load_gather(tim_v, [rows, pt + k])
            t1 = plsc.load_gather(tim_v, [rows, pt + (k + _RANK)])
            f0 = r0 * t0 - r1 * t1 + n0
            f1 = r0 * t1 + r1 * t0 + n1
            ck = jnp.full((_L,), k, jnp.int32)
            plsc.store_scatter(q_v, [rows, ck], l0 * f0 - l1 * f1)
            plsc.store_scatter(q_v, [rows, ck + _RANK], l1 * f0 + l0 * f1)
    pltpu.sync_copy(q_v, q_hbm.at[pl.ds(base, _BPW)])


_sc_combine = functools.partial(
    pl.kernel,
    mesh=plsc.VectorSubcoreMesh(core_axis_name="c", subcore_axis_name="s"),
    out_type=jax.ShapeDtypeStruct((_B, _D), jnp.float32),
    scratch_types=[
        pltpu.VMEM((6, _BPW), jnp.int32),
        pltpu.VMEM((_BPW, 2 * _D), jnp.float32),
        pltpu.VMEM((_BPW, 2 * _D), jnp.float32),
        pltpu.VMEM((_BPW, 2 * _D), jnp.float32),
        pltpu.VMEM((_BPW, 2 * _D), jnp.float32),
        pltpu.VMEM((_BPW, _D), jnp.float32),
        pltpu.SemaphoreType.DMA,
    ],
    compiler_params=pltpu.CompilerParams(needs_layout_passes=False),
)(_sc_body)


_N_ENT = 100000
_TN = 4096
_NT = (_N_ENT + _TN - 1) // _TN


def _mm_body(q_ref, e_ref, o_ref):
    o_ref[...] = lax.dot_general(
        q_ref[...], e_ref[...], (((1,), (1,)), ((), ())),
        preferred_element_type=jnp.float32)


def _score(q, ent_emb):
    return pl.pallas_call(
        _mm_body,
        grid=(_NT,),
        in_specs=[
            pl.BlockSpec((_B, _D), lambda i: (0, 0)),
            pl.BlockSpec((_TN, _D), lambda i: (i, 0)),
        ],
        out_specs=pl.BlockSpec((_B, _TN), lambda i: (0, i)),
        out_shape=jax.ShapeDtypeStruct((_B, _N_ENT), jnp.float32),
        compiler_params=pltpu.CompilerParams(
            vmem_limit_bytes=100 * 1024 * 1024),
    )(q, ent_emb)


def kernel(queries, ent_emb, rel_emb, time_emb, rel_nt_emb):
    qT = queries.T
    idx = jnp.stack([
        qT[0] >> 1, (qT[0] & 1) * _D,
        qT[1] >> 1, (qT[1] & 1) * _D,
        qT[3] >> 1, (qT[3] & 1) * _D,
    ]).astype(jnp.int32)
    idx = idx.reshape(6, _NW, _BPW).transpose(1, 0, 2)
    ent2 = ent_emb.reshape(-1, 2 * _D)
    rel2 = rel_emb.reshape(-1, 2 * _D)
    tim2 = time_emb.reshape(-1, 2 * _D)
    rnt2 = rel_nt_emb.reshape(-1, 2 * _D)
    q = _sc_combine(ent2, rel2, tim2, rnt2, idx)
    return _score(q, ent_emb)

# --- scband reference (transcript-rebuilt; emitter-appended) ---
"""Pipeline reference for scband-hge-tntcompl-ex-6021544149210 (READ-ONLY COPY).

The authoritative reference and input builder live on the scoring server;
editing this copy changes nothing except your own understanding.
"""

import jax, jax.numpy as jnp
import numpy as np

N_ENT = 100000
N_REL = 1000
N_TS = 10000
RANK = 32
INIT = 0.01
B = 1024


def setup_inputs(seed: int = 0) -> dict:
    key = jax.random.key(seed)
    ks = jax.random.split(key, 8)
    queries = jnp.stack([
        jax.random.randint(ks[0], (B,), 0, N_ENT),
        jax.random.randint(ks[1], (B,), 0, N_REL),
        jax.random.randint(ks[2], (B,), 0, N_ENT),
        jax.random.randint(ks[3], (B,), 0, N_TS),
    ], axis=1)
    ent_emb = INIT * jax.random.normal(ks[4], (N_ENT, 2 * RANK), dtype=jnp.float32)
    rel_emb = INIT * jax.random.normal(ks[5], (N_REL, 2 * RANK), dtype=jnp.float32)
    time_emb = INIT * jax.random.normal(ks[6], (N_TS, 2 * RANK), dtype=jnp.float32)
    rel_nt_emb = INIT * jax.random.normal(ks[7], (N_REL, 2 * RANK), dtype=jnp.float32)
    return {
        "queries": queries,
        "ent_emb": ent_emb,
        "rel_emb": rel_emb,
        "time_emb": time_emb,
        "rel_nt_emb": rel_nt_emb,
    }


def cal_num_form(x, y, num="complex"):
    if num == "split":
        return (x[0] * y[0] + x[1] * y[1], x[0] * y[1] + x[1] * y[0])
    elif num == "dual":
        return (x[0] * y[0], x[0] * y[1] + x[1] * y[0])
    elif num == "complex":
        return (x[0] * y[0] - x[1] * y[1], x[0] * y[1] + x[1] * y[0])
    else:
        s, d, c = [cal_num_form(x, y, i) for i in ["split", "dual", "complex"]]
        return ((s[0] + d[0] + c[0]) / 3.0, (s[1] + d[1] + c[1]) / 3.0)


def reference(queries, ent_emb, rel_emb, time_emb, rel_nt_emb):
    q = queries
    lhs = jnp.take(ent_emb, q[:, 0], axis=0)
    rel = jnp.take(rel_emb, q[:, 1], axis=0)
    rnt = jnp.take(rel_nt_emb, q[:, 1], axis=0)
    time = jnp.take(time_emb, q[:, 3], axis=0)
    lhs = (lhs[:, :RANK], lhs[:, RANK:])
    rel = (rel[:, :RANK], rel[:, RANK:])
    rnt = (rnt[:, :RANK], rnt[:, RANK:])
    time = (time[:, :RANK], time[:, RANK:])
    # relation modulated by time in the chosen number system (complex == TNTComplEx)
    rt = cal_num_form(rel, time, "complex")
    # add the non-temporal relation component
    full_rel = (rt[0] + rnt[0], rt[1] + rnt[1])
    right = ent_emb
    pred = (lhs[0] * full_rel[0] - lhs[1] * full_rel[1]) @ right[:, :RANK].T \
         + (lhs[1] * full_rel[0] + lhs[0] * full_rel[1]) @ right[:, RANK:].T
    return pred

if __name__ == "__main__":
    import jax
    _d = setup_inputs()
    print(jax.jit(kernel)(*tuple(_d.values())))

</pallas_src>

<mosaic_0001>
#map = affine_map<(d0, d1) -> (0, 0)>
#map1 = affine_map<(d0, d1) -> (0, 0, 0)>
module attributes {stable_mosaic.version = 14 : i64} {
  func.func @_sc_body(%arg0: i32, %arg1: i32, %arg2: memref<50000x128xf32, #tpu.memory_space<hbm>>, %arg3: memref<500x128xf32, #tpu.memory_space<hbm>>, %arg4: memref<5000x128xf32, #tpu.memory_space<hbm>>, %arg5: memref<500x128xf32, #tpu.memory_space<hbm>>, %arg6: memref<32x6x32xi32, #tpu.memory_space<hbm>>, %arg7: memref<1024x64xf32, #tpu.memory_space<hbm>>, %arg8: memref<6x32xi32, #tpu.memory_space<vmem>>, %arg9: memref<32x128xf32, #tpu.memory_space<vmem>>, %arg10: memref<32x128xf32, #tpu.memory_space<vmem>>, %arg11: memref<32x128xf32, #tpu.memory_space<vmem>>, %arg12: memref<32x128xf32, #tpu.memory_space<vmem>>, %arg13: memref<32x64xf32, #tpu.memory_space<vmem>>, %arg14: memref<!tpu.dma_semaphore, #tpu.memory_space<semaphore_mem>>) attributes {dimension_semantics = [#tpu.dimension_semantics<core_parallel>, #tpu.dimension_semantics<subcore_parallel>], iteration_bounds = array<i64: 2, 16>, scalar_prefetch = 0 : i64, scratch_operands = 7 : i64, tpu.core_type = #tpu.core_type<sc_vector_subcore>, window_params = [{transform_indices = #map}, {transform_indices = #map}, {transform_indices = #map}, {transform_indices = #map}, {transform_indices = #map1}, {transform_indices = #map}]} {
    %mul3A = arith.constant 2 : i32
    %mul3A_0 = arith.muli %arg1, %mul3A : i32
    %add3A = arith.addi %mul3A_0, %arg0 : i32
    %mul3A_1 = arith.constant 32 : i32
    %mul3A_2 = arith.muli %add3A, %mul3A_1 : i32
    "tpu.region"() ({
      %run_scoped3A = tpu.sem_alloc : memref<!tpu.dma_semaphore, #tpu.memory_space<semaphore_mem>>
      %dma_start3A_3347 = arith.constant 0 : i32
      %dma_start3A_3348 = arith.constant 0 : i32
      %dma_start3A_3349 = tpu.memref_slice %arg6[%add3A, %dma_start3A_3347, %dma_start3A_3348] : memref<32x6x32xi32, #tpu.memory_space<hbm>> -> memref<1x6x32xi32, #tpu.memory_space<hbm>>
      %dma_start3A_3350 = tpu.memref_squeeze %dma_start3A_3349 : memref<1x6x32xi32, #tpu.memory_space<hbm>> -> memref<6x32xi32, #tpu.memory_space<hbm>>
      %dma_start3A_3351 = arith.constant 0 : i32
      %dma_start3A_3352 = arith.constant 0 : i32
      %dma_start3A_3353 = tpu.memref_slice %arg6[%add3A, %dma_start3A_3351, %dma_start3A_3352] : memref<32x6x32xi32, #tpu.memory_space<hbm>> -> memref<1x6x32xi32, #tpu.memory_space<hbm>>
      %dma_start3A_3354 = tpu.memref_squeeze %dma_start3A_3353 : memref<1x6x32xi32, #tpu.memory_space<hbm>> -> memref<6x32xi32, #tpu.memory_space<hbm>>
      tpu.enqueue_dma source(%dma_start3A_3354 : memref<6x32xi32, #tpu.memory_space<hbm>>) target(%arg8 : memref<6x32xi32, #tpu.memory_space<vmem>>) target_semaphore(%run_scoped3A : memref<!tpu.dma_semaphore, #tpu.memory_space<semaphore_mem>>)
      %dma_wait3A_3355 = arith.constant 0 : i32
      %dma_wait3A_3356 = arith.constant 0 : i32
      %dma_wait3A_3357 = tpu.memref_slice %arg6[%add3A, %dma_wait3A_3355, %dma_wait3A_3356] : memref<32x6x32xi32, #tpu.memory_space<hbm>> -> memref<1x6x32xi32, #tpu.memory_space<hbm>>
      %dma_wait3A_3358 = tpu.memref_squeeze %dma_wait3A_3357 : memref<1x6x32xi32, #tpu.memory_space<hbm>> -> memref<6x32xi32, #tpu.memory_space<hbm>>
      %dma_wait3A_3359 = arith.constant 0 : i32
      %dma_wait3A_3360 = arith.constant 0 : i32
      %dma_wait3A_3361 = tpu.memref_slice %arg6[%add3A, %dma_wait3A_3359, %dma_wait3A_3360] : memref<32x6x32xi32, #tpu.memory_space<hbm>> -> memref<1x6x32xi32, #tpu.memory_space<hbm>>
      %dma_wait3A_3362 = tpu.memref_squeeze %dma_wait3A_3361 : memref<1x6x32xi32, #tpu.memory_space<hbm>> -> memref<6x32xi32, #tpu.memory_space<hbm>>
      tpu.wait_dma2 semaphore(%run_scoped3A : memref<!tpu.dma_semaphore, #tpu.memory_space<semaphore_mem>>) src(%dma_wait3A_3362 : memref<6x32xi32, #tpu.memory_space<hbm>>) dst(%arg8 : memref<6x32xi32, #tpu.memory_space<vmem>>)
      tpu.yield
    }) : () -> ()
    %dma_start3A = arith.constant 0 : i32
    %dma_start3A_3 = arith.constant 0 : i32
    %dma_start3A_4 = tpu.memref_slice %arg8[%dma_start3A, %dma_start3A_3] : memref<6x32xi32, #tpu.memory_space<vmem>> -> memref<1x32xi32, #tpu.memory_space<vmem>>
    %dma_start3A_5 = tpu.memref_squeeze %dma_start3A_4 : memref<1x32xi32, #tpu.memory_space<vmem>> -> memref<32xi32, #tpu.memory_space<vmem>>
    %dma_start3A_6 = arith.constant 0 : i32
    %dma_start3A_7 = arith.constant 0 : i32
    %dma_start3A_8 = tpu.memref_slice %arg2[%dma_start3A_6, %dma_start3A_7] : memref<50000x128xf32, #tpu.memory_space<hbm>> -> memref<50000x128xf32, #tpu.memory_space<hbm>>
    tpu.enqueue_indirect_dma source(%dma_start3A_8 : memref<50000x128xf32, #tpu.memory_space<hbm>>) target(%arg9 : memref<32x128xf32, #tpu.memory_space<vmem>>) offsets(%dma_start3A_5 : memref<32xi32, #tpu.memory_space<vmem>>) semaphore(%arg14 : memref<!tpu.dma_semaphore, #tpu.memory_space<semaphore_mem>>)
    %dma_start3A_9 = arith.constant 2 : i32
    %dma_start3A_10 = arith.constant 0 : i32
    %dma_start3A_11 = tpu.memref_slice %arg8[%dma_start3A_9, %dma_start3A_10] : memref<6x32xi32, #tpu.memory_space<vmem>> -> memref<1x32xi32, #tpu.memory_space<vmem>>
    %dma_start3A_12 = tpu.memref_squeeze %dma_start3A_11 : memref<1x32xi32, #tpu.memory_space<vmem>> -> memref<32xi32, #tpu.memory_space<vmem>>
    %dma_start3A_13 = arith.constant 0 : i32
    %dma_start3A_14 = arith.constant 0 : i32
    %dma_start3A_15 = tpu.memref_slice %arg3[%dma_start3A_13, %dma_start3A_14] : memref<500x128xf32, #tpu.memory_space<hbm>> -> memref<500x128xf32, #tpu.memory_space<hbm>>
    tpu.enqueue_indirect_dma source(%dma_start3A_15 : memref<500x128xf32, #tpu.memory_space<hbm>>) target(%arg10 : memref<32x128xf32, #tpu.memory_space<vmem>>) offsets(%dma_start3A_12 : memref<32xi32, #tpu.memory_space<vmem>>) semaphore(%arg14 : memref<!tpu.dma_semaphore, #tpu.memory_space<semaphore_mem>>)
    %dma_start3A_16 = arith.constant 2 : i32
    %dma_start3A_17 = arith.constant 0 : i32
    %dma_start3A_18 = tpu.memref_slice %arg8[%dma_start3A_16, %dma_start3A_17] : memref<6x32xi32, #tpu.memory_space<vmem>> -> memref<1x32xi32, #tpu.memory_space<vmem>>
    %dma_start3A_19 = tpu.memref_squeeze %dma_start3A_18 : memref<1x32xi32, #tpu.memory_space<vmem>> -> memref<32xi32, #tpu.memory_space<vmem>>
    %dma_start3A_20 = arith.constant 0 : i32
    %dma_start3A_21 = arith.constant 0 : i32
    %dma_start3A_22 = tpu.memref_slice %arg5[%dma_start3A_20, %dma_start3A_21] : memref<500x128xf32, #tpu.memory_space<hbm>> -> memref<500x128xf32, #tpu.memory_space<hbm>>
    tpu.enqueue_indirect_dma source(%dma_start3A_22 : memref<500x128xf32, #tpu.memory_space<hbm>>) target(%arg11 : memref<32x128xf32, #tpu.memory_space<vmem>>) offsets(%dma_start3A_19 : memref<32xi32, #tpu.memory_space<vmem>>) semaphore(%arg14 : memref<!tpu.dma_semaphore, #tpu.memory_space<semaphore_mem>>)
    %dma_start3A_23 = arith.constant 4 : i32
    %dma_start3A_24 = arith.constant 0 : i32
    %dma_start3A_25 = tpu.memref_slice %arg8[%dma_start3A_23, %dma_start3A_24] : memref<6x32xi32, #tpu.memory_space<vmem>> -> memref<1x32xi32, #tpu.memory_space<vmem>>
    %dma_start3A_26 = tpu.memref_squeeze %dma_start3A_25 : memref<1x32xi32, #tpu.memory_space<vmem>> -> memref<32xi32, #tpu.memory_space<vmem>>
    %dma_start3A_27 = arith.constant 0 : i32
    %dma_start3A_28 = arith.constant 0 : i32
    %dma_start3A_29 = tpu.memref_slice %arg4[%dma_start3A_27, %dma_start3A_28] : memref<5000x128xf32, #tpu.memory_space<hbm>> -> memref<5000x128xf32, #tpu.memory_space<hbm>>
    tpu.enqueue_indirect_dma source(%dma_start3A_29 : memref<5000x128xf32, #tpu.memory_space<hbm>>) target(%arg12 : memref<32x128xf32, #tpu.memory_space<vmem>>) offsets(%dma_start3A_26 : memref<32xi32, #tpu.memory_space<vmem>>) semaphore(%arg14 : memref<!tpu.dma_semaphore, #tpu.memory_space<semaphore_mem>>)
    %dma_wait3A = arith.constant 0 : i32
    %dma_wait3A_30 = arith.constant 0 : i32
    %dma_wait3A_31 = tpu.memref_slice %arg8[%dma_wait3A, %dma_wait3A_30] : memref<6x32xi32, #tpu.memory_space<vmem>> -> memref<1x32xi32, #tpu.memory_space<vmem>>
    %dma_wait3A_32 = tpu.memref_squeeze %dma_wait3A_31 : memref<1x32xi32, #tpu.memory_space<vmem>> -> memref<32xi32, #tpu.memory_space<vmem>>
    %dma_wait3A_33 = arith.constant 0 : i32
    %dma_wait3A_34 = arith.constant 0 : i32
    %dma_wait3A_35 = tpu.memref_slice %arg2[%dma_wait3A_33, %dma_wait3A_34] : memref<50000x128xf32, #tpu.memory_space<hbm>> -> memref<50000x128xf32, #tpu.memory_space<hbm>>
    tpu.wait_indirect_dma semaphore(%arg14 : memref<!tpu.dma_semaphore, #tpu.memory_space<semaphore_mem>>) src(%dma_wait3A_35 : memref<50000x128xf32, #tpu.memory_space<hbm>>) dst(%arg9 : memref<32x128xf32, #tpu.memory_space<vmem>>)
    %dma_wait3A_36 = arith.constant 2 : i32
    %dma_wait3A_37 = arith.constant 0 : i32
    %dma_wait3A_38 = tpu.memref_slice %arg8[%dma_wait3A_36, %dma_wait3A_37] : memref<6x32xi32, #tpu.memory_space<vmem>> -> memref<1x32xi32, #tpu.memory_space<vmem>>
    %dma_wait3A_39 = tpu.memref_squeeze %dma_wait3A_38 : memref<1x32xi32, #tpu.memory_space<vmem>> -> memref<32xi32, #tpu.memory_space<vmem>>
    %dma_wait3A_40 = arith.constant 0 : i32
    %dma_wait3A_41 = arith.constant 0 : i32
    %dma_wait3A_42 = tpu.memref_slice %arg3[%dma_wait3A_40, %dma_wait3A_41] : memref<500x128xf32, #tpu.memory_space<hbm>> -> memref<500x128xf32, #tpu.memory_space<hbm>>
    tpu.wait_indirect_dma semaphore(%arg14 : memref<!tpu.dma_semaphore, #tpu.memory_space<semaphore_mem>>) src(%dma_wait3A_42 : memref<500x128xf32, #tpu.memory_space<hbm>>) dst(%arg10 : memref<32x128xf32, #tpu.memory_space<vmem>>)
    %dma_wait3A_43 = arith.constant 2 : i32
    %dma_wait3A_44 = arith.constant 0 : i32
    %dma_wait3A_45 = tpu.memref_slice %arg8[%dma_wait3A_43, %dma_wait3A_44] : memref<6x32xi32, #tpu.memory_space<vmem>> -> memref<1x32xi32, #tpu.memory_space<vmem>>
    %dma_wait3A_46 = tpu.memref_squeeze %dma_wait3A_45 : memref<1x32xi32, #tpu.memory_space<vmem>> -> memref<32xi32, #tpu.memory_space<vmem>>
    %dma_wait3A_47 = arith.constant 0 : i32
    %dma_wait3A_48 = arith.constant 0 : i32
    %dma_wait3A_49 = tpu.memref_slice %arg5[%dma_wait3A_47, %dma_wait3A_48] : memref<500x128xf32, #tpu.memory_space<hbm>> -> memref<500x128xf32, #tpu.memory_space<hbm>>
    tpu.wait_indirect_dma semaphore(%arg14 : memref<!tpu.dma_semaphore, #tpu.memory_space<semaphore_mem>>) src(%dma_wait3A_49 : memref<500x128xf32, #tpu.memory_space<hbm>>) dst(%arg11 : memref<32x128xf32, #tpu.memory_space<vmem>>)
    %dma_wait3A_50 = arith.constant 4 : i32
    %dma_wait3A_51 = arith.constant 0 : i32
    %dma_wait3A_52 = tpu.memref_slice %arg8[%dma_wait3A_50, %dma_wait3A_51] : memref<6x32xi32, #tpu.memory_space<vmem>> -> memref<1x32xi32, #tpu.memory_space<vmem>>
    %dma_wait3A_53 = tpu.memref_squeeze %dma_wait3A_52 : memref<1x32xi32, #tpu.memory_space<vmem>> -> memref<32xi32, #tpu.memory_space<vmem>>
    %dma_wait3A_54 = arith.constant 0 : i32
    %dma_wait3A_55 = arith.constant 0 : i32
    %dma_wait3A_56 = tpu.memref_slice %arg4[%dma_wait3A_54, %dma_wait3A_55] : memref<5000x128xf32, #tpu.memory_space<hbm>> -> memref<5000x128xf32, #tpu.memory_space<hbm>>
    tpu.wait_indirect_dma semaphore(%arg14 : memref<!tpu.dma_semaphore, #tpu.memory_space<semaphore_mem>>) src(%dma_wait3A_56 : memref<5000x128xf32, #tpu.memory_space<hbm>>) dst(%arg12 : memref<32x128xf32, #tpu.memory_space<vmem>>)
    %iota3A = tpu.iota {dimensions = array<i32: 0>} : vector<16xi32>
    %add3A_57 = arith.constant 0 : i32
    %add3A_58 = vector.broadcast %add3A_57 : i32 to vector<16xi32>
    %add3A_59 = arith.addi %iota3A, %add3A_58 : vector<16xi32>
    %get3A = arith.constant 1 : i32
    %get3A_60 = arith.index_cast %get3A : i32 to index
    %get3A_61 = arith.constant 0 : index
    %get3A_62 = tpu.vector_load %arg8[%get3A_60, %get3A_61] {strides = array<i32>} : memref<6x32xi32, #tpu.memory_space<vmem>>, vector<16xi32>,
    %get3A_63 = arith.constant 3 : i32
    %get3A_64 = arith.index_cast %get3A_63 : i32 to index
    %get3A_65 = arith.constant 0 : index
    %get3A_66 = tpu.vector_load %arg8[%get3A_64, %get3A_65] {strides = array<i32>} : memref<6x32xi32, #tpu.memory_space<vmem>>, vector<16xi32>,
    %get3A_67 = arith.constant 5 : i32
    %get3A_68 = arith.index_cast %get3A_67 : i32 to index
    %get3A_69 = arith.constant 0 : index
    %get3A_70 = tpu.vector_load %arg8[%get3A_68, %get3A_69] {strides = array<i32>} : memref<6x32xi32, #tpu.memory_space<vmem>>, vector<16xi32>,
    %add3A_71 = arith.constant 0 : i32
    %add3A_72 = vector.broadcast %add3A_71 : i32 to vector<16xi32>
    %add3A_73 = arith.addi %get3A_62, %add3A_72 : vector<16xi32>
    %gather3A = tpu.vector_load_idx %arg9[%add3A_59, %add3A_73] : memref<32x128xf32, #tpu.memory_space<vmem>>[vector<16xi32>, vector<16xi32>], vector<16xf32>,
    %add3A_74 = arith.constant 32 : i32
    %add3A_75 = vector.broadcast %add3A_74 : i32 to vector<16xi32>
    %add3A_76 = arith.addi %get3A_62, %add3A_75 : vector<16xi32>
    %gather3A_77 = tpu.vector_load_idx %arg9[%add3A_59, %add3A_76] : memref<32x128xf32, #tpu.memory_space<vmem>>[vector<16xi32>, vector<16xi32>], vector<16xf32>,
    %add3A_78 = arith.constant 0 : i32
    %add3A_79 = vector.broadcast %add3A_78 : i32 to vector<16xi32>
    %add3A_80 = arith.addi %get3A_66, %add3A_79 : vector<16xi32>
    %gather3A_81 = tpu.vector_load_idx %arg10[%add3A_59, %add3A_80] : memref<32x128xf32, #tpu.memory_space<vmem>>[vector<16xi32>, vector<16xi32>], vector<16xf32>,
    %add3A_82 = arith.constant 32 : i32
    %add3A_83 = vector.broadcast %add3A_82 : i32 to vector<16xi32>
    %add3A_84 = arith.addi %get3A_66, %add3A_83 : vector<16xi32>
    %gather3A_85 = tpu.vector_load_idx %arg10[%add3A_59, %add3A_84] : memref<32x128xf32, #tpu.memory_space<vmem>>[vector<16xi32>, vector<16xi32>], vector<16xf32>,
    %add3A_86 = arith.constant 0 : i32
    %add3A_87 = vector.broadcast %add3A_86 : i32 to vector<16xi32>
    %add3A_88 = arith.addi %get3A_66, %add3A_87 : vector<16xi32>
    %gather3A_89 = tpu.vector_load_idx %arg11[%add3A_59, %add3A_88] : memref<32x128xf32, #tpu.memory_space<vmem>>[vector<16xi32>, vector<16xi32>], vector<16xf32>,
    %add3A_90 = arith.constant 32 : i32
    %add3A_91 = vector.broadcast %add3A_90 : i32 to vector<16xi32>
    %add3A_92 = arith.addi %get3A_66, %add3A_91 : vector<16xi32>
    %gather3A_93 = tpu.vector_load_idx %arg11[%add3A_59, %add3A_92] : memref<32x128xf32, #tpu.memory_space<vmem>>[vector<16xi32>, vector<16xi32>], vector<16xf32>,
    %add3A_94 = arith.constant 0 : i32
    %add3A_95 = vector.broadcast %add3A_94 : i32 to vector<16xi32>
    %add3A_96 = arith.addi %get3A_70, %add3A_95 : vector<16xi32>
    %gather3A_97 = tpu.vector_load_idx %arg12[%add3A_59, %add3A_96] : memref<32x128xf32, #tpu.memory_space<vmem>>[vector<16xi32>, vector<16xi32>], vector<16xf32>,
    %add3A_98 = arith.constant 32 : i32
    %add3A_99 = vector.broadcast %add3A_98 : i32 to vector<16xi32>
    %add3A_100 = arith.addi %get3A_70, %add3A_99 : vector<16xi32>
    %gather3A_101 = tpu.vector_load_idx %arg12[%add3A_59, %add3A_100] : memref<32x128xf32, #tpu.memory_space<vmem>>[vector<16xi32>, vector<16xi32>], vector<16xf32>,
    %mul3A_102 = arith.mulf %gather3A_81, %gather3A_97 : vector<16xf32>
    %mul3A_103 = arith.mulf %gather3A_85, %gather3A_101 : vector<16xf32>
    %sub3A = arith.subf %mul3A_102, %mul3A_103 : vector<16xf32>
    %add3A_104 = arith.addf %sub3A, %gather3A_89 : vector<16xf32>
    %mul3A_105 = arith.mulf %gather3A_81, %gather3A_101 : vector<16xf32>
    %mul3A_106 = arith.mulf %gather3A_85, %gather3A_97 : vector<16xf32>
    %add3A_107 = arith.addf %mul3A_105, %mul3A_106 : vector<16xf32>
    %add3A_108 = arith.addf %add3A_107, %gather3A_93 : vector<16xf32>
    %broadcast_in_dim3A = arith.constant 0 : i32
    %broadcast_in_dim3A_109 = vector.broadcast %broadcast_in_dim3A : i32 to vector<16xi32>
    %mul3A_110 = arith.mulf %gather3A, %add3A_104 : vector<16xf32>
    %mul3A_111 = arith.mulf %gather3A_77, %add3A_108 : vector<16xf32>
    %sub3A_112 = arith.subf %mul3A_110, %mul3A_111 : vector<16xf32>
    tpu.vector_store_idx %arg13[%add3A_59, %broadcast_in_dim3A_109], %sub3A_112 : memref<32x64xf32, #tpu.memory_space<vmem>>[vector<16xi32>, vector<16xi32>], vector<16xf32>,
    %add3A_113 = arith.constant 32 : i32
    %add3A_114 = vector.broadcast %add3A_113 : i32 to vector<16xi32>
    %add3A_115 = arith.addi %broadcast_in_dim3A_109, %add3A_114 : vector<16xi32>
    %mul3A_116 = arith.mulf %gather3A_77, %add3A_104 : vector<16xf32>
    %mul3A_117 = arith.mulf %gather3A, %add3A_108 : vector<16xf32>
    %add3A_118 = arith.addf %mul3A_116, %mul3A_117 : vector<16xf32>
    tpu.vector_store_idx %arg13[%add3A_59, %add3A_115], %add3A_118 : memref<32x64xf32, #tpu.memory_space<vmem>>[vector<16xi32>, vector<16xi32>], vector<16xf32>,
    %add3A_119 = arith.constant 1 : i32
    %add3A_120 = vector.broadcast %add3A_119 : i32 to vector<16xi32>
    %add3A_121 = arith.addi %get3A_62, %add3A_120 : vector<16xi32>
    %gather3A_122 = tpu.vector_load_idx %arg9[%add3A_59, %add3A_121] : memref<32x128xf32, #tpu.memory_space<vmem>>[vector<16xi32>, vector<16xi32>], vector<16xf32>,
    %add3A_123 = arith.constant 33 : i32
    %add3A_124 = vector.broadcast %add3A_123 : i32 to vector<16xi32>
    %add3A_125 = arith.addi %get3A_62, %add3A_124 : vector<16xi32>
    %gather3A_126 = tpu.vector_load_idx %arg9[%add3A_59, %add3A_125] : memref<32x128xf32, #tpu.memory_space<vmem>>[vector<16xi32>, vector<16xi32>], vector<16xf32>,
    %add3A_127 = arith.constant 1 : i32
    %add3A_128 = vector.broadcast %add3A_127 : i32 to vector<16xi32>
    %add3A_129 = arith.addi %get3A_66, %add3A_128 : vector<16xi32>
    %gather3A_130 = tpu.vector_load_idx %arg10[%add3A_59, %add3A_129] : memref<32x128xf32, #tpu.memory_space<vmem>>[vector<16xi32>, vector<16xi32>], vector<16xf32>,
    %add3A_131 = arith.constant 33 : i32
    %add3A_132 = vector.broadcast %add3A_131 : i32 to vector<16xi32>
    %add3A_133 = arith.addi %get3A_66, %add3A_132 : vector<16xi32>
    %gather3A_134 = tpu.vector_load_idx %arg10[%add3A_59, %add3A_133] : memref<32x128xf32, #tpu.memory_space<vmem>>[vector<16xi32>, vector<16xi32>], vector<16xf32>,
    %add3A_135 = arith.constant 1 : i32
    %add3A_136 = vector.broadcast %add3A_135 : i32 to vector<16xi32>
    %add3A_137 = arith.addi %get3A_66, %add3A_136 : vector<16xi32>
    %gather3A_138 = tpu.vector_load_idx %arg11[%add3A_59, %add3A_137] : memref<32x128xf32, #tpu.memory_space<vmem>>[vector<16xi32>, vector<16xi32>], vector<16xf32>,
    %add3A_139 = arith.constant 33 : i32
    %add3A_140 = vector.broadcast %add3A_139 : i32 to vector<16xi32>
    %add3A_141 = arith.addi %get3A_66, %add3A_140 : vector<16xi32>
    %gather3A_142 = tpu.vector_load_idx %arg11[%add3A_59, %add3A_141] : memref<32x128xf32, #tpu.memory_space<vmem>>[vector<16xi32>, vector<16xi32>], vector<16xf32>,
    %add3A_143 = arith.constant 1 : i32
    %add3A_144 = vector.broadcast %add3A_143 : i32 to vector<16xi32>
    %add3A_145 = arith.addi %get3A_70, %add3A_144 : vector<16xi32>
    %gather3A_146 = tpu.vector_load_idx %arg12[%add3A_59, %add3A_145] : memref<32x128xf32, #tpu.memory_space<vmem>>[vector<16xi32>, vector<16xi32>], vector<16xf32>,
    %add3A_147 = arith.constant 33 : i32
    %add3A_148 = vector.broadcast %add3A_147 : i32 to vector<16xi32>
    %add3A_149 = arith.addi %get3A_70, %add3A_148 : vector<16xi32>
    %gather3A_150 = tpu.vector_load_idx %arg12[%add3A_59, %add3A_149] : memref<32x128xf32, #tpu.memory_space<vmem>>[vector<16xi32>, vector<16xi32>], vector<16xf32>,
    %mul3A_151 = arith.mulf %gather3A_130, %gather3A_146 : vector<16xf32>
    %mul3A_152 = arith.mulf %gather3A_134, %gather3A_150 : vector<16xf32>
    %sub3A_153 = arith.subf %mul3A_151, %mul3A_152 : vector<16xf32>
    %add3A_154 = arith.addf %sub3A_153, %gather3A_138 : vector<16xf32>
    %mul3A_155 = arith.mulf %gather3A_130, %gather3A_150 : vector<16xf32>
    %mul3A_156 = arith.mulf %gather3A_134, %gather3A_146 : vector<16xf32>
    %add3A_157 = arith.addf %mul3A_155, %mul3A_156 : vector<16xf32>
    %add3A_158 = arith.addf %add3A_157, %gather3A_142 : vector<16xf32>
    %broadcast_in_dim3A_159 = arith.constant 1 : i32
    %broadcast_in_dim3A_160 = vector.broadcast %broadcast_in_dim3A_159 : i32 to vector<16xi32>
    %mul3A_161 = arith.mulf %gather3A_122, %add3A_154 : vector<16xf32>
    %mul3A_162 = arith.mulf %gather3A_126, %add3A_158 : vector<16xf32>
    %sub3A_163 = arith.subf %mul3A_161, %mul3A_162 : vector<16xf32>
    tpu.vector_store_idx %arg13[%add3A_59, %broadcast_in_dim3A_160], %sub3A_163 : memref<32x64xf32, #tpu.memory_space<vmem>>[vector<16xi32>, vector<16xi32>], vector<16xf32>,
    %add3A_164 = arith.constant 32 : i32
    %add3A_165 = vector.broadcast %add3A_164 : i32 to vector<16xi32>
    %add3A_166 = arith.addi %broadcast_in_dim3A_160, %add3A_165 : vector<16xi32>
    %mul3A_167 = arith.mulf %gather3A_126, %add3A_154 : vector<16xf32>
    %mul3A_168 = arith.mulf %gather3A_122, %add3A_158 : vector<16xf32>
    %add3A_169 = arith.addf %mul3A_167, %mul3A_168 : vector<16xf32>
    tpu.vector_store_idx %arg13[%add3A_59, %add3A_166], %add3A_169 : memref<32x64xf32, #tpu.memory_space<vmem>>[vector<16xi32>, vector<16xi32>], vector<16xf32>,
    %add3A_170 = arith.constant 2 : i32
    %add3A_171 = vector.broadcast %add3A_170 : i32 to vector<16xi32>
    %add3A_172 = arith.addi %get3A_62, %add3A_171 : vector<16xi32>
    %gather3A_173 = tpu.vector_load_idx %arg9[%add3A_59, %add3A_172] : memref<32x128xf32, #tpu.memory_space<vmem>>[vector<16xi32>, vector<16xi32>], vector<16xf32>,
    %add3A_174 = arith.constant 34 : i32
    %add3A_175 = vector.broadcast %add3A_174 : i32 to vector<16xi32>
    %add3A_176 = arith.addi %get3A_62, %add3A_175 : vector<16xi32>
    %gather3A_177 = tpu.vector_load_idx %arg9[%add3A_59, %add3A_176] : memref<32x128xf32, #tpu.memory_space<vmem>>[vector<16xi32>, vector<16xi32>], vector<16xf32>,
    %add3A_178 = arith.constant 2 : i32
    %add3A_179 = vector.broadcast %add3A_178 : i32 to vector<16xi32>
    %add3A_180 = arith.addi %get3A_66, %add3A_179 : vector<16xi32>
    %gather3A_181 = tpu.vector_load_idx %arg10[%add3A_59, %add3A_180] : memref<32x128xf32, #tpu.memory_space<vmem>>[vector<16xi32>, vector<16xi32>], vector<16xf32>,
    %add3A_182 = arith.constant 34 : i32
    %add3A_183 = vector.broadcast %add3A_182 : i32 to vector<16xi32>
    %add3A_184 = arith.addi %get3A_66, %add3A_183 : vector<16xi32>
    %gather3A_185 = tpu.vector_load_idx %arg10[%add3A_59, %add3A_184] : memref<32x128xf32, #tpu.memory_space<vmem>>[vector<16xi32>, vector<16xi32>], vector<16xf32>,
    %add3A_186 = arith.constant 2 : i32
    %add3A_187 = vector.broadcast %add3A_186 : i32 to vector<16xi32>
    %add3A_188 = arith.addi %get3A_66, %add3A_187 : vector<16xi32>
    %gather3A_189 = tpu.vector_load_idx %arg11[%add3A_59, %add3A_188] : memref<32x128xf32, #tpu.memory_space<vmem>>[vector<16xi32>, vector<16xi32>], vector<16xf32>,
    %add3A_190 = arith.constant 34 : i32
    %add3A_191 = vector.broadcast %add3A_190 : i32 to vector<16xi32>
    %add3A_192 = arith.addi %get3A_66, %add3A_191 : vector<16xi32>
    %gather3A_193 = tpu.vector_load_idx %arg11[%add3A_59, %add3A_192] : memref<32x128xf32, #tpu.memory_space<vmem>>[vector<16xi32>, vector<16xi32>], vector<16xf32>,
    %add3A_194 = arith.constant 2 : i32
    %add3A_195 = vector.broadcast %add3A_194 : i32 to vector<16xi32>
    %add3A_196 = arith.addi %get3A_70, %add3A_195 : vector<16xi32>
    %gather3A_197 = tpu.vector_load_idx %arg12[%add3A_59, %add3A_196] : memref<32x128xf32, #tpu.memory_space<vmem>>[vector<16xi32>, vector<16xi32>], vector<16xf32>,
    %add3A_198 = arith.constant 34 : i32
    %add3A_199 = vector.broadcast %add3A_198 : i32 to vector<16xi32>
    %add3A_200 = arith.addi %get3A_70, %add3A_199 : vector<16xi32>
    %gather3A_201 = tpu.vector_load_idx %arg12[%add3A_59, %add3A_200] : memref<32x128xf32, #tpu.memory_space<vmem>>[vector<16xi32>, vector<16xi32>], vector<16xf32>,
    %mul3A_202 = arith.mulf %gather3A_181, %gather3A_197 : vector<16xf32>
    %mul3A_203 = arith.mulf %gather3A_185, %gather3A_201 : vector<16xf32>
    %sub3A_204 = arith.subf %mul3A_202, %mul3A_203 : vector<16xf32>
    %add3A_205 = arith.addf %sub3A_204, %gather3A_189 : vector<16xf32>
    %mul3A_206 = arith.mulf %gather3A_181, %gather3A_201 : vector<16xf32>
    %mul3A_207 = arith.mulf %gather3A_185, %gather3A_197 : vector<16xf32>
    %add3A_208 = arith.addf %mul3A_206, %mul3A_207 : vector<16xf32>
    %add3A_209 = arith.addf %add3A_208, %gather3A_193 : vector<16xf32>
    %broadcast_in_dim3A_210 = arith.constant 2 : i32
    %broadcast_in_dim3A_211 = vector.broadcast %broadcast_in_dim3A_210 : i32 to vector<16xi32>
    %mul3A_212 = arith.mulf %gather3A_173, %add3A_205 : vector<16xf32>
    %mul3A_213 = arith.mulf %gather3A_177, %add3A_209 : vector<16xf32>
    %sub3A_214 = arith.subf %mul3A_212, %mul3A_213 : vector<16xf32>
    tpu.vector_store_idx %arg13[%add3A_59, %broadcast_in_dim3A_211], %sub3A_214 : memref<32x64xf32, #tpu.memory_space<vmem>>[vector<16xi32>, vector<16xi32>], vector<16xf32>,
    %add3A_215 = arith.constant 32 : i32
    %add3A_216 = vector.broadcast %add3A_215 : i32 to vector<16xi32>
    %add3A_217 = arith.addi %broadcast_in_dim3A_211, %add3A_216 : vector<16xi32>
    %mul3A_218 = arith.mulf %gather3A_177, %add3A_205 : vector<16xf32>
    %mul3A_219 = arith.mulf %gather3A_173, %add3A_209 : vector<16xf32>
    %add3A_220 = arith.addf %mul3A_218, %mul3A_219 : vector<16xf32>
    tpu.vector_store_idx %arg13[%add3A_59, %add3A_217], %add3A_220 : memref<32x64xf32, #tpu.memory_space<vmem>>[vector<16xi32>, vector<16xi32>], vector<16xf32>,
    %add3A_221 = arith.constant 3 : i32
    %add3A_222 = vector.broadcast %add3A_221 : i32 to vector<16xi32>
    %add3A_223 = arith.addi %get3A_62, %add3A_222 : vector<16xi32>
    %gather3A_224 = tpu.vector_load_idx %arg9[%add3A_59, %add3A_223] : memref<32x128xf32, #tpu.memory_space<vmem>>[vector<16xi32>, vector<16xi32>], vector<16xf32>,
    %add3A_225 = arith.constant 35 : i32
    %add3A_226 = vector.broadcast %add3A_225 : i32 to vector<16xi32>
    %add3A_227 = arith.addi %get3A_62, %add3A_226 : vector<16xi32>
    %gather3A_228 = tpu.vector_load_idx %arg9[%add3A_59, %add3A_227] : memref<32x128xf32, #tpu.memory_space<vmem>>[vector<16xi32>, vector<16xi32>], vector<16xf32>,
    %add3A_229 = arith.constant 3 : i32
    %add3A_230 = vector.broadcast %add3A_229 : i32 to vector<16xi32>
    %add3A_231 = arith.addi %get3A_66, %add3A_230 : vector<16xi32>
    %gather3A_232 = tpu.vector_load_idx %arg10[%add3A_59, %add3A_231] : memref<32x128xf32, #tpu.memory_space<vmem>>[vector<16xi32>, vector<16xi32>], vector<16xf32>,
    %add3A_233 = arith.constant 35 : i32
    %add3A_234 = vector.broadcast %add3A_233 : i32 to vector<16xi32>
    %add3A_235 = arith.addi %get3A_66, %add3A_234 : vector<16xi32>
    %gather3A_236 = tpu.vector_load_idx %arg10[%add3A_59, %add3A_235] : memref<32x128xf32, #tpu.memory_space<vmem>>[vector<16xi32>, vector<16xi32>], vector<16xf32>,
    %add3A_237 = arith.constant 3 : i32
    %add3A_238 = vector.broadcast %add3A_237 : i32 to vector<16xi32>
    %add3A_239 = arith.addi %get3A_66, %add3A_238 : vector<16xi32>
    %gather3A_240 = tpu.vector_load_idx %arg11[%add3A_59, %add3A_239] : memref<32x128xf32, #tpu.memory_space<vmem>>[vector<16xi32>, vector<16xi32>], vector<16xf32>,
    %add3A_241 = arith.constant 35 : i32
    %add3A_242 = vector.broadcast %add3A_241 : i32 to vector<16xi32>
    %add3A_243 = arith.addi %get3A_66, %add3A_242 : vector<16xi32>
    %gather3A_244 = tpu.vector_load_idx %arg11[%add3A_59, %add3A_243] : memref<32x128xf32, #tpu.memory_space<vmem>>[vector<16xi32>, vector<16xi32>], vector<16xf32>,
    %add3A_245 = arith.constant 3 : i32
    %add3A_246 = vector.broadcast %add3A_245 : i32 to vector<16xi32>
    %add3A_247 = arith.addi %get3A_70, %add3A_246 : vector<16xi32>
    %gather3A_248 = tpu.vector_load_idx %arg12[%add3A_59, %add3A_247] : memref<32x128xf32, #tpu.memory_space<vmem>>[vector<16xi32>, vector<16xi32>], vector<16xf32>,
    %add3A_249 = arith.constant 35 : i32
    %add3A_250 = vector.broadcast %add3A_249 : i32 to vector<16xi32>
    %add3A_251 = arith.addi %get3A_70, %add3A_250 : vector<16xi32>
    %gather3A_252 = tpu.vector_load_idx %arg12[%add3A_59, %add3A_251] : memref<32x128xf32, #tpu.memory_space<vmem>>[vector<16xi32>, vector<16xi32>], vector<16xf32>,
    %mul3A_253 = arith.mulf %gather3A_232, %gather3A_248 : vector<16xf32>
    %mul3A_254 = arith.mulf %gather3A_236, %gather3A_252 : vector<16xf32>
    %sub3A_255 = arith.subf %mul3A_253, %mul3A_254 : vector<16xf32>
    %add3A_256 = arith.addf %sub3A_255, %gather3A_240 : vector<16xf32>
    %mul3A_257 = arith.mulf %gather3A_232, %gather3A_252 : vector<16xf32>
    %mul3A_258 = arith.mulf %gather3A_236, %gather3A_248 : vector<16xf32>
    %add3A_259 = arith.addf %mul3A_257, %mul3A_258 : vector<16xf32>
    %add3A_260 = arith.addf %add3A_259, %gather3A_244 : vector<16xf32>
    %broadcast_in_dim3A_261 = arith.constant 3 : i32
    %broadcast_in_dim3A_262 = vector.broadcast %broadcast_in_dim3A_261 : i32 to vector<16xi32>
    %mul3A_263 = arith.mulf %gather3A_224, %add3A_256 : vector<16xf32>
    %mul3A_264 = arith.mulf %gather3A_228, %add3A_260 : vector<16xf32>
    %sub3A_265 = arith.subf %mul3A_263, %mul3A_264 : vector<16xf32>
    tpu.vector_store_idx %arg13[%add3A_59, %broadcast_in_dim3A_262], %sub3A_265 : memref<32x64xf32, #tpu.memory_space<vmem>>[vector<16xi32>, vector<16xi32>], vector<16xf32>,
    %add3A_266 = arith.constant 32 : i32
    %add3A_267 = vector.broadcast %add3A_266 : i32 to vector<16xi32>
    %add3A_268 = arith.addi %broadcast_in_dim3A_262, %add3A_267 : vector<16xi32>
    %mul3A_269 = arith.mulf %gather3A_228, %add3A_256 : vector<16xf32>
    %mul3A_270 = arith.mulf %gather3A_224, %add3A_260 : vector<16xf32>
    %add3A_271 = arith.addf %mul3A_269, %mul3A_270 : vector<16xf32>
    tpu.vector_store_idx %arg13[%add3A_59, %add3A_268], %add3A_271 : memref<32x64xf32, #tpu.memory_space<vmem>>[vector<16xi32>, vector<16xi32>], vector<16xf32>,
    %add3A_272 = arith.constant 4 : i32
    %add3A_273 = vector.broadcast %add3A_272 : i32 to vector<16xi32>
    %add3A_274 = arith.addi %get3A_62, %add3A_273 : vector<16xi32>
    %gather3A_275 = tpu.vector_load_idx %arg9[%add3A_59, %add3A_274] : memref<32x128xf32, #tpu.memory_space<vmem>>[vector<16xi32>, vector<16xi32>], vector<16xf32>,
    %add3A_276 = arith.constant 36 : i32
    %add3A_277 = vector.broadcast %add3A_276 : i32 to vector<16xi32>
    %add3A_278 = arith.addi %get3A_62, %add3A_277 : vector<16xi32>
    %gather3A_279 = tpu.vector_load_idx %arg9[%add3A_59, %add3A_278] : memref<32x128xf32, #tpu.memory_space<vmem>>[vector<16xi32>, vector<16xi32>], vector<16xf32>,
    %add3A_280 = arith.constant 4 : i32
    %add3A_281 = vector.broadcast %add3A_280 : i32 to vector<16xi32>
    %add3A_282 = arith.addi %get3A_66, %add3A_281 : vector<16xi32>
    %gather3A_283 = tpu.vector_load_idx %arg10[%add3A_59, %add3A_282] : memref<32x128xf32, #tpu.memory_space<vmem>>[vector<16xi32>, vector<16xi32>], vector<16xf32>,
    %add3A_284 = arith.constant 36 : i32
    %add3A_285 = vector.broadcast %add3A_284 : i32 to vector<16xi32>
    %add3A_286 = arith.addi %get3A_66, %add3A_285 : vector<16xi32>
    %gather3A_287 = tpu.vector_load_idx %arg10[%add3A_59, %add3A_286] : memref<32x128xf32, #tpu.memory_space<vmem>>[vector<16xi32>, vector<16xi32>], vector<16xf32>,
    %add3A_288 = arith.constant 4 : i32
    %add3A_289 = vector.broadcast %add3A_288 : i32 to vector<16xi32>
    %add3A_290 = arith.addi %get3A_66, %add3A_289 : vector<16xi32>
    %gather3A_291 = tpu.vector_load_idx %arg11[%add3A_59, %add3A_290] : memref<32x128xf32, #tpu.memory_space<vmem>>[vector<16xi32>, vector<16xi32>], vector<16xf32>,
    %add3A_292 = arith.constant 36 : i32
    %add3A_293 = vector.broadcast %add3A_292 : i32 to vector<16xi32>
    %add3A_294 = arith.addi %get3A_66, %add3A_293 : vector<16xi32>
    %gather3A_295 = tpu.vector_load_idx %arg11[%add3A_59, %add3A_294] : memref<32x128xf32, #tpu.memory_space<vmem>>[vector<16xi32>, vector<16xi32>], vector<16xf32>,
    %add3A_296 = arith.constant 4 : i32
    %add3A_297 = vector.broadcast %add3A_296 : i32 to vector<16xi32>
    %add3A_298 = arith.addi %get3A_70, %add3A_297 : vector<16xi32>
    %gather3A_299 = tpu.vector_load_idx %arg12[%add3A_59, %add3A_298] : memref<32x128xf32, #tpu.memory_space<vmem>>[vector<16xi32>, vector<16xi32>], vector<16xf32>,
    %add3A_300 = arith.constant 36 : i32
    %add3A_301 = vector.broadcast %add3A_300 : i32 to vector<16xi32>
    %add3A_302 = arith.addi %get3A_70, %add3A_301 : vector<16xi32>
    %gather3A_303 = tpu.vector_load_idx %arg12[%add3A_59, %add3A_302] : memref<32x128xf32, #tpu.memory_space<vmem>>[vector<16xi32>, vector<16xi32>], vector<16xf32>,
    %mul3A_304 = arith.mulf %gather3A_283, %gather3A_299 : vector<16xf32>
    %mul3A_305 = arith.mulf %gather3A_287, %gather3A_303 : vector<16xf32>
    %sub3A_306 = arith.subf %mul3A_304, %mul3A_305 : vector<16xf32>
    %add3A_307 = arith.addf %sub3A_306, %gather3A_291 : vector<16xf32>
    %mul3A_308 = arith.mulf %gather3A_283, %gather3A_303 : vector<16xf32>
    %mul3A_309 = arith.mulf %gather3A_287, %gather3A_299 : vector<16xf32>
    %add3A_310 = arith.addf %mul3A_308, %mul3A_309 : vector<16xf32>
    %add3A_311 = arith.addf %add3A_310, %gather3A_295 : vector<16xf32>
    %broadcast_in_dim3A_312 = arith.constant 4 : i32
    %broadcast_in_dim3A_313 = vector.broadcast %broadcast_in_dim3A_312 : i32 to vector<16xi32>
    %mul3A_314 = arith.mulf %gather3A_275, %add3A_307 : vector<16xf32>
    %mul3A_315 = arith.mulf %gather3A_279, %add3A_311 : vector<16xf32>
    %sub3A_316 = arith.subf %mul3A_314, %mul3A_315 : vector<16xf32>
    tpu.vector_store_idx %arg13[%add3A_59, %broadcast_in_dim3A_313], %sub3A_316 : memref<32x64xf32, #tpu.memory_space<vmem>>[vector<16xi32>, vector<16xi32>], vector<16xf32>,
    %add3A_317 = arith.constant 32 : i32
    %add3A_318 = vector.broadcast %add3A_317 : i32 to vector<16xi32>
    %add3A_319 = arith.addi %broadcast_in_dim3A_313, %add3A_318 : vector<16xi32>
    %mul3A_320 = arith.mulf %gather3A_279, %add3A_307 : vector<16xf32>
    %mul3A_321 = arith.mulf %gather3A_275, %add3A_311 : vector<16xf32>
    %add3A_322 = arith.addf %mul3A_320, %mul3A_321 : vector<16xf32>
    tpu.vector_store_idx %arg13[%add3A_59, %add3A_319], %add3A_322 : memref<32x64xf32, #tpu.memory_space<vmem>>[vector<16xi32>, vector<16xi32>], vector<16xf32>,
    %add3A_323 = arith.constant 5 : i32
    %add3A_324 = vector.broadcast %add3A_323 : i32 to vector<16xi32>
    %add3A_325 = arith.addi %get3A_62, %add3A_324 : vector<16xi32>
    %gather3A_326 = tpu.vector_load_idx %arg9[%add3A_59, %add3A_325] : memref<32x128xf32, #tpu.memory_space<vmem>>[vector<16xi32>, vector<16xi32>], vector<16xf32>,
    %add3A_327 = arith.constant 37 : i32
    %add3A_328 = vector.broadcast %add3A_327 : i32 to vector<16xi32>
    %add3A_329 = arith.addi %get3A_62, %add3A_328 : vector<16xi32>
    %gather3A_330 = tpu.vector_load_idx %arg9[%add3A_59, %add3A_329] : memref<32x128xf32, #tpu.memory_space<vmem>>[vector<16xi32>, vector<16xi32>], vector<16xf32>,
    %add3A_331 = arith.constant 5 : i32
    %add3A_332 = vector.broadcast %add3A_331 : i32 to vector<16xi32>
    %add3A_333 = arith.addi %get3A_66, %add3A_332 : vector<16xi32>
    %gather3A_334 = tpu.vector_load_idx %arg10[%add3A_59, %add3A_333] : memref<32x128xf32, #tpu.memory_space<vmem>>[vector<16xi32>, vector<16xi32>], vector<16xf32>,
    %add3A_335 = arith.constant 37 : i32
    %add3A_336 = vector.broadcast %add3A_335 : i32 to vector<16xi32>
    %add3A_337 = arith.addi %get3A_66, %add3A_336 : vector<16xi32>
    %gather3A_338 = tpu.vector_load_idx %arg10[%add3A_59, %add3A_337] : memref<32x128xf32, #tpu.memory_space<vmem>>[vector<16xi32>, vector<16xi32>], vector<16xf32>,
    %add3A_339 = arith.constant 5 : i32
    %add3A_340 = vector.broadcast %add3A_339 : i32 to vector<16xi32>
    %add3A_341 = arith.addi %get3A_66, %add3A_340 : vector<16xi32>
    %gather3A_342 = tpu.vector_load_idx %arg11[%add3A_59, %add3A_341] : memref<32x128xf32, #tpu.memory_space<vmem>>[vector<16xi32>, vector<16xi32>], vector<16xf32>,
    %add3A_343 = arith.constant 37 : i32
    %add3A_344 = vector.broadcast %add3A_343 : i32 to vector<16xi32>
    %add3A_345 = arith.addi %get3A_66, %add3A_344 : vector<16xi32>
    %gather3A_346 = tpu.vector_load_idx %arg11[%add3A_59, %add3A_345] : memref<32x128xf32, #tpu.memory_space<vmem>>[vector<16xi32>, vector<16xi32>], vector<16xf32>,
    %add3A_347 = arith.constant 5 : i32
    %add3A_348 = vector.broadcast %add3A_347 : i32 to vector<16xi32>
    %add3A_349 = arith.addi %get3A_70, %add3A_348 : vector<16xi32>
    %gather3A_350 = tpu.vector_load_idx %arg12[%add3A_59, %add3A_349] : memref<32x128xf32, #tpu.memory_space<vmem>>[vector<16xi32>, vector<16xi32>], vector<16xf32>,
    %add3A_351 = arith.constant 37 : i32
    %add3A_352 = vector.broadcast %add3A_351 : i32 to vector<16xi32>
    %add3A_353 = arith.addi %get3A_70, %add3A_352 : vector<16xi32>
    %gather3A_354 = tpu.vector_load_idx %arg12[%add3A_59, %add3A_353] : memref<32x128xf32, #tpu.memory_space<vmem>>[vector<16xi32>, vector<16xi32>], vector<16xf32>,
    %mul3A_355 = arith.mulf %gather3A_334, %gather3A_350 : vector<16xf32>
    %mul3A_356 = arith.mulf %gather3A_338, %gather3A_354 : vector<16xf32>
    %sub3A_357 = arith.subf %mul3A_355, %mul3A_356 : vector<16xf32>
    %add3A_358 = arith.addf %sub3A_357, %gather3A_342 : vector<16xf32>
    %mul3A_359 = arith.mulf %gather3A_334, %gather3A_354 : vector<16xf32>
    %mul3A_360 = arith.mulf %gather3A_338, %gather3A_350 : vector<16xf32>
    %add3A_361 = arith.addf %mul3A_359, %mul3A_360 : vector<16xf32>
    %add3A_362 = arith.addf %add3A_361, %gather3A_346 : vector<16xf32>
    %broadcast_in_dim3A_363 = arith.constant 5 : i32
    %broadcast_in_dim3A_364 = vector.broadcast %broadcast_in_dim3A_363 : i32 to vector<16xi32>
    %mul3A_365 = arith.mulf %gather3A_326, %add3A_358 : vector<16xf32>
    %mul3A_366 = arith.mulf %gather3A_330, %add3A_362 : vector<16xf32>
    %sub3A_367 = arith.subf %mul3A_365, %mul3A_366 : vector<16xf32>
    tpu.vector_store_idx %arg13[%add3A_59, %broadcast_in_dim3A_364], %sub3A_367 : memref<32x64xf32, #tpu.memory_space<vmem>>[vector<16xi32>, vector<16xi32>], vector<16xf32>,
    %add3A_368 = arith.constant 32 : i32
    %add3A_369 = vector.broadcast %add3A_368 : i32 to vector<16xi32>
    %add3A_370 = arith.addi %broadcast_in_dim3A_364, %add3A_369 : vector<16xi32>
    %mul3A_371 = arith.mulf %gather3A_330, %add3A_358 : vector<16xf32>
    %mul3A_372 = arith.mulf %gather3A_326, %add3A_362 : vector<16xf32>
    %add3A_373 = arith.addf %mul3A_371, %mul3A_372 : vector<16xf32>
    tpu.vector_store_idx %arg13[%add3A_59, %add3A_370], %add3A_373 : memref<32x64xf32, #tpu.memory_space<vmem>>[vector<16xi32>, vector<16xi32>], vector<16xf32>,
    %add3A_374 = arith.constant 6 : i32
    %add3A_375 = vector.broadcast %add3A_374 : i32 to vector<16xi32>
    %add3A_376 = arith.addi %get3A_62, %add3A_375 : vector<16xi32>
    %gather3A_377 = tpu.vector_load_idx %arg9[%add3A_59, %add3A_376] : memref<32x128xf32, #tpu.memory_space<vmem>>[vector<16xi32>, vector<16xi32>], vector<16xf32>,
    %add3A_378 = arith.constant 38 : i32
    %add3A_379 = vector.broadcast %add3A_378 : i32 to vector<16xi32>
    %add3A_380 = arith.addi %get3A_62, %add3A_379 : vector<16xi32>
    %gather3A_381 = tpu.vector_load_idx %arg9[%add3A_59, %add3A_380] : memref<32x128xf32, #tpu.memory_space<vmem>>[vector<16xi32>, vector<16xi32>], vector<16xf32>,
    %add3A_382 = arith.constant 6 : i32
    %add3A_383 = vector.broadcast %add3A_382 : i32 to vector<16xi32>
    %add3A_384 = arith.addi %get3A_66, %add3A_383 : vector<16xi32>
    %gather3A_385 = tpu.vector_load_idx %arg10[%add3A_59, %add3A_384] : memref<32x128xf32, #tpu.memory_space<vmem>>[vector<16xi32>, vector<16xi32>], vector<16xf32>,
    %add3A_386 = arith.constant 38 : i32
    %add3A_387 = vector.broadcast %add3A_386 : i32 to vector<16xi32>
    %add3A_388 = arith.addi %get3A_66, %add3A_387 : vector<16xi32>
    %gather3A_389 = tpu.vector_load_idx %arg10[%add3A_59, %add3A_388] : memref<32x128xf32, #tpu.memory_space<vmem>>[vector<16xi32>, vector<16xi32>], vector<16xf32>,
    %add3A_390 = arith.constant 6 : i32
    %add3A_391 = vector.broadcast %add3A_390 : i32 to vector<16xi32>
    %add3A_392 = arith.addi %get3A_66, %add3A_391 : vector<16xi32>
    %gather3A_393 = tpu.vector_load_idx %arg11[%add3A_59, %add3A_392] : memref<32x128xf32, #tpu.memory_space<vmem>>[vector<16xi32>, vector<16xi32>], vector<16xf32>,
    %add3A_394 = arith.constant 38 : i32
    %add3A_395 = vector.broadcast %add3A_394 : i32 to vector<16xi32>
    %add3A_396 = arith.addi %get3A_66, %add3A_395 : vector<16xi32>
    %gather3A_397 = tpu.vector_load_idx %arg11[%add3A_59, %add3A_396] : memref<32x128xf32, #tpu.memory_space<vmem>>[vector<16xi32>, vector<16xi32>], vector<16xf32>,
    %add3A_398 = arith.constant 6 : i32
    %add3A_399 = vector.broadcast %add3A_398 : i32 to vector<16xi32>
    %add3A_400 = arith.addi %get3A_70, %add3A_399 : vector<16xi32>
    %gather3A_401 = tpu.vector_load_idx %arg12[%add3A_59, %add3A_400] : memref<32x128xf32, #tpu.memory_space<vmem>>[vector<16xi32>, vector<16xi32>], vector<16xf32>,
    %add3A_402 = arith.constant 38 : i32
    %add3A_403 = vector.broadcast %add3A_402 : i32 to vector<16xi32>
    %add3A_404 = arith.addi %get3A_70, %add3A_403 : vector<16xi32>
    %gather3A_405 = tpu.vector_load_idx %arg12[%add3A_59, %add3A_404] : memref<32x128xf32, #tpu.memory_space<vmem>>[vector<16xi32>, vector<16xi32>], vector<16xf32>,
    %mul3A_406 = arith.mulf %gather3A_385, %gather3A_401 : vector<16xf32>
    %mul3A_407 = arith.mulf %gather3A_389, %gather3A_405 : vector<16xf32>
    %sub3A_408 = arith.subf %mul3A_406, %mul3A_407 : vector<16xf32>
    %add3A_409 = arith.addf %sub3A_408, %gather3A_393 : vector<16xf32>
    %mul3A_410 = arith.mulf %gather3A_385, %gather3A_405 : vector<16xf32>
    %mul3A_411 = arith.mulf %gather3A_389, %gather3A_401 : vector<16xf32>
    %add3A_412 = arith.addf %mul3A_410, %mul3A_411 : vector<16xf32>
    %add3A_413 = arith.addf %add3A_412, %gather3A_397 : vector<16xf32>
    %broadcast_in_dim3A_414 = arith.constant 6 : i32
    %broadcast_in_dim3A_415 = vector.broadcast %broadcast_in_dim3A_414 : i32 to vector<16xi32>
    %mul3A_416 = arith.mulf %gather3A_377, %add3A_409 : vector<16xf32>
    %mul3A_417 = arith.mulf %gather3A_381, %add3A_413 : vector<16xf32>
    %sub3A_418 = arith.subf %mul3A_416, %mul3A_417 : vector<16xf32>
    tpu.vector_store_idx %arg13[%add3A_59, %broadcast_in_dim3A_415], %sub3A_418 : memref<32x64xf32, #tpu.memory_space<vmem>>[vector<16xi32>, vector<16xi32>], vector<16xf32>,
    %add3A_419 = arith.constant 32 : i32
    %add3A_420 = vector.broadcast %add3A_419 : i32 to vector<16xi32>
    %add3A_421 = arith.addi %broadcast_in_dim3A_415, %add3A_420 : vector<16xi32>
    %mul3A_422 = arith.mulf %gather3A_381, %add3A_409 : vector<16xf32>
    %mul3A_423 = arith.mulf %gather3A_377, %add3A_413 : vector<16xf32>
    %add3A_424 = arith.addf %mul3A_422, %mul3A_423 : vector<16xf32>
    tpu.vector_store_idx %arg13[%add3A_59, %add3A_421], %add3A_424 : memref<32x64xf32, #tpu.memory_space<vmem>>[vector<16xi32>, vector<16xi32>], vector<16xf32>,
    %add3A_425 = arith.constant 7 : i32
    %add3A_426 = vector.broadcast %add3A_425 : i32 to vector<16xi32>
    %add3A_427 = arith.addi %get3A_62, %add3A_426 : vector<16xi32>
    %gather3A_428 = tpu.vector_load_idx %arg9[%add3A_59, %add3A_427] : memref<32x128xf32, #tpu.memory_space<vmem>>[vector<16xi32>, vector<16xi32>], vector<16xf32>,
    %add3A_429 = arith.constant 39 : i32
    %add3A_430 = vector.broadcast %add3A_429 : i32 to vector<16xi32>
    %add3A_431 = arith.addi %get3A_62, %add3A_430 : vector<16xi32>
    %gather3A_432 = tpu.vector_load_idx %arg9[%add3A_59, %add3A_431] : memref<32x128xf32, #tpu.memory_space<vmem>>[vector<16xi32>, vector<16xi32>], vector<16xf32>,
    %add3A_433 = arith.constant 7 : i32
    %add3A_434 = vector.broadcast %add3A_433 : i32 to vector<16xi32>
    %add3A_435 = arith.addi %get3A_66, %add3A_434 : vector<16xi32>
    %gather3A_436 = tpu.vector_load_idx %arg10[%add3A_59, %add3A_435] : memref<32x128xf32, #tpu.memory_space<vmem>>[vector<16xi32>, vector<16xi32>], vector<16xf32>,
    %add3A_437 = arith.constant 39 : i32
    %add3A_438 = vector.broadcast %add3A_437 : i32 to vector<16xi32>
    %add3A_439 = arith.addi %get3A_66, %add3A_438 : vector<16xi32>
    %gather3A_440 = tpu.vector_load_idx %arg10[%add3A_59, %add3A_439] : memref<32x128xf32, #tpu.memory_space<vmem>>[vector<16xi32>, vector<16xi32>], vector<16xf32>,
    %add3A_441 = arith.constant 7 : i32
    %add3A_442 = vector.broadcast %add3A_441 : i32 to vector<16xi32>
    %add3A_443 = arith.addi %get3A_66, %add3A_442 : vector<16xi32>
    %gather3A_444 = tpu.vector_load_idx %arg11[%add3A_59, %add3A_443] : memref<32x128xf32, #tpu.memory_space<vmem>>[vector<16xi32>, vector<16xi32>], vector<16xf32>,
    %add3A_445 = arith.constant 39 : i32
    %add3A_446 = vector.broadcast %add3A_445 : i32 to vector<16xi32>
    %add3A_447 = arith.addi %get3A_66, %add3A_446 : vector<16xi32>
    %gather3A_448 = tpu.vector_load_idx %arg11[%add3A_59, %add3A_447] : memref<32x128xf32, #tpu.memory_space<vmem>>[vector<16xi32>, vector<16xi32>], vector<16xf32>,
    %add3A_449 = arith.constant 7 : i32
    %add3A_450 = vector.broadcast %add3A_449 : i32 to vector<16xi32>
    %add3A_451 = arith.addi %get3A_70, %add3A_450 : vector<16xi32>
    %gather3A_452 = tpu.vector_load_idx %arg12[%add3A_59, %add3A_451] : memref<32x128xf32, #tpu.memory_space<vmem>>[vector<16xi32>, vector<16xi32>], vector<16xf32>,
    %add3A_453 = arith.constant 39 : i32
    %add3A_454 = vector.broadcast %add3A_453 : i32 to vector<16xi32>
    %add3A_455 = arith.addi %get3A_70, %add3A_454 : vector<16xi32>
    %gather3A_456 = tpu.vector_load_idx %arg12[%add3A_59, %add3A_455] : memref<32x128xf32, #tpu.memory_space<vmem>>[vector<16xi32>, vector<16xi32>], vector<16xf32>,
    %mul3A_457 = arith.mulf %gather3A_436, %gather3A_452 : vector<16xf32>
    %mul3A_458 = arith.mulf %gather3A_440, %gather3A_456 : vector<16xf32>
    %sub3A_459 = arith.subf %mul3A_457, %mul3A_458 : vector<16xf32>
    %add3A_460 = arith.addf %sub3A_459, %gather3A_444 : vector<16xf32>
    %mul3A_461 = arith.mulf %gather3A_436, %gather3A_456 : vector<16xf32>
    %mul3A_462 = arith.mulf %gather3A_440, %gather3A_452 : vector<16xf32>
    %add3A_463 = arith.addf %mul3A_461, %mul3A_462 : vector<16xf32>
    %add3A_464 = arith.addf %add3A_463, %gather3A_448 : vector<16xf32>
    %broadcast_in_dim3A_465 = arith.constant 7 : i32
    %broadcast_in_dim3A_466 = vector.broadcast %broadcast_in_dim3A_465 : i32 to vector<16xi32>
    %mul3A_467 = arith.mulf %gather3A_428, %add3A_460 : vector<16xf32>
    %mul3A_468 = arith.mulf %gather3A_432, %add3A_464 : vector<16xf32>
    %sub3A_469 = arith.subf %mul3A_467, %mul3A_468 : vector<16xf32>
    tpu.vector_store_idx %arg13[%add3A_59, %broadcast_in_dim3A_466], %sub3A_469 : memref<32x64xf32, #tpu.memory_space<vmem>>[vector<16xi32>, vector<16xi32>], vector<16xf32>,
    %add3A_470 = arith.constant 32 : i32
    %add3A_471 = vector.broadcast %add3A_470 : i32 to vector<16xi32>
    %add3A_472 = arith.addi %broadcast_in_dim3A_466, %add3A_471 : vector<16xi32>
    %mul3A_473 = arith.mulf %gather3A_432, %add3A_460 : vector<16xf32>
    %mul3A_474 = arith.mulf %gather3A_428, %add3A_464 : vector<16xf32>
    %add3A_475 = arith.addf %mul3A_473, %mul3A_474 : vector<16xf32>
    tpu.vector_store_idx %arg13[%add3A_59, %add3A_472], %add3A_475 : memref<32x64xf32, #tpu.memory_space<vmem>>[vector<16xi32>, vector<16xi32>], vector<16xf32>,
    %add3A_476 = arith.constant 8 : i32
    %add3A_477 = vector.broadcast %add3A_476 : i32 to vector<16xi32>
    %add3A_478 = arith.addi %get3A_62, %add3A_477 : vector<16xi32>
    %gather3A_479 = tpu.vector_load_idx %arg9[%add3A_59, %add3A_478] : memref<32x128xf32, #tpu.memory_space<vmem>>[vector<16xi32>, vector<16xi32>], vector<16xf32>,
    %add3A_480 = arith.constant 40 : i32
    %add3A_481 = vector.broadcast %add3A_480 : i32 to vector<16xi32>
    %add3A_482 = arith.addi %get3A_62, %add3A_481 : vector<16xi32>
    %gather3A_483 = tpu.vector_load_idx %arg9[%add3A_59, %add3A_482] : memref<32x128xf32, #tpu.memory_space<vmem>>[vector<16xi32>, vector<16xi32>], vector<16xf32>,
    %add3A_484 = arith.constant 8 : i32
    %add3A_485 = vector.broadcast %add3A_484 : i32 to vector<16xi32>
    %add3A_486 = arith.addi %get3A_66, %add3A_485 : vector<16xi32>
    %gather3A_487 = tpu.vector_load_idx %arg10[%add3A_59, %add3A_486] : memref<32x128xf32, #tpu.memory_space<vmem>>[vector<16xi32>, vector<16xi32>], vector<16xf32>,
    %add3A_488 = arith.constant 40 : i32
    %add3A_489 = vector.broadcast %add3A_488 : i32 to vector<16xi32>
    %add3A_490 = arith.addi %get3A_66, %add3A_489 : vector<16xi32>
    %gather3A_491 = tpu.vector_load_idx %arg10[%add3A_59, %add3A_490] : memref<32x128xf32, #tpu.memory_space<vmem>>[vector<16xi32>, vector<16xi32>], vector<16xf32>,
    %add3A_492 = arith.constant 8 : i32
    %add3A_493 = vector.broadcast %add3A_492 : i32 to vector<16xi32>
    %add3A_494 = arith.addi %get3A_66, %add3A_493 : vector<16xi32>
    %gather3A_495 = tpu.vector_load_idx %arg11[%add3A_59, %add3A_494] : memref<32x128xf32, #tpu.memory_space<vmem>>[vector<16xi32>, vector<16xi32>], vector<16xf32>,
    %add3A_496 = arith.constant 40 : i32
    %add3A_497 = vector.broadcast %add3A_496 : i32 to vector<16xi32>
    %add3A_498 = arith.addi %get3A_66, %add3A_497 : vector<16xi32>
    %gather3A_499 = tpu.vector_load_idx %arg11[%add3A_59, %add3A_498] : memref<32x128xf32, #tpu.memory_space<vmem>>[vector<16xi32>, vector<16xi32>], vector<16xf32>,
    %add3A_500 = arith.constant 8 : i32
    %add3A_501 = vector.broadcast %add3A_500 : i32 to vector<16xi32>
    %add3A_502 = arith.addi %get3A_70, %add3A_501 : vector<16xi32>
    %gather3A_503 = tpu.vector_load_idx %arg12[%add3A_59, %add3A_502] : memref<32x128xf32, #tpu.memory_space<vmem>>[vector<16xi32>, vector<16xi32>], vector<16xf32>,
    %add3A_504 = arith.constant 40 : i32
    %add3A_505 = vector.broadcast %add3A_504 : i32 to vector<16xi32>
    %add3A_506 = arith.addi %get3A_70, %add3A_505 : vector<16xi32>
    %gather3A_507 = tpu.vector_load_idx %arg12[%add3A_59, %add3A_506] : memref<32x128xf32, #tpu.memory_space<vmem>>[vector<16xi32>, vector<16xi32>], vector<16xf32>,
    %mul3A_508 = arith.mulf %gather3A_487, %gather3A_503 : vector<16xf32>
    %mul3A_509 = arith.mulf %gather3A_491, %gather3A_507 : vector<16xf32>
    %sub3A_510 = arith.subf %mul3A_508, %mul3A_509 : vector<16xf32>
    %add3A_511 = arith.addf %sub3A_510, %gather3A_495 : vector<16xf32>
    %mul3A_512 = arith.mulf %gather3A_487, %gather3A_507 : vector<16xf32>
    %mul3A_513 = arith.mulf %gather3A_491, %gather3A_503 : vector<16xf32>
    %add3A_514 = arith.addf %mul3A_512, %mul3A_513 : vector<16xf32>
    %add3A_515 = arith.addf %add3A_514, %gather3A_499 : vector<16xf32>
    %broadcast_in_dim3A_516 = arith.constant 8 : i32
    %broadcast_in_dim3A_517 = vector.broadcast %broadcast_in_dim3A_516 : i32 to vector<16xi32>
    %mul3A_518 = arith.mulf %gather3A_479, %add3A_511 : vector<16xf32>
    %mul3A_519 = arith.mulf %gather3A_483, %add3A_515 : vector<16xf32>
    %sub3A_520 = arith.subf %mul3A_518, %mul3A_519 : vector<16xf32>
    tpu.vector_store_idx %arg13[%add3A_59, %broadcast_in_dim3A_517], %sub3A_520 : memref<32x64xf32, #tpu.memory_space<vmem>>[vector<16xi32>, vector<16xi32>], vector<16xf32>,
    %add3A_521 = arith.constant 32 : i32
    %add3A_522 = vector.broadcast %add3A_521 : i32 to vector<16xi32>
    %add3A_523 = arith.addi %broadcast_in_dim3A_517, %add3A_522 : vector<16xi32>
    %mul3A_524 = arith.mulf %gather3A_483, %add3A_511 : vector<16xf32>
    %mul3A_525 = arith.mulf %gather3A_479, %add3A_515 : vector<16xf32>
    %add3A_526 = arith.addf %mul3A_524, %mul3A_525 : vector<16xf32>
    tpu.vector_store_idx %arg13[%add3A_59, %add3A_523], %add3A_526 : memref<32x64xf32, #tpu.memory_space<vmem>>[vector<16xi32>, vector<16xi32>], vector<16xf32>,
    %add3A_527 = arith.constant 9 : i32
    %add3A_528 = vector.broadcast %add3A_527 : i32 to vector<16xi32>
    %add3A_529 = arith.addi %get3A_62, %add3A_528 : vector<16xi32>
    %gather3A_530 = tpu.vector_load_idx %arg9[%add3A_59, %add3A_529] : memref<32x128xf32, #tpu.memory_space<vmem>>[vector<16xi32>, vector<16xi32>], vector<16xf32>,
    %add3A_531 = arith.constant 41 : i32
    %add3A_532 = vector.broadcast %add3A_531 : i32 to vector<16xi32>
    %add3A_533 = arith.addi %get3A_62, %add3A_532 : vector<16xi32>
    %gather3A_534 = tpu.vector_load_idx %arg9[%add3A_59, %add3A_533] : memref<32x128xf32, #tpu.memory_space<vmem>>[vector<16xi32>, vector<16xi32>], vector<16xf32>,
    %add3A_535 = arith.constant 9 : i32
    %add3A_536 = vector.broadcast %add3A_535 : i32 to vector<16xi32>
    %add3A_537 = arith.addi %get3A_66, %add3A_536 : vector<16xi32>
    %gather3A_538 = tpu.vector_load_idx %arg10[%add3A_59, %add3A_537] : memref<32x128xf32, #tpu.memory_space<vmem>>[vector<16xi32>, vector<16xi32>], vector<16xf32>,
    %add3A_539 = arith.constant 41 : i32
    %add3A_540 = vector.broadcast %add3A_539 : i32 to vector<16xi32>
    %add3A_541 = arith.addi %get3A_66, %add3A_540 : vector<16xi32>
    %gather3A_542 = tpu.vector_load_idx %arg10[%add3A_59, %add3A_541] : memref<32x128xf32, #tpu.memory_space<vmem>>[vector<16xi32>, vector<16xi32>], vector<16xf32>,
    %add3A_543 = arith.constant 9 : i32
    %add3A_544 = vector.broadcast %add3A_543 : i32 to vector<16xi32>
    %add3A_545 = arith.addi %get3A_66, %add3A_544 : vector<16xi32>
    %gather3A_546 = tpu.vector_load_idx %arg11[%add3A_59, %add3A_545] : memref<32x128xf32, #tpu.memory_space<vmem>>[vector<16xi32>, vector<16xi32>], vector<16xf32>,
    %add3A_547 = arith.constant 41 : i32
    %add3A_548 = vector.broadcast %add3A_547 : i32 to vector<16xi32>
    %add3A_549 = arith.addi %get3A_66, %add3A_548 : vector<16xi32>
    %gather3A_550 = tpu.vector_load_idx %arg11[%add3A_59, %add3A_549] : memref<32x128xf32, #tpu.memory_space<vmem>>[vector<16xi32>, vector<16xi32>], vector<16xf32>,
    %add3A_551 = arith.constant 9 : i32
    %add3A_552 = vector.broadcast %add3A_551 : i32 to vector<16xi32>
    %add3A_553 = arith.addi %get3A_70, %add3A_552 : vector<16xi32>
    %gather3A_554 = tpu.vector_load_idx %arg12[%add3A_59, %add3A_553] : memref<32x128xf32, #tpu.memory_space<vmem>>[vector<16xi32>, vector<16xi32>], vector<16xf32>,
    %add3A_555 = arith.constant 41 : i32
    %add3A_556 = vector.broadcast %add3A_555 : i32 to vector<16xi32>
    %add3A_557 = arith.addi %get3A_70, %add3A_556 : vector<16xi32>
    %gather3A_558 = tpu.vector_load_idx %arg12[%add3A_59, %add3A_557] : memref<32x128xf32, #tpu.memory_space<vmem>>[vector<16xi32>, vector<16xi32>], vector<16xf32>,
    %mul3A_559 = arith.mulf %gather3A_538, %gather3A_554 : vector<16xf32>
    %mul3A_560 = arith.mulf %gather3A_542, %gather3A_558 : vector<16xf32>
    %sub3A_561 = arith.subf %mul3A_559, %mul3A_560 : vector<16xf32>
    %add3A_562 = arith.addf %sub3A_561, %gather3A_546 : vector<16xf32>
    %mul3A_563 = arith.mulf %gather3A_538, %gather3A_558 : vector<16xf32>
    %mul3A_564 = arith.mulf %gather3A_542, %gather3A_554 : vector<16xf32>
    %add3A_565 = arith.addf %mul3A_563, %mul3A_564 : vector<16xf32>
    %add3A_566 = arith.addf %add3A_565, %gather3A_550 : vector<16xf32>
    %broadcast_in_dim3A_567 = arith.constant 9 : i32
    %broadcast_in_dim3A_568 = vector.broadcast %broadcast_in_dim3A_567 : i32 to vector<16xi32>
    %mul3A_569 = arith.mulf %gather3A_530, %add3A_562 : vector<16xf32>
    %mul3A_570 = arith.mulf %gather3A_534, %add3A_566 : vector<16xf32>
    %sub3A_571 = arith.subf %mul3A_569, %mul3A_570 : vector<16xf32>
    tpu.vector_store_idx %arg13[%add3A_59, %broadcast_in_dim3A_568], %sub3A_571 : memref<32x64xf32, #tpu.memory_space<vmem>>[vector<16xi32>, vector<16xi32>], vector<16xf32>,
    %add3A_572 = arith.constant 32 : i32
    %add3A_573 = vector.broadcast %add3A_572 : i32 to vector<16xi32>
    %add3A_574 = arith.addi %broadcast_in_dim3A_568, %add3A_573 : vector<16xi32>
    %mul3A_575 = arith.mulf %gather3A_534, %add3A_562 : vector<16xf32>
    %mul3A_576 = arith.mulf %gather3A_530, %add3A_566 : vector<16xf32>
    %add3A_577 = arith.addf %mul3A_575, %mul3A_576 : vector<16xf32>
    tpu.vector_store_idx %arg13[%add3A_59, %add3A_574], %add3A_577 : memref<32x64xf32, #tpu.memory_space<vmem>>[vector<16xi32>, vector<16xi32>], vector<16xf32>,
    %add3A_578 = arith.constant 10 : i32
    %add3A_579 = vector.broadcast %add3A_578 : i32 to vector<16xi32>
    %add3A_580 = arith.addi %get3A_62, %add3A_579 : vector<16xi32>
    %gather3A_581 = tpu.vector_load_idx %arg9[%add3A_59, %add3A_580] : memref<32x128xf32, #tpu.memory_space<vmem>>[vector<16xi32>, vector<16xi32>], vector<16xf32>,
    %add3A_582 = arith.constant 42 : i32
    %add3A_583 = vector.broadcast %add3A_582 : i32 to vector<16xi32>
    %add3A_584 = arith.addi %get3A_62, %add3A_583 : vector<16xi32>
    %gather3A_585 = tpu.vector_load_idx %arg9[%add3A_59, %add3A_584] : memref<32x128xf32, #tpu.memory_space<vmem>>[vector<16xi32>, vector<16xi32>], vector<16xf32>,
    %add3A_586 = arith.constant 10 : i32
    %add3A_587 = vector.broadcast %add3A_586 : i32 to vector<16xi32>
    %add3A_588 = arith.addi %get3A_66, %add3A_587 : vector<16xi32>
    %gather3A_589 = tpu.vector_load_idx %arg10[%add3A_59, %add3A_588] : memref<32x128xf32, #tpu.memory_space<vmem>>[vector<16xi32>, vector<16xi32>], vector<16xf32>,
    %add3A_590 = arith.constant 42 : i32
    %add3A_591 = vector.broadcast %add3A_590 : i32 to vector<16xi32>
    %add3A_592 = arith.addi %get3A_66, %add3A_591 : vector<16xi32>
    %gather3A_593 = tpu.vector_load_idx %arg10[%add3A_59, %add3A_592] : memref<32x128xf32, #tpu.memory_space<vmem>>[vector<16xi32>, vector<16xi32>], vector<16xf32>,
    %add3A_594 = arith.constant 10 : i32
    %add3A_595 = vector.broadcast %add3A_594 : i32 to vector<16xi32>
    %add3A_596 = arith.addi %get3A_66, %add3A_595 : vector<16xi32>
    %gather3A_597 = tpu.vector_load_idx %arg11[%add3A_59, %add3A_596] : memref<32x128xf32, #tpu.memory_space<vmem>>[vector<16xi32>, vector<16xi32>], vector<16xf32>,
    %add3A_598 = arith.constant 42 : i32
    %add3A_599 = vector.broadcast %add3A_598 : i32 to vector<16xi32>
    %add3A_600 = arith.addi %get3A_66, %add3A_599 : vector<16xi32>
    %gather3A_601 = tpu.vector_load_idx %arg11[%add3A_59, %add3A_600] : memref<32x128xf32, #tpu.memory_space<vmem>>[vector<16xi32>, vector<16xi32>], vector<16xf32>,
    %add3A_602 = arith.constant 10 : i32
    %add3A_603 = vector.broadcast %add3A_602 : i32 to vector<16xi32>
    %add3A_604 = arith.addi %get3A_70, %add3A_603 : vector<16xi32>
    %gather3A_605 = tpu.vector_load_idx %arg12[%add3A_59, %add3A_604] : memref<32x128xf32, #tpu.memory_space<vmem>>[vector<16xi32>, vector<16xi32>], vector<16xf32>,
    %add3A_606 = arith.constant 42 : i32
    %add3A_607 = vector.broadcast %add3A_606 : i32 to vector<16xi32>
    %add3A_608 = arith.addi %get3A_70, %add3A_607 : vector<16xi32>
    %gather3A_609 = tpu.vector_load_idx %arg12[%add3A_59, %add3A_608] : memref<32x128xf32, #tpu.memory_space<vmem>>[vector<16xi32>, vector<16xi32>], vector<16xf32>,
    %mul3A_610 = arith.mulf %gather3A_589, %gather3A_605 : vector<16xf32>
    %mul3A_611 = arith.mulf %gather3A_593, %gather3A_609 : vector<16xf32>
    %sub3A_612 = arith.subf %mul3A_610, %mul3A_611 : vector<16xf32>
    %add3A_613 = arith.addf %sub3A_612, %gather3A_597 : vector<16xf32>
    %mul3A_614 = arith.mulf %gather3A_589, %gather3A_609 : vector<16xf32>
    %mul3A_615 = arith.mulf %gather3A_593, %gather3A_605 : vector<16xf32>
    %add3A_616 = arith.addf %mul3A_614, %mul3A_615 : vector<16xf32>
    %add3A_617 = arith.addf %add3A_616, %gather3A_601 : vector<16xf32>
    %broadcast_in_dim3A_618 = arith.constant 10 : i32
    %broadcast_in_dim3A_619 = vector.broadcast %broadcast_in_dim3A_618 : i32 to vector<16xi32>
    %mul3A_620 = arith.mulf %gather3A_581, %add3A_613 : vector<16xf32>
    %mul3A_621 = arith.mulf %gather3A_585, %add3A_617 : vector<16xf32>
    %sub3A_622 = arith.subf %mul3A_620, %mul3A_621 : vector<16xf32>
    tpu.vector_store_idx %arg13[%add3A_59, %broadcast_in_dim3A_619], %sub3A_622 : memref<32x64xf32, #tpu.memory_space<vmem>>[vector<16xi32>, vector<16xi32>], vector<16xf32>,
    %add3A_623 = arith.constant 32 : i32
    %add3A_624 = vector.broadcast %add3A_623 : i32 to vector<16xi32>
    %add3A_625 = arith.addi %broadcast_in_dim3A_619, %add3A_624 : vector<16xi32>
    %mul3A_626 = arith.mulf %gather3A_585, %add3A_613 : vector<16xf32>
    %mul3A_627 = arith.mulf %gather3A_581, %add3A_617 : vector<16xf32>
    %add3A_628 = arith.addf %mul3A_626, %mul3A_627 : vector<16xf32>
    tpu.vector_store_idx %arg13[%add3A_59, %add3A_625], %add3A_628 : memref<32x64xf32, #tpu.memory_space<vmem>>[vector<16xi32>, vector<16xi32>], vector<16xf32>,
    %add3A_629 = arith.constant 11 : i32
    %add3A_630 = vector.broadcast %add3A_629 : i32 to vector<16xi32>
    %add3A_631 = arith.addi %get3A_62, %add3A_630 : vector<16xi32>
    %gather3A_632 = tpu.vector_load_idx %arg9[%add3A_59, %add3A_631] : memref<32x128xf32, #tpu.memory_space<vmem>>[vector<16xi32>, vector<16xi32>], vector<16xf32>,
    %add3A_633 = arith.constant 43 : i32
    %add3A_634 = vector.broadcast %add3A_633 : i32 to vector<16xi32>
    %add3A_635 = arith.addi %get3A_62, %add3A_634 : vector<16xi32>
    %gather3A_636 = tpu.vector_load_idx %arg9[%add3A_59, %add3A_635] : memref<32x128xf32, #tpu.memory_space<vmem>>[vector<16xi32>, vector<16xi32>], vector<16xf32>,
    %add3A_637 = arith.constant 11 : i32
    %add3A_638 = vector.broadcast %add3A_637 : i32 to vector<16xi32>
    %add3A_639 = arith.addi %get3A_66, %add3A_638 : vector<16xi32>
    %gather3A_640 = tpu.vector_load_idx %arg10[%add3A_59, %add3A_639] : memref<32x128xf32, #tpu.memory_space<vmem>>[vector<16xi32>, vector<16xi32>], vector<16xf32>,
    %add3A_641 = arith.constant 43 : i32
    %add3A_642 = vector.broadcast %add3A_641 : i32 to vector<16xi32>
    %add3A_643 = arith.addi %get3A_66, %add3A_642 : vector<16xi32>
    %gather3A_644 = tpu.vector_load_idx %arg10[%add3A_59, %add3A_643] : memref<32x128xf32, #tpu.memory_space<vmem>>[vector<16xi32>, vector<16xi32>], vector<16xf32>,
    %add3A_645 = arith.constant 11 : i32
    %add3A_646 = vector.broadcast %add3A_645 : i32 to vector<16xi32>
    %add3A_647 = arith.addi %get3A_66, %add3A_646 : vector<16xi32>
    %gather3A_648 = tpu.vector_load_idx %arg11[%add3A_59, %add3A_647] : memref<32x128xf32, #tpu.memory_space<vmem>>[vector<16xi32>, vector<16xi32>], vector<16xf32>,
    %add3A_649 = arith.constant 43 : i32
    %add3A_650 = vector.broadcast %add3A_649 : i32 to vector<16xi32>
    %add3A_651 = arith.addi %get3A_66, %add3A_650 : vector<16xi32>
    %gather3A_652 = tpu.vector_load_idx %arg11[%add3A_59, %add3A_651] : memref<32x128xf32, #tpu.memory_space<vmem>>[vector<16xi32>, vector<16xi32>], vector<16xf32>,
    %add3A_653 = arith.constant 11 : i32
    %add3A_654 = vector.broadcast %add3A_653 : i32 to vector<16xi32>
    %add3A_655 = arith.addi %get3A_70, %add3A_654 : vector<16xi32>
    %gather3A_656 = tpu.vector_load_idx %arg12[%add3A_59, %add3A_655] : memref<32x128xf32, #tpu.memory_space<vmem>>[vector<16xi32>, vector<16xi32>], vector<16xf32>,
    %add3A_657 = arith.constant 43 : i32
    %add3A_658 = vector.broadcast %add3A_657 : i32 to vector<16xi32>
    %add3A_659 = arith.addi %get3A_70, %add3A_658 : vector<16xi32>
    %gather3A_660 = tpu.vector_load_idx %arg12[%add3A_59, %add3A_659] : memref<32x128xf32, #tpu.memory_space<vmem>>[vector<16xi32>, vector<16xi32>], vector<16xf32>,
    %mul3A_661 = arith.mulf %gather3A_640, %gather3A_656 : vector<16xf32>
    %mul3A_662 = arith.mulf %gather3A_644, %gather3A_660 : vector<16xf32>
    %sub3A_663 = arith.subf %mul3A_661, %mul3A_662 : vector<16xf32>
    %add3A_664 = arith.addf %sub3A_663, %gather3A_648 : vector<16xf32>
    %mul3A_665 = arith.mulf %gather3A_640, %gather3A_660 : vector<16xf32>
    %mul3A_666 = arith.mulf %gather3A_644, %gather3A_656 : vector<16xf32>
    %add3A_667 = arith.addf %mul3A_665, %mul3A_666 : vector<16xf32>
    %add3A_668 = arith.addf %add3A_667, %gather3A_652 : vector<16xf32>
    %broadcast_in_dim3A_669 = arith.constant 11 : i32
    %broadcast_in_dim3A_670 = vector.broadcast %broadcast_in_dim3A_669 : i32 to vector<16xi32>
    %mul3A_671 = arith.mulf %gather3A_632, %add3A_664 : vector<16xf32>
    %mul3A_672 = arith.mulf %gather3A_636, %add3A_668 : vector<16xf32>
    %sub3A_673 = arith.subf %mul3A_671, %mul3A_672 : vector<16xf32>
    tpu.vector_store_idx %arg13[%add3A_59, %broadcast_in_dim3A_670], %sub3A_673 : memref<32x64xf32, #tpu.memory_space<vmem>>[vector<16xi32>, vector<16xi32>], vector<16xf32>,
    %add3A_674 = arith.constant 32 : i32
    %add3A_675 = vector.broadcast %add3A_674 : i32 to vector<16xi32>
    %add3A_676 = arith.addi %broadcast_in_dim3A_670, %add3A_675 : vector<16xi32>
    %mul3A_677 = arith.mulf %gather3A_636, %add3A_664 : vector<16xf32>
    %mul3A_678 = arith.mulf %gather3A_632, %add3A_668 : vector<16xf32>
    %add3A_679 = arith.addf %mul3A_677, %mul3A_678 : vector<16xf32>
    tpu.vector_store_idx %arg13[%add3A_59, %add3A_676], %add3A_679 : memref<32x64xf32, #tpu.memory_space<vmem>>[vector<16xi32>, vector<16xi32>], vector<16xf32>,
    %add3A_680 = arith.constant 12 : i32
    %add3A_681 = vector.broadcast %add3A_680 : i32 to vector<16xi32>
    %add3A_682 = arith.addi %get3A_62, %add3A_681 : vector<16xi32>
    %gather3A_683 = tpu.vector_load_idx %arg9[%add3A_59, %add3A_682] : memref<32x128xf32, #tpu.memory_space<vmem>>[vector<16xi32>, vector<16xi32>], vector<16xf32>,
    %add3A_684 = arith.constant 44 : i32
    %add3A_685 = vector.broadcast %add3A_684 : i32 to vector<16xi32>
    %add3A_686 = arith.addi %get3A_62, %add3A_685 : vector<16xi32>
    %gather3A_687 = tpu.vector_load_idx %arg9[%add3A_59, %add3A_686] : memref<32x128xf32, #tpu.memory_space<vmem>>[vector<16xi32>, vector<16xi32>], vector<16xf32>,
    %add3A_688 = arith.constant 12 : i32
    %add3A_689 = vector.broadcast %add3A_688 : i32 to vector<16xi32>
    %add3A_690 = arith.addi %get3A_66, %add3A_689 : vector<16xi32>
    %gather3A_691 = tpu.vector_load_idx %arg10[%add3A_59, %add3A_690] : memref<32x128xf32, #tpu.memory_space<vmem>>[vector<16xi32>, vector<16xi32>], vector<16xf32>,
    %add3A_692 = arith.constant 44 : i32
    %add3A_693 = vector.broadcast %add3A_692 : i32 to vector<16xi32>
    %add3A_694 = arith.addi %get3A_66, %add3A_693 : vector<16xi32>
    %gather3A_695 = tpu.vector_load_idx %arg10[%add3A_59, %add3A_694] : memref<32x128xf32, #tpu.memory_space<vmem>>[vector<16xi32>, vector<16xi32>], vector<16xf32>,
    %add3A_696 = arith.constant 12 : i32
    %add3A_697 = vector.broadcast %add3A_696 : i32 to vector<16xi32>
    %add3A_698 = arith.addi %get3A_66, %add3A_697 : vector<16xi32>
    %gather3A_699 = tpu.vector_load_idx %arg11[%add3A_59, %add3A_698] : memref<32x128xf32, #tpu.memory_space<vmem>>[vector<16xi32>, vector<16xi32>], vector<16xf32>,
    %add3A_700 = arith.constant 44 : i32
    %add3A_701 = vector.broadcast %add3A_700 : i32 to vector<16xi32>
    %add3A_702 = arith.addi %get3A_66, %add3A_701 : vector<16xi32>
    %gather3A_703 = tpu.vector_load_idx %arg11[%add3A_59, %add3A_702] : memref<32x128xf32, #tpu.memory_space<vmem>>[vector<16xi32>, vector<16xi32>], vector<16xf32>,
    %add3A_704 = arith.constant 12 : i32
    %add3A_705 = vector.broadcast %add3A_704 : i32 to vector<16xi32>
    %add3A_706 = arith.addi %get3A_70, %add3A_705 : vector<16xi32>
    %gather3A_707 = tpu.vector_load_idx %arg12[%add3A_59, %add3A_706] : memref<32x128xf32, #tpu.memory_space<vmem>>[vector<16xi32>, vector<16xi32>], vector<16xf32>,
    %add3A_708 = arith.constant 44 : i32
    %add3A_709 = vector.broadcast %add3A_708 : i32 to vector<16xi32>
    %add3A_710 = arith.addi %get3A_70, %add3A_709 : vector<16xi32>
    %gather3A_711 = tpu.vector_load_idx %arg12[%add3A_59, %add3A_710] : memref<32x128xf32, #tpu.memory_space<vmem>>[vector<16xi32>, vector<16xi32>], vector<16xf32>,
    %mul3A_712 = arith.mulf %gather3A_691, %gather3A_707 : vector<16xf32>
    %mul3A_713 = arith.mulf %gather3A_695, %gather3A_711 : vector<16xf32>
    %sub3A_714 = arith.subf %mul3A_712, %mul3A_713 : vector<16xf32>
    %add3A_715 = arith.addf %sub3A_714, %gather3A_699 : vector<16xf32>
    %mul3A_716 = arith.mulf %gather3A_691, %gather3A_711 : vector<16xf32>
    %mul3A_717 = arith.mulf %gather3A_695, %gather3A_707 : vector<16xf32>
    %add3A_718 = arith.addf %mul3A_716, %mul3A_717 : vector<16xf32>
    %add3A_719 = arith.addf %add3A_718, %gather3A_703 : vector<16xf32>
    %broadcast_in_dim3A_720 = arith.constant 12 : i32
    %broadcast_in_dim3A_721 = vector.broadcast %broadcast_in_dim3A_720 : i32 to vector<16xi32>
    %mul3A_722 = arith.mulf %gather3A_683, %add3A_715 : vector<16xf32>
    %mul3A_723 = arith.mulf %gather3A_687, %add3A_719 : vector<16xf32>
    %sub3A_724 = arith.subf %mul3A_722, %mul3A_723 : vector<16xf32>
    tpu.vector_store_idx %arg13[%add3A_59, %broadcast_in_dim3A_721], %sub3A_724 : memref<32x64xf32, #tpu.memory_space<vmem>>[vector<16xi32>, vector<16xi32>], vector<16xf32>,
    %add3A_725 = arith.constant 32 : i32
    %add3A_726 = vector.broadcast %add3A_725 : i32 to vector<16xi32>
    %add3A_727 = arith.addi %broadcast_in_dim3A_721, %add3A_726 : vector<16xi32>
    %mul3A_728 = arith.mulf %gather3A_687, %add3A_715 : vector<16xf32>
    %mul3A_729 = arith.mulf %gather3A_683, %add3A_719 : vector<16xf32>
    %add3A_730 = arith.addf %mul3A_728, %mul3A_729 : vector<16xf32>
    tpu.vector_store_idx %arg13[%add3A_59, %add3A_727], %add3A_730 : memref<32x64xf32, #tpu.memory_space<vmem>>[vector<16xi32>, vector<16xi32>], vector<16xf32>,
    %add3A_731 = arith.constant 13 : i32
    %add3A_732 = vector.broadcast %add3A_731 : i32 to vector<16xi32>
    %add3A_733 = arith.addi %get3A_62, %add3A_732 : vector<16xi32>
    %gather3A_734 = tpu.vector_load_idx %arg9[%add3A_59, %add3A_733] : memref<32x128xf32, #tpu.memory_space<vmem>>[vector<16xi32>, vector<16xi32>], vector<16xf32>,
    %add3A_735 = arith.constant 45 : i32
    %add3A_736 = vector.broadcast %add3A_735 : i32 to vector<16xi32>
    %add3A_737 = arith.addi %get3A_62, %add3A_736 : vector<16xi32>
    %gather3A_738 = tpu.vector_load_idx %arg9[%add3A_59, %add3A_737] : memref<32x128xf32, #tpu.memory_space<vmem>>[vector<16xi32>, vector<16xi32>], vector<16xf32>,
    %add3A_739 = arith.constant 13 : i32
    %add3A_740 = vector.broadcast %add3A_739 : i32 to vector<16xi32>
    %add3A_741 = arith.addi %get3A_66, %add3A_740 : vector<16xi32>
    %gather3A_742 = tpu.vector_load_idx %arg10[%add3A_59, %add3A_741] : memref<32x128xf32, #tpu.memory_space<vmem>>[vector<16xi32>, vector<16xi32>], vector<16xf32>,
    %add3A_743 = arith.constant 45 : i32
    %add3A_744 = vector.broadcast %add3A_743 : i32 to vector<16xi32>
    %add3A_745 = arith.addi %get3A_66, %add3A_744 : vector<16xi32>
    %gather3A_746 = tpu.vector_load_idx %arg10[%add3A_59, %add3A_745] : memref<32x128xf32, #tpu.memory_space<vmem>>[vector<16xi32>, vector<16xi32>], vector<16xf32>,
    %add3A_747 = arith.constant 13 : i32
    %add3A_748 = vector.broadcast %add3A_747 : i32 to vector<16xi32>
    %add3A_749 = arith.addi %get3A_66, %add3A_748 : vector<16xi32>
    %gather3A_750 = tpu.vector_load_idx %arg11[%add3A_59, %add3A_749] : memref<32x128xf32, #tpu.memory_space<vmem>>[vector<16xi32>, vector<16xi32>], vector<16xf32>,
    %add3A_751 = arith.constant 45 : i32
    %add3A_752 = vector.broadcast %add3A_751 : i32 to vector<16xi32>
    %add3A_753 = arith.addi %get3A_66, %add3A_752 : vector<16xi32>
    %gather3A_754 = tpu.vector_load_idx %arg11[%add3A_59, %add3A_753] : memref<32x128xf32, #tpu.memory_space<vmem>>[vector<16xi32>, vector<16xi32>], vector<16xf32>,
    %add3A_755 = arith.constant 13 : i32
    %add3A_756 = vector.broadcast %add3A_755 : i32 to vector<16xi32>
    %add3A_757 = arith.addi %get3A_70, %add3A_756 : vector<16xi32>
    %gather3A_758 = tpu.vector_load_idx %arg12[%add3A_59, %add3A_757] : memref<32x128xf32, #tpu.memory_space<vmem>>[vector<16xi32>, vector<16xi32>], vector<16xf32>,
    %add3A_759 = arith.constant 45 : i32
    %add3A_760 = vector.broadcast %add3A_759 : i32 to vector<16xi32>
    %add3A_761 = arith.addi %get3A_70, %add3A_760 : vector<16xi32>
    %gather3A_762 = tpu.vector_load_idx %arg12[%add3A_59, %add3A_761] : memref<32x128xf32, #tpu.memory_space<vmem>>[vector<16xi32>, vector<16xi32>], vector<16xf32>,
    %mul3A_763 = arith.mulf %gather3A_742, %gather3A_758 : vector<16xf32>
    %mul3A_764 = arith.mulf %gather3A_746, %gather3A_762 : vector<16xf32>
    %sub3A_765 = arith.subf %mul3A_763, %mul3A_764 : vector<16xf32>
    %add3A_766 = arith.addf %sub3A_765, %gather3A_750 : vector<16xf32>
    %mul3A_767 = arith.mulf %gather3A_742, %gather3A_762 : vector<16xf32>
    %mul3A_768 = arith.mulf %gather3A_746, %gather3A_758 : vector<16xf32>
    %add3A_769 = arith.addf %mul3A_767, %mul3A_768 : vector<16xf32>
    %add3A_770 = arith.addf %add3A_769, %gather3A_754 : vector<16xf32>
    %broadcast_in_dim3A_771 = arith.constant 13 : i32
    %broadcast_in_dim3A_772 = vector.broadcast %broadcast_in_dim3A_771 : i32 to vector<16xi32>
    %mul3A_773 = arith.mulf %gather3A_734, %add3A_766 : vector<16xf32>
    %mul3A_774 = arith.mulf %gather3A_738, %add3A_770 : vector<16xf32>
    %sub3A_775 = arith.subf %mul3A_773, %mul3A_774 : vector<16xf32>
    tpu.vector_store_idx %arg13[%add3A_59, %broadcast_in_dim3A_772], %sub3A_775 : memref<32x64xf32, #tpu.memory_space<vmem>>[vector<16xi32>, vector<16xi32>], vector<16xf32>,
    %add3A_776 = arith.constant 32 : i32
    %add3A_777 = vector.broadcast %add3A_776 : i32 to vector<16xi32>
    %add3A_778 = arith.addi %broadcast_in_dim3A_772, %add3A_777 : vector<16xi32>
    %mul3A_779 = arith.mulf %gather3A_738, %add3A_766 : vector<16xf32>
    %mul3A_780 = arith.mulf %gather3A_734, %add3A_770 : vector<16xf32>
    %add3A_781 = arith.addf %mul3A_779, %mul3A_780 : vector<16xf32>
    tpu.vector_store_idx %arg13[%add3A_59, %add3A_778], %add3A_781 : memref<32x64xf32, #tpu.memory_space<vmem>>[vector<16xi32>, vector<16xi32>], vector<16xf32>,
    %add3A_782 = arith.constant 14 : i32
    %add3A_783 = vector.broadcast %add3A_782 : i32 to vector<16xi32>
    %add3A_784 = arith.addi %get3A_62, %add3A_783 : vector<16xi32>
    %gather3A_785 = tpu.vector_load_idx %arg9[%add3A_59, %add3A_784] : memref<32x128xf32, #tpu.memory_space<vmem>>[vector<16xi32>, vector<16xi32>], vector<16xf32>,
    %add3A_786 = arith.constant 46 : i32
    %add3A_787 = vector.broadcast %add3A_786 : i32 to vector<16xi32>
    %add3A_788 = arith.addi %get3A_62, %add3A_787 : vector<16xi32>
    %gather3A_789 = tpu.vector_load_idx %arg9[%add3A_59, %add3A_788] : memref<32x128xf32, #tpu.memory_space<vmem>>[vector<16xi32>, vector<16xi32>], vector<16xf32>,
    %add3A_790 = arith.constant 14 : i32
    %add3A_791 = vector.broadcast %add3A_790 : i32 to vector<16xi32>
    %add3A_792 = arith.addi %get3A_66, %add3A_791 : vector<16xi32>
    %gather3A_793 = tpu.vector_load_idx %arg10[%add3A_59, %add3A_792] : memref<32x128xf32, #tpu.memory_space<vmem>>[vector<16xi32>, vector<16xi32>], vector<16xf32>,
    %add3A_794 = arith.constant 46 : i32
    %add3A_795 = vector.broadcast %add3A_794 : i32 to vector<16xi32>
    %add3A_796 = arith.addi %get3A_66, %add3A_795 : vector<16xi32>
    %gather3A_797 = tpu.vector_load_idx %arg10[%add3A_59, %add3A_796] : memref<32x128xf32, #tpu.memory_space<vmem>>[vector<16xi32>, vector<16xi32>], vector<16xf32>,
    %add3A_798 = arith.constant 14 : i32
    %add3A_799 = vector.broadcast %add3A_798 : i32 to vector<16xi32>
    %add3A_800 = arith.addi %get3A_66, %add3A_799 : vector<16xi32>
    %gather3A_801 = tpu.vector_load_idx %arg11[%add3A_59, %add3A_800] : memref<32x128xf32, #tpu.memory_space<vmem>>[vector<16xi32>, vector<16xi32>], vector<16xf32>,
    %add3A_802 = arith.constant 46 : i32
    %add3A_803 = vector.broadcast %add3A_802 : i32 to vector<16xi32>
    %add3A_804 = arith.addi %get3A_66, %add3A_803 : vector<16xi32>
    %gather3A_805 = tpu.vector_load_idx %arg11[%add3A_59, %add3A_804] : memref<32x128xf32, #tpu.memory_space<vmem>>[vector<16xi32>, vector<16xi32>], vector<16xf32>,
    %add3A_806 = arith.constant 14 : i32
    %add3A_807 = vector.broadcast %add3A_806 : i32 to vector<16xi32>
    %add3A_808 = arith.addi %get3A_70, %add3A_807 : vector<16xi32>
    %gather3A_809 = tpu.vector_load_idx %arg12[%add3A_59, %add3A_808] : memref<32x128xf32, #tpu.memory_space<vmem>>[vector<16xi32>, vector<16xi32>], vector<16xf32>,
    %add3A_810 = arith.constant 46 : i32
    %add3A_811 = vector.broadcast %add3A_810 : i32 to vector<16xi32>
    %add3A_812 = arith.addi %get3A_70, %add3A_811 : vector<16xi32>
    %gather3A_813 = tpu.vector_load_idx %arg12[%add3A_59, %add3A_812] : memref<32x128xf32, #tpu.memory_space<vmem>>[vector<16xi32>, vector<16xi32>], vector<16xf32>,
    %mul3A_814 = arith.mulf %gather3A_793, %gather3A_809 : vector<16xf32>
    %mul3A_815 = arith.mulf %gather3A_797, %gather3A_813 : vector<16xf32>
    %sub3A_816 = arith.subf %mul3A_814, %mul3A_815 : vector<16xf32>
    %add3A_817 = arith.addf %sub3A_816, %gather3A_801 : vector<16xf32>
    %mul3A_818 = arith.mulf %gather3A_793, %gather3A_813 : vector<16xf32>
    %mul3A_819 = arith.mulf %gather3A_797, %gather3A_809 : vector<16xf32>
    %add3A_820 = arith.addf %mul3A_818, %mul3A_819 : vector<16xf32>
    %add3A_821 = arith.addf %add3A_820, %gather3A_805 : vector<16xf32>
    %broadcast_in_dim3A_822 = arith.constant 14 : i32
    %broadcast_in_dim3A_823 = vector.broadcast %broadcast_in_dim3A_822 : i32 to vector<16xi32>
    %mul3A_824 = arith.mulf %gather3A_785, %add3A_817 : vector<16xf32>
    %mul3A_825 = arith.mulf %gather3A_789, %add3A_821 : vector<16xf32>
    %sub3A_826 = arith.subf %mul3A_824, %mul3A_825 : vector<16xf32>
    tpu.vector_store_idx %arg13[%add3A_59, %broadcast_in_dim3A_823], %sub3A_826 : memref<32x64xf32, #tpu.memory_space<vmem>>[vector<16xi32>, vector<16xi32>], vector<16xf32>,
    %add3A_827 = arith.constant 32 : i32
    %add3A_828 = vector.broadcast %add3A_827 : i32 to vector<16xi32>
    %add3A_829 = arith.addi %broadcast_in_dim3A_823, %add3A_828 : vector<16xi32>
    %mul3A_830 = arith.mulf %gather3A_789, %add3A_817 : vector<16xf32>
    %mul3A_831 = arith.mulf %gather3A_785, %add3A_821 : vector<16xf32>
    %add3A_832 = arith.addf %mul3A_830, %mul3A_831 : vector<16xf32>
    tpu.vector_store_idx %arg13[%add3A_59, %add3A_829], %add3A_832 : memref<32x64xf32, #tpu.memory_space<vmem>>[vector<16xi32>, vector<16xi32>], vector<16xf32>,
    %add3A_833 = arith.constant 15 : i32
    %add3A_834 = vector.broadcast %add3A_833 : i32 to vector<16xi32>
    %add3A_835 = arith.addi %get3A_62, %add3A_834 : vector<16xi32>
    %gather3A_836 = tpu.vector_load_idx %arg9[%add3A_59, %add3A_835] : memref<32x128xf32, #tpu.memory_space<vmem>>[vector<16xi32>, vector<16xi32>], vector<16xf32>,
    %add3A_837 = arith.constant 47 : i32
    %add3A_838 = vector.broadcast %add3A_837 : i32 to vector<16xi32>
    %add3A_839 = arith.addi %get3A_62, %add3A_838 : vector<16xi32>
    %gather3A_840 = tpu.vector_load_idx %arg9[%add3A_59, %add3A_839] : memref<32x128xf32, #tpu.memory_space<vmem>>[vector<16xi32>, vector<16xi32>], vector<16xf32>,
    %add3A_841 = arith.constant 15 : i32
    %add3A_842 = vector.broadcast %add3A_841 : i32 to vector<16xi32>
    %add3A_843 = arith.addi %get3A_66, %add3A_842 : vector<16xi32>
    %gather3A_844 = tpu.vector_load_idx %arg10[%add3A_59, %add3A_843] : memref<32x128xf32, #tpu.memory_space<vmem>>[vector<16xi32>, vector<16xi32>], vector<16xf32>,
    %add3A_845 = arith.constant 47 : i32
    %add3A_846 = vector.broadcast %add3A_845 : i32 to vector<16xi32>
    %add3A_847 = arith.addi %get3A_66, %add3A_846 : vector<16xi32>
    %gather3A_848 = tpu.vector_load_idx %arg10[%add3A_59, %add3A_847] : memref<32x128xf32, #tpu.memory_space<vmem>>[vector<16xi32>, vector<16xi32>], vector<16xf32>,
    %add3A_849 = arith.constant 15 : i32
    %add3A_850 = vector.broadcast %add3A_849 : i32 to vector<16xi32>
    %add3A_851 = arith.addi %get3A_66, %add3A_850 : vector<16xi32>
    %gather3A_852 = tpu.vector_load_idx %arg11[%add3A_59, %add3A_851] : memref<32x128xf32, #tpu.memory_space<vmem>>[vector<16xi32>, vector<16xi32>], vector<16xf32>,
    %add3A_853 = arith.constant 47 : i32
    %add3A_854 = vector.broadcast %add3A_853 : i32 to vector<16xi32>
    %add3A_855 = arith.addi %get3A_66, %add3A_854 : vector<16xi32>
    %gather3A_856 = tpu.vector_load_idx %arg11[%add3A_59, %add3A_855] : memref<32x128xf32, #tpu.memory_space<vmem>>[vector<16xi32>, vector<16xi32>], vector<16xf32>,
    %add3A_857 = arith.constant 15 : i32
    %add3A_858 = vector.broadcast %add3A_857 : i32 to vector<16xi32>
    %add3A_859 = arith.addi %get3A_70, %add3A_858 : vector<16xi32>
    %gather3A_860 = tpu.vector_load_idx %arg12[%add3A_59, %add3A_859] : memref<32x128xf32, #tpu.memory_space<vmem>>[vector<16xi32>, vector<16xi32>], vector<16xf32>,
    %add3A_861 = arith.constant 47 : i32
    %add3A_862 = vector.broadcast %add3A_861 : i32 to vector<16xi32>
    %add3A_863 = arith.addi %get3A_70, %add3A_862 : vector<16xi32>
    %gather3A_864 = tpu.vector_load_idx %arg12[%add3A_59, %add3A_863] : memref<32x128xf32, #tpu.memory_space<vmem>>[vector<16xi32>, vector<16xi32>], vector<16xf32>,
    %mul3A_865 = arith.mulf %gather3A_844, %gather3A_860 : vector<16xf32>
    %mul3A_866 = arith.mulf %gather3A_848, %gather3A_864 : vector<16xf32>
    %sub3A_867 = arith.subf %mul3A_865, %mul3A_866 : vector<16xf32>
    %add3A_868 = arith.addf %sub3A_867, %gather3A_852 : vector<16xf32>
    %mul3A_869 = arith.mulf %gather3A_844, %gather3A_864 : vector<16xf32>
    %mul3A_870 = arith.mulf %gather3A_848, %gather3A_860 : vector<16xf32>
    %add3A_871 = arith.addf %mul3A_869, %mul3A_870 : vector<16xf32>
    %add3A_872 = arith.addf %add3A_871, %gather3A_856 : vector<16xf32>
    %broadcast_in_dim3A_873 = arith.constant 15 : i32
    %broadcast_in_dim3A_874 = vector.broadcast %broadcast_in_dim3A_873 : i32 to vector<16xi32>
    %mul3A_875 = arith.mulf %gather3A_836, %add3A_868 : vector<16xf32>
    %mul3A_876 = arith.mulf %gather3A_840, %add3A_872 : vector<16xf32>
    %sub3A_877 = arith.subf %mul3A_875, %mul3A_876 : vector<16xf32>
    tpu.vector_store_idx %arg13[%add3A_59, %broadcast_in_dim3A_874], %sub3A_877 : memref<32x64xf32, #tpu.memory_space<vmem>>[vector<16xi32>, vector<16xi32>], vector<16xf32>,
    %add3A_878 = arith.constant 32 : i32
    %add3A_879 = vector.broadcast %add3A_878 : i32 to vector<16xi32>
    %add3A_880 = arith.addi %broadcast_in_dim3A_874, %add3A_879 : vector<16xi32>
    %mul3A_881 = arith.mulf %gather3A_840, %add3A_868 : vector<16xf32>
    %mul3A_882 = arith.mulf %gather3A_836, %add3A_872 : vector<16xf32>
    %add3A_883 = arith.addf %mul3A_881, %mul3A_882 : vector<16xf32>
    tpu.vector_store_idx %arg13[%add3A_59, %add3A_880], %add3A_883 : memref<32x64xf32, #tpu.memory_space<vmem>>[vector<16xi32>, vector<16xi32>], vector<16xf32>,
    %add3A_884 = arith.constant 16 : i32
    %add3A_885 = vector.broadcast %add3A_884 : i32 to vector<16xi32>
    %add3A_886 = arith.addi %get3A_62, %add3A_885 : vector<16xi32>
    %gather3A_887 = tpu.vector_load_idx %arg9[%add3A_59, %add3A_886] : memref<32x128xf32, #tpu.memory_space<vmem>>[vector<16xi32>, vector<16xi32>], vector<16xf32>,
    %add3A_888 = arith.constant 48 : i32
    %add3A_889 = vector.broadcast %add3A_888 : i32 to vector<16xi32>
    %add3A_890 = arith.addi %get3A_62, %add3A_889 : vector<16xi32>
    %gather3A_891 = tpu.vector_load_idx %arg9[%add3A_59, %add3A_890] : memref<32x128xf32, #tpu.memory_space<vmem>>[vector<16xi32>, vector<16xi32>], vector<16xf32>,
    %add3A_892 = arith.constant 16 : i32
    %add3A_893 = vector.broadcast %add3A_892 : i32 to vector<16xi32>
    %add3A_894 = arith.addi %get3A_66, %add3A_893 : vector<16xi32>
    %gather3A_895 = tpu.vector_load_idx %arg10[%add3A_59, %add3A_894] : memref<32x128xf32, #tpu.memory_space<vmem>>[vector<16xi32>, vector<16xi32>], vector<16xf32>,
    %add3A_896 = arith.constant 48 : i32
    %add3A_897 = vector.broadcast %add3A_896 : i32 to vector<16xi32>
    %add3A_898 = arith.addi %get3A_66, %add3A_897 : vector<16xi32>
    %gather3A_899 = tpu.vector_load_idx %arg10[%add3A_59, %add3A_898] : memref<32x128xf32, #tpu.memory_space<vmem>>[vector<16xi32>, vector<16xi32>], vector<16xf32>,
    %add3A_900 = arith.constant 16 : i32
    %add3A_901 = vector.broadcast %add3A_900 : i32 to vector<16xi32>
    %add3A_902 = arith.addi %get3A_66, %add3A_901 : vector<16xi32>
    %gather3A_903 = tpu.vector_load_idx %arg11[%add3A_59, %add3A_902] : memref<32x128xf32, #tpu.memory_space<vmem>>[vector<16xi32>, vector<16xi32>], vector<16xf32>,
    %add3A_904 = arith.constant 48 : i32
    %add3A_905 = vector.broadcast %add3A_904 : i32 to vector<16xi32>
    %add3A_906 = arith.addi %get3A_66, %add3A_905 : vector<16xi32>
    %gather3A_907 = tpu.vector_load_idx %arg11[%add3A_59, %add3A_906] : memref<32x128xf32, #tpu.memory_space<vmem>>[vector<16xi32>, vector<16xi32>], vector<16xf32>,
    %add3A_908 = arith.constant 16 : i32
    %add3A_909 = vector.broadcast %add3A_908 : i32 to vector<16xi32>
    %add3A_910 = arith.addi %get3A_70, %add3A_909 : vector<16xi32>
    %gather3A_911 = tpu.vector_load_idx %arg12[%add3A_59, %add3A_910] : memref<32x128xf32, #tpu.memory_space<vmem>>[vector<16xi32>, vector<16xi32>], vector<16xf32>,
    %add3A_912 = arith.constant 48 : i32
    %add3A_913 = vector.broadcast %add3A_912 : i32 to vector<16xi32>
    %add3A_914 = arith.addi %get3A_70, %add3A_913 : vector<16xi32>
    %gather3A_915 = tpu.vector_load_idx %arg12[%add3A_59, %add3A_914] : memref<32x128xf32, #tpu.memory_space<vmem>>[vector<16xi32>, vector<16xi32>], vector<16xf32>,
    %mul3A_916 = arith.mulf %gather3A_895, %gather3A_911 : vector<16xf32>
    %mul3A_917 = arith.mulf %gather3A_899, %gather3A_915 : vector<16xf32>
    %sub3A_918 = arith.subf %mul3A_916, %mul3A_917 : vector<16xf32>
    %add3A_919 = arith.addf %sub3A_918, %gather3A_903 : vector<16xf32>
    %mul3A_920 = arith.mulf %gather3A_895, %gather3A_915 : vector<16xf32>
    %mul3A_921 = arith.mulf %gather3A_899, %gather3A_911 : vector<16xf32>
    %add3A_922 = arith.addf %mul3A_920, %mul3A_921 : vector<16xf32>
    %add3A_923 = arith.addf %add3A_922, %gather3A_907 : vector<16xf32>
    %broadcast_in_dim3A_924 = arith.constant 16 : i32
    %broadcast_in_dim3A_925 = vector.broadcast %broadcast_in_dim3A_924 : i32 to vector<16xi32>
    %mul3A_926 = arith.mulf %gather3A_887, %add3A_919 : vector<16xf32>
    %mul3A_927 = arith.mulf %gather3A_891, %add3A_923 : vector<16xf32>
    %sub3A_928 = arith.subf %mul3A_926, %mul3A_927 : vector<16xf32>
    tpu.vector_store_idx %arg13[%add3A_59, %broadcast_in_dim3A_925], %sub3A_928 : memref<32x64xf32, #tpu.memory_space<vmem>>[vector<16xi32>, vector<16xi32>], vector<16xf32>,
    %add3A_929 = arith.constant 32 : i32
    %add3A_930 = vector.broadcast %add3A_929 : i32 to vector<16xi32>
    %add3A_931 = arith.addi %broadcast_in_dim3A_925, %add3A_930 : vector<16xi32>
    %mul3A_932 = arith.mulf %gather3A_891, %add3A_919 : vector<16xf32>
    %mul3A_933 = arith.mulf %gather3A_887, %add3A_923 : vector<16xf32>
    %add3A_934 = arith.addf %mul3A_932, %mul3A_933 : vector<16xf32>
    tpu.vector_store_idx %arg13[%add3A_59, %add3A_931], %add3A_934 : memref<32x64xf32, #tpu.memory_space<vmem>>[vector<16xi32>, vector<16xi32>], vector<16xf32>,
    %add3A_935 = arith.constant 17 : i32
    %add3A_936 = vector.broadcast %add3A_935 : i32 to vector<16xi32>
    %add3A_937 = arith.addi %get3A_62, %add3A_936 : vector<16xi32>
    %gather3A_938 = tpu.vector_load_idx %arg9[%add3A_59, %add3A_937] : memref<32x128xf32, #tpu.memory_space<vmem>>[vector<16xi32>, vector<16xi32>], vector<16xf32>,
    %add3A_939 = arith.constant 49 : i32
    %add3A_940 = vector.broadcast %add3A_939 : i32 to vector<16xi32>
    %add3A_941 = arith.addi %get3A_62, %add3A_940 : vector<16xi32>
    %gather3A_942 = tpu.vector_load_idx %arg9[%add3A_59, %add3A_941] : memref<32x128xf32, #tpu.memory_space<vmem>>[vector<16xi32>, vector<16xi32>], vector<16xf32>,
    %add3A_943 = arith.constant 17 : i32
    %add3A_944 = vector.broadcast %add3A_943 : i32 to vector<16xi32>
    %add3A_945 = arith.addi %get3A_66, %add3A_944 : vector<16xi32>
    %gather3A_946 = tpu.vector_load_idx %arg10[%add3A_59, %add3A_945] : memref<32x128xf32, #tpu.memory_space<vmem>>[vector<16xi32>, vector<16xi32>], vector<16xf32>,
    %add3A_947 = arith.constant 49 : i32
    %add3A_948 = vector.broadcast %add3A_947 : i32 to vector<16xi32>
    %add3A_949 = arith.addi %get3A_66, %add3A_948 : vector<16xi32>
    %gather3A_950 = tpu.vector_load_idx %arg10[%add3A_59, %add3A_949] : memref<32x128xf32, #tpu.memory_space<vmem>>[vector<16xi32>, vector<16xi32>], vector<16xf32>,
    %add3A_951 = arith.constant 17 : i32
    %add3A_952 = vector.broadcast %add3A_951 : i32 to vector<16xi32>
    %add3A_953 = arith.addi %get3A_66, %add3A_952 : vector<16xi32>
    %gather3A_954 = tpu.vector_load_idx %arg11[%add3A_59, %add3A_953] : memref<32x128xf32, #tpu.memory_space<vmem>>[vector<16xi32>, vector<16xi32>], vector<16xf32>,
    %add3A_955 = arith.constant 49 : i32
    %add3A_956 = vector.broadcast %add3A_955 : i32 to vector<16xi32>
    %add3A_957 = arith.addi %get3A_66, %add3A_956 : vector<16xi32>
    %gather3A_958 = tpu.vector_load_idx %arg11[%add3A_59, %add3A_957] : memref<32x128xf32, #tpu.memory_space<vmem>>[vector<16xi32>, vector<16xi32>], vector<16xf32>,
    %add3A_959 = arith.constant 17 : i32
    %add3A_960 = vector.broadcast %add3A_959 : i32 to vector<16xi32>
    %add3A_961 = arith.addi %get3A_70, %add3A_960 : vector<16xi32>
    %gather3A_962 = tpu.vector_load_idx %arg12[%add3A_59, %add3A_961] : memref<32x128xf32, #tpu.memory_space<vmem>>[vector<16xi32>, vector<16xi32>], vector<16xf32>,
    %add3A_963 = arith.constant 49 : i32
    %add3A_964 = vector.broadcast %add3A_963 : i32 to vector<16xi32>
    %add3A_965 = arith.addi %get3A_70, %add3A_964 : vector<16xi32>
    %gather3A_966 = tpu.vector_load_idx %arg12[%add3A_59, %add3A_965] : memref<32x128xf32, #tpu.memory_space<vmem>>[vector<16xi32>, vector<16xi32>], vector<16xf32>,
    %mul3A_967 = arith.mulf %gather3A_946, %gather3A_962 : vector<16xf32>
    %mul3A_968 = arith.mulf %gather3A_950, %gather3A_966 : vector<16xf32>
    %sub3A_969 = arith.subf %mul3A_967, %mul3A_968 : vector<16xf32>
    %add3A_970 = arith.addf %sub3A_969, %gather3A_954 : vector<16xf32>
    %mul3A_971 = arith.mulf %gather3A_946, %gather3A_966 : vector<16xf32>
    %mul3A_972 = arith.mulf %gather3A_950, %gather3A_962 : vector<16xf32>
    %add3A_973 = arith.addf %mul3A_971, %mul3A_972 : vector<16xf32>
    %add3A_974 = arith.addf %add3A_973, %gather3A_958 : vector<16xf32>
    %broadcast_in_dim3A_975 = arith.constant 17 : i32
    %broadcast_in_dim3A_976 = vector.broadcast %broadcast_in_dim3A_975 : i32 to vector<16xi32>
    %mul3A_977 = arith.mulf %gather3A_938, %add3A_970 : vector<16xf32>
    %mul3A_978 = arith.mulf %gather3A_942, %add3A_974 : vector<16xf32>
    %sub3A_979 = arith.subf %mul3A_977, %mul3A_978 : vector<16xf32>
    tpu.vector_store_idx %arg13[%add3A_59, %broadcast_in_dim3A_976], %sub3A_979 : memref<32x64xf32, #tpu.memory_space<vmem>>[vector<16xi32>, vector<16xi32>], vector<16xf32>,
    %add3A_980 = arith.constant 32 : i32
    %add3A_981 = vector.broadcast %add3A_980 : i32 to vector<16xi32>
    %add3A_982 = arith.addi %broadcast_in_dim3A_976, %add3A_981 : vector<16xi32>
    %mul3A_983 = arith.mulf %gather3A_942, %add3A_970 : vector<16xf32>
    %mul3A_984 = arith.mulf %gather3A_938, %add3A_974 : vector<16xf32>
    %add3A_985 = arith.addf %mul3A_983, %mul3A_984 : vector<16xf32>
    tpu.vector_store_idx %arg13[%add3A_59, %add3A_982], %add3A_985 : memref<32x64xf32, #tpu.memory_space<vmem>>[vector<16xi32>, vector<16xi32>], vector<16xf32>,
    %add3A_986 = arith.constant 18 : i32
    %add3A_987 = vector.broadcast %add3A_986 : i32 to vector<16xi32>
    %add3A_988 = arith.addi %get3A_62, %add3A_987 : vector<16xi32>
    %gather3A_989 = tpu.vector_load_idx %arg9[%add3A_59, %add3A_988] : memref<32x128xf32, #tpu.memory_space<vmem>>[vector<16xi32>, vector<16xi32>], vector<16xf32>,
    %add3A_990 = arith.constant 50 : i32
    %add3A_991 = vector.broadcast %add3A_990 : i32 to vector<16xi32>
    %add3A_992 = arith.addi %get3A_62, %add3A_991 : vector<16xi32>
    %gather3A_993 = tpu.vector_load_idx %arg9[%add3A_59, %add3A_992] : memref<32x128xf32, #tpu.memory_space<vmem>>[vector<16xi32>, vector<16xi32>], vector<16xf32>,
    %add3A_994 = arith.constant 18 : i32
    %add3A_995 = vector.broadcast %add3A_994 : i32 to vector<16xi32>
    %add3A_996 = arith.addi %get3A_66, %add3A_995 : vector<16xi32>
    %gather3A_997 = tpu.vector_load_idx %arg10[%add3A_59, %add3A_996] : memref<32x128xf32, #tpu.memory_space<vmem>>[vector<16xi32>, vector<16xi32>], vector<16xf32>,
    %add3A_998 = arith.constant 50 : i32
    %add3A_999 = vector.broadcast %add3A_998 : i32 to vector<16xi32>
    %add3A_1000 = arith.addi %get3A_66, %add3A_999 : vector<16xi32>
    %gather3A_1001 = tpu.vector_load_idx %arg10[%add3A_59, %add3A_1000] : memref<32x128xf32, #tpu.memory_space<vmem>>[vector<16xi32>, vector<16xi32>], vector<16xf32>,
    %add3A_1002 = arith.constant 18 : i32
    %add3A_1003 = vector.broadcast %add3A_1002 : i32 to vector<16xi32>
    %add3A_1004 = arith.addi %get3A_66, %add3A_1003 : vector<16xi32>
    %gather3A_1005 = tpu.vector_load_idx %arg11[%add3A_59, %add3A_1004] : memref<32x128xf32, #tpu.memory_space<vmem>>[vector<16xi32>, vector<16xi32>], vector<16xf32>,
    %add3A_1006 = arith.constant 50 : i32
    %add3A_1007 = vector.broadcast %add3A_1006 : i32 to vector<16xi32>
    %add3A_1008 = arith.addi %get3A_66, %add3A_1007 : vector<16xi32>
    %gather3A_1009 = tpu.vector_load_idx %arg11[%add3A_59, %add3A_1008] : memref<32x128xf32, #tpu.memory_space<vmem>>[vector<16xi32>, vector<16xi32>], vector<16xf32>,
    %add3A_1010 = arith.constant 18 : i32
    %add3A_1011 = vector.broadcast %add3A_1010 : i32 to vector<16xi32>
    %add3A_1012 = arith.addi %get3A_70, %add3A_1011 : vector<16xi32>
    %gather3A_1013 = tpu.vector_load_idx %arg12[%add3A_59, %add3A_1012] : memref<32x128xf32, #tpu.memory_space<vmem>>[vector<16xi32>, vector<16xi32>], vector<16xf32>,
    %add3A_1014 = arith.constant 50 : i32
    %add3A_1015 = vector.broadcast %add3A_1014 : i32 to vector<16xi32>
    %add3A_1016 = arith.addi %get3A_70, %add3A_1015 : vector<16xi32>
    %gather3A_1017 = tpu.vector_load_idx %arg12[%add3A_59, %add3A_1016] : memref<32x128xf32, #tpu.memory_space<vmem>>[vector<16xi32>, vector<16xi32>], vector<16xf32>,
    %mul3A_1018 = arith.mulf %gather3A_997, %gather3A_1013 : vector<16xf32>
    %mul3A_1019 = arith.mulf %gather3A_1001, %gather3A_1017 : vector<16xf32>
    %sub3A_1020 = arith.subf %mul3A_1018, %mul3A_1019 : vector<16xf32>
    %add3A_1021 = arith.addf %sub3A_1020, %gather3A_1005 : vector<16xf32>
    %mul3A_1022 = arith.mulf %gather3A_997, %gather3A_1017 : vector<16xf32>
    %mul3A_1023 = arith.mulf %gather3A_1001, %gather3A_1013 : vector<16xf32>
    %add3A_1024 = arith.addf %mul3A_1022, %mul3A_1023 : vector<16xf32>
    %add3A_1025 = arith.addf %add3A_1024, %gather3A_1009 : vector<16xf32>
    %broadcast_in_dim3A_1026 = arith.constant 18 : i32
    %broadcast_in_dim3A_1027 = vector.broadcast %broadcast_in_dim3A_1026 : i32 to vector<16xi32>
    %mul3A_1028 = arith.mulf %gather3A_989, %add3A_1021 : vector<16xf32>
    %mul3A_1029 = arith.mulf %gather3A_993, %add3A_1025 : vector<16xf32>
    %sub3A_1030 = arith.subf %mul3A_1028, %mul3A_1029 : vector<16xf32>
    tpu.vector_store_idx %arg13[%add3A_59, %broadcast_in_dim3A_1027], %sub3A_1030 : memref<32x64xf32, #tpu.memory_space<vmem>>[vector<16xi32>, vector<16xi32>], vector<16xf32>,
    %add3A_1031 = arith.constant 32 : i32
    %add3A_1032 = vector.broadcast %add3A_1031 : i32 to vector<16xi32>
    %add3A_1033 = arith.addi %broadcast_in_dim3A_1027, %add3A_1032 : vector<16xi32>
    %mul3A_1034 = arith.mulf %gather3A_993, %add3A_1021 : vector<16xf32>
    %mul3A_1035 = arith.mulf %gather3A_989, %add3A_1025 : vector<16xf32>
    %add3A_1036 = arith.addf %mul3A_1034, %mul3A_1035 : vector<16xf32>
    tpu.vector_store_idx %arg13[%add3A_59, %add3A_1033], %add3A_1036 : memref<32x64xf32, #tpu.memory_space<vmem>>[vector<16xi32>, vector<16xi32>], vector<16xf32>,
    %add3A_1037 = arith.constant 19 : i32
    %add3A_1038 = vector.broadcast %add3A_1037 : i32 to vector<16xi32>
    %add3A_1039 = arith.addi %get3A_62, %add3A_1038 : vector<16xi32>
    %gather3A_1040 = tpu.vector_load_idx %arg9[%add3A_59, %add3A_1039] : memref<32x128xf32, #tpu.memory_space<vmem>>[vector<16xi32>, vector<16xi32>], vector<16xf32>,
    %add3A_1041 = arith.constant 51 : i32
    %add3A_1042 = vector.broadcast %add3A_1041 : i32 to vector<16xi32>
    %add3A_1043 = arith.addi %get3A_62, %add3A_1042 : vector<16xi32>
    %gather3A_1044 = tpu.vector_load_idx %arg9[%add3A_59, %add3A_1043] : memref<32x128xf32, #tpu.memory_space<vmem>>[vector<16xi32>, vector<16xi32>], vector<16xf32>,
    %add3A_1045 = arith.constant 19 : i32
    %add3A_1046 = vector.broadcast %add3A_1045 : i32 to vector<16xi32>
    %add3A_1047 = arith.addi %get3A_66, %add3A_1046 : vector<16xi32>
    %gather3A_1048 = tpu.vector_load_idx %arg10[%add3A_59, %add3A_1047] : memref<32x128xf32, #tpu.memory_space<vmem>>[vector<16xi32>, vector<16xi32>], vector<16xf32>,
    %add3A_1049 = arith.constant 51 : i32
    %add3A_1050 = vector.broadcast %add3A_1049 : i32 to vector<16xi32>
    %add3A_1051 = arith.addi %get3A_66, %add3A_1050 : vector<16xi32>
    %gather3A_1052 = tpu.vector_load_idx %arg10[%add3A_59, %add3A_1051] : memref<32x128xf32, #tpu.memory_space<vmem>>[vector<16xi32>, vector<16xi32>], vector<16xf32>,
    %add3A_1053 = arith.constant 19 : i32
    %add3A_1054 = vector.broadcast %add3A_1053 : i32 to vector<16xi32>
    %add3A_1055 = arith.addi %get3A_66, %add3A_1054 : vector<16xi32>
    %gather3A_1056 = tpu.vector_load_idx %arg11[%add3A_59, %add3A_1055] : memref<32x128xf32, #tpu.memory_space<vmem>>[vector<16xi32>, vector<16xi32>], vector<16xf32>,
    %add3A_1057 = arith.constant 51 : i32
    %add3A_1058 = vector.broadcast %add3A_1057 : i32 to vector<16xi32>
    %add3A_1059 = arith.addi %get3A_66, %add3A_1058 : vector<16xi32>
    %gather3A_1060 = tpu.vector_load_idx %arg11[%add3A_59, %add3A_1059] : memref<32x128xf32, #tpu.memory_space<vmem>>[vector<16xi32>, vector<16xi32>], vector<16xf32>,
    %add3A_1061 = arith.constant 19 : i32
    %add3A_1062 = vector.broadcast %add3A_1061 : i32 to vector<16xi32>
    %add3A_1063 = arith.addi %get3A_70, %add3A_1062 : vector<16xi32>
    %gather3A_1064 = tpu.vector_load_idx %arg12[%add3A_59, %add3A_1063] : memref<32x128xf32, #tpu.memory_space<vmem>>[vector<16xi32>, vector<16xi32>], vector<16xf32>,
    %add3A_1065 = arith.constant 51 : i32
    %add3A_1066 = vector.broadcast %add3A_1065 : i32 to vector<16xi32>
    %add3A_1067 = arith.addi %get3A_70, %add3A_1066 : vector<16xi32>
    %gather3A_1068 = tpu.vector_load_idx %arg12[%add3A_59, %add3A_1067] : memref<32x128xf32, #tpu.memory_space<vmem>>[vector<16xi32>, vector<16xi32>], vector<16xf32>,
    %mul3A_1069 = arith.mulf %gather3A_1048, %gather3A_1064 : vector<16xf32>
    %mul3A_1070 = arith.mulf %gather3A_1052, %gather3A_1068 : vector<16xf32>
    %sub3A_1071 = arith.subf %mul3A_1069, %mul3A_1070 : vector<16xf32>
    %add3A_1072 = arith.addf %sub3A_1071, %gather3A_1056 : vector<16xf32>
    %mul3A_1073 = arith.mulf %gather3A_1048, %gather3A_1068 : vector<16xf32>
    %mul3A_1074 = arith.mulf %gather3A_1052, %gather3A_1064 : vector<16xf32>
    %add3A_1075 = arith.addf %mul3A_1073, %mul3A_1074 : vector<16xf32>
    %add3A_1076 = arith.addf %add3A_1075, %gather3A_1060 : vector<16xf32>
    %broadcast_in_dim3A_1077 = arith.constant 19 : i32
    %broadcast_in_dim3A_1078 = vector.broadcast %broadcast_in_dim3A_1077 : i32 to vector<16xi32>
    %mul3A_1079 = arith.mulf %gather3A_1040, %add3A_1072 : vector<16xf32>
    %mul3A_1080 = arith.mulf %gather3A_1044, %add3A_1076 : vector<16xf32>
    %sub3A_1081 = arith.subf %mul3A_1079, %mul3A_1080 : vector<16xf32>
    tpu.vector_store_idx %arg13[%add3A_59, %broadcast_in_dim3A_1078], %sub3A_1081 : memref<32x64xf32, #tpu.memory_space<vmem>>[vector<16xi32>, vector<16xi32>], vector<16xf32>,
    %add3A_1082 = arith.constant 32 : i32
    %add3A_1083 = vector.broadcast %add3A_1082 : i32 to vector<16xi32>
    %add3A_1084 = arith.addi %broadcast_in_dim3A_1078, %add3A_1083 : vector<16xi32>
    %mul3A_1085 = arith.mulf %gather3A_1044, %add3A_1072 : vector<16xf32>
    %mul3A_1086 = arith.mulf %gather3A_1040, %add3A_1076 : vector<16xf32>
    %add3A_1087 = arith.addf %mul3A_1085, %mul3A_1086 : vector<16xf32>
    tpu.vector_store_idx %arg13[%add3A_59, %add3A_1084], %add3A_1087 : memref<32x64xf32, #tpu.memory_space<vmem>>[vector<16xi32>, vector<16xi32>], vector<16xf32>,
    %add3A_1088 = arith.constant 20 : i32
    %add3A_1089 = vector.broadcast %add3A_1088 : i32 to vector<16xi32>
    %add3A_1090 = arith.addi %get3A_62, %add3A_1089 : vector<16xi32>
    %gather3A_1091 = tpu.vector_load_idx %arg9[%add3A_59, %add3A_1090] : memref<32x128xf32, #tpu.memory_space<vmem>>[vector<16xi32>, vector<16xi32>], vector<16xf32>,
    %add3A_1092 = arith.constant 52 : i32
    %add3A_1093 = vector.broadcast %add3A_1092 : i32 to vector<16xi32>
    %add3A_1094 = arith.addi %get3A_62, %add3A_1093 : vector<16xi32>
    %gather3A_1095 = tpu.vector_load_idx %arg9[%add3A_59, %add3A_1094] : memref<32x128xf32, #tpu.memory_space<vmem>>[vector<16xi32>, vector<16xi32>], vector<16xf32>,
    %add3A_1096 = arith.constant 20 : i32
    %add3A_1097 = vector.broadcast %add3A_1096 : i32 to vector<16xi32>
    %add3A_1098 = arith.addi %get3A_66, %add3A_1097 : vector<16xi32>
    %gather3A_1099 = tpu.vector_load_idx %arg10[%add3A_59, %add3A_1098] : memref<32x128xf32, #tpu.memory_space<vmem>>[vector<16xi32>, vector<16xi32>], vector<16xf32>,
    %add3A_1100 = arith.constant 52 : i32
    %add3A_1101 = vector.broadcast %add3A_1100 : i32 to vector<16xi32>
    %add3A_1102 = arith.addi %get3A_66, %add3A_1101 : vector<16xi32>
    %gather3A_1103 = tpu.vector_load_idx %arg10[%add3A_59, %add3A_1102] : memref<32x128xf32, #tpu.memory_space<vmem>>[vector<16xi32>, vector<16xi32>], vector<16xf32>,
    %add3A_1104 = arith.constant 20 : i32
    %add3A_1105 = vector.broadcast %add3A_1104 : i32 to vector<16xi32>
    %add3A_1106 = arith.addi %get3A_66, %add3A_1105 : vector<16xi32>
    %gather3A_1107 = tpu.vector_load_idx %arg11[%add3A_59, %add3A_1106] : memref<32x128xf32, #tpu.memory_space<vmem>>[vector<16xi32>, vector<16xi32>], vector<16xf32>,
    %add3A_1108 = arith.constant 52 : i32
    %add3A_1109 = vector.broadcast %add3A_1108 : i32 to vector<16xi32>
    %add3A_1110 = arith.addi %get3A_66, %add3A_1109 : vector<16xi32>
    %gather3A_1111 = tpu.vector_load_idx %arg11[%add3A_59, %add3A_1110] : memref<32x128xf32, #tpu.memory_space<vmem>>[vector<16xi32>, vector<16xi32>], vector<16xf32>,
    %add3A_1112 = arith.constant 20 : i32
    %add3A_1113 = vector.broadcast %add3A_1112 : i32 to vector<16xi32>
    %add3A_1114 = arith.addi %get3A_70, %add3A_1113 : vector<16xi32>
    %gather3A_1115 = tpu.vector_load_idx %arg12[%add3A_59, %add3A_1114] : memref<32x128xf32, #tpu.memory_space<vmem>>[vector<16xi32>, vector<16xi32>], vector<16xf32>,
    %add3A_1116 = arith.constant 52 : i32
    %add3A_1117 = vector.broadcast %add3A_1116 : i32 to vector<16xi32>
    %add3A_1118 = arith.addi %get3A_70, %add3A_1117 : vector<16xi32>
    %gather3A_1119 = tpu.vector_load_idx %arg12[%add3A_59, %add3A_1118] : memref<32x128xf32, #tpu.memory_space<vmem>>[vector<16xi32>, vector<16xi32>], vector<16xf32>,
    %mul3A_1120 = arith.mulf %gather3A_1099, %gather3A_1115 : vector<16xf32>
    %mul3A_1121 = arith.mulf %gather3A_1103, %gather3A_1119 : vector<16xf32>
    %sub3A_1122 = arith.subf %mul3A_1120, %mul3A_1121 : vector<16xf32>
    %add3A_1123 = arith.addf %sub3A_1122, %gather3A_1107 : vector<16xf32>
    %mul3A_1124 = arith.mulf %gather3A_1099, %gather3A_1119 : vector<16xf32>
    %mul3A_1125 = arith.mulf %gather3A_1103, %gather3A_1115 : vector<16xf32>
    %add3A_1126 = arith.addf %mul3A_1124, %mul3A_1125 : vector<16xf32>
    %add3A_1127 = arith.addf %add3A_1126, %gather3A_1111 : vector<16xf32>
    %broadcast_in_dim3A_1128 = arith.constant 20 : i32
    %broadcast_in_dim3A_1129 = vector.broadcast %broadcast_in_dim3A_1128 : i32 to vector<16xi32>
    %mul3A_1130 = arith.mulf %gather3A_1091, %add3A_1123 : vector<16xf32>
    %mul3A_1131 = arith.mulf %gather3A_1095, %add3A_1127 : vector<16xf32>
    %sub3A_1132 = arith.subf %mul3A_1130, %mul3A_1131 : vector<16xf32>
    tpu.vector_store_idx %arg13[%add3A_59, %broadcast_in_dim3A_1129], %sub3A_1132 : memref<32x64xf32, #tpu.memory_space<vmem>>[vector<16xi32>, vector<16xi32>], vector<16xf32>,
    %add3A_1133 = arith.constant 32 : i32
    %add3A_1134 = vector.broadcast %add3A_1133 : i32 to vector<16xi32>
    %add3A_1135 = arith.addi %broadcast_in_dim3A_1129, %add3A_1134 : vector<16xi32>
    %mul3A_1136 = arith.mulf %gather3A_1095, %add3A_1123 : vector<16xf32>
    %mul3A_1137 = arith.mulf %gather3A_1091, %add3A_1127 : vector<16xf32>
    %add3A_1138 = arith.addf %mul3A_1136, %mul3A_1137 : vector<16xf32>
    tpu.vector_store_idx %arg13[%add3A_59, %add3A_1135], %add3A_1138 : memref<32x64xf32, #tpu.memory_space<vmem>>[vector<16xi32>, vector<16xi32>], vector<16xf32>,
    %add3A_1139 = arith.constant 21 : i32
    %add3A_1140 = vector.broadcast %add3A_1139 : i32 to vector<16xi32>
    %add3A_1141 = arith.addi %get3A_62, %add3A_1140 : vector<16xi32>
    %gather3A_1142 = tpu.vector_load_idx %arg9[%add3A_59, %add3A_1141] : memref<32x128xf32, #tpu.memory_space<vmem>>[vector<16xi32>, vector<16xi32>], vector<16xf32>,
    %add3A_1143 = arith.constant 53 : i32
    %add3A_1144 = vector.broadcast %add3A_1143 : i32 to vector<16xi32>
    %add3A_1145 = arith.addi %get3A_62, %add3A_1144 : vector<16xi32>
    %gather3A_1146 = tpu.vector_load_idx %arg9[%add3A_59, %add3A_1145] : memref<32x128xf32, #tpu.memory_space<vmem>>[vector<16xi32>, vector<16xi32>], vector<16xf32>,
    %add3A_1147 = arith.constant 21 : i32
    %add3A_1148 = vector.broadcast %add3A_1147 : i32 to vector<16xi32>
    %add3A_1149 = arith.addi %get3A_66, %add3A_1148 : vector<16xi32>
    %gather3A_1150 = tpu.vector_load_idx %arg10[%add3A_59, %add3A_1149] : memref<32x128xf32, #tpu.memory_space<vmem>>[vector<16xi32>, vector<16xi32>], vector<16xf32>,
    %add3A_1151 = arith.constant 53 : i32
    %add3A_1152 = vector.broadcast %add3A_1151 : i32 to vector<16xi32>
    %add3A_1153 = arith.addi %get3A_66, %add3A_1152 : vector<16xi32>
    %gather3A_1154 = tpu.vector_load_idx %arg10[%add3A_59, %add3A_1153] : memref<32x128xf32, #tpu.memory_space<vmem>>[vector<16xi32>, vector<16xi32>], vector<16xf32>,
    %add3A_1155 = arith.constant 21 : i32
    %add3A_1156 = vector.broadcast %add3A_1155 : i32 to vector<16xi32>
    %add3A_1157 = arith.addi %get3A_66, %add3A_1156 : vector<16xi32>
    %gather3A_1158 = tpu.vector_load_idx %arg11[%add3A_59, %add3A_1157] : memref<32x128xf32, #tpu.memory_space<vmem>>[vector<16xi32>, vector<16xi32>], vector<16xf32>,
    %add3A_1159 = arith.constant 53 : i32
    %add3A_1160 = vector.broadcast %add3A_1159 : i32 to vector<16xi32>
    %add3A_1161 = arith.addi %get3A_66, %add3A_1160 : vector<16xi32>
    %gather3A_1162 = tpu.vector_load_idx %arg11[%add3A_59, %add3A_1161] : memref<32x128xf32, #tpu.memory_space<vmem>>[vector<16xi32>, vector<16xi32>], vector<16xf32>,
    %add3A_1163 = arith.constant 21 : i32
    %add3A_1164 = vector.broadcast %add3A_1163 : i32 to vector<16xi32>
    %add3A_1165 = arith.addi %get3A_70, %add3A_1164 : vector<16xi32>
    %gather3A_1166 = tpu.vector_load_idx %arg12[%add3A_59, %add3A_1165] : memref<32x128xf32, #tpu.memory_space<vmem>>[vector<16xi32>, vector<16xi32>], vector<16xf32>,
    %add3A_1167 = arith.constant 53 : i32
    %add3A_1168 = vector.broadcast %add3A_1167 : i32 to vector<16xi32>
    %add3A_1169 = arith.addi %get3A_70, %add3A_1168 : vector<16xi32>
    %gather3A_1170 = tpu.vector_load_idx %arg12[%add3A_59, %add3A_1169] : memref<32x128xf32, #tpu.memory_space<vmem>>[vector<16xi32>, vector<16xi32>], vector<16xf32>,
    %mul3A_1171 = arith.mulf %gather3A_1150, %gather3A_1166 : vector<16xf32>
    %mul3A_1172 = arith.mulf %gather3A_1154, %gather3A_1170 : vector<16xf32>
    %sub3A_1173 = arith.subf %mul3A_1171, %mul3A_1172 : vector<16xf32>
    %add3A_1174 = arith.addf %sub3A_1173, %gather3A_1158 : vector<16xf32>
    %mul3A_1175 = arith.mulf %gather3A_1150, %gather3A_1170 : vector<16xf32>
    %mul3A_1176 = arith.mulf %gather3A_1154, %gather3A_1166 : vector<16xf32>
    %add3A_1177 = arith.addf %mul3A_1175, %mul3A_1176 : vector<16xf32>
    %add3A_1178 = arith.addf %add3A_1177, %gather3A_1162 : vector<16xf32>
    %broadcast_in_dim3A_1179 = arith.constant 21 : i32
    %broadcast_in_dim3A_1180 = vector.broadcast %broadcast_in_dim3A_1179 : i32 to vector<16xi32>
    %mul3A_1181 = arith.mulf %gather3A_1142, %add3A_1174 : vector<16xf32>
    %mul3A_1182 = arith.mulf %gather3A_1146, %add3A_1178 : vector<16xf32>
    %sub3A_1183 = arith.subf %mul3A_1181, %mul3A_1182 : vector<16xf32>
    tpu.vector_store_idx %arg13[%add3A_59, %broadcast_in_dim3A_1180], %sub3A_1183 : memref<32x64xf32, #tpu.memory_space<vmem>>[vector<16xi32>, vector<16xi32>], vector<16xf32>,
    %add3A_1184 = arith.constant 32 : i32
    %add3A_1185 = vector.broadcast %add3A_1184 : i32 to vector<16xi32>
    %add3A_1186 = arith.addi %broadcast_in_dim3A_1180, %add3A_1185 : vector<16xi32>
    %mul3A_1187 = arith.mulf %gather3A_1146, %add3A_1174 : vector<16xf32>
    %mul3A_1188 = arith.mulf %gather3A_1142, %add3A_1178 : vector<16xf32>
    %add3A_1189 = arith.addf %mul3A_1187, %mul3A_1188 : vector<16xf32>
    tpu.vector_store_idx %arg13[%add3A_59, %add3A_1186], %add3A_1189 : memref<32x64xf32, #tpu.memory_space<vmem>>[vector<16xi32>, vector<16xi32>], vector<16xf32>,
    %add3A_1190 = arith.constant 22 : i32
    %add3A_1191 = vector.broadcast %add3A_1190 : i32 to vector<16xi32>
    %add3A_1192 = arith.addi %get3A_62, %add3A_1191 : vector<16xi32>
    %gather3A_1193 = tpu.vector_load_idx %arg9[%add3A_59, %add3A_1192] : memref<32x128xf32, #tpu.memory_space<vmem>>[vector<16xi32>, vector<16xi32>], vector<16xf32>,
    %add3A_1194 = arith.constant 54 : i32
    %add3A_1195 = vector.broadcast %add3A_1194 : i32 to vector<16xi32>
    %add3A_1196 = arith.addi %get3A_62, %add3A_1195 : vector<16xi32>
    %gather3A_1197 = tpu.vector_load_idx %arg9[%add3A_59, %add3A_1196] : memref<32x128xf32, #tpu.memory_space<vmem>>[vector<16xi32>, vector<16xi32>], vector<16xf32>,
    %add3A_1198 = arith.constant 22 : i32
    %add3A_1199 = vector.broadcast %add3A_1198 : i32 to vector<16xi32>
    %add3A_1200 = arith.addi %get3A_66, %add3A_1199 : vector<16xi32>
    %gather3A_1201 = tpu.vector_load_idx %arg10[%add3A_59, %add3A_1200] : memref<32x128xf32, #tpu.memory_space<vmem>>[vector<16xi32>, vector<16xi32>], vector<16xf32>,
    %add3A_1202 = arith.constant 54 : i32
    %add3A_1203 = vector.broadcast %add3A_1202 : i32 to vector<16xi32>
    %add3A_1204 = arith.addi %get3A_66, %add3A_1203 : vector<16xi32>
    %gather3A_1205 = tpu.vector_load_idx %arg10[%add3A_59, %add3A_1204] : memref<32x128xf32, #tpu.memory_space<vmem>>[vector<16xi32>, vector<16xi32>], vector<16xf32>,
    %add3A_1206 = arith.constant 22 : i32
    %add3A_1207 = vector.broadcast %add3A_1206 : i32 to vector<16xi32>
    %add3A_1208 = arith.addi %get3A_66, %add3A_1207 : vector<16xi32>
    %gather3A_1209 = tpu.vector_load_idx %arg11[%add3A_59, %add3A_1208] : memref<32x128xf32, #tpu.memory_space<vmem>>[vector<16xi32>, vector<16xi32>], vector<16xf32>,
    %add3A_1210 = arith.constant 54 : i32
    %add3A_1211 = vector.broadcast %add3A_1210 : i32 to vector<16xi32>
    %add3A_1212 = arith.addi %get3A_66, %add3A_1211 : vector<16xi32>
    %gather3A_1213 = tpu.vector_load_idx %arg11[%add3A_59, %add3A_1212] : memref<32x128xf32, #tpu.memory_space<vmem>>[vector<16xi32>, vector<16xi32>], vector<16xf32>,
    %add3A_1214 = arith.constant 22 : i32
    %add3A_1215 = vector.broadcast %add3A_1214 : i32 to vector<16xi32>
    %add3A_1216 = arith.addi %get3A_70, %add3A_1215 : vector<16xi32>
    %gather3A_1217 = tpu.vector_load_idx %arg12[%add3A_59, %add3A_1216] : memref<32x128xf32, #tpu.memory_space<vmem>>[vector<16xi32>, vector<16xi32>], vector<16xf32>,
    %add3A_1218 = arith.constant 54 : i32
    %add3A_1219 = vector.broadcast %add3A_1218 : i32 to vector<16xi32>
    %add3A_1220 = arith.addi %get3A_70, %add3A_1219 : vector<16xi32>
    %gather3A_1221 = tpu.vector_load_idx %arg12[%add3A_59, %add3A_1220] : memref<32x128xf32, #tpu.memory_space<vmem>>[vector<16xi32>, vector<16xi32>], vector<16xf32>,
    %mul3A_1222 = arith.mulf %gather3A_1201, %gather3A_1217 : vector<16xf32>
    %mul3A_1223 = arith.mulf %gather3A_1205, %gather3A_1221 : vector<16xf32>
    %sub3A_1224 = arith.subf %mul3A_1222, %mul3A_1223 : vector<16xf32>
    %add3A_1225 = arith.addf %sub3A_1224, %gather3A_1209 : vector<16xf32>
    %mul3A_1226 = arith.mulf %gather3A_1201, %gather3A_1221 : vector<16xf32>
    %mul3A_1227 = arith.mulf %gather3A_1205, %gather3A_1217 : vector<16xf32>
    %add3A_1228 = arith.addf %mul3A_1226, %mul3A_1227 : vector<16xf32>
    %add3A_1229 = arith.addf %add3A_1228, %gather3A_1213 : vector<16xf32>
    %broadcast_in_dim3A_1230 = arith.constant 22 : i32
    %broadcast_in_dim3A_1231 = vector.broadcast %broadcast_in_dim3A_1230 : i32 to vector<16xi32>
    %mul3A_1232 = arith.mulf %gather3A_1193, %add3A_1225 : vector<16xf32>
    %mul3A_1233 = arith.mulf %gather3A_1197, %add3A_1229 : vector<16xf32>
    %sub3A_1234 = arith.subf %mul3A_1232, %mul3A_1233 : vector<16xf32>
    tpu.vector_store_idx %arg13[%add3A_59, %broadcast_in_dim3A_1231], %sub3A_1234 : memref<32x64xf32, #tpu.memory_space<vmem>>[vector<16xi32>, vector<16xi32>], vector<16xf32>,
    %add3A_1235 = arith.constant 32 : i32
    %add3A_1236 = vector.broadcast %add3A_1235 : i32 to vector<16xi32>
    %add3A_1237 = arith.addi %broadcast_in_dim3A_1231, %add3A_1236 : vector<16xi32>
    %mul3A_1238 = arith.mulf %gather3A_1197, %add3A_1225 : vector<16xf32>
    %mul3A_1239 = arith.mulf %gather3A_1193, %add3A_1229 : vector<16xf32>
    %add3A_1240 = arith.addf %mul3A_1238, %mul3A_1239 : vector<16xf32>
    tpu.vector_store_idx %arg13[%add3A_59, %add3A_1237], %add3A_1240 : memref<32x64xf32, #tpu.memory_space<vmem>>[vector<16xi32>, vector<16xi32>], vector<16xf32>,
    %add3A_1241 = arith.constant 23 : i32
    %add3A_1242 = vector.broadcast %add3A_1241 : i32 to vector<16xi32>
    %add3A_1243 = arith.addi %get3A_62, %add3A_1242 : vector<16xi32>
    %gather3A_1244 = tpu.vector_load_idx %arg9[%add3A_59, %add3A_1243] : memref<32x128xf32, #tpu.memory_space<vmem>>[vector<16xi32>, vector<16xi32>], vector<16xf32>,
    %add3A_1245 = arith.constant 55 : i32
    %add3A_1246 = vector.broadcast %add3A_1245 : i32 to vector<16xi32>
    %add3A_1247 = arith.addi %get3A_62, %add3A_1246 : vector<16xi32>
    %gather3A_1248 = tpu.vector_load_idx %arg9[%add3A_59, %add3A_1247] : memref<32x128xf32, #tpu.memory_space<vmem>>[vector<16xi32>, vector<16xi32>], vector<16xf32>,
    %add3A_1249 = arith.constant 23 : i32
    %add3A_1250 = vector.broadcast %add3A_1249 : i32 to vector<16xi32>
    %add3A_1251 = arith.addi %get3A_66, %add3A_1250 : vector<16xi32>
    %gather3A_1252 = tpu.vector_load_idx %arg10[%add3A_59, %add3A_1251] : memref<32x128xf32, #tpu.memory_space<vmem>>[vector<16xi32>, vector<16xi32>], vector<16xf32>,
    %add3A_1253 = arith.constant 55 : i32
    %add3A_1254 = vector.broadcast %add3A_1253 : i32 to vector<16xi32>
    %add3A_1255 = arith.addi %get3A_66, %add3A_1254 : vector<16xi32>
    %gather3A_1256 = tpu.vector_load_idx %arg10[%add3A_59, %add3A_1255] : memref<32x128xf32, #tpu.memory_space<vmem>>[vector<16xi32>, vector<16xi32>], vector<16xf32>,
    %add3A_1257 = arith.constant 23 : i32
    %add3A_1258 = vector.broadcast %add3A_1257 : i32 to vector<16xi32>
    %add3A_1259 = arith.addi %get3A_66, %add3A_1258 : vector<16xi32>
    %gather3A_1260 = tpu.vector_load_idx %arg11[%add3A_59, %add3A_1259] : memref<32x128xf32, #tpu.memory_space<vmem>>[vector<16xi32>, vector<16xi32>], vector<16xf32>,
    %add3A_1261 = arith.constant 55 : i32
    %add3A_1262 = vector.broadcast %add3A_1261 : i32 to vector<16xi32>
    %add3A_1263 = arith.addi %get3A_66, %add3A_1262 : vector<16xi32>
    %gather3A_1264 = tpu.vector_load_idx %arg11[%add3A_59, %add3A_1263] : memref<32x128xf32, #tpu.memory_space<vmem>>[vector<16xi32>, vector<16xi32>], vector<16xf32>,
    %add3A_1265 = arith.constant 23 : i32
    %add3A_1266 = vector.broadcast %add3A_1265 : i32 to vector<16xi32>
    %add3A_1267 = arith.addi %get3A_70, %add3A_1266 : vector<16xi32>
    %gather3A_1268 = tpu.vector_load_idx %arg12[%add3A_59, %add3A_1267] : memref<32x128xf32, #tpu.memory_space<vmem>>[vector<16xi32>, vector<16xi32>], vector<16xf32>,
    %add3A_1269 = arith.constant 55 : i32
    %add3A_1270 = vector.broadcast %add3A_1269 : i32 to vector<16xi32>
    %add3A_1271 = arith.addi %get3A_70, %add3A_1270 : vector<16xi32>
    %gather3A_1272 = tpu.vector_load_idx %arg12[%add3A_59, %add3A_1271] : memref<32x128xf32, #tpu.memory_space<vmem>>[vector<16xi32>, vector<16xi32>], vector<16xf32>,
    %mul3A_1273 = arith.mulf %gather3A_1252, %gather3A_1268 : vector<16xf32>
    %mul3A_1274 = arith.mulf %gather3A_1256, %gather3A_1272 : vector<16xf32>
    %sub3A_1275 = arith.subf %mul3A_1273, %mul3A_1274 : vector<16xf32>
    %add3A_1276 = arith.addf %sub3A_1275, %gather3A_1260 : vector<16xf32>
    %mul3A_1277 = arith.mulf %gather3A_1252, %gather3A_1272 : vector<16xf32>
    %mul3A_1278 = arith.mulf %gather3A_1256, %gather3A_1268 : vector<16xf32>
    %add3A_1279 = arith.addf %mul3A_1277, %mul3A_1278 : vector<16xf32>
    %add3A_1280 = arith.addf %add3A_1279, %gather3A_1264 : vector<16xf32>
    %broadcast_in_dim3A_1281 = arith.constant 23 : i32
    %broadcast_in_dim3A_1282 = vector.broadcast %broadcast_in_dim3A_1281 : i32 to vector<16xi32>
    %mul3A_1283 = arith.mulf %gather3A_1244, %add3A_1276 : vector<16xf32>
    %mul3A_1284 = arith.mulf %gather3A_1248, %add3A_1280 : vector<16xf32>
    %sub3A_1285 = arith.subf %mul3A_1283, %mul3A_1284 : vector<16xf32>
    tpu.vector_store_idx %arg13[%add3A_59, %broadcast_in_dim3A_1282], %sub3A_1285 : memref<32x64xf32, #tpu.memory_space<vmem>>[vector<16xi32>, vector<16xi32>], vector<16xf32>,
    %add3A_1286 = arith.constant 32 : i32
    %add3A_1287 = vector.broadcast %add3A_1286 : i32 to vector<16xi32>
    %add3A_1288 = arith.addi %broadcast_in_dim3A_1282, %add3A_1287 : vector<16xi32>
    %mul3A_1289 = arith.mulf %gather3A_1248, %add3A_1276 : vector<16xf32>
    %mul3A_1290 = arith.mulf %gather3A_1244, %add3A_1280 : vector<16xf32>
    %add3A_1291 = arith.addf %mul3A_1289, %mul3A_1290 : vector<16xf32>
    tpu.vector_store_idx %arg13[%add3A_59, %add3A_1288], %add3A_1291 : memref<32x64xf32, #tpu.memory_space<vmem>>[vector<16xi32>, vector<16xi32>], vector<16xf32>,
    %add3A_1292 = arith.constant 24 : i32
    %add3A_1293 = vector.broadcast %add3A_1292 : i32 to vector<16xi32>
    %add3A_1294 = arith.addi %get3A_62, %add3A_1293 : vector<16xi32>
    %gather3A_1295 = tpu.vector_load_idx %arg9[%add3A_59, %add3A_1294] : memref<32x128xf32, #tpu.memory_space<vmem>>[vector<16xi32>, vector<16xi32>], vector<16xf32>,
    %add3A_1296 = arith.constant 56 : i32
    %add3A_1297 = vector.broadcast %add3A_1296 : i32 to vector<16xi32>
    %add3A_1298 = arith.addi %get3A_62, %add3A_1297 : vector<16xi32>
    %gather3A_1299 = tpu.vector_load_idx %arg9[%add3A_59, %add3A_1298] : memref<32x128xf32, #tpu.memory_space<vmem>>[vector<16xi32>, vector<16xi32>], vector<16xf32>,
    %add3A_1300 = arith.constant 24 : i32
    %add3A_1301 = vector.broadcast %add3A_1300 : i32 to vector<16xi32>
    %add3A_1302 = arith.addi %get3A_66, %add3A_1301 : vector<16xi32>
    %gather3A_1303 = tpu.vector_load_idx %arg10[%add3A_59, %add3A_1302] : memref<32x128xf32, #tpu.memory_space<vmem>>[vector<16xi32>, vector<16xi32>], vector<16xf32>,
    %add3A_1304 = arith.constant 56 : i32
    %add3A_1305 = vector.broadcast %add3A_1304 : i32 to vector<16xi32>
    %add3A_1306 = arith.addi %get3A_66, %add3A_1305 : vector<16xi32>
    %gather3A_1307 = tpu.vector_load_idx %arg10[%add3A_59, %add3A_1306] : memref<32x128xf32, #tpu.memory_space<vmem>>[vector<16xi32>, vector<16xi32>], vector<16xf32>,
    %add3A_1308 = arith.constant 24 : i32
    %add3A_1309 = vector.broadcast %add3A_1308 : i32 to vector<16xi32>
    %add3A_1310 = arith.addi %get3A_66, %add3A_1309 : vector<16xi32>
    %gather3A_1311 = tpu.vector_load_idx %arg11[%add3A_59, %add3A_1310] : memref<32x128xf32, #tpu.memory_space<vmem>>[vector<16xi32>, vector<16xi32>], vector<16xf32>,
    %add3A_1312 = arith.constant 56 : i32
    %add3A_1313 = vector.broadcast %add3A_1312 : i32 to vector<16xi32>
    %add3A_1314 = arith.addi %get3A_66, %add3A_1313 : vector<16xi32>
    %gather3A_1315 = tpu.vector_load_idx %arg11[%add3A_59, %add3A_1314] : memref<32x128xf32, #tpu.memory_space<vmem>>[vector<16xi32>, vector<16xi32>], vector<16xf32>,
    %add3A_1316 = arith.constant 24 : i32
    %add3A_1317 = vector.broadcast %add3A_1316 : i32 to vector<16xi32>
    %add3A_1318 = arith.addi %get3A_70, %add3A_1317 : vector<16xi32>
    %gather3A_1319 = tpu.vector_load_idx %arg12[%add3A_59, %add3A_1318] : memref<32x128xf32, #tpu.memory_space<vmem>>[vector<16xi32>, vector<16xi32>], vector<16xf32>,
    %add3A_1320 = arith.constant 56 : i32
    %add3A_1321 = vector.broadcast %add3A_1320 : i32 to vector<16xi32>
    %add3A_1322 = arith.addi %get3A_70, %add3A_1321 : vector<16xi32>
    %gather3A_1323 = tpu.vector_load_idx %arg12[%add3A_59, %add3A_1322] : memref<32x128xf32, #tpu.memory_space<vmem>>[vector<16xi32>, vector<16xi32>], vector<16xf32>,
    %mul3A_1324 = arith.mulf %gather3A_1303, %gather3A_1319 : vector<16xf32>
    %mul3A_1325 = arith.mulf %gather3A_1307, %gather3A_1323 : vector<16xf32>
    %sub3A_1326 = arith.subf %mul3A_1324, %mul3A_1325 : vector<16xf32>
    %add3A_1327 = arith.addf %sub3A_1326, %gather3A_1311 : vector<16xf32>
    %mul3A_1328 = arith.mulf %gather3A_1303, %gather3A_1323 : vector<16xf32>
    %mul3A_1329 = arith.mulf %gather3A_1307, %gather3A_1319 : vector<16xf32>
    %add3A_1330 = arith.addf %mul3A_1328, %mul3A_1329 : vector<16xf32>
    %add3A_1331 = arith.addf %add3A_1330, %gather3A_1315 : vector<16xf32>
    %broadcast_in_dim3A_1332 = arith.constant 24 : i32
    %broadcast_in_dim3A_1333 = vector.broadcast %broadcast_in_dim3A_1332 : i32 to vector<16xi32>
    %mul3A_1334 = arith.mulf %gather3A_1295, %add3A_1327 : vector<16xf32>
    %mul3A_1335 = arith.mulf %gather3A_1299, %add3A_1331 : vector<16xf32>
    %sub3A_1336 = arith.subf %mul3A_1334, %mul3A_1335 : vector<16xf32>
    tpu.vector_store_idx %arg13[%add3A_59, %broadcast_in_dim3A_1333], %sub3A_1336 : memref<32x64xf32, #tpu.memory_space<vmem>>[vector<16xi32>, vector<16xi32>], vector<16xf32>,
    %add3A_1337 = arith.constant 32 : i32
    %add3A_1338 = vector.broadcast %add3A_1337 : i32 to vector<16xi32>
    %add3A_1339 = arith.addi %broadcast_in_dim3A_1333, %add3A_1338 : vector<16xi32>
    %mul3A_1340 = arith.mulf %gather3A_1299, %add3A_1327 : vector<16xf32>
    %mul3A_1341 = arith.mulf %gather3A_1295, %add3A_1331 : vector<16xf32>
    %add3A_1342 = arith.addf %mul3A_1340, %mul3A_1341 : vector<16xf32>
    tpu.vector_store_idx %arg13[%add3A_59, %add3A_1339], %add3A_1342 : memref<32x64xf32, #tpu.memory_space<vmem>>[vector<16xi32>, vector<16xi32>], vector<16xf32>,
    %add3A_1343 = arith.constant 25 : i32
    %add3A_1344 = vector.broadcast %add3A_1343 : i32 to vector<16xi32>
    %add3A_1345 = arith.addi %get3A_62, %add3A_1344 : vector<16xi32>
    %gather3A_1346 = tpu.vector_load_idx %arg9[%add3A_59, %add3A_1345] : memref<32x128xf32, #tpu.memory_space<vmem>>[vector<16xi32>, vector<16xi32>], vector<16xf32>,
    %add3A_1347 = arith.constant 57 : i32
    %add3A_1348 = vector.broadcast %add3A_1347 : i32 to vector<16xi32>
    %add3A_1349 = arith.addi %get3A_62, %add3A_1348 : vector<16xi32>
    %gather3A_1350 = tpu.vector_load_idx %arg9[%add3A_59, %add3A_1349] : memref<32x128xf32, #tpu.memory_space<vmem>>[vector<16xi32>, vector<16xi32>], vector<16xf32>,
    %add3A_1351 = arith.constant 25 : i32
    %add3A_1352 = vector.broadcast %add3A_1351 : i32 to vector<16xi32>
    %add3A_1353 = arith.addi %get3A_66, %add3A_1352 : vector<16xi32>
    %gather3A_1354 = tpu.vector_load_idx %arg10[%add3A_59, %add3A_1353] : memref<32x128xf32, #tpu.memory_space<vmem>>[vector<16xi32>, vector<16xi32>], vector<16xf32>,
    %add3A_1355 = arith.constant 57 : i32
    %add3A_1356 = vector.broadcast %add3A_1355 : i32 to vector<16xi32>
    %add3A_1357 = arith.addi %get3A_66, %add3A_1356 : vector<16xi32>
    %gather3A_1358 = tpu.vector_load_idx %arg10[%add3A_59, %add3A_1357] : memref<32x128xf32, #tpu.memory_space<vmem>>[vector<16xi32>, vector<16xi32>], vector<16xf32>,
    %add3A_1359 = arith.constant 25 : i32
    %add3A_1360 = vector.broadcast %add3A_1359 : i32 to vector<16xi32>
    %add3A_1361 = arith.addi %get3A_66, %add3A_1360 : vector<16xi32>
    %gather3A_1362 = tpu.vector_load_idx %arg11[%add3A_59, %add3A_1361] : memref<32x128xf32, #tpu.memory_space<vmem>>[vector<16xi32>, vector<16xi32>], vector<16xf32>,
    %add3A_1363 = arith.constant 57 : i32
    %add3A_1364 = vector.broadcast %add3A_1363 : i32 to vector<16xi32>
    %add3A_1365 = arith.addi %get3A_66, %add3A_1364 : vector<16xi32>
    %gather3A_1366 = tpu.vector_load_idx %arg11[%add3A_59, %add3A_1365] : memref<32x128xf32, #tpu.memory_space<vmem>>[vector<16xi32>, vector<16xi32>], vector<16xf32>,
    %add3A_1367 = arith.constant 25 : i32
    %add3A_1368 = vector.broadcast %add3A_1367 : i32 to vector<16xi32>
    %add3A_1369 = arith.addi %get3A_70, %add3A_1368 : vector<16xi32>
    %gather3A_1370 = tpu.vector_load_idx %arg12[%add3A_59, %add3A_1369] : memref<32x128xf32, #tpu.memory_space<vmem>>[vector<16xi32>, vector<16xi32>], vector<16xf32>,
    %add3A_1371 = arith.constant 57 : i32
    %add3A_1372 = vector.broadcast %add3A_1371 : i32 to vector<16xi32>
    %add3A_1373 = arith.addi %get3A_70, %add3A_1372 : vector<16xi32>
    %gather3A_1374 = tpu.vector_load_idx %arg12[%add3A_59, %add3A_1373] : memref<32x128xf32, #tpu.memory_space<vmem>>[vector<16xi32>, vector<16xi32>], vector<16xf32>,
    %mul3A_1375 = arith.mulf %gather3A_1354, %gather3A_1370 : vector<16xf32>
    %mul3A_1376 = arith.mulf %gather3A_1358, %gather3A_1374 : vector<16xf32>
    %sub3A_1377 = arith.subf %mul3A_1375, %mul3A_1376 : vector<16xf32>
    %add3A_1378 = arith.addf %sub3A_1377, %gather3A_1362 : vector<16xf32>
    %mul3A_1379 = arith.mulf %gather3A_1354, %gather3A_1374 : vector<16xf32>
    %mul3A_1380 = arith.mulf %gather3A_1358, %gather3A_1370 : vector<16xf32>
    %add3A_1381 = arith.addf %mul3A_1379, %mul3A_1380 : vector<16xf32>
    %add3A_1382 = arith.addf %add3A_1381, %gather3A_1366 : vector<16xf32>
    %broadcast_in_dim3A_1383 = arith.constant 25 : i32
    %broadcast_in_dim3A_1384 = vector.broadcast %broadcast_in_dim3A_1383 : i32 to vector<16xi32>
    %mul3A_1385 = arith.mulf %gather3A_1346, %add3A_1378 : vector<16xf32>
    %mul3A_1386 = arith.mulf %gather3A_1350, %add3A_1382 : vector<16xf32>
    %sub3A_1387 = arith.subf %mul3A_1385, %mul3A_1386 : vector<16xf32>
    tpu.vector_store_idx %arg13[%add3A_59, %broadcast_in_dim3A_1384], %sub3A_1387 : memref<32x64xf32, #tpu.memory_space<vmem>>[vector<16xi32>, vector<16xi32>], vector<16xf32>,
    %add3A_1388 = arith.constant 32 : i32
    %add3A_1389 = vector.broadcast %add3A_1388 : i32 to vector<16xi32>
    %add3A_1390 = arith.addi %broadcast_in_dim3A_1384, %add3A_1389 : vector<16xi32>
    %mul3A_1391 = arith.mulf %gather3A_1350, %add3A_1378 : vector<16xf32>
    %mul3A_1392 = arith.mulf %gather3A_1346, %add3A_1382 : vector<16xf32>
    %add3A_1393 = arith.addf %mul3A_1391, %mul3A_1392 : vector<16xf32>
    tpu.vector_store_idx %arg13[%add3A_59, %add3A_1390], %add3A_1393 : memref<32x64xf32, #tpu.memory_space<vmem>>[vector<16xi32>, vector<16xi32>], vector<16xf32>,
    %add3A_1394 = arith.constant 26 : i32
    %add3A_1395 = vector.broadcast %add3A_1394 : i32 to vector<16xi32>
    %add3A_1396 = arith.addi %get3A_62, %add3A_1395 : vector<16xi32>
    %gather3A_1397 = tpu.vector_load_idx %arg9[%add3A_59, %add3A_1396] : memref<32x128xf32, #tpu.memory_space<vmem>>[vector<16xi32>, vector<16xi32>], vector<16xf32>,
    %add3A_1398 = arith.constant 58 : i32
    %add3A_1399 = vector.broadcast %add3A_1398 : i32 to vector<16xi32>
    %add3A_1400 = arith.addi %get3A_62, %add3A_1399 : vector<16xi32>
    %gather3A_1401 = tpu.vector_load_idx %arg9[%add3A_59, %add3A_1400] : memref<32x128xf32, #tpu.memory_space<vmem>>[vector<16xi32>, vector<16xi32>], vector<16xf32>,
    %add3A_1402 = arith.constant 26 : i32
    %add3A_1403 = vector.broadcast %add3A_1402 : i32 to vector<16xi32>
    %add3A_1404 = arith.addi %get3A_66, %add3A_1403 : vector<16xi32>
    %gather3A_1405 = tpu.vector_load_idx %arg10[%add3A_59, %add3A_1404] : memref<32x128xf32, #tpu.memory_space<vmem>>[vector<16xi32>, vector<16xi32>], vector<16xf32>,
    %add3A_1406 = arith.constant 58 : i32
    %add3A_1407 = vector.broadcast %add3A_1406 : i32 to vector<16xi32>
    %add3A_1408 = arith.addi %get3A_66, %add3A_1407 : vector<16xi32>
    %gather3A_1409 = tpu.vector_load_idx %arg10[%add3A_59, %add3A_1408] : memref<32x128xf32, #tpu.memory_space<vmem>>[vector<16xi32>, vector<16xi32>], vector<16xf32>,
    %add3A_1410 = arith.constant 26 : i32
    %add3A_1411 = vector.broadcast %add3A_1410 : i32 to vector<16xi32>
    %add3A_1412 = arith.addi %get3A_66, %add3A_1411 : vector<16xi32>
    %gather3A_1413 = tpu.vector_load_idx %arg11[%add3A_59, %add3A_1412] : memref<32x128xf32, #tpu.memory_space<vmem>>[vector<16xi32>, vector<16xi32>], vector<16xf32>,
    %add3A_1414 = arith.constant 58 : i32
    %add3A_1415 = vector.broadcast %add3A_1414 : i32 to vector<16xi32>
    %add3A_1416 = arith.addi %get3A_66, %add3A_1415 : vector<16xi32>
    %gather3A_1417 = tpu.vector_load_idx %arg11[%add3A_59, %add3A_1416] : memref<32x128xf32, #tpu.memory_space<vmem>>[vector<16xi32>, vector<16xi32>], vector<16xf32>,
    %add3A_1418 = arith.constant 26 : i32
    %add3A_1419 = vector.broadcast %add3A_1418 : i32 to vector<16xi32>
    %add3A_1420 = arith.addi %get3A_70, %add3A_1419 : vector<16xi32>
    %gather3A_1421 = tpu.vector_load_idx %arg12[%add3A_59, %add3A_1420] : memref<32x128xf32, #tpu.memory_space<vmem>>[vector<16xi32>, vector<16xi32>], vector<16xf32>,
    %add3A_1422 = arith.constant 58 : i32
    %add3A_1423 = vector.broadcast %add3A_1422 : i32 to vector<16xi32>
    %add3A_1424 = arith.addi %get3A_70, %add3A_1423 : vector<16xi32>
    %gather3A_1425 = tpu.vector_load_idx %arg12[%add3A_59, %add3A_1424] : memref<32x128xf32, #tpu.memory_space<vmem>>[vector<16xi32>, vector<16xi32>], vector<16xf32>,
    %mul3A_1426 = arith.mulf %gather3A_1405, %gather3A_1421 : vector<16xf32>
    %mul3A_1427 = arith.mulf %gather3A_1409, %gather3A_1425 : vector<16xf32>
    %sub3A_1428 = arith.subf %mul3A_1426, %mul3A_1427 : vector<16xf32>
    %add3A_1429 = arith.addf %sub3A_1428, %gather3A_1413 : vector<16xf32>
    %mul3A_1430 = arith.mulf %gather3A_1405, %gather3A_1425 : vector<16xf32>
    %mul3A_1431 = arith.mulf %gather3A_1409, %gather3A_1421 : vector<16xf32>
    %add3A_1432 = arith.addf %mul3A_1430, %mul3A_1431 : vector<16xf32>
    %add3A_1433 = arith.addf %add3A_1432, %gather3A_1417 : vector<16xf32>
    %broadcast_in_dim3A_1434 = arith.constant 26 : i32
    %broadcast_in_dim3A_1435 = vector.broadcast %broadcast_in_dim3A_1434 : i32 to vector<16xi32>
    %mul3A_1436 = arith.mulf %gather3A_1397, %add3A_1429 : vector<16xf32>
    %mul3A_1437 = arith.mulf %gather3A_1401, %add3A_1433 : vector<16xf32>
    %sub3A_1438 = arith.subf %mul3A_1436, %mul3A_1437 : vector<16xf32>
    tpu.vector_store_idx %arg13[%add3A_59, %broadcast_in_dim3A_1435], %sub3A_1438 : memref<32x64xf32, #tpu.memory_space<vmem>>[vector<16xi32>, vector<16xi32>], vector<16xf32>,
    %add3A_1439 = arith.constant 32 : i32
    %add3A_1440 = vector.broadcast %add3A_1439 : i32 to vector<16xi32>
    %add3A_1441 = arith.addi %broadcast_in_dim3A_1435, %add3A_1440 : vector<16xi32>
    %mul3A_1442 = arith.mulf %gather3A_1401, %add3A_1429 : vector<16xf32>
    %mul3A_1443 = arith.mulf %gather3A_1397, %add3A_1433 : vector<16xf32>
    %add3A_1444 = arith.addf %mul3A_1442, %mul3A_1443 : vector<16xf32>
    tpu.vector_store_idx %arg13[%add3A_59, %add3A_1441], %add3A_1444 : memref<32x64xf32, #tpu.memory_space<vmem>>[vector<16xi32>, vector<16xi32>], vector<16xf32>,
    %add3A_1445 = arith.constant 27 : i32
    %add3A_1446 = vector.broadcast %add3A_1445 : i32 to vector<16xi32>
    %add3A_1447 = arith.addi %get3A_62, %add3A_1446 : vector<16xi32>
    %gather3A_1448 = tpu.vector_load_idx %arg9[%add3A_59, %add3A_1447] : memref<32x128xf32, #tpu.memory_space<vmem>>[vector<16xi32>, vector<16xi32>], vector<16xf32>,
    %add3A_1449 = arith.constant 59 : i32
    %add3A_1450 = vector.broadcast %add3A_1449 : i32 to vector<16xi32>
    %add3A_1451 = arith.addi %get3A_62, %add3A_1450 : vector<16xi32>
    %gather3A_1452 = tpu.vector_load_idx %arg9[%add3A_59, %add3A_1451] : memref<32x128xf32, #tpu.memory_space<vmem>>[vector<16xi32>, vector<16xi32>], vector<16xf32>,
    %add3A_1453 = arith.constant 27 : i32
    %add3A_1454 = vector.broadcast %add3A_1453 : i32 to vector<16xi32>
    %add3A_1455 = arith.addi %get3A_66, %add3A_1454 : vector<16xi32>
    %gather3A_1456 = tpu.vector_load_idx %arg10[%add3A_59, %add3A_1455] : memref<32x128xf32, #tpu.memory_space<vmem>>[vector<16xi32>, vector<16xi32>], vector<16xf32>,
    %add3A_1457 = arith.constant 59 : i32
    %add3A_1458 = vector.broadcast %add3A_1457 : i32 to vector<16xi32>
    %add3A_1459 = arith.addi %get3A_66, %add3A_1458 : vector<16xi32>
    %gather3A_1460 = tpu.vector_load_idx %arg10[%add3A_59, %add3A_1459] : memref<32x128xf32, #tpu.memory_space<vmem>>[vector<16xi32>, vector<16xi32>], vector<16xf32>,
    %add3A_1461 = arith.constant 27 : i32
    %add3A_1462 = vector.broadcast %add3A_1461 : i32 to vector<16xi32>
    %add3A_1463 = arith.addi %get3A_66, %add3A_1462 : vector<16xi32>
    %gather3A_1464 = tpu.vector_load_idx %arg11[%add3A_59, %add3A_1463] : memref<32x128xf32, #tpu.memory_space<vmem>>[vector<16xi32>, vector<16xi32>], vector<16xf32>,
    %add3A_1465 = arith.constant 59 : i32
    %add3A_1466 = vector.broadcast %add3A_1465 : i32 to vector<16xi32>
    %add3A_1467 = arith.addi %get3A_66, %add3A_1466 : vector<16xi32>
    %gather3A_1468 = tpu.vector_load_idx %arg11[%add3A_59, %add3A_1467] : memref<32x128xf32, #tpu.memory_space<vmem>>[vector<16xi32>, vector<16xi32>], vector<16xf32>,
    %add3A_1469 = arith.constant 27 : i32
    %add3A_1470 = vector.broadcast %add3A_1469 : i32 to vector<16xi32>
    %add3A_1471 = arith.addi %get3A_70, %add3A_1470 : vector<16xi32>
    %gather3A_1472 = tpu.vector_load_idx %arg12[%add3A_59, %add3A_1471] : memref<32x128xf32, #tpu.memory_space<vmem>>[vector<16xi32>, vector<16xi32>], vector<16xf32>,
    %add3A_1473 = arith.constant 59 : i32
    %add3A_1474 = vector.broadcast %add3A_1473 : i32 to vector<16xi32>
    %add3A_1475 = arith.addi %get3A_70, %add3A_1474 : vector<16xi32>
    %gather3A_1476 = tpu.vector_load_idx %arg12[%add3A_59, %add3A_1475] : memref<32x128xf32, #tpu.memory_space<vmem>>[vector<16xi32>, vector<16xi32>], vector<16xf32>,
    %mul3A_1477 = arith.mulf %gather3A_1456, %gather3A_1472 : vector<16xf32>
    %mul3A_1478 = arith.mulf %gather3A_1460, %gather3A_1476 : vector<16xf32>
    %sub3A_1479 = arith.subf %mul3A_1477, %mul3A_1478 : vector<16xf32>
    %add3A_1480 = arith.addf %sub3A_1479, %gather3A_1464 : vector<16xf32>
    %mul3A_1481 = arith.mulf %gather3A_1456, %gather3A_1476 : vector<16xf32>
    %mul3A_1482 = arith.mulf %gather3A_1460, %gather3A_1472 : vector<16xf32>
    %add3A_1483 = arith.addf %mul3A_1481, %mul3A_1482 : vector<16xf32>
    %add3A_1484 = arith.addf %add3A_1483, %gather3A_1468 : vector<16xf32>
    %broadcast_in_dim3A_1485 = arith.constant 27 : i32
    %broadcast_in_dim3A_1486 = vector.broadcast %broadcast_in_dim3A_1485 : i32 to vector<16xi32>
    %mul3A_1487 = arith.mulf %gather3A_1448, %add3A_1480 : vector<16xf32>
    %mul3A_1488 = arith.mulf %gather3A_1452, %add3A_1484 : vector<16xf32>
    %sub3A_1489 = arith.subf %mul3A_1487, %mul3A_1488 : vector<16xf32>
    tpu.vector_store_idx %arg13[%add3A_59, %broadcast_in_dim3A_1486], %sub3A_1489 : memref<32x64xf32, #tpu.memory_space<vmem>>[vector<16xi32>, vector<16xi32>], vector<16xf32>,
    %add3A_1490 = arith.constant 32 : i32
    %add3A_1491 = vector.broadcast %add3A_1490 : i32 to vector<16xi32>
    %add3A_1492 = arith.addi %broadcast_in_dim3A_1486, %add3A_1491 : vector<16xi32>
    %mul3A_1493 = arith.mulf %gather3A_1452, %add3A_1480 : vector<16xf32>
    %mul3A_1494 = arith.mulf %gather3A_1448, %add3A_1484 : vector<16xf32>
    %add3A_1495 = arith.addf %mul3A_1493, %mul3A_1494 : vector<16xf32>
    tpu.vector_store_idx %arg13[%add3A_59, %add3A_1492], %add3A_1495 : memref<32x64xf32, #tpu.memory_space<vmem>>[vector<16xi32>, vector<16xi32>], vector<16xf32>,
    %add3A_1496 = arith.constant 28 : i32
    %add3A_1497 = vector.broadcast %add3A_1496 : i32 to vector<16xi32>
    %add3A_1498 = arith.addi %get3A_62, %add3A_1497 : vector<16xi32>
    %gather3A_1499 = tpu.vector_load_idx %arg9[%add3A_59, %add3A_1498] : memref<32x128xf32, #tpu.memory_space<vmem>>[vector<16xi32>, vector<16xi32>], vector<16xf32>,
    %add3A_1500 = arith.constant 60 : i32
    %add3A_1501 = vector.broadcast %add3A_1500 : i32 to vector<16xi32>
    %add3A_1502 = arith.addi %get3A_62, %add3A_1501 : vector<16xi32>
    %gather3A_1503 = tpu.vector_load_idx %arg9[%add3A_59, %add3A_1502] : memref<32x128xf32, #tpu.memory_space<vmem>>[vector<16xi32>, vector<16xi32>], vector<16xf32>,
    %add3A_1504 = arith.constant 28 : i32
    %add3A_1505 = vector.broadcast %add3A_1504 : i32 to vector<16xi32>
    %add3A_1506 = arith.addi %get3A_66, %add3A_1505 : vector<16xi32>
    %gather3A_1507 = tpu.vector_load_idx %arg10[%add3A_59, %add3A_1506] : memref<32x128xf32, #tpu.memory_space<vmem>>[vector<16xi32>, vector<16xi32>], vector<16xf32>,
    %add3A_1508 = arith.constant 60 : i32
    %add3A_1509 = vector.broadcast %add3A_1508 : i32 to vector<16xi32>
    %add3A_1510 = arith.addi %get3A_66, %add3A_1509 : vector<16xi32>
    %gather3A_1511 = tpu.vector_load_idx %arg10[%add3A_59, %add3A_1510] : memref<32x128xf32, #tpu.memory_space<vmem>>[vector<16xi32>, vector<16xi32>], vector<16xf32>,
    %add3A_1512 = arith.constant 28 : i32
    %add3A_1513 = vector.broadcast %add3A_1512 : i32 to vector<16xi32>
    %add3A_1514 = arith.addi %get3A_66, %add3A_1513 : vector<16xi32>
    %gather3A_1515 = tpu.vector_load_idx %arg11[%add3A_59, %add3A_1514] : memref<32x128xf32, #tpu.memory_space<vmem>>[vector<16xi32>, vector<16xi32>], vector<16xf32>,
    %add3A_1516 = arith.constant 60 : i32
    %add3A_1517 = vector.broadcast %add3A_1516 : i32 to vector<16xi32>
    %add3A_1518 = arith.addi %get3A_66, %add3A_1517 : vector<16xi32>
    %gather3A_1519 = tpu.vector_load_idx %arg11[%add3A_59, %add3A_1518] : memref<32x128xf32, #tpu.memory_space<vmem>>[vector<16xi32>, vector<16xi32>], vector<16xf32>,
    %add3A_1520 = arith.constant 28 : i32
    %add3A_1521 = vector.broadcast %add3A_1520 : i32 to vector<16xi32>
    %add3A_1522 = arith.addi %get3A_70, %add3A_1521 : vector<16xi32>
    %gather3A_1523 = tpu.vector_load_idx %arg12[%add3A_59, %add3A_1522] : memref<32x128xf32, #tpu.memory_space<vmem>>[vector<16xi32>, vector<16xi32>], vector<16xf32>,
    %add3A_1524 = arith.constant 60 : i32
    %add3A_1525 = vector.broadcast %add3A_1524 : i32 to vector<16xi32>
    %add3A_1526 = arith.addi %get3A_70, %add3A_1525 : vector<16xi32>
    %gather3A_1527 = tpu.vector_load_idx %arg12[%add3A_59, %add3A_1526] : memref<32x128xf32, #tpu.memory_space<vmem>>[vector<16xi32>, vector<16xi32>], vector<16xf32>,
    %mul3A_1528 = arith.mulf %gather3A_1507, %gather3A_1523 : vector<16xf32>
    %mul3A_1529 = arith.mulf %gather3A_1511, %gather3A_1527 : vector<16xf32>
    %sub3A_1530 = arith.subf %mul3A_1528, %mul3A_1529 : vector<16xf32>
    %add3A_1531 = arith.addf %sub3A_1530, %gather3A_1515 : vector<16xf32>
    %mul3A_1532 = arith.mulf %gather3A_1507, %gather3A_1527 : vector<16xf32>
    %mul3A_1533 = arith.mulf %gather3A_1511, %gather3A_1523 : vector<16xf32>
    %add3A_1534 = arith.addf %mul3A_1532, %mul3A_1533 : vector<16xf32>
    %add3A_1535 = arith.addf %add3A_1534, %gather3A_1519 : vector<16xf32>
    %broadcast_in_dim3A_1536 = arith.constant 28 : i32
    %broadcast_in_dim3A_1537 = vector.broadcast %broadcast_in_dim3A_1536 : i32 to vector<16xi32>
    %mul3A_1538 = arith.mulf %gather3A_1499, %add3A_1531 : vector<16xf32>
    %mul3A_1539 = arith.mulf %gather3A_1503, %add3A_1535 : vector<16xf32>
    %sub3A_1540 = arith.subf %mul3A_1538, %mul3A_1539 : vector<16xf32>
    tpu.vector_store_idx %arg13[%add3A_59, %broadcast_in_dim3A_1537], %sub3A_1540 : memref<32x64xf32, #tpu.memory_space<vmem>>[vector<16xi32>, vector<16xi32>], vector<16xf32>,
    %add3A_1541 = arith.constant 32 : i32
    %add3A_1542 = vector.broadcast %add3A_1541 : i32 to vector<16xi32>
    %add3A_1543 = arith.addi %broadcast_in_dim3A_1537, %add3A_1542 : vector<16xi32>
    %mul3A_1544 = arith.mulf %gather3A_1503, %add3A_1531 : vector<16xf32>
    %mul3A_1545 = arith.mulf %gather3A_1499, %add3A_1535 : vector<16xf32>
    %add3A_1546 = arith.addf %mul3A_1544, %mul3A_1545 : vector<16xf32>
    tpu.vector_store_idx %arg13[%add3A_59, %add3A_1543], %add3A_1546 : memref<32x64xf32, #tpu.memory_space<vmem>>[vector<16xi32>, vector<16xi32>], vector<16xf32>,
    %add3A_1547 = arith.constant 29 : i32
    %add3A_1548 = vector.broadcast %add3A_1547 : i32 to vector<16xi32>
    %add3A_1549 = arith.addi %get3A_62, %add3A_1548 : vector<16xi32>
    %gather3A_1550 = tpu.vector_load_idx %arg9[%add3A_59, %add3A_1549] : memref<32x128xf32, #tpu.memory_space<vmem>>[vector<16xi32>, vector<16xi32>], vector<16xf32>,
    %add3A_1551 = arith.constant 61 : i32
    %add3A_1552 = vector.broadcast %add3A_1551 : i32 to vector<16xi32>
    %add3A_1553 = arith.addi %get3A_62, %add3A_1552 : vector<16xi32>
    %gather3A_1554 = tpu.vector_load_idx %arg9[%add3A_59, %add3A_1553] : memref<32x128xf32, #tpu.memory_space<vmem>>[vector<16xi32>, vector<16xi32>], vector<16xf32>,
    %add3A_1555 = arith.constant 29 : i32
    %add3A_1556 = vector.broadcast %add3A_1555 : i32 to vector<16xi32>
    %add3A_1557 = arith.addi %get3A_66, %add3A_1556 : vector<16xi32>
    %gather3A_1558 = tpu.vector_load_idx %arg10[%add3A_59, %add3A_1557] : memref<32x128xf32, #tpu.memory_space<vmem>>[vector<16xi32>, vector<16xi32>], vector<16xf32>,
    %add3A_1559 = arith.constant 61 : i32
    %add3A_1560 = vector.broadcast %add3A_1559 : i32 to vector<16xi32>
    %add3A_1561 = arith.addi %get3A_66, %add3A_1560 : vector<16xi32>
    %gather3A_1562 = tpu.vector_load_idx %arg10[%add3A_59, %add3A_1561] : memref<32x128xf32, #tpu.memory_space<vmem>>[vector<16xi32>, vector<16xi32>], vector<16xf32>,
    %add3A_1563 = arith.constant 29 : i32
    %add3A_1564 = vector.broadcast %add3A_1563 : i32 to vector<16xi32>
    %add3A_1565 = arith.addi %get3A_66, %add3A_1564 : vector<16xi32>
    %gather3A_1566 = tpu.vector_load_idx %arg11[%add3A_59, %add3A_1565] : memref<32x128xf32, #tpu.memory_space<vmem>>[vector<16xi32>, vector<16xi32>], vector<16xf32>,
    %add3A_1567 = arith.constant 61 : i32
    %add3A_1568 = vector.broadcast %add3A_1567 : i32 to vector<16xi32>
    %add3A_1569 = arith.addi %get3A_66, %add3A_1568 : vector<16xi32>
    %gather3A_1570 = tpu.vector_load_idx %arg11[%add3A_59, %add3A_1569] : memref<32x128xf32, #tpu.memory_space<vmem>>[vector<16xi32>, vector<16xi32>], vector<16xf32>,
    %add3A_1571 = arith.constant 29 : i32
    %add3A_1572 = vector.broadcast %add3A_1571 : i32 to vector<16xi32>
    %add3A_1573 = arith.addi %get3A_70, %add3A_1572 : vector<16xi32>
    %gather3A_1574 = tpu.vector_load_idx %arg12[%add3A_59, %add3A_1573] : memref<32x128xf32, #tpu.memory_space<vmem>>[vector<16xi32>, vector<16xi32>], vector<16xf32>,
    %add3A_1575 = arith.constant 61 : i32
    %add3A_1576 = vector.broadcast %add3A_1575 : i32 to vector<16xi32>
    %add3A_1577 = arith.addi %get3A_70, %add3A_1576 : vector<16xi32>
    %gather3A_1578 = tpu.vector_load_idx %arg12[%add3A_59, %add3A_1577] : memref<32x128xf32, #tpu.memory_space<vmem>>[vector<16xi32>, vector<16xi32>], vector<16xf32>,
    %mul3A_1579 = arith.mulf %gather3A_1558, %gather3A_1574 : vector<16xf32>
    %mul3A_1580 = arith.mulf %gather3A_1562, %gather3A_1578 : vector<16xf32>
    %sub3A_1581 = arith.subf %mul3A_1579, %mul3A_1580 : vector<16xf32>
    %add3A_1582 = arith.addf %sub3A_1581, %gather3A_1566 : vector<16xf32>
    %mul3A_1583 = arith.mulf %gather3A_1558, %gather3A_1578 : vector<16xf32>
    %mul3A_1584 = arith.mulf %gather3A_1562, %gather3A_1574 : vector<16xf32>
    %add3A_1585 = arith.addf %mul3A_1583, %mul3A_1584 : vector<16xf32>
    %add3A_1586 = arith.addf %add3A_1585, %gather3A_1570 : vector<16xf32>
    %broadcast_in_dim3A_1587 = arith.constant 29 : i32
    %broadcast_in_dim3A_1588 = vector.broadcast %broadcast_in_dim3A_1587 : i32 to vector<16xi32>
    %mul3A_1589 = arith.mulf %gather3A_1550, %add3A_1582 : vector<16xf32>
    %mul3A_1590 = arith.mulf %gather3A_1554, %add3A_1586 : vector<16xf32>
    %sub3A_1591 = arith.subf %mul3A_1589, %mul3A_1590 : vector<16xf32>
    tpu.vector_store_idx %arg13[%add3A_59, %broadcast_in_dim3A_1588], %sub3A_1591 : memref<32x64xf32, #tpu.memory_space<vmem>>[vector<16xi32>, vector<16xi32>], vector<16xf32>,
    %add3A_1592 = arith.constant 32 : i32
    %add3A_1593 = vector.broadcast %add3A_1592 : i32 to vector<16xi32>
    %add3A_1594 = arith.addi %broadcast_in_dim3A_1588, %add3A_1593 : vector<16xi32>
    %mul3A_1595 = arith.mulf %gather3A_1554, %add3A_1582 : vector<16xf32>
    %mul3A_1596 = arith.mulf %gather3A_1550, %add3A_1586 : vector<16xf32>
    %add3A_1597 = arith.addf %mul3A_1595, %mul3A_1596 : vector<16xf32>
    tpu.vector_store_idx %arg13[%add3A_59, %add3A_1594], %add3A_1597 : memref<32x64xf32, #tpu.memory_space<vmem>>[vector<16xi32>, vector<16xi32>], vector<16xf32>,
    %add3A_1598 = arith.constant 30 : i32
    %add3A_1599 = vector.broadcast %add3A_1598 : i32 to vector<16xi32>
    %add3A_1600 = arith.addi %get3A_62, %add3A_1599 : vector<16xi32>
    %gather3A_1601 = tpu.vector_load_idx %arg9[%add3A_59, %add3A_1600] : memref<32x128xf32, #tpu.memory_space<vmem>>[vector<16xi32>, vector<16xi32>], vector<16xf32>,
    %add3A_1602 = arith.constant 62 : i32
    %add3A_1603 = vector.broadcast %add3A_1602 : i32 to vector<16xi32>
    %add3A_1604 = arith.addi %get3A_62, %add3A_1603 : vector<16xi32>
    %gather3A_1605 = tpu.vector_load_idx %arg9[%add3A_59, %add3A_1604] : memref<32x128xf32, #tpu.memory_space<vmem>>[vector<16xi32>, vector<16xi32>], vector<16xf32>,
    %add3A_1606 = arith.constant 30 : i32
    %add3A_1607 = vector.broadcast %add3A_1606 : i32 to vector<16xi32>
    %add3A_1608 = arith.addi %get3A_66, %add3A_1607 : vector<16xi32>
    %gather3A_1609 = tpu.vector_load_idx %arg10[%add3A_59, %add3A_1608] : memref<32x128xf32, #tpu.memory_space<vmem>>[vector<16xi32>, vector<16xi32>], vector<16xf32>,
    %add3A_1610 = arith.constant 62 : i32
    %add3A_1611 = vector.broadcast %add3A_1610 : i32 to vector<16xi32>
    %add3A_1612 = arith.addi %get3A_66, %add3A_1611 : vector<16xi32>
    %gather3A_1613 = tpu.vector_load_idx %arg10[%add3A_59, %add3A_1612] : memref<32x128xf32, #tpu.memory_space<vmem>>[vector<16xi32>, vector<16xi32>], vector<16xf32>,
    %add3A_1614 = arith.constant 30 : i32
    %add3A_1615 = vector.broadcast %add3A_1614 : i32 to vector<16xi32>
    %add3A_1616 = arith.addi %get3A_66, %add3A_1615 : vector<16xi32>
    %gather3A_1617 = tpu.vector_load_idx %arg11[%add3A_59, %add3A_1616] : memref<32x128xf32, #tpu.memory_space<vmem>>[vector<16xi32>, vector<16xi32>], vector<16xf32>,
    %add3A_1618 = arith.constant 62 : i32
    %add3A_1619 = vector.broadcast %add3A_1618 : i32 to vector<16xi32>
    %add3A_1620 = arith.addi %get3A_66, %add3A_1619 : vector<16xi32>
    %gather3A_1621 = tpu.vector_load_idx %arg11[%add3A_59, %add3A_1620] : memref<32x128xf32, #tpu.memory_space<vmem>>[vector<16xi32>, vector<16xi32>], vector<16xf32>,
    %add3A_1622 = arith.constant 30 : i32
    %add3A_1623 = vector.broadcast %add3A_1622 : i32 to vector<16xi32>
    %add3A_1624 = arith.addi %get3A_70, %add3A_1623 : vector<16xi32>
    %gather3A_1625 = tpu.vector_load_idx %arg12[%add3A_59, %add3A_1624] : memref<32x128xf32, #tpu.memory_space<vmem>>[vector<16xi32>, vector<16xi32>], vector<16xf32>,
    %add3A_1626 = arith.constant 62 : i32
    %add3A_1627 = vector.broadcast %add3A_1626 : i32 to vector<16xi32>
    %add3A_1628 = arith.addi %get3A_70, %add3A_1627 : vector<16xi32>
    %gather3A_1629 = tpu.vector_load_idx %arg12[%add3A_59, %add3A_1628] : memref<32x128xf32, #tpu.memory_space<vmem>>[vector<16xi32>, vector<16xi32>], vector<16xf32>,
    %mul3A_1630 = arith.mulf %gather3A_1609, %gather3A_1625 : vector<16xf32>
    %mul3A_1631 = arith.mulf %gather3A_1613, %gather3A_1629 : vector<16xf32>
    %sub3A_1632 = arith.subf %mul3A_1630, %mul3A_1631 : vector<16xf32>
    %add3A_1633 = arith.addf %sub3A_1632, %gather3A_1617 : vector<16xf32>
    %mul3A_1634 = arith.mulf %gather3A_1609, %gather3A_1629 : vector<16xf32>
    %mul3A_1635 = arith.mulf %gather3A_1613, %gather3A_1625 : vector<16xf32>
    %add3A_1636 = arith.addf %mul3A_1634, %mul3A_1635 : vector<16xf32>
    %add3A_1637 = arith.addf %add3A_1636, %gather3A_1621 : vector<16xf32>
    %broadcast_in_dim3A_1638 = arith.constant 30 : i32
    %broadcast_in_dim3A_1639 = vector.broadcast %broadcast_in_dim3A_1638 : i32 to vector<16xi32>
    %mul3A_1640 = arith.mulf %gather3A_1601, %add3A_1633 : vector<16xf32>
    %mul3A_1641 = arith.mulf %gather3A_1605, %add3A_1637 : vector<16xf32>
    %sub3A_1642 = arith.subf %mul3A_1640, %mul3A_1641 : vector<16xf32>
    tpu.vector_store_idx %arg13[%add3A_59, %broadcast_in_dim3A_1639], %sub3A_1642 : memref<32x64xf32, #tpu.memory_space<vmem>>[vector<16xi32>, vector<16xi32>], vector<16xf32>,
    %add3A_1643 = arith.constant 32 : i32
    %add3A_1644 = vector.broadcast %add3A_1643 : i32 to vector<16xi32>
    %add3A_1645 = arith.addi %broadcast_in_dim3A_1639, %add3A_1644 : vector<16xi32>
    %mul3A_1646 = arith.mulf %gather3A_1605, %add3A_1633 : vector<16xf32>
    %mul3A_1647 = arith.mulf %gather3A_1601, %add3A_1637 : vector<16xf32>
    %add3A_1648 = arith.addf %mul3A_1646, %mul3A_1647 : vector<16xf32>
    tpu.vector_store_idx %arg13[%add3A_59, %add3A_1645], %add3A_1648 : memref<32x64xf32, #tpu.memory_space<vmem>>[vector<16xi32>, vector<16xi32>], vector<16xf32>,
    %add3A_1649 = arith.constant 31 : i32
    %add3A_1650 = vector.broadcast %add3A_1649 : i32 to vector<16xi32>
    %add3A_1651 = arith.addi %get3A_62, %add3A_1650 : vector<16xi32>
    %gather3A_1652 = tpu.vector_load_idx %arg9[%add3A_59, %add3A_1651] : memref<32x128xf32, #tpu.memory_space<vmem>>[vector<16xi32>, vector<16xi32>], vector<16xf32>,
    %add3A_1653 = arith.constant 63 : i32
    %add3A_1654 = vector.broadcast %add3A_1653 : i32 to vector<16xi32>
    %add3A_1655 = arith.addi %get3A_62, %add3A_1654 : vector<16xi32>
    %gather3A_1656 = tpu.vector_load_idx %arg9[%add3A_59, %add3A_1655] : memref<32x128xf32, #tpu.memory_space<vmem>>[vector<16xi32>, vector<16xi32>], vector<16xf32>,
    %add3A_1657 = arith.constant 31 : i32
    %add3A_1658 = vector.broadcast %add3A_1657 : i32 to vector<16xi32>
    %add3A_1659 = arith.addi %get3A_66, %add3A_1658 : vector<16xi32>
    %gather3A_1660 = tpu.vector_load_idx %arg10[%add3A_59, %add3A_1659] : memref<32x128xf32, #tpu.memory_space<vmem>>[vector<16xi32>, vector<16xi32>], vector<16xf32>,
    %add3A_1661 = arith.constant 63 : i32
    %add3A_1662 = vector.broadcast %add3A_1661 : i32 to vector<16xi32>
    %add3A_1663 = arith.addi %get3A_66, %add3A_1662 : vector<16xi32>
    %gather3A_1664 = tpu.vector_load_idx %arg10[%add3A_59, %add3A_1663] : memref<32x128xf32, #tpu.memory_space<vmem>>[vector<16xi32>, vector<16xi32>], vector<16xf32>,
    %add3A_1665 = arith.constant 31 : i32
    %add3A_1666 = vector.broadcast %add3A_1665 : i32 to vector<16xi32>
    %add3A_1667 = arith.addi %get3A_66, %add3A_1666 : vector<16xi32>
    %gather3A_1668 = tpu.vector_load_idx %arg11[%add3A_59, %add3A_1667] : memref<32x128xf32, #tpu.memory_space<vmem>>[vector<16xi32>, vector<16xi32>], vector<16xf32>,
    %add3A_1669 = arith.constant 63 : i32
    %add3A_1670 = vector.broadcast %add3A_1669 : i32 to vector<16xi32>
    %add3A_1671 = arith.addi %get3A_66, %add3A_1670 : vector<16xi32>
    %gather3A_1672 = tpu.vector_load_idx %arg11[%add3A_59, %add3A_1671] : memref<32x128xf32, #tpu.memory_space<vmem>>[vector<16xi32>, vector<16xi32>], vector<16xf32>,
    %add3A_1673 = arith.constant 31 : i32
    %add3A_1674 = vector.broadcast %add3A_1673 : i32 to vector<16xi32>
    %add3A_1675 = arith.addi %get3A_70, %add3A_1674 : vector<16xi32>
    %gather3A_1676 = tpu.vector_load_idx %arg12[%add3A_59, %add3A_1675] : memref<32x128xf32, #tpu.memory_space<vmem>>[vector<16xi32>, vector<16xi32>], vector<16xf32>,
    %add3A_1677 = arith.constant 63 : i32
    %add3A_1678 = vector.broadcast %add3A_1677 : i32 to vector<16xi32>
    %add3A_1679 = arith.addi %get3A_70, %add3A_1678 : vector<16xi32>
    %gather3A_1680 = tpu.vector_load_idx %arg12[%add3A_59, %add3A_1679] : memref<32x128xf32, #tpu.memory_space<vmem>>[vector<16xi32>, vector<16xi32>], vector<16xf32>,
    %mul3A_1681 = arith.mulf %gather3A_1660, %gather3A_1676 : vector<16xf32>
    %mul3A_1682 = arith.mulf %gather3A_1664, %gather3A_1680 : vector<16xf32>
    %sub3A_1683 = arith.subf %mul3A_1681, %mul3A_1682 : vector<16xf32>
    %add3A_1684 = arith.addf %sub3A_1683, %gather3A_1668 : vector<16xf32>
    %mul3A_1685 = arith.mulf %gather3A_1660, %gather3A_1680 : vector<16xf32>
    %mul3A_1686 = arith.mulf %gather3A_1664, %gather3A_1676 : vector<16xf32>
    %add3A_1687 = arith.addf %mul3A_1685, %mul3A_1686 : vector<16xf32>
    %add3A_1688 = arith.addf %add3A_1687, %gather3A_1672 : vector<16xf32>
    %broadcast_in_dim3A_1689 = arith.constant 31 : i32
    %broadcast_in_dim3A_1690 = vector.broadcast %broadcast_in_dim3A_1689 : i32 to vector<16xi32>
    %mul3A_1691 = arith.mulf %gather3A_1652, %add3A_1684 : vector<16xf32>
    %mul3A_1692 = arith.mulf %gather3A_1656, %add3A_1688 : vector<16xf32>
    %sub3A_1693 = arith.subf %mul3A_1691, %mul3A_1692 : vector<16xf32>
    tpu.vector_store_idx %arg13[%add3A_59, %broadcast_in_dim3A_1690], %sub3A_1693 : memref<32x64xf32, #tpu.memory_space<vmem>>[vector<16xi32>, vector<16xi32>], vector<16xf32>,
    %add3A_1694 = arith.constant 32 : i32
    %add3A_1695 = vector.broadcast %add3A_1694 : i32 to vector<16xi32>
    %add3A_1696 = arith.addi %broadcast_in_dim3A_1690, %add3A_1695 : vector<16xi32>
    %mul3A_1697 = arith.mulf %gather3A_1656, %add3A_1684 : vector<16xf32>
    %mul3A_1698 = arith.mulf %gather3A_1652, %add3A_1688 : vector<16xf32>
    %add3A_1699 = arith.addf %mul3A_1697, %mul3A_1698 : vector<16xf32>
    tpu.vector_store_idx %arg13[%add3A_59, %add3A_1696], %add3A_1699 : memref<32x64xf32, #tpu.memory_space<vmem>>[vector<16xi32>, vector<16xi32>], vector<16xf32>,
    %add3A_1700 = arith.constant 16 : i32
    %add3A_1701 = vector.broadcast %add3A_1700 : i32 to vector<16xi32>
    %add3A_1702 = arith.addi %iota3A, %add3A_1701 : vector<16xi32>
    %get3A_1703 = arith.constant 1 : i32
    %get3A_1704 = arith.index_cast %get3A_1703 : i32 to index
    %get3A_1705 = arith.constant 16 : index
    %get3A_1706 = tpu.vector_load %arg8[%get3A_1704, %get3A_1705] {strides = array<i32>} : memref<6x32xi32, #tpu.memory_space<vmem>>, vector<16xi32>,
    %get3A_1707 = arith.constant 3 : i32
    %get3A_1708 = arith.index_cast %get3A_1707 : i32 to index
    %get3A_1709 = arith.constant 16 : index
    %get3A_1710 = tpu.vector_load %arg8[%get3A_1708, %get3A_1709] {strides = array<i32>} : memref<6x32xi32, #tpu.memory_space<vmem>>, vector<16xi32>,
    %get3A_1711 = arith.constant 5 : i32
    %get3A_1712 = arith.index_cast %get3A_1711 : i32 to index
    %get3A_1713 = arith.constant 16 : index
    %get3A_1714 = tpu.vector_load %arg8[%get3A_1712, %get3A_1713] {strides = array<i32>} : memref<6x32xi32, #tpu.memory_space<vmem>>, vector<16xi32>,
    %add3A_1715 = arith.constant 0 : i32
    %add3A_1716 = vector.broadcast %add3A_1715 : i32 to vector<16xi32>
    %add3A_1717 = arith.addi %get3A_1706, %add3A_1716 : vector<16xi32>
    %gather3A_1718 = tpu.vector_load_idx %arg9[%add3A_1702, %add3A_1717] : memref<32x128xf32, #tpu.memory_space<vmem>>[vector<16xi32>, vector<16xi32>], vector<16xf32>,
    %add3A_1719 = arith.constant 32 : i32
    %add3A_1720 = vector.broadcast %add3A_1719 : i32 to vector<16xi32>
    %add3A_1721 = arith.addi %get3A_1706, %add3A_1720 : vector<16xi32>
    %gather3A_1722 = tpu.vector_load_idx %arg9[%add3A_1702, %add3A_1721] : memref<32x128xf32, #tpu.memory_space<vmem>>[vector<16xi32>, vector<16xi32>], vector<16xf32>,
    %add3A_1723 = arith.constant 0 : i32
    %add3A_1724 = vector.broadcast %add3A_1723 : i32 to vector<16xi32>
    %add3A_1725 = arith.addi %get3A_1710, %add3A_1724 : vector<16xi32>
    %gather3A_1726 = tpu.vector_load_idx %arg10[%add3A_1702, %add3A_1725] : memref<32x128xf32, #tpu.memory_space<vmem>>[vector<16xi32>, vector<16xi32>], vector<16xf32>,
    %add3A_1727 = arith.constant 32 : i32
    %add3A_1728 = vector.broadcast %add3A_1727 : i32 to vector<16xi32>
    %add3A_1729 = arith.addi %get3A_1710, %add3A_1728 : vector<16xi32>
    %gather3A_1730 = tpu.vector_load_idx %arg10[%add3A_1702, %add3A_1729] : memref<32x128xf32, #tpu.memory_space<vmem>>[vector<16xi32>, vector<16xi32>], vector<16xf32>,
    %add3A_1731 = arith.constant 0 : i32
    %add3A_1732 = vector.broadcast %add3A_1731 : i32 to vector<16xi32>
    %add3A_1733 = arith.addi %get3A_1710, %add3A_1732 : vector<16xi32>
    %gather3A_1734 = tpu.vector_load_idx %arg11[%add3A_1702, %add3A_1733] : memref<32x128xf32, #tpu.memory_space<vmem>>[vector<16xi32>, vector<16xi32>], vector<16xf32>,
    %add3A_1735 = arith.constant 32 : i32
    %add3A_1736 = vector.broadcast %add3A_1735 : i32 to vector<16xi32>
    %add3A_1737 = arith.addi %get3A_1710, %add3A_1736 : vector<16xi32>
    %gather3A_1738 = tpu.vector_load_idx %arg11[%add3A_1702, %add3A_1737] : memref<32x128xf32, #tpu.memory_space<vmem>>[vector<16xi32>, vector<16xi32>], vector<16xf32>,
    %add3A_1739 = arith.constant 0 : i32
    %add3A_1740 = vector.broadcast %add3A_1739 : i32 to vector<16xi32>
    %add3A_1741 = arith.addi %get3A_1714, %add3A_1740 : vector<16xi32>
    %gather3A_1742 = tpu.vector_load_idx %arg12[%add3A_1702, %add3A_1741] : memref<32x128xf32, #tpu.memory_space<vmem>>[vector<16xi32>, vector<16xi32>], vector<16xf32>,
    %add3A_1743 = arith.constant 32 : i32
    %add3A_1744 = vector.broadcast %add3A_1743 : i32 to vector<16xi32>
    %add3A_1745 = arith.addi %get3A_1714, %add3A_1744 : vector<16xi32>
    %gather3A_1746 = tpu.vector_load_idx %arg12[%add3A_1702, %add3A_1745] : memref<32x128xf32, #tpu.memory_space<vmem>>[vector<16xi32>, vector<16xi32>], vector<16xf32>,
    %mul3A_1747 = arith.mulf %gather3A_1726, %gather3A_1742 : vector<16xf32>
    %mul3A_1748 = arith.mulf %gather3A_1730, %gather3A_1746 : vector<16xf32>
    %sub3A_1749 = arith.subf %mul3A_1747, %mul3A_1748 : vector<16xf32>
    %add3A_1750 = arith.addf %sub3A_1749, %gather3A_1734 : vector<16xf32>
    %mul3A_1751 = arith.mulf %gather3A_1726, %gather3A_1746 : vector<16xf32>
    %mul3A_1752 = arith.mulf %gather3A_1730, %gather3A_1742 : vector<16xf32>
    %add3A_1753 = arith.addf %mul3A_1751, %mul3A_1752 : vector<16xf32>
    %add3A_1754 = arith.addf %add3A_1753, %gather3A_1738 : vector<16xf32>
    %broadcast_in_dim3A_1755 = arith.constant 0 : i32
    %broadcast_in_dim3A_1756 = vector.broadcast %broadcast_in_dim3A_1755 : i32 to vector<16xi32>
    %mul3A_1757 = arith.mulf %gather3A_1718, %add3A_1750 : vector<16xf32>
    %mul3A_1758 = arith.mulf %gather3A_1722, %add3A_1754 : vector<16xf32>
    %sub3A_1759 = arith.subf %mul3A_1757, %mul3A_1758 : vector<16xf32>
    tpu.vector_store_idx %arg13[%add3A_1702, %broadcast_in_dim3A_1756], %sub3A_1759 : memref<32x64xf32, #tpu.memory_space<vmem>>[vector<16xi32>, vector<16xi32>], vector<16xf32>,
    %add3A_1760 = arith.constant 32 : i32
    %add3A_1761 = vector.broadcast %add3A_1760 : i32 to vector<16xi32>
    %add3A_1762 = arith.addi %broadcast_in_dim3A_1756, %add3A_1761 : vector<16xi32>
    %mul3A_1763 = arith.mulf %gather3A_1722, %add3A_1750 : vector<16xf32>
    %mul3A_1764 = arith.mulf %gather3A_1718, %add3A_1754 : vector<16xf32>
    %add3A_1765 = arith.addf %mul3A_1763, %mul3A_1764 : vector<16xf32>
    tpu.vector_store_idx %arg13[%add3A_1702, %add3A_1762], %add3A_1765 : memref<32x64xf32, #tpu.memory_space<vmem>>[vector<16xi32>, vector<16xi32>], vector<16xf32>,
    %add3A_1766 = arith.constant 1 : i32
    %add3A_1767 = vector.broadcast %add3A_1766 : i32 to vector<16xi32>
    %add3A_1768 = arith.addi %get3A_1706, %add3A_1767 : vector<16xi32>
    %gather3A_1769 = tpu.vector_load_idx %arg9[%add3A_1702, %add3A_1768] : memref<32x128xf32, #tpu.memory_space<vmem>>[vector<16xi32>, vector<16xi32>], vector<16xf32>,
    %add3A_1770 = arith.constant 33 : i32
    %add3A_1771 = vector.broadcast %add3A_1770 : i32 to vector<16xi32>
    %add3A_1772 = arith.addi %get3A_1706, %add3A_1771 : vector<16xi32>
    %gather3A_1773 = tpu.vector_load_idx %arg9[%add3A_1702, %add3A_1772] : memref<32x128xf32, #tpu.memory_space<vmem>>[vector<16xi32>, vector<16xi32>], vector<16xf32>,
    %add3A_1774 = arith.constant 1 : i32
    %add3A_1775 = vector.broadcast %add3A_1774 : i32 to vector<16xi32>
    %add3A_1776 = arith.addi %get3A_1710, %add3A_1775 : vector<16xi32>
    %gather3A_1777 = tpu.vector_load_idx %arg10[%add3A_1702, %add3A_1776] : memref<32x128xf32, #tpu.memory_space<vmem>>[vector<16xi32>, vector<16xi32>], vector<16xf32>,
    %add3A_1778 = arith.constant 33 : i32
    %add3A_1779 = vector.broadcast %add3A_1778 : i32 to vector<16xi32>
    %add3A_1780 = arith.addi %get3A_1710, %add3A_1779 : vector<16xi32>
    %gather3A_1781 = tpu.vector_load_idx %arg10[%add3A_1702, %add3A_1780] : memref<32x128xf32, #tpu.memory_space<vmem>>[vector<16xi32>, vector<16xi32>], vector<16xf32>,
    %add3A_1782 = arith.constant 1 : i32
    %add3A_1783 = vector.broadcast %add3A_1782 : i32 to vector<16xi32>
    %add3A_1784 = arith.addi %get3A_1710, %add3A_1783 : vector<16xi32>
    %gather3A_1785 = tpu.vector_load_idx %arg11[%add3A_1702, %add3A_1784] : memref<32x128xf32, #tpu.memory_space<vmem>>[vector<16xi32>, vector<16xi32>], vector<16xf32>,
    %add3A_1786 = arith.constant 33 : i32
    %add3A_1787 = vector.broadcast %add3A_1786 : i32 to vector<16xi32>
    %add3A_1788 = arith.addi %get3A_1710, %add3A_1787 : vector<16xi32>
    %gather3A_1789 = tpu.vector_load_idx %arg11[%add3A_1702, %add3A_1788] : memref<32x128xf32, #tpu.memory_space<vmem>>[vector<16xi32>, vector<16xi32>], vector<16xf32>,
    %add3A_1790 = arith.constant 1 : i32
    %add3A_1791 = vector.broadcast %add3A_1790 : i32 to vector<16xi32>
    %add3A_1792 = arith.addi %get3A_1714, %add3A_1791 : vector<16xi32>
    %gather3A_1793 = tpu.vector_load_idx %arg12[%add3A_1702, %add3A_1792] : memref<32x128xf32, #tpu.memory_space<vmem>>[vector<16xi32>, vector<16xi32>], vector<16xf32>,
    %add3A_1794 = arith.constant 33 : i32
    %add3A_1795 = vector.broadcast %add3A_1794 : i32 to vector<16xi32>
    %add3A_1796 = arith.addi %get3A_1714, %add3A_1795 : vector<16xi32>
    %gather3A_1797 = tpu.vector_load_idx %arg12[%add3A_1702, %add3A_1796] : memref<32x128xf32, #tpu.memory_space<vmem>>[vector<16xi32>, vector<16xi32>], vector<16xf32>,
    %mul3A_1798 = arith.mulf %gather3A_1777, %gather3A_1793 : vector<16xf32>
    %mul3A_1799 = arith.mulf %gather3A_1781, %gather3A_1797 : vector<16xf32>
    %sub3A_1800 = arith.subf %mul3A_1798, %mul3A_1799 : vector<16xf32>
    %add3A_1801 = arith.addf %sub3A_1800, %gather3A_1785 : vector<16xf32>
    %mul3A_1802 = arith.mulf %gather3A_1777, %gather3A_1797 : vector<16xf32>
    %mul3A_1803 = arith.mulf %gather3A_1781, %gather3A_1793 : vector<16xf32>
    %add3A_1804 = arith.addf %mul3A_1802, %mul3A_1803 : vector<16xf32>
    %add3A_1805 = arith.addf %add3A_1804, %gather3A_1789 : vector<16xf32>
    %broadcast_in_dim3A_1806 = arith.constant 1 : i32
    %broadcast_in_dim3A_1807 = vector.broadcast %broadcast_in_dim3A_1806 : i32 to vector<16xi32>
    %mul3A_1808 = arith.mulf %gather3A_1769, %add3A_1801 : vector<16xf32>
    %mul3A_1809 = arith.mulf %gather3A_1773, %add3A_1805 : vector<16xf32>
    %sub3A_1810 = arith.subf %mul3A_1808, %mul3A_1809 : vector<16xf32>
    tpu.vector_store_idx %arg13[%add3A_1702, %broadcast_in_dim3A_1807], %sub3A_1810 : memref<32x64xf32, #tpu.memory_space<vmem>>[vector<16xi32>, vector<16xi32>], vector<16xf32>,
    %add3A_1811 = arith.constant 32 : i32
    %add3A_1812 = vector.broadcast %add3A_1811 : i32 to vector<16xi32>
    %add3A_1813 = arith.addi %broadcast_in_dim3A_1807, %add3A_1812 : vector<16xi32>
    %mul3A_1814 = arith.mulf %gather3A_1773, %add3A_1801 : vector<16xf32>
    %mul3A_1815 = arith.mulf %gather3A_1769, %add3A_1805 : vector<16xf32>
    %add3A_1816 = arith.addf %mul3A_1814, %mul3A_1815 : vector<16xf32>
    tpu.vector_store_idx %arg13[%add3A_1702, %add3A_1813], %add3A_1816 : memref<32x64xf32, #tpu.memory_space<vmem>>[vector<16xi32>, vector<16xi32>], vector<16xf32>,
    %add3A_1817 = arith.constant 2 : i32
    %add3A_1818 = vector.broadcast %add3A_1817 : i32 to vector<16xi32>
    %add3A_1819 = arith.addi %get3A_1706, %add3A_1818 : vector<16xi32>
    %gather3A_1820 = tpu.vector_load_idx %arg9[%add3A_1702, %add3A_1819] : memref<32x128xf32, #tpu.memory_space<vmem>>[vector<16xi32>, vector<16xi32>], vector<16xf32>,
    %add3A_1821 = arith.constant 34 : i32
    %add3A_1822 = vector.broadcast %add3A_1821 : i32 to vector<16xi32>
    %add3A_1823 = arith.addi %get3A_1706, %add3A_1822 : vector<16xi32>
    %gather3A_1824 = tpu.vector_load_idx %arg9[%add3A_1702, %add3A_1823] : memref<32x128xf32, #tpu.memory_space<vmem>>[vector<16xi32>, vector<16xi32>], vector<16xf32>,
    %add3A_1825 = arith.constant 2 : i32
    %add3A_1826 = vector.broadcast %add3A_1825 : i32 to vector<16xi32>
    %add3A_1827 = arith.addi %get3A_1710, %add3A_1826 : vector<16xi32>
    %gather3A_1828 = tpu.vector_load_idx %arg10[%add3A_1702, %add3A_1827] : memref<32x128xf32, #tpu.memory_space<vmem>>[vector<16xi32>, vector<16xi32>], vector<16xf32>,
    %add3A_1829 = arith.constant 34 : i32
    %add3A_1830 = vector.broadcast %add3A_1829 : i32 to vector<16xi32>
    %add3A_1831 = arith.addi %get3A_1710, %add3A_1830 : vector<16xi32>
    %gather3A_1832 = tpu.vector_load_idx %arg10[%add3A_1702, %add3A_1831] : memref<32x128xf32, #tpu.memory_space<vmem>>[vector<16xi32>, vector<16xi32>], vector<16xf32>,
    %add3A_1833 = arith.constant 2 : i32
    %add3A_1834 = vector.broadcast %add3A_1833 : i32 to vector<16xi32>
    %add3A_1835 = arith.addi %get3A_1710, %add3A_1834 : vector<16xi32>
    %gather3A_1836 = tpu.vector_load_idx %arg11[%add3A_1702, %add3A_1835] : memref<32x128xf32, #tpu.memory_space<vmem>>[vector<16xi32>, vector<16xi32>], vector<16xf32>,
    %add3A_1837 = arith.constant 34 : i32
    %add3A_1838 = vector.broadcast %add3A_1837 : i32 to vector<16xi32>
    %add3A_1839 = arith.addi %get3A_1710, %add3A_1838 : vector<16xi32>
    %gather3A_1840 = tpu.vector_load_idx %arg11[%add3A_1702, %add3A_1839] : memref<32x128xf32, #tpu.memory_space<vmem>>[vector<16xi32>, vector<16xi32>], vector<16xf32>,
    %add3A_1841 = arith.constant 2 : i32
    %add3A_1842 = vector.broadcast %add3A_1841 : i32 to vector<16xi32>
    %add3A_1843 = arith.addi %get3A_1714, %add3A_1842 : vector<16xi32>
    %gather3A_1844 = tpu.vector_load_idx %arg12[%add3A_1702, %add3A_1843] : memref<32x128xf32, #tpu.memory_space<vmem>>[vector<16xi32>, vector<16xi32>], vector<16xf32>,
    %add3A_1845 = arith.constant 34 : i32
    %add3A_1846 = vector.broadcast %add3A_1845 : i32 to vector<16xi32>
    %add3A_1847 = arith.addi %get3A_1714, %add3A_1846 : vector<16xi32>
    %gather3A_1848 = tpu.vector_load_idx %arg12[%add3A_1702, %add3A_1847] : memref<32x128xf32, #tpu.memory_space<vmem>>[vector<16xi32>, vector<16xi32>], vector<16xf32>,
    %mul3A_1849 = arith.mulf %gather3A_1828, %gather3A_1844 : vector<16xf32>
    %mul3A_1850 = arith.mulf %gather3A_1832, %gather3A_1848 : vector<16xf32>
    %sub3A_1851 = arith.subf %mul3A_1849, %mul3A_1850 : vector<16xf32>
    %add3A_1852 = arith.addf %sub3A_1851, %gather3A_1836 : vector<16xf32>
    %mul3A_1853 = arith.mulf %gather3A_1828, %gather3A_1848 : vector<16xf32>
    %mul3A_1854 = arith.mulf %gather3A_1832, %gather3A_1844 : vector<16xf32>
    %add3A_1855 = arith.addf %mul3A_1853, %mul3A_1854 : vector<16xf32>
    %add3A_1856 = arith.addf %add3A_1855, %gather3A_1840 : vector<16xf32>
    %broadcast_in_dim3A_1857 = arith.constant 2 : i32
    %broadcast_in_dim3A_1858 = vector.broadcast %broadcast_in_dim3A_1857 : i32 to vector<16xi32>
    %mul3A_1859 = arith.mulf %gather3A_1820, %add3A_1852 : vector<16xf32>
    %mul3A_1860 = arith.mulf %gather3A_1824, %add3A_1856 : vector<16xf32>
    %sub3A_1861 = arith.subf %mul3A_1859, %mul3A_1860 : vector<16xf32>
    tpu.vector_store_idx %arg13[%add3A_1702, %broadcast_in_dim3A_1858], %sub3A_1861 : memref<32x64xf32, #tpu.memory_space<vmem>>[vector<16xi32>, vector<16xi32>], vector<16xf32>,
    %add3A_1862 = arith.constant 32 : i32
    %add3A_1863 = vector.broadcast %add3A_1862 : i32 to vector<16xi32>
    %add3A_1864 = arith.addi %broadcast_in_dim3A_1858, %add3A_1863 : vector<16xi32>
    %mul3A_1865 = arith.mulf %gather3A_1824, %add3A_1852 : vector<16xf32>
    %mul3A_1866 = arith.mulf %gather3A_1820, %add3A_1856 : vector<16xf32>
    %add3A_1867 = arith.addf %mul3A_1865, %mul3A_1866 : vector<16xf32>
    tpu.vector_store_idx %arg13[%add3A_1702, %add3A_1864], %add3A_1867 : memref<32x64xf32, #tpu.memory_space<vmem>>[vector<16xi32>, vector<16xi32>], vector<16xf32>,
    %add3A_1868 = arith.constant 3 : i32
    %add3A_1869 = vector.broadcast %add3A_1868 : i32 to vector<16xi32>
    %add3A_1870 = arith.addi %get3A_1706, %add3A_1869 : vector<16xi32>
    %gather3A_1871 = tpu.vector_load_idx %arg9[%add3A_1702, %add3A_1870] : memref<32x128xf32, #tpu.memory_space<vmem>>[vector<16xi32>, vector<16xi32>], vector<16xf32>,
    %add3A_1872 = arith.constant 35 : i32
    %add3A_1873 = vector.broadcast %add3A_1872 : i32 to vector<16xi32>
    %add3A_1874 = arith.addi %get3A_1706, %add3A_1873 : vector<16xi32>
    %gather3A_1875 = tpu.vector_load_idx %arg9[%add3A_1702, %add3A_1874] : memref<32x128xf32, #tpu.memory_space<vmem>>[vector<16xi32>, vector<16xi32>], vector<16xf32>,
    %add3A_1876 = arith.constant 3 : i32
    %add3A_1877 = vector.broadcast %add3A_1876 : i32 to vector<16xi32>
    %add3A_1878 = arith.addi %get3A_1710, %add3A_1877 : vector<16xi32>
    %gather3A_1879 = tpu.vector_load_idx %arg10[%add3A_1702, %add3A_1878] : memref<32x128xf32, #tpu.memory_space<vmem>>[vector<16xi32>, vector<16xi32>], vector<16xf32>,
    %add3A_1880 = arith.constant 35 : i32
    %add3A_1881 = vector.broadcast %add3A_1880 : i32 to vector<16xi32>
    %add3A_1882 = arith.addi %get3A_1710, %add3A_1881 : vector<16xi32>
    %gather3A_1883 = tpu.vector_load_idx %arg10[%add3A_1702, %add3A_1882] : memref<32x128xf32, #tpu.memory_space<vmem>>[vector<16xi32>, vector<16xi32>], vector<16xf32>,
    %add3A_1884 = arith.constant 3 : i32
    %add3A_1885 = vector.broadcast %add3A_1884 : i32 to vector<16xi32>
    %add3A_1886 = arith.addi %get3A_1710, %add3A_1885 : vector<16xi32>
    %gather3A_1887 = tpu.vector_load_idx %arg11[%add3A_1702, %add3A_1886] : memref<32x128xf32, #tpu.memory_space<vmem>>[vector<16xi32>, vector<16xi32>], vector<16xf32>,
    %add3A_1888 = arith.constant 35 : i32
    %add3A_1889 = vector.broadcast %add3A_1888 : i32 to vector<16xi32>
    %add3A_1890 = arith.addi %get3A_1710, %add3A_1889 : vector<16xi32>
    %gather3A_1891 = tpu.vector_load_idx %arg11[%add3A_1702, %add3A_1890] : memref<32x128xf32, #tpu.memory_space<vmem>>[vector<16xi32>, vector<16xi32>], vector<16xf32>,
    %add3A_1892 = arith.constant 3 : i32
    %add3A_1893 = vector.broadcast %add3A_1892 : i32 to vector<16xi32>
    %add3A_1894 = arith.addi %get3A_1714, %add3A_1893 : vector<16xi32>
    %gather3A_1895 = tpu.vector_load_idx %arg12[%add3A_1702, %add3A_1894] : memref<32x128xf32, #tpu.memory_space<vmem>>[vector<16xi32>, vector<16xi32>], vector<16xf32>,
    %add3A_1896 = arith.constant 35 : i32
    %add3A_1897 = vector.broadcast %add3A_1896 : i32 to vector<16xi32>
    %add3A_1898 = arith.addi %get3A_1714, %add3A_1897 : vector<16xi32>
    %gather3A_1899 = tpu.vector_load_idx %arg12[%add3A_1702, %add3A_1898] : memref<32x128xf32, #tpu.memory_space<vmem>>[vector<16xi32>, vector<16xi32>], vector<16xf32>,
    %mul3A_1900 = arith.mulf %gather3A_1879, %gather3A_1895 : vector<16xf32>
    %mul3A_1901 = arith.mulf %gather3A_1883, %gather3A_1899 : vector<16xf32>
    %sub3A_1902 = arith.subf %mul3A_1900, %mul3A_1901 : vector<16xf32>
    %add3A_1903 = arith.addf %sub3A_1902, %gather3A_1887 : vector<16xf32>
    %mul3A_1904 = arith.mulf %gather3A_1879, %gather3A_1899 : vector<16xf32>
    %mul3A_1905 = arith.mulf %gather3A_1883, %gather3A_1895 : vector<16xf32>
    %add3A_1906 = arith.addf %mul3A_1904, %mul3A_1905 : vector<16xf32>
    %add3A_1907 = arith.addf %add3A_1906, %gather3A_1891 : vector<16xf32>
    %broadcast_in_dim3A_1908 = arith.constant 3 : i32
    %broadcast_in_dim3A_1909 = vector.broadcast %broadcast_in_dim3A_1908 : i32 to vector<16xi32>
    %mul3A_1910 = arith.mulf %gather3A_1871, %add3A_1903 : vector<16xf32>
    %mul3A_1911 = arith.mulf %gather3A_1875, %add3A_1907 : vector<16xf32>
    %sub3A_1912 = arith.subf %mul3A_1910, %mul3A_1911 : vector<16xf32>
    tpu.vector_store_idx %arg13[%add3A_1702, %broadcast_in_dim3A_1909], %sub3A_1912 : memref<32x64xf32, #tpu.memory_space<vmem>>[vector<16xi32>, vector<16xi32>], vector<16xf32>,
    %add3A_1913 = arith.constant 32 : i32
    %add3A_1914 = vector.broadcast %add3A_1913 : i32 to vector<16xi32>
    %add3A_1915 = arith.addi %broadcast_in_dim3A_1909, %add3A_1914 : vector<16xi32>
    %mul3A_1916 = arith.mulf %gather3A_1875, %add3A_1903 : vector<16xf32>
    %mul3A_1917 = arith.mulf %gather3A_1871, %add3A_1907 : vector<16xf32>
    %add3A_1918 = arith.addf %mul3A_1916, %mul3A_1917 : vector<16xf32>
    tpu.vector_store_idx %arg13[%add3A_1702, %add3A_1915], %add3A_1918 : memref<32x64xf32, #tpu.memory_space<vmem>>[vector<16xi32>, vector<16xi32>], vector<16xf32>,
    %add3A_1919 = arith.constant 4 : i32
    %add3A_1920 = vector.broadcast %add3A_1919 : i32 to vector<16xi32>
    %add3A_1921 = arith.addi %get3A_1706, %add3A_1920 : vector<16xi32>
    %gather3A_1922 = tpu.vector_load_idx %arg9[%add3A_1702, %add3A_1921] : memref<32x128xf32, #tpu.memory_space<vmem>>[vector<16xi32>, vector<16xi32>], vector<16xf32>,
    %add3A_1923 = arith.constant 36 : i32
    %add3A_1924 = vector.broadcast %add3A_1923 : i32 to vector<16xi32>
    %add3A_1925 = arith.addi %get3A_1706, %add3A_1924 : vector<16xi32>
    %gather3A_1926 = tpu.vector_load_idx %arg9[%add3A_1702, %add3A_1925] : memref<32x128xf32, #tpu.memory_space<vmem>>[vector<16xi32>, vector<16xi32>], vector<16xf32>,
    %add3A_1927 = arith.constant 4 : i32
    %add3A_1928 = vector.broadcast %add3A_1927 : i32 to vector<16xi32>
    %add3A_1929 = arith.addi %get3A_1710, %add3A_1928 : vector<16xi32>
    %gather3A_1930 = tpu.vector_load_idx %arg10[%add3A_1702, %add3A_1929] : memref<32x128xf32, #tpu.memory_space<vmem>>[vector<16xi32>, vector<16xi32>], vector<16xf32>,
    %add3A_1931 = arith.constant 36 : i32
    %add3A_1932 = vector.broadcast %add3A_1931 : i32 to vector<16xi32>
    %add3A_1933 = arith.addi %get3A_1710, %add3A_1932 : vector<16xi32>
    %gather3A_1934 = tpu.vector_load_idx %arg10[%add3A_1702, %add3A_1933] : memref<32x128xf32, #tpu.memory_space<vmem>>[vector<16xi32>, vector<16xi32>], vector<16xf32>,
    %add3A_1935 = arith.constant 4 : i32
    %add3A_1936 = vector.broadcast %add3A_1935 : i32 to vector<16xi32>
    %add3A_1937 = arith.addi %get3A_1710, %add3A_1936 : vector<16xi32>
    %gather3A_1938 = tpu.vector_load_idx %arg11[%add3A_1702, %add3A_1937] : memref<32x128xf32, #tpu.memory_space<vmem>>[vector<16xi32>, vector<16xi32>], vector<16xf32>,
    %add3A_1939 = arith.constant 36 : i32
    %add3A_1940 = vector.broadcast %add3A_1939 : i32 to vector<16xi32>
    %add3A_1941 = arith.addi %get3A_1710, %add3A_1940 : vector<16xi32>
    %gather3A_1942 = tpu.vector_load_idx %arg11[%add3A_1702, %add3A_1941] : memref<32x128xf32, #tpu.memory_space<vmem>>[vector<16xi32>, vector<16xi32>], vector<16xf32>,
    %add3A_1943 = arith.constant 4 : i32
    %add3A_1944 = vector.broadcast %add3A_1943 : i32 to vector<16xi32>
    %add3A_1945 = arith.addi %get3A_1714, %add3A_1944 : vector<16xi32>
    %gather3A_1946 = tpu.vector_load_idx %arg12[%add3A_1702, %add3A_1945] : memref<32x128xf32, #tpu.memory_space<vmem>>[vector<16xi32>, vector<16xi32>], vector<16xf32>,
    %add3A_1947 = arith.constant 36 : i32
    %add3A_1948 = vector.broadcast %add3A_1947 : i32 to vector<16xi32>
    %add3A_1949 = arith.addi %get3A_1714, %add3A_1948 : vector<16xi32>
    %gather3A_1950 = tpu.vector_load_idx %arg12[%add3A_1702, %add3A_1949] : memref<32x128xf32, #tpu.memory_space<vmem>>[vector<16xi32>, vector<16xi32>], vector<16xf32>,
    %mul3A_1951 = arith.mulf %gather3A_1930, %gather3A_1946 : vector<16xf32>
    %mul3A_1952 = arith.mulf %gather3A_1934, %gather3A_1950 : vector<16xf32>
    %sub3A_1953 = arith.subf %mul3A_1951, %mul3A_1952 : vector<16xf32>
    %add3A_1954 = arith.addf %sub3A_1953, %gather3A_1938 : vector<16xf32>
    %mul3A_1955 = arith.mulf %gather3A_1930, %gather3A_1950 : vector<16xf32>
    %mul3A_1956 = arith.mulf %gather3A_1934, %gather3A_1946 : vector<16xf32>
    %add3A_1957 = arith.addf %mul3A_1955, %mul3A_1956 : vector<16xf32>
    %add3A_1958 = arith.addf %add3A_1957, %gather3A_1942 : vector<16xf32>
    %broadcast_in_dim3A_1959 = arith.constant 4 : i32
    %broadcast_in_dim3A_1960 = vector.broadcast %broadcast_in_dim3A_1959 : i32 to vector<16xi32>
    %mul3A_1961 = arith.mulf %gather3A_1922, %add3A_1954 : vector<16xf32>
    %mul3A_1962 = arith.mulf %gather3A_1926, %add3A_1958 : vector<16xf32>
    %sub3A_1963 = arith.subf %mul3A_1961, %mul3A_1962 : vector<16xf32>
    tpu.vector_store_idx %arg13[%add3A_1702, %broadcast_in_dim3A_1960], %sub3A_1963 : memref<32x64xf32, #tpu.memory_space<vmem>>[vector<16xi32>, vector<16xi32>], vector<16xf32>,
    %add3A_1964 = arith.constant 32 : i32
    %add3A_1965 = vector.broadcast %add3A_1964 : i32 to vector<16xi32>
    %add3A_1966 = arith.addi %broadcast_in_dim3A_1960, %add3A_1965 : vector<16xi32>
    %mul3A_1967 = arith.mulf %gather3A_1926, %add3A_1954 : vector<16xf32>
    %mul3A_1968 = arith.mulf %gather3A_1922, %add3A_1958 : vector<16xf32>
    %add3A_1969 = arith.addf %mul3A_1967, %mul3A_1968 : vector<16xf32>
    tpu.vector_store_idx %arg13[%add3A_1702, %add3A_1966], %add3A_1969 : memref<32x64xf32, #tpu.memory_space<vmem>>[vector<16xi32>, vector<16xi32>], vector<16xf32>,
    %add3A_1970 = arith.constant 5 : i32
    %add3A_1971 = vector.broadcast %add3A_1970 : i32 to vector<16xi32>
    %add3A_1972 = arith.addi %get3A_1706, %add3A_1971 : vector<16xi32>
    %gather3A_1973 = tpu.vector_load_idx %arg9[%add3A_1702, %add3A_1972] : memref<32x128xf32, #tpu.memory_space<vmem>>[vector<16xi32>, vector<16xi32>], vector<16xf32>,
    %add3A_1974 = arith.constant 37 : i32
    %add3A_1975 = vector.broadcast %add3A_1974 : i32 to vector<16xi32>
    %add3A_1976 = arith.addi %get3A_1706, %add3A_1975 : vector<16xi32>
    %gather3A_1977 = tpu.vector_load_idx %arg9[%add3A_1702, %add3A_1976] : memref<32x128xf32, #tpu.memory_space<vmem>>[vector<16xi32>, vector<16xi32>], vector<16xf32>,
    %add3A_1978 = arith.constant 5 : i32
    %add3A_1979 = vector.broadcast %add3A_1978 : i32 to vector<16xi32>
    %add3A_1980 = arith.addi %get3A_1710, %add3A_1979 : vector<16xi32>
    %gather3A_1981 = tpu.vector_load_idx %arg10[%add3A_1702, %add3A_1980] : memref<32x128xf32, #tpu.memory_space<vmem>>[vector<16xi32>, vector<16xi32>], vector<16xf32>,
    %add3A_1982 = arith.constant 37 : i32
    %add3A_1983 = vector.broadcast %add3A_1982 : i32 to vector<16xi32>
    %add3A_1984 = arith.addi %get3A_1710, %add3A_1983 : vector<16xi32>
    %gather3A_1985 = tpu.vector_load_idx %arg10[%add3A_1702, %add3A_1984] : memref<32x128xf32, #tpu.memory_space<vmem>>[vector<16xi32>, vector<16xi32>], vector<16xf32>,
    %add3A_1986 = arith.constant 5 : i32
    %add3A_1987 = vector.broadcast %add3A_1986 : i32 to vector<16xi32>
    %add3A_1988 = arith.addi %get3A_1710, %add3A_1987 : vector<16xi32>
    %gather3A_1989 = tpu.vector_load_idx %arg11[%add3A_1702, %add3A_1988] : memref<32x128xf32, #tpu.memory_space<vmem>>[vector<16xi32>, vector<16xi32>], vector<16xf32>,
    %add3A_1990 = arith.constant 37 : i32
    %add3A_1991 = vector.broadcast %add3A_1990 : i32 to vector<16xi32>
    %add3A_1992 = arith.addi %get3A_1710, %add3A_1991 : vector<16xi32>
    %gather3A_1993 = tpu.vector_load_idx %arg11[%add3A_1702, %add3A_1992] : memref<32x128xf32, #tpu.memory_space<vmem>>[vector<16xi32>, vector<16xi32>], vector<16xf32>,
    %add3A_1994 = arith.constant 5 : i32
    %add3A_1995 = vector.broadcast %add3A_1994 : i32 to vector<16xi32>
    %add3A_1996 = arith.addi %get3A_1714, %add3A_1995 : vector<16xi32>
    %gather3A_1997 = tpu.vector_load_idx %arg12[%add3A_1702, %add3A_1996] : memref<32x128xf32, #tpu.memory_space<vmem>>[vector<16xi32>, vector<16xi32>], vector<16xf32>,
    %add3A_1998 = arith.constant 37 : i32
    %add3A_1999 = vector.broadcast %add3A_1998 : i32 to vector<16xi32>
    %add3A_2000 = arith.addi %get3A_1714, %add3A_1999 : vector<16xi32>
    %gather3A_2001 = tpu.vector_load_idx %arg12[%add3A_1702, %add3A_2000] : memref<32x128xf32, #tpu.memory_space<vmem>>[vector<16xi32>, vector<16xi32>], vector<16xf32>,
    %mul3A_2002 = arith.mulf %gather3A_1981, %gather3A_1997 : vector<16xf32>
    %mul3A_2003 = arith.mulf %gather3A_1985, %gather3A_2001 : vector<16xf32>
    %sub3A_2004 = arith.subf %mul3A_2002, %mul3A_2003 : vector<16xf32>
    %add3A_2005 = arith.addf %sub3A_2004, %gather3A_1989 : vector<16xf32>
    %mul3A_2006 = arith.mulf %gather3A_1981, %gather3A_2001 : vector<16xf32>
    %mul3A_2007 = arith.mulf %gather3A_1985, %gather3A_1997 : vector<16xf32>
    %add3A_2008 = arith.addf %mul3A_2006, %mul3A_2007 : vector<16xf32>
    %add3A_2009 = arith.addf %add3A_2008, %gather3A_1993 : vector<16xf32>
    %broadcast_in_dim3A_2010 = arith.constant 5 : i32
    %broadcast_in_dim3A_2011 = vector.broadcast %broadcast_in_dim3A_2010 : i32 to vector<16xi32>
    %mul3A_2012 = arith.mulf %gather3A_1973, %add3A_2005 : vector<16xf32>
    %mul3A_2013 = arith.mulf %gather3A_1977, %add3A_2009 : vector<16xf32>
    %sub3A_2014 = arith.subf %mul3A_2012, %mul3A_2013 : vector<16xf32>
    tpu.vector_store_idx %arg13[%add3A_1702, %broadcast_in_dim3A_2011], %sub3A_2014 : memref<32x64xf32, #tpu.memory_space<vmem>>[vector<16xi32>, vector<16xi32>], vector<16xf32>,
    %add3A_2015 = arith.constant 32 : i32
    %add3A_2016 = vector.broadcast %add3A_2015 : i32 to vector<16xi32>
    %add3A_2017 = arith.addi %broadcast_in_dim3A_2011, %add3A_2016 : vector<16xi32>
    %mul3A_2018 = arith.mulf %gather3A_1977, %add3A_2005 : vector<16xf32>
    %mul3A_2019 = arith.mulf %gather3A_1973, %add3A_2009 : vector<16xf32>
    %add3A_2020 = arith.addf %mul3A_2018, %mul3A_2019 : vector<16xf32>
    tpu.vector_store_idx %arg13[%add3A_1702, %add3A_2017], %add3A_2020 : memref<32x64xf32, #tpu.memory_space<vmem>>[vector<16xi32>, vector<16xi32>], vector<16xf32>,
    %add3A_2021 = arith.constant 6 : i32
    %add3A_2022 = vector.broadcast %add3A_2021 : i32 to vector<16xi32>
    %add3A_2023 = arith.addi %get3A_1706, %add3A_2022 : vector<16xi32>
    %gather3A_2024 = tpu.vector_load_idx %arg9[%add3A_1702, %add3A_2023] : memref<32x128xf32, #tpu.memory_space<vmem>>[vector<16xi32>, vector<16xi32>], vector<16xf32>,
    %add3A_2025 = arith.constant 38 : i32
    %add3A_2026 = vector.broadcast %add3A_2025 : i32 to vector<16xi32>
    %add3A_2027 = arith.addi %get3A_1706, %add3A_2026 : vector<16xi32>
    %gather3A_2028 = tpu.vector_load_idx %arg9[%add3A_1702, %add3A_2027] : memref<32x128xf32, #tpu.memory_space<vmem>>[vector<16xi32>, vector<16xi32>], vector<16xf32>,
    %add3A_2029 = arith.constant 6 : i32
    %add3A_2030 = vector.broadcast %add3A_2029 : i32 to vector<16xi32>
    %add3A_2031 = arith.addi %get3A_1710, %add3A_2030 : vector<16xi32>
    %gather3A_2032 = tpu.vector_load_idx %arg10[%add3A_1702, %add3A_2031] : memref<32x128xf32, #tpu.memory_space<vmem>>[vector<16xi32>, vector<16xi32>], vector<16xf32>,
    %add3A_2033 = arith.constant 38 : i32
    %add3A_2034 = vector.broadcast %add3A_2033 : i32 to vector<16xi32>
    %add3A_2035 = arith.addi %get3A_1710, %add3A_2034 : vector<16xi32>
    %gather3A_2036 = tpu.vector_load_idx %arg10[%add3A_1702, %add3A_2035] : memref<32x128xf32, #tpu.memory_space<vmem>>[vector<16xi32>, vector<16xi32>], vector<16xf32>,
    %add3A_2037 = arith.constant 6 : i32
    %add3A_2038 = vector.broadcast %add3A_2037 : i32 to vector<16xi32>
    %add3A_2039 = arith.addi %get3A_1710, %add3A_2038 : vector<16xi32>
    %gather3A_2040 = tpu.vector_load_idx %arg11[%add3A_1702, %add3A_2039] : memref<32x128xf32, #tpu.memory_space<vmem>>[vector<16xi32>, vector<16xi32>], vector<16xf32>,
    %add3A_2041 = arith.constant 38 : i32
    %add3A_2042 = vector.broadcast %add3A_2041 : i32 to vector<16xi32>
    %add3A_2043 = arith.addi %get3A_1710, %add3A_2042 : vector<16xi32>
    %gather3A_2044 = tpu.vector_load_idx %arg11[%add3A_1702, %add3A_2043] : memref<32x128xf32, #tpu.memory_space<vmem>>[vector<16xi32>, vector<16xi32>], vector<16xf32>,
    %add3A_2045 = arith.constant 6 : i32
    %add3A_2046 = vector.broadcast %add3A_2045 : i32 to vector<16xi32>
    %add3A_2047 = arith.addi %get3A_1714, %add3A_2046 : vector<16xi32>
    %gather3A_2048 = tpu.vector_load_idx %arg12[%add3A_1702, %add3A_2047] : memref<32x128xf32, #tpu.memory_space<vmem>>[vector<16xi32>, vector<16xi32>], vector<16xf32>,
    %add3A_2049 = arith.constant 38 : i32
    %add3A_2050 = vector.broadcast %add3A_2049 : i32 to vector<16xi32>
    %add3A_2051 = arith.addi %get3A_1714, %add3A_2050 : vector<16xi32>
    %gather3A_2052 = tpu.vector_load_idx %arg12[%add3A_1702, %add3A_2051] : memref<32x128xf32, #tpu.memory_space<vmem>>[vector<16xi32>, vector<16xi32>], vector<16xf32>,
    %mul3A_2053 = arith.mulf %gather3A_2032, %gather3A_2048 : vector<16xf32>
    %mul3A_2054 = arith.mulf %gather3A_2036, %gather3A_2052 : vector<16xf32>
    %sub3A_2055 = arith.subf %mul3A_2053, %mul3A_2054 : vector<16xf32>
    %add3A_2056 = arith.addf %sub3A_2055, %gather3A_2040 : vector<16xf32>
    %mul3A_2057 = arith.mulf %gather3A_2032, %gather3A_2052 : vector<16xf32>
    %mul3A_2058 = arith.mulf %gather3A_2036, %gather3A_2048 : vector<16xf32>
    %add3A_2059 = arith.addf %mul3A_2057, %mul3A_2058 : vector<16xf32>
    %add3A_2060 = arith.addf %add3A_2059, %gather3A_2044 : vector<16xf32>
    %broadcast_in_dim3A_2061 = arith.constant 6 : i32
    %broadcast_in_dim3A_2062 = vector.broadcast %broadcast_in_dim3A_2061 : i32 to vector<16xi32>
    %mul3A_2063 = arith.mulf %gather3A_2024, %add3A_2056 : vector<16xf32>
    %mul3A_2064 = arith.mulf %gather3A_2028, %add3A_2060 : vector<16xf32>
    %sub3A_2065 = arith.subf %mul3A_2063, %mul3A_2064 : vector<16xf32>
    tpu.vector_store_idx %arg13[%add3A_1702, %broadcast_in_dim3A_2062], %sub3A_2065 : memref<32x64xf32, #tpu.memory_space<vmem>>[vector<16xi32>, vector<16xi32>], vector<16xf32>,
    %add3A_2066 = arith.constant 32 : i32
    %add3A_2067 = vector.broadcast %add3A_2066 : i32 to vector<16xi32>
    %add3A_2068 = arith.addi %broadcast_in_dim3A_2062, %add3A_2067 : vector<16xi32>
    %mul3A_2069 = arith.mulf %gather3A_2028, %add3A_2056 : vector<16xf32>
    %mul3A_2070 = arith.mulf %gather3A_2024, %add3A_2060 : vector<16xf32>
    %add3A_2071 = arith.addf %mul3A_2069, %mul3A_2070 : vector<16xf32>
    tpu.vector_store_idx %arg13[%add3A_1702, %add3A_2068], %add3A_2071 : memref<32x64xf32, #tpu.memory_space<vmem>>[vector<16xi32>, vector<16xi32>], vector<16xf32>,
    %add3A_2072 = arith.constant 7 : i32
    %add3A_2073 = vector.broadcast %add3A_2072 : i32 to vector<16xi32>
    %add3A_2074 = arith.addi %get3A_1706, %add3A_2073 : vector<16xi32>
    %gather3A_2075 = tpu.vector_load_idx %arg9[%add3A_1702, %add3A_2074] : memref<32x128xf32, #tpu.memory_space<vmem>>[vector<16xi32>, vector<16xi32>], vector<16xf32>,
    %add3A_2076 = arith.constant 39 : i32
    %add3A_2077 = vector.broadcast %add3A_2076 : i32 to vector<16xi32>
    %add3A_2078 = arith.addi %get3A_1706, %add3A_2077 : vector<16xi32>
    %gather3A_2079 = tpu.vector_load_idx %arg9[%add3A_1702, %add3A_2078] : memref<32x128xf32, #tpu.memory_space<vmem>>[vector<16xi32>, vector<16xi32>], vector<16xf32>,
    %add3A_2080 = arith.constant 7 : i32
    %add3A_2081 = vector.broadcast %add3A_2080 : i32 to vector<16xi32>
    %add3A_2082 = arith.addi %get3A_1710, %add3A_2081 : vector<16xi32>
    %gather3A_2083 = tpu.vector_load_idx %arg10[%add3A_1702, %add3A_2082] : memref<32x128xf32, #tpu.memory_space<vmem>>[vector<16xi32>, vector<16xi32>], vector<16xf32>,
    %add3A_2084 = arith.constant 39 : i32
    %add3A_2085 = vector.broadcast %add3A_2084 : i32 to vector<16xi32>
    %add3A_2086 = arith.addi %get3A_1710, %add3A_2085 : vector<16xi32>
    %gather3A_2087 = tpu.vector_load_idx %arg10[%add3A_1702, %add3A_2086] : memref<32x128xf32, #tpu.memory_space<vmem>>[vector<16xi32>, vector<16xi32>], vector<16xf32>,
    %add3A_2088 = arith.constant 7 : i32
    %add3A_2089 = vector.broadcast %add3A_2088 : i32 to vector<16xi32>
    %add3A_2090 = arith.addi %get3A_1710, %add3A_2089 : vector<16xi32>
    %gather3A_2091 = tpu.vector_load_idx %arg11[%add3A_1702, %add3A_2090] : memref<32x128xf32, #tpu.memory_space<vmem>>[vector<16xi32>, vector<16xi32>], vector<16xf32>,
    %add3A_2092 = arith.constant 39 : i32
    %add3A_2093 = vector.broadcast %add3A_2092 : i32 to vector<16xi32>
    %add3A_2094 = arith.addi %get3A_1710, %add3A_2093 : vector<16xi32>
    %gather3A_2095 = tpu.vector_load_idx %arg11[%add3A_1702, %add3A_2094] : memref<32x128xf32, #tpu.memory_space<vmem>>[vector<16xi32>, vector<16xi32>], vector<16xf32>,
    %add3A_2096 = arith.constant 7 : i32
    %add3A_2097 = vector.broadcast %add3A_2096 : i32 to vector<16xi32>
    %add3A_2098 = arith.addi %get3A_1714, %add3A_2097 : vector<16xi32>
    %gather3A_2099 = tpu.vector_load_idx %arg12[%add3A_1702, %add3A_2098] : memref<32x128xf32, #tpu.memory_space<vmem>>[vector<16xi32>, vector<16xi32>], vector<16xf32>,
    %add3A_2100 = arith.constant 39 : i32
    %add3A_2101 = vector.broadcast %add3A_2100 : i32 to vector<16xi32>
    %add3A_2102 = arith.addi %get3A_1714, %add3A_2101 : vector<16xi32>
    %gather3A_2103 = tpu.vector_load_idx %arg12[%add3A_1702, %add3A_2102] : memref<32x128xf32, #tpu.memory_space<vmem>>[vector<16xi32>, vector<16xi32>], vector<16xf32>,
    %mul3A_2104 = arith.mulf %gather3A_2083, %gather3A_2099 : vector<16xf32>
    %mul3A_2105 = arith.mulf %gather3A_2087, %gather3A_2103 : vector<16xf32>
    %sub3A_2106 = arith.subf %mul3A_2104, %mul3A_2105 : vector<16xf32>
    %add3A_2107 = arith.addf %sub3A_2106, %gather3A_2091 : vector<16xf32>
    %mul3A_2108 = arith.mulf %gather3A_2083, %gather3A_2103 : vector<16xf32>
    %mul3A_2109 = arith.mulf %gather3A_2087, %gather3A_2099 : vector<16xf32>
    %add3A_2110 = arith.addf %mul3A_2108, %mul3A_2109 : vector<16xf32>
    %add3A_2111 = arith.addf %add3A_2110, %gather3A_2095 : vector<16xf32>
    %broadcast_in_dim3A_2112 = arith.constant 7 : i32
    %broadcast_in_dim3A_2113 = vector.broadcast %broadcast_in_dim3A_2112 : i32 to vector<16xi32>
    %mul3A_2114 = arith.mulf %gather3A_2075, %add3A_2107 : vector<16xf32>
    %mul3A_2115 = arith.mulf %gather3A_2079, %add3A_2111 : vector<16xf32>
    %sub3A_2116 = arith.subf %mul3A_2114, %mul3A_2115 : vector<16xf32>
    tpu.vector_store_idx %arg13[%add3A_1702, %broadcast_in_dim3A_2113], %sub3A_2116 : memref<32x64xf32, #tpu.memory_space<vmem>>[vector<16xi32>, vector<16xi32>], vector<16xf32>,
    %add3A_2117 = arith.constant 32 : i32
    %add3A_2118 = vector.broadcast %add3A_2117 : i32 to vector<16xi32>
    %add3A_2119 = arith.addi %broadcast_in_dim3A_2113, %add3A_2118 : vector<16xi32>
    %mul3A_2120 = arith.mulf %gather3A_2079, %add3A_2107 : vector<16xf32>
    %mul3A_2121 = arith.mulf %gather3A_2075, %add3A_2111 : vector<16xf32>
    %add3A_2122 = arith.addf %mul3A_2120, %mul3A_2121 : vector<16xf32>
    tpu.vector_store_idx %arg13[%add3A_1702, %add3A_2119], %add3A_2122 : memref<32x64xf32, #tpu.memory_space<vmem>>[vector<16xi32>, vector<16xi32>], vector<16xf32>,
    %add3A_2123 = arith.constant 8 : i32
    %add3A_2124 = vector.broadcast %add3A_2123 : i32 to vector<16xi32>
    %add3A_2125 = arith.addi %get3A_1706, %add3A_2124 : vector<16xi32>
    %gather3A_2126 = tpu.vector_load_idx %arg9[%add3A_1702, %add3A_2125] : memref<32x128xf32, #tpu.memory_space<vmem>>[vector<16xi32>, vector<16xi32>], vector<16xf32>,
    %add3A_2127 = arith.constant 40 : i32
    %add3A_2128 = vector.broadcast %add3A_2127 : i32 to vector<16xi32>
    %add3A_2129 = arith.addi %get3A_1706, %add3A_2128 : vector<16xi32>
    %gather3A_2130 = tpu.vector_load_idx %arg9[%add3A_1702, %add3A_2129] : memref<32x128xf32, #tpu.memory_space<vmem>>[vector<16xi32>, vector<16xi32>], vector<16xf32>,
    %add3A_2131 = arith.constant 8 : i32
    %add3A_2132 = vector.broadcast %add3A_2131 : i32 to vector<16xi32>
    %add3A_2133 = arith.addi %get3A_1710, %add3A_2132 : vector<16xi32>
    %gather3A_2134 = tpu.vector_load_idx %arg10[%add3A_1702, %add3A_2133] : memref<32x128xf32, #tpu.memory_space<vmem>>[vector<16xi32>, vector<16xi32>], vector<16xf32>,
    %add3A_2135 = arith.constant 40 : i32
    %add3A_2136 = vector.broadcast %add3A_2135 : i32 to vector<16xi32>
    %add3A_2137 = arith.addi %get3A_1710, %add3A_2136 : vector<16xi32>
    %gather3A_2138 = tpu.vector_load_idx %arg10[%add3A_1702, %add3A_2137] : memref<32x128xf32, #tpu.memory_space<vmem>>[vector<16xi32>, vector<16xi32>], vector<16xf32>,
    %add3A_2139 = arith.constant 8 : i32
    %add3A_2140 = vector.broadcast %add3A_2139 : i32 to vector<16xi32>
    %add3A_2141 = arith.addi %get3A_1710, %add3A_2140 : vector<16xi32>
    %gather3A_2142 = tpu.vector_load_idx %arg11[%add3A_1702, %add3A_2141] : memref<32x128xf32, #tpu.memory_space<vmem>>[vector<16xi32>, vector<16xi32>], vector<16xf32>,
    %add3A_2143 = arith.constant 40 : i32
    %add3A_2144 = vector.broadcast %add3A_2143 : i32 to vector<16xi32>
    %add3A_2145 = arith.addi %get3A_1710, %add3A_2144 : vector<16xi32>
    %gather3A_2146 = tpu.vector_load_idx %arg11[%add3A_1702, %add3A_2145] : memref<32x128xf32, #tpu.memory_space<vmem>>[vector<16xi32>, vector<16xi32>], vector<16xf32>,
    %add3A_2147 = arith.constant 8 : i32
    %add3A_2148 = vector.broadcast %add3A_2147 : i32 to vector<16xi32>
    %add3A_2149 = arith.addi %get3A_1714, %add3A_2148 : vector<16xi32>
    %gather3A_2150 = tpu.vector_load_idx %arg12[%add3A_1702, %add3A_2149] : memref<32x128xf32, #tpu.memory_space<vmem>>[vector<16xi32>, vector<16xi32>], vector<16xf32>,
    %add3A_2151 = arith.constant 40 : i32
    %add3A_2152 = vector.broadcast %add3A_2151 : i32 to vector<16xi32>
    %add3A_2153 = arith.addi %get3A_1714, %add3A_2152 : vector<16xi32>
    %gather3A_2154 = tpu.vector_load_idx %arg12[%add3A_1702, %add3A_2153] : memref<32x128xf32, #tpu.memory_space<vmem>>[vector<16xi32>, vector<16xi32>], vector<16xf32>,
    %mul3A_2155 = arith.mulf %gather3A_2134, %gather3A_2150 : vector<16xf32>
    %mul3A_2156 = arith.mulf %gather3A_2138, %gather3A_2154 : vector<16xf32>
    %sub3A_2157 = arith.subf %mul3A_2155, %mul3A_2156 : vector<16xf32>
    %add3A_2158 = arith.addf %sub3A_2157, %gather3A_2142 : vector<16xf32>
    %mul3A_2159 = arith.mulf %gather3A_2134, %gather3A_2154 : vector<16xf32>
    %mul3A_2160 = arith.mulf %gather3A_2138, %gather3A_2150 : vector<16xf32>
    %add3A_2161 = arith.addf %mul3A_2159, %mul3A_2160 : vector<16xf32>
    %add3A_2162 = arith.addf %add3A_2161, %gather3A_2146 : vector<16xf32>
    %broadcast_in_dim3A_2163 = arith.constant 8 : i32
    %broadcast_in_dim3A_2164 = vector.broadcast %broadcast_in_dim3A_2163 : i32 to vector<16xi32>
    %mul3A_2165 = arith.mulf %gather3A_2126, %add3A_2158 : vector<16xf32>
    %mul3A_2166 = arith.mulf %gather3A_2130, %add3A_2162 : vector<16xf32>
    %sub3A_2167 = arith.subf %mul3A_2165, %mul3A_2166 : vector<16xf32>
    tpu.vector_store_idx %arg13[%add3A_1702, %broadcast_in_dim3A_2164], %sub3A_2167 : memref<32x64xf32, #tpu.memory_space<vmem>>[vector<16xi32>, vector<16xi32>], vector<16xf32>,
    %add3A_2168 = arith.constant 32 : i32
    %add3A_2169 = vector.broadcast %add3A_2168 : i32 to vector<16xi32>
    %add3A_2170 = arith.addi %broadcast_in_dim3A_2164, %add3A_2169 : vector<16xi32>
    %mul3A_2171 = arith.mulf %gather3A_2130, %add3A_2158 : vector<16xf32>
    %mul3A_2172 = arith.mulf %gather3A_2126, %add3A_2162 : vector<16xf32>
    %add3A_2173 = arith.addf %mul3A_2171, %mul3A_2172 : vector<16xf32>
    tpu.vector_store_idx %arg13[%add3A_1702, %add3A_2170], %add3A_2173 : memref<32x64xf32, #tpu.memory_space<vmem>>[vector<16xi32>, vector<16xi32>], vector<16xf32>,
    %add3A_2174 = arith.constant 9 : i32
    %add3A_2175 = vector.broadcast %add3A_2174 : i32 to vector<16xi32>
    %add3A_2176 = arith.addi %get3A_1706, %add3A_2175 : vector<16xi32>
    %gather3A_2177 = tpu.vector_load_idx %arg9[%add3A_1702, %add3A_2176] : memref<32x128xf32, #tpu.memory_space<vmem>>[vector<16xi32>, vector<16xi32>], vector<16xf32>,
    %add3A_2178 = arith.constant 41 : i32
    %add3A_2179 = vector.broadcast %add3A_2178 : i32 to vector<16xi32>
    %add3A_2180 = arith.addi %get3A_1706, %add3A_2179 : vector<16xi32>
    %gather3A_2181 = tpu.vector_load_idx %arg9[%add3A_1702, %add3A_2180] : memref<32x128xf32, #tpu.memory_space<vmem>>[vector<16xi32>, vector<16xi32>], vector<16xf32>,
    %add3A_2182 = arith.constant 9 : i32
    %add3A_2183 = vector.broadcast %add3A_2182 : i32 to vector<16xi32>
    %add3A_2184 = arith.addi %get3A_1710, %add3A_2183 : vector<16xi32>
    %gather3A_2185 = tpu.vector_load_idx %arg10[%add3A_1702, %add3A_2184] : memref<32x128xf32, #tpu.memory_space<vmem>>[vector<16xi32>, vector<16xi32>], vector<16xf32>,
    %add3A_2186 = arith.constant 41 : i32
    %add3A_2187 = vector.broadcast %add3A_2186 : i32 to vector<16xi32>
    %add3A_2188 = arith.addi %get3A_1710, %add3A_2187 : vector<16xi32>
    %gather3A_2189 = tpu.vector_load_idx %arg10[%add3A_1702, %add3A_2188] : memref<32x128xf32, #tpu.memory_space<vmem>>[vector<16xi32>, vector<16xi32>], vector<16xf32>,
    %add3A_2190 = arith.constant 9 : i32
    %add3A_2191 = vector.broadcast %add3A_2190 : i32 to vector<16xi32>
    %add3A_2192 = arith.addi %get3A_1710, %add3A_2191 : vector<16xi32>
    %gather3A_2193 = tpu.vector_load_idx %arg11[%add3A_1702, %add3A_2192] : memref<32x128xf32, #tpu.memory_space<vmem>>[vector<16xi32>, vector<16xi32>], vector<16xf32>,
    %add3A_2194 = arith.constant 41 : i32
    %add3A_2195 = vector.broadcast %add3A_2194 : i32 to vector<16xi32>
    %add3A_2196 = arith.addi %get3A_1710, %add3A_2195 : vector<16xi32>
    %gather3A_2197 = tpu.vector_load_idx %arg11[%add3A_1702, %add3A_2196] : memref<32x128xf32, #tpu.memory_space<vmem>>[vector<16xi32>, vector<16xi32>], vector<16xf32>,
    %add3A_2198 = arith.constant 9 : i32
    %add3A_2199 = vector.broadcast %add3A_2198 : i32 to vector<16xi32>
    %add3A_2200 = arith.addi %get3A_1714, %add3A_2199 : vector<16xi32>
    %gather3A_2201 = tpu.vector_load_idx %arg12[%add3A_1702, %add3A_2200] : memref<32x128xf32, #tpu.memory_space<vmem>>[vector<16xi32>, vector<16xi32>], vector<16xf32>,
    %add3A_2202 = arith.constant 41 : i32
    %add3A_2203 = vector.broadcast %add3A_2202 : i32 to vector<16xi32>
    %add3A_2204 = arith.addi %get3A_1714, %add3A_2203 : vector<16xi32>
    %gather3A_2205 = tpu.vector_load_idx %arg12[%add3A_1702, %add3A_2204] : memref<32x128xf32, #tpu.memory_space<vmem>>[vector<16xi32>, vector<16xi32>], vector<16xf32>,
    %mul3A_2206 = arith.mulf %gather3A_2185, %gather3A_2201 : vector<16xf32>
    %mul3A_2207 = arith.mulf %gather3A_2189, %gather3A_2205 : vector<16xf32>
    %sub3A_2208 = arith.subf %mul3A_2206, %mul3A_2207 : vector<16xf32>
    %add3A_2209 = arith.addf %sub3A_2208, %gather3A_2193 : vector<16xf32>
    %mul3A_2210 = arith.mulf %gather3A_2185, %gather3A_2205 : vector<16xf32>
    %mul3A_2211 = arith.mulf %gather3A_2189, %gather3A_2201 : vector<16xf32>
    %add3A_2212 = arith.addf %mul3A_2210, %mul3A_2211 : vector<16xf32>
    %add3A_2213 = arith.addf %add3A_2212, %gather3A_2197 : vector<16xf32>
    %broadcast_in_dim3A_2214 = arith.constant 9 : i32
    %broadcast_in_dim3A_2215 = vector.broadcast %broadcast_in_dim3A_2214 : i32 to vector<16xi32>
    %mul3A_2216 = arith.mulf %gather3A_2177, %add3A_2209 : vector<16xf32>
    %mul3A_2217 = arith.mulf %gather3A_2181, %add3A_2213 : vector<16xf32>
    %sub3A_2218 = arith.subf %mul3A_2216, %mul3A_2217 : vector<16xf32>
    tpu.vector_store_idx %arg13[%add3A_1702, %broadcast_in_dim3A_2215], %sub3A_2218 : memref<32x64xf32, #tpu.memory_space<vmem>>[vector<16xi32>, vector<16xi32>], vector<16xf32>,
    %add3A_2219 = arith.constant 32 : i32
    %add3A_2220 = vector.broadcast %add3A_2219 : i32 to vector<16xi32>
    %add3A_2221 = arith.addi %broadcast_in_dim3A_2215, %add3A_2220 : vector<16xi32>
    %mul3A_2222 = arith.mulf %gather3A_2181, %add3A_2209 : vector<16xf32>
    %mul3A_2223 = arith.mulf %gather3A_2177, %add3A_2213 : vector<16xf32>
    %add3A_2224 = arith.addf %mul3A_2222, %mul3A_2223 : vector<16xf32>
    tpu.vector_store_idx %arg13[%add3A_1702, %add3A_2221], %add3A_2224 : memref<32x64xf32, #tpu.memory_space<vmem>>[vector<16xi32>, vector<16xi32>], vector<16xf32>,
    %add3A_2225 = arith.constant 10 : i32
    %add3A_2226 = vector.broadcast %add3A_2225 : i32 to vector<16xi32>
    %add3A_2227 = arith.addi %get3A_1706, %add3A_2226 : vector<16xi32>
    %gather3A_2228 = tpu.vector_load_idx %arg9[%add3A_1702, %add3A_2227] : memref<32x128xf32, #tpu.memory_space<vmem>>[vector<16xi32>, vector<16xi32>], vector<16xf32>,
    %add3A_2229 = arith.constant 42 : i32
    %add3A_2230 = vector.broadcast %add3A_2229 : i32 to vector<16xi32>
    %add3A_2231 = arith.addi %get3A_1706, %add3A_2230 : vector<16xi32>
    %gather3A_2232 = tpu.vector_load_idx %arg9[%add3A_1702, %add3A_2231] : memref<32x128xf32, #tpu.memory_space<vmem>>[vector<16xi32>, vector<16xi32>], vector<16xf32>,
    %add3A_2233 = arith.constant 10 : i32
    %add3A_2234 = vector.broadcast %add3A_2233 : i32 to vector<16xi32>
    %add3A_2235 = arith.addi %get3A_1710, %add3A_2234 : vector<16xi32>
    %gather3A_2236 = tpu.vector_load_idx %arg10[%add3A_1702, %add3A_2235] : memref<32x128xf32, #tpu.memory_space<vmem>>[vector<16xi32>, vector<16xi32>], vector<16xf32>,
    %add3A_2237 = arith.constant 42 : i32
    %add3A_2238 = vector.broadcast %add3A_2237 : i32 to vector<16xi32>
    %add3A_2239 = arith.addi %get3A_1710, %add3A_2238 : vector<16xi32>
    %gather3A_2240 = tpu.vector_load_idx %arg10[%add3A_1702, %add3A_2239] : memref<32x128xf32, #tpu.memory_space<vmem>>[vector<16xi32>, vector<16xi32>], vector<16xf32>,
    %add3A_2241 = arith.constant 10 : i32
    %add3A_2242 = vector.broadcast %add3A_2241 : i32 to vector<16xi32>
    %add3A_2243 = arith.addi %get3A_1710, %add3A_2242 : vector<16xi32>
    %gather3A_2244 = tpu.vector_load_idx %arg11[%add3A_1702, %add3A_2243] : memref<32x128xf32, #tpu.memory_space<vmem>>[vector<16xi32>, vector<16xi32>], vector<16xf32>,
    %add3A_2245 = arith.constant 42 : i32
    %add3A_2246 = vector.broadcast %add3A_2245 : i32 to vector<16xi32>
    %add3A_2247 = arith.addi %get3A_1710, %add3A_2246 : vector<16xi32>
    %gather3A_2248 = tpu.vector_load_idx %arg11[%add3A_1702, %add3A_2247] : memref<32x128xf32, #tpu.memory_space<vmem>>[vector<16xi32>, vector<16xi32>], vector<16xf32>,
    %add3A_2249 = arith.constant 10 : i32
    %add3A_2250 = vector.broadcast %add3A_2249 : i32 to vector<16xi32>
    %add3A_2251 = arith.addi %get3A_1714, %add3A_2250 : vector<16xi32>
    %gather3A_2252 = tpu.vector_load_idx %arg12[%add3A_1702, %add3A_2251] : memref<32x128xf32, #tpu.memory_space<vmem>>[vector<16xi32>, vector<16xi32>], vector<16xf32>,
    %add3A_2253 = arith.constant 42 : i32
    %add3A_2254 = vector.broadcast %add3A_2253 : i32 to vector<16xi32>
    %add3A_2255 = arith.addi %get3A_1714, %add3A_2254 : vector<16xi32>
    %gather3A_2256 = tpu.vector_load_idx %arg12[%add3A_1702, %add3A_2255] : memref<32x128xf32, #tpu.memory_space<vmem>>[vector<16xi32>, vector<16xi32>], vector<16xf32>,
    %mul3A_2257 = arith.mulf %gather3A_2236, %gather3A_2252 : vector<16xf32>
    %mul3A_2258 = arith.mulf %gather3A_2240, %gather3A_2256 : vector<16xf32>
    %sub3A_2259 = arith.subf %mul3A_2257, %mul3A_2258 : vector<16xf32>
    %add3A_2260 = arith.addf %sub3A_2259, %gather3A_2244 : vector<16xf32>
    %mul3A_2261 = arith.mulf %gather3A_2236, %gather3A_2256 : vector<16xf32>
    %mul3A_2262 = arith.mulf %gather3A_2240, %gather3A_2252 : vector<16xf32>
    %add3A_2263 = arith.addf %mul3A_2261, %mul3A_2262 : vector<16xf32>
    %add3A_2264 = arith.addf %add3A_2263, %gather3A_2248 : vector<16xf32>
    %broadcast_in_dim3A_2265 = arith.constant 10 : i32
    %broadcast_in_dim3A_2266 = vector.broadcast %broadcast_in_dim3A_2265 : i32 to vector<16xi32>
    %mul3A_2267 = arith.mulf %gather3A_2228, %add3A_2260 : vector<16xf32>
    %mul3A_2268 = arith.mulf %gather3A_2232, %add3A_2264 : vector<16xf32>
    %sub3A_2269 = arith.subf %mul3A_2267, %mul3A_2268 : vector<16xf32>
    tpu.vector_store_idx %arg13[%add3A_1702, %broadcast_in_dim3A_2266], %sub3A_2269 : memref<32x64xf32, #tpu.memory_space<vmem>>[vector<16xi32>, vector<16xi32>], vector<16xf32>,
    %add3A_2270 = arith.constant 32 : i32
    %add3A_2271 = vector.broadcast %add3A_2270 : i32 to vector<16xi32>
    %add3A_2272 = arith.addi %broadcast_in_dim3A_2266, %add3A_2271 : vector<16xi32>
    %mul3A_2273 = arith.mulf %gather3A_2232, %add3A_2260 : vector<16xf32>
    %mul3A_2274 = arith.mulf %gather3A_2228, %add3A_2264 : vector<16xf32>
    %add3A_2275 = arith.addf %mul3A_2273, %mul3A_2274 : vector<16xf32>
    tpu.vector_store_idx %arg13[%add3A_1702, %add3A_2272], %add3A_2275 : memref<32x64xf32, #tpu.memory_space<vmem>>[vector<16xi32>, vector<16xi32>], vector<16xf32>,
    %add3A_2276 = arith.constant 11 : i32
    %add3A_2277 = vector.broadcast %add3A_2276 : i32 to vector<16xi32>
    %add3A_2278 = arith.addi %get3A_1706, %add3A_2277 : vector<16xi32>
    %gather3A_2279 = tpu.vector_load_idx %arg9[%add3A_1702, %add3A_2278] : memref<32x128xf32, #tpu.memory_space<vmem>>[vector<16xi32>, vector<16xi32>], vector<16xf32>,
    %add3A_2280 = arith.constant 43 : i32
    %add3A_2281 = vector.broadcast %add3A_2280 : i32 to vector<16xi32>
    %add3A_2282 = arith.addi %get3A_1706, %add3A_2281 : vector<16xi32>
    %gather3A_2283 = tpu.vector_load_idx %arg9[%add3A_1702, %add3A_2282] : memref<32x128xf32, #tpu.memory_space<vmem>>[vector<16xi32>, vector<16xi32>], vector<16xf32>,
    %add3A_2284 = arith.constant 11 : i32
    %add3A_2285 = vector.broadcast %add3A_2284 : i32 to vector<16xi32>
    %add3A_2286 = arith.addi %get3A_1710, %add3A_2285 : vector<16xi32>
    %gather3A_2287 = tpu.vector_load_idx %arg10[%add3A_1702, %add3A_2286] : memref<32x128xf32, #tpu.memory_space<vmem>>[vector<16xi32>, vector<16xi32>], vector<16xf32>,
    %add3A_2288 = arith.constant 43 : i32
    %add3A_2289 = vector.broadcast %add3A_2288 : i32 to vector<16xi32>
    %add3A_2290 = arith.addi %get3A_1710, %add3A_2289 : vector<16xi32>
    %gather3A_2291 = tpu.vector_load_idx %arg10[%add3A_1702, %add3A_2290] : memref<32x128xf32, #tpu.memory_space<vmem>>[vector<16xi32>, vector<16xi32>], vector<16xf32>,
    %add3A_2292 = arith.constant 11 : i32
    %add3A_2293 = vector.broadcast %add3A_2292 : i32 to vector<16xi32>
    %add3A_2294 = arith.addi %get3A_1710, %add3A_2293 : vector<16xi32>
    %gather3A_2295 = tpu.vector_load_idx %arg11[%add3A_1702, %add3A_2294] : memref<32x128xf32, #tpu.memory_space<vmem>>[vector<16xi32>, vector<16xi32>], vector<16xf32>,
    %add3A_2296 = arith.constant 43 : i32
    %add3A_2297 = vector.broadcast %add3A_2296 : i32 to vector<16xi32>
    %add3A_2298 = arith.addi %get3A_1710, %add3A_2297 : vector<16xi32>
    %gather3A_2299 = tpu.vector_load_idx %arg11[%add3A_1702, %add3A_2298] : memref<32x128xf32, #tpu.memory_space<vmem>>[vector<16xi32>, vector<16xi32>], vector<16xf32>,
    %add3A_2300 = arith.constant 11 : i32
    %add3A_2301 = vector.broadcast %add3A_2300 : i32 to vector<16xi32>
    %add3A_2302 = arith.addi %get3A_1714, %add3A_2301 : vector<16xi32>
    %gather3A_2303 = tpu.vector_load_idx %arg12[%add3A_1702, %add3A_2302] : memref<32x128xf32, #tpu.memory_space<vmem>>[vector<16xi32>, vector<16xi32>], vector<16xf32>,
    %add3A_2304 = arith.constant 43 : i32
    %add3A_2305 = vector.broadcast %add3A_2304 : i32 to vector<16xi32>
    %add3A_2306 = arith.addi %get3A_1714, %add3A_2305 : vector<16xi32>
    %gather3A_2307 = tpu.vector_load_idx %arg12[%add3A_1702, %add3A_2306] : memref<32x128xf32, #tpu.memory_space<vmem>>[vector<16xi32>, vector<16xi32>], vector<16xf32>,
    %mul3A_2308 = arith.mulf %gather3A_2287, %gather3A_2303 : vector<16xf32>
    %mul3A_2309 = arith.mulf %gather3A_2291, %gather3A_2307 : vector<16xf32>
    %sub3A_2310 = arith.subf %mul3A_2308, %mul3A_2309 : vector<16xf32>
    %add3A_2311 = arith.addf %sub3A_2310, %gather3A_2295 : vector<16xf32>
    %mul3A_2312 = arith.mulf %gather3A_2287, %gather3A_2307 : vector<16xf32>
    %mul3A_2313 = arith.mulf %gather3A_2291, %gather3A_2303 : vector<16xf32>
    %add3A_2314 = arith.addf %mul3A_2312, %mul3A_2313 : vector<16xf32>
    %add3A_2315 = arith.addf %add3A_2314, %gather3A_2299 : vector<16xf32>
    %broadcast_in_dim3A_2316 = arith.constant 11 : i32
    %broadcast_in_dim3A_2317 = vector.broadcast %broadcast_in_dim3A_2316 : i32 to vector<16xi32>
    %mul3A_2318 = arith.mulf %gather3A_2279, %add3A_2311 : vector<16xf32>
    %mul3A_2319 = arith.mulf %gather3A_2283, %add3A_2315 : vector<16xf32>
    %sub3A_2320 = arith.subf %mul3A_2318, %mul3A_2319 : vector<16xf32>
    tpu.vector_store_idx %arg13[%add3A_1702, %broadcast_in_dim3A_2317], %sub3A_2320 : memref<32x64xf32, #tpu.memory_space<vmem>>[vector<16xi32>, vector<16xi32>], vector<16xf32>,
    %add3A_2321 = arith.constant 32 : i32
    %add3A_2322 = vector.broadcast %add3A_2321 : i32 to vector<16xi32>
    %add3A_2323 = arith.addi %broadcast_in_dim3A_2317, %add3A_2322 : vector<16xi32>
    %mul3A_2324 = arith.mulf %gather3A_2283, %add3A_2311 : vector<16xf32>
    %mul3A_2325 = arith.mulf %gather3A_2279, %add3A_2315 : vector<16xf32>
    %add3A_2326 = arith.addf %mul3A_2324, %mul3A_2325 : vector<16xf32>
    tpu.vector_store_idx %arg13[%add3A_1702, %add3A_2323], %add3A_2326 : memref<32x64xf32, #tpu.memory_space<vmem>>[vector<16xi32>, vector<16xi32>], vector<16xf32>,
    %add3A_2327 = arith.constant 12 : i32
    %add3A_2328 = vector.broadcast %add3A_2327 : i32 to vector<16xi32>
    %add3A_2329 = arith.addi %get3A_1706, %add3A_2328 : vector<16xi32>
    %gather3A_2330 = tpu.vector_load_idx %arg9[%add3A_1702, %add3A_2329] : memref<32x128xf32, #tpu.memory_space<vmem>>[vector<16xi32>, vector<16xi32>], vector<16xf32>,
    %add3A_2331 = arith.constant 44 : i32
    %add3A_2332 = vector.broadcast %add3A_2331 : i32 to vector<16xi32>
    %add3A_2333 = arith.addi %get3A_1706, %add3A_2332 : vector<16xi32>
    %gather3A_2334 = tpu.vector_load_idx %arg9[%add3A_1702, %add3A_2333] : memref<32x128xf32, #tpu.memory_space<vmem>>[vector<16xi32>, vector<16xi32>], vector<16xf32>,
    %add3A_2335 = arith.constant 12 : i32
    %add3A_2336 = vector.broadcast %add3A_2335 : i32 to vector<16xi32>
    %add3A_2337 = arith.addi %get3A_1710, %add3A_2336 : vector<16xi32>
    %gather3A_2338 = tpu.vector_load_idx %arg10[%add3A_1702, %add3A_2337] : memref<32x128xf32, #tpu.memory_space<vmem>>[vector<16xi32>, vector<16xi32>], vector<16xf32>,
    %add3A_2339 = arith.constant 44 : i32
    %add3A_2340 = vector.broadcast %add3A_2339 : i32 to vector<16xi32>
    %add3A_2341 = arith.addi %get3A_1710, %add3A_2340 : vector<16xi32>
    %gather3A_2342 = tpu.vector_load_idx %arg10[%add3A_1702, %add3A_2341] : memref<32x128xf32, #tpu.memory_space<vmem>>[vector<16xi32>, vector<16xi32>], vector<16xf32>,
    %add3A_2343 = arith.constant 12 : i32
    %add3A_2344 = vector.broadcast %add3A_2343 : i32 to vector<16xi32>
    %add3A_2345 = arith.addi %get3A_1710, %add3A_2344 : vector<16xi32>
    %gather3A_2346 = tpu.vector_load_idx %arg11[%add3A_1702, %add3A_2345] : memref<32x128xf32, #tpu.memory_space<vmem>>[vector<16xi32>, vector<16xi32>], vector<16xf32>,
    %add3A_2347 = arith.constant 44 : i32
    %add3A_2348 = vector.broadcast %add3A_2347 : i32 to vector<16xi32>
    %add3A_2349 = arith.addi %get3A_1710, %add3A_2348 : vector<16xi32>
    %gather3A_2350 = tpu.vector_load_idx %arg11[%add3A_1702, %add3A_2349] : memref<32x128xf32, #tpu.memory_space<vmem>>[vector<16xi32>, vector<16xi32>], vector<16xf32>,
    %add3A_2351 = arith.constant 12 : i32
    %add3A_2352 = vector.broadcast %add3A_2351 : i32 to vector<16xi32>
    %add3A_2353 = arith.addi %get3A_1714, %add3A_2352 : vector<16xi32>
    %gather3A_2354 = tpu.vector_load_idx %arg12[%add3A_1702, %add3A_2353] : memref<32x128xf32, #tpu.memory_space<vmem>>[vector<16xi32>, vector<16xi32>], vector<16xf32>,
    %add3A_2355 = arith.constant 44 : i32
    %add3A_2356 = vector.broadcast %add3A_2355 : i32 to vector<16xi32>
    %add3A_2357 = arith.addi %get3A_1714, %add3A_2356 : vector<16xi32>
    %gather3A_2358 = tpu.vector_load_idx %arg12[%add3A_1702, %add3A_2357] : memref<32x128xf32, #tpu.memory_space<vmem>>[vector<16xi32>, vector<16xi32>], vector<16xf32>,
    %mul3A_2359 = arith.mulf %gather3A_2338, %gather3A_2354 : vector<16xf32>
    %mul3A_2360 = arith.mulf %gather3A_2342, %gather3A_2358 : vector<16xf32>
    %sub3A_2361 = arith.subf %mul3A_2359, %mul3A_2360 : vector<16xf32>
    %add3A_2362 = arith.addf %sub3A_2361, %gather3A_2346 : vector<16xf32>
    %mul3A_2363 = arith.mulf %gather3A_2338, %gather3A_2358 : vector<16xf32>
    %mul3A_2364 = arith.mulf %gather3A_2342, %gather3A_2354 : vector<16xf32>
    %add3A_2365 = arith.addf %mul3A_2363, %mul3A_2364 : vector<16xf32>
    %add3A_2366 = arith.addf %add3A_2365, %gather3A_2350 : vector<16xf32>
    %broadcast_in_dim3A_2367 = arith.constant 12 : i32
    %broadcast_in_dim3A_2368 = vector.broadcast %broadcast_in_dim3A_2367 : i32 to vector<16xi32>
    %mul3A_2369 = arith.mulf %gather3A_2330, %add3A_2362 : vector<16xf32>
    %mul3A_2370 = arith.mulf %gather3A_2334, %add3A_2366 : vector<16xf32>
    %sub3A_2371 = arith.subf %mul3A_2369, %mul3A_2370 : vector<16xf32>
    tpu.vector_store_idx %arg13[%add3A_1702, %broadcast_in_dim3A_2368], %sub3A_2371 : memref<32x64xf32, #tpu.memory_space<vmem>>[vector<16xi32>, vector<16xi32>], vector<16xf32>,
    %add3A_2372 = arith.constant 32 : i32
    %add3A_2373 = vector.broadcast %add3A_2372 : i32 to vector<16xi32>
    %add3A_2374 = arith.addi %broadcast_in_dim3A_2368, %add3A_2373 : vector<16xi32>
    %mul3A_2375 = arith.mulf %gather3A_2334, %add3A_2362 : vector<16xf32>
    %mul3A_2376 = arith.mulf %gather3A_2330, %add3A_2366 : vector<16xf32>
    %add3A_2377 = arith.addf %mul3A_2375, %mul3A_2376 : vector<16xf32>
    tpu.vector_store_idx %arg13[%add3A_1702, %add3A_2374], %add3A_2377 : memref<32x64xf32, #tpu.memory_space<vmem>>[vector<16xi32>, vector<16xi32>], vector<16xf32>,
    %add3A_2378 = arith.constant 13 : i32
    %add3A_2379 = vector.broadcast %add3A_2378 : i32 to vector<16xi32>
    %add3A_2380 = arith.addi %get3A_1706, %add3A_2379 : vector<16xi32>
    %gather3A_2381 = tpu.vector_load_idx %arg9[%add3A_1702, %add3A_2380] : memref<32x128xf32, #tpu.memory_space<vmem>>[vector<16xi32>, vector<16xi32>], vector<16xf32>,
    %add3A_2382 = arith.constant 45 : i32
    %add3A_2383 = vector.broadcast %add3A_2382 : i32 to vector<16xi32>
    %add3A_2384 = arith.addi %get3A_1706, %add3A_2383 : vector<16xi32>
    %gather3A_2385 = tpu.vector_load_idx %arg9[%add3A_1702, %add3A_2384] : memref<32x128xf32, #tpu.memory_space<vmem>>[vector<16xi32>, vector<16xi32>], vector<16xf32>,
    %add3A_2386 = arith.constant 13 : i32
    %add3A_2387 = vector.broadcast %add3A_2386 : i32 to vector<16xi32>
    %add3A_2388 = arith.addi %get3A_1710, %add3A_2387 : vector<16xi32>
    %gather3A_2389 = tpu.vector_load_idx %arg10[%add3A_1702, %add3A_2388] : memref<32x128xf32, #tpu.memory_space<vmem>>[vector<16xi32>, vector<16xi32>], vector<16xf32>,
    %add3A_2390 = arith.constant 45 : i32
    %add3A_2391 = vector.broadcast %add3A_2390 : i32 to vector<16xi32>
    %add3A_2392 = arith.addi %get3A_1710, %add3A_2391 : vector<16xi32>
    %gather3A_2393 = tpu.vector_load_idx %arg10[%add3A_1702, %add3A_2392] : memref<32x128xf32, #tpu.memory_space<vmem>>[vector<16xi32>, vector<16xi32>], vector<16xf32>,
    %add3A_2394 = arith.constant 13 : i32
    %add3A_2395 = vector.broadcast %add3A_2394 : i32 to vector<16xi32>
    %add3A_2396 = arith.addi %get3A_1710, %add3A_2395 : vector<16xi32>
    %gather3A_2397 = tpu.vector_load_idx %arg11[%add3A_1702, %add3A_2396] : memref<32x128xf32, #tpu.memory_space<vmem>>[vector<16xi32>, vector<16xi32>], vector<16xf32>,
    %add3A_2398 = arith.constant 45 : i32
    %add3A_2399 = vector.broadcast %add3A_2398 : i32 to vector<16xi32>
    %add3A_2400 = arith.addi %get3A_1710, %add3A_2399 : vector<16xi32>
    %gather3A_2401 = tpu.vector_load_idx %arg11[%add3A_1702, %add3A_2400] : memref<32x128xf32, #tpu.memory_space<vmem>>[vector<16xi32>, vector<16xi32>], vector<16xf32>,
    %add3A_2402 = arith.constant 13 : i32
    %add3A_2403 = vector.broadcast %add3A_2402 : i32 to vector<16xi32>
    %add3A_2404 = arith.addi %get3A_1714, %add3A_2403 : vector<16xi32>
    %gather3A_2405 = tpu.vector_load_idx %arg12[%add3A_1702, %add3A_2404] : memref<32x128xf32, #tpu.memory_space<vmem>>[vector<16xi32>, vector<16xi32>], vector<16xf32>,
    %add3A_2406 = arith.constant 45 : i32
    %add3A_2407 = vector.broadcast %add3A_2406 : i32 to vector<16xi32>
    %add3A_2408 = arith.addi %get3A_1714, %add3A_2407 : vector<16xi32>
    %gather3A_2409 = tpu.vector_load_idx %arg12[%add3A_1702, %add3A_2408] : memref<32x128xf32, #tpu.memory_space<vmem>>[vector<16xi32>, vector<16xi32>], vector<16xf32>,
    %mul3A_2410 = arith.mulf %gather3A_2389, %gather3A_2405 : vector<16xf32>
    %mul3A_2411 = arith.mulf %gather3A_2393, %gather3A_2409 : vector<16xf32>
    %sub3A_2412 = arith.subf %mul3A_2410, %mul3A_2411 : vector<16xf32>
    %add3A_2413 = arith.addf %sub3A_2412, %gather3A_2397 : vector<16xf32>
    %mul3A_2414 = arith.mulf %gather3A_2389, %gather3A_2409 : vector<16xf32>
    %mul3A_2415 = arith.mulf %gather3A_2393, %gather3A_2405 : vector<16xf32>
    %add3A_2416 = arith.addf %mul3A_2414, %mul3A_2415 : vector<16xf32>
    %add3A_2417 = arith.addf %add3A_2416, %gather3A_2401 : vector<16xf32>
    %broadcast_in_dim3A_2418 = arith.constant 13 : i32
    %broadcast_in_dim3A_2419 = vector.broadcast %broadcast_in_dim3A_2418 : i32 to vector<16xi32>
    %mul3A_2420 = arith.mulf %gather3A_2381, %add3A_2413 : vector<16xf32>
    %mul3A_2421 = arith.mulf %gather3A_2385, %add3A_2417 : vector<16xf32>
    %sub3A_2422 = arith.subf %mul3A_2420, %mul3A_2421 : vector<16xf32>
    tpu.vector_store_idx %arg13[%add3A_1702, %broadcast_in_dim3A_2419], %sub3A_2422 : memref<32x64xf32, #tpu.memory_space<vmem>>[vector<16xi32>, vector<16xi32>], vector<16xf32>,
    %add3A_2423 = arith.constant 32 : i32
    %add3A_2424 = vector.broadcast %add3A_2423 : i32 to vector<16xi32>
    %add3A_2425 = arith.addi %broadcast_in_dim3A_2419, %add3A_2424 : vector<16xi32>
    %mul3A_2426 = arith.mulf %gather3A_2385, %add3A_2413 : vector<16xf32>
    %mul3A_2427 = arith.mulf %gather3A_2381, %add3A_2417 : vector<16xf32>
    %add3A_2428 = arith.addf %mul3A_2426, %mul3A_2427 : vector<16xf32>
    tpu.vector_store_idx %arg13[%add3A_1702, %add3A_2425], %add3A_2428 : memref<32x64xf32, #tpu.memory_space<vmem>>[vector<16xi32>, vector<16xi32>], vector<16xf32>,
    %add3A_2429 = arith.constant 14 : i32
    %add3A_2430 = vector.broadcast %add3A_2429 : i32 to vector<16xi32>
    %add3A_2431 = arith.addi %get3A_1706, %add3A_2430 : vector<16xi32>
    %gather3A_2432 = tpu.vector_load_idx %arg9[%add3A_1702, %add3A_2431] : memref<32x128xf32, #tpu.memory_space<vmem>>[vector<16xi32>, vector<16xi32>], vector<16xf32>,
    %add3A_2433 = arith.constant 46 : i32
    %add3A_2434 = vector.broadcast %add3A_2433 : i32 to vector<16xi32>
    %add3A_2435 = arith.addi %get3A_1706, %add3A_2434 : vector<16xi32>
    %gather3A_2436 = tpu.vector_load_idx %arg9[%add3A_1702, %add3A_2435] : memref<32x128xf32, #tpu.memory_space<vmem>>[vector<16xi32>, vector<16xi32>], vector<16xf32>,
    %add3A_2437 = arith.constant 14 : i32
    %add3A_2438 = vector.broadcast %add3A_2437 : i32 to vector<16xi32>
    %add3A_2439 = arith.addi %get3A_1710, %add3A_2438 : vector<16xi32>
    %gather3A_2440 = tpu.vector_load_idx %arg10[%add3A_1702, %add3A_2439] : memref<32x128xf32, #tpu.memory_space<vmem>>[vector<16xi32>, vector<16xi32>], vector<16xf32>,
    %add3A_2441 = arith.constant 46 : i32
    %add3A_2442 = vector.broadcast %add3A_2441 : i32 to vector<16xi32>
    %add3A_2443 = arith.addi %get3A_1710, %add3A_2442 : vector<16xi32>
    %gather3A_2444 = tpu.vector_load_idx %arg10[%add3A_1702, %add3A_2443] : memref<32x128xf32, #tpu.memory_space<vmem>>[vector<16xi32>, vector<16xi32>], vector<16xf32>,
    %add3A_2445 = arith.constant 14 : i32
    %add3A_2446 = vector.broadcast %add3A_2445 : i32 to vector<16xi32>
    %add3A_2447 = arith.addi %get3A_1710, %add3A_2446 : vector<16xi32>
    %gather3A_2448 = tpu.vector_load_idx %arg11[%add3A_1702, %add3A_2447] : memref<32x128xf32, #tpu.memory_space<vmem>>[vector<16xi32>, vector<16xi32>], vector<16xf32>,
    %add3A_2449 = arith.constant 46 : i32
    %add3A_2450 = vector.broadcast %add3A_2449 : i32 to vector<16xi32>
    %add3A_2451 = arith.addi %get3A_1710, %add3A_2450 : vector<16xi32>
    %gather3A_2452 = tpu.vector_load_idx %arg11[%add3A_1702, %add3A_2451] : memref<32x128xf32, #tpu.memory_space<vmem>>[vector<16xi32>, vector<16xi32>], vector<16xf32>,
    %add3A_2453 = arith.constant 14 : i32
    %add3A_2454 = vector.broadcast %add3A_2453 : i32 to vector<16xi32>
    %add3A_2455 = arith.addi %get3A_1714, %add3A_2454 : vector<16xi32>
    %gather3A_2456 = tpu.vector_load_idx %arg12[%add3A_1702, %add3A_2455] : memref<32x128xf32, #tpu.memory_space<vmem>>[vector<16xi32>, vector<16xi32>], vector<16xf32>,
    %add3A_2457 = arith.constant 46 : i32
    %add3A_2458 = vector.broadcast %add3A_2457 : i32 to vector<16xi32>
    %add3A_2459 = arith.addi %get3A_1714, %add3A_2458 : vector<16xi32>
    %gather3A_2460 = tpu.vector_load_idx %arg12[%add3A_1702, %add3A_2459] : memref<32x128xf32, #tpu.memory_space<vmem>>[vector<16xi32>, vector<16xi32>], vector<16xf32>,
    %mul3A_2461 = arith.mulf %gather3A_2440, %gather3A_2456 : vector<16xf32>
    %mul3A_2462 = arith.mulf %gather3A_2444, %gather3A_2460 : vector<16xf32>
    %sub3A_2463 = arith.subf %mul3A_2461, %mul3A_2462 : vector<16xf32>
    %add3A_2464 = arith.addf %sub3A_2463, %gather3A_2448 : vector<16xf32>
    %mul3A_2465 = arith.mulf %gather3A_2440, %gather3A_2460 : vector<16xf32>
    %mul3A_2466 = arith.mulf %gather3A_2444, %gather3A_2456 : vector<16xf32>
    %add3A_2467 = arith.addf %mul3A_2465, %mul3A_2466 : vector<16xf32>
    %add3A_2468 = arith.addf %add3A_2467, %gather3A_2452 : vector<16xf32>
    %broadcast_in_dim3A_2469 = arith.constant 14 : i32
    %broadcast_in_dim3A_2470 = vector.broadcast %broadcast_in_dim3A_2469 : i32 to vector<16xi32>
    %mul3A_2471 = arith.mulf %gather3A_2432, %add3A_2464 : vector<16xf32>
    %mul3A_2472 = arith.mulf %gather3A_2436, %add3A_2468 : vector<16xf32>
    %sub3A_2473 = arith.subf %mul3A_2471, %mul3A_2472 : vector<16xf32>
    tpu.vector_store_idx %arg13[%add3A_1702, %broadcast_in_dim3A_2470], %sub3A_2473 : memref<32x64xf32, #tpu.memory_space<vmem>>[vector<16xi32>, vector<16xi32>], vector<16xf32>,
    %add3A_2474 = arith.constant 32 : i32
    %add3A_2475 = vector.broadcast %add3A_2474 : i32 to vector<16xi32>
    %add3A_2476 = arith.addi %broadcast_in_dim3A_2470, %add3A_2475 : vector<16xi32>
    %mul3A_2477 = arith.mulf %gather3A_2436, %add3A_2464 : vector<16xf32>
    %mul3A_2478 = arith.mulf %gather3A_2432, %add3A_2468 : vector<16xf32>
    %add3A_2479 = arith.addf %mul3A_2477, %mul3A_2478 : vector<16xf32>
    tpu.vector_store_idx %arg13[%add3A_1702, %add3A_2476], %add3A_2479 : memref<32x64xf32, #tpu.memory_space<vmem>>[vector<16xi32>, vector<16xi32>], vector<16xf32>,
    %add3A_2480 = arith.constant 15 : i32
    %add3A_2481 = vector.broadcast %add3A_2480 : i32 to vector<16xi32>
    %add3A_2482 = arith.addi %get3A_1706, %add3A_2481 : vector<16xi32>
    %gather3A_2483 = tpu.vector_load_idx %arg9[%add3A_1702, %add3A_2482] : memref<32x128xf32, #tpu.memory_space<vmem>>[vector<16xi32>, vector<16xi32>], vector<16xf32>,
    %add3A_2484 = arith.constant 47 : i32
    %add3A_2485 = vector.broadcast %add3A_2484 : i32 to vector<16xi32>
    %add3A_2486 = arith.addi %get3A_1706, %add3A_2485 : vector<16xi32>
    %gather3A_2487 = tpu.vector_load_idx %arg9[%add3A_1702, %add3A_2486] : memref<32x128xf32, #tpu.memory_space<vmem>>[vector<16xi32>, vector<16xi32>], vector<16xf32>,
    %add3A_2488 = arith.constant 15 : i32
    %add3A_2489 = vector.broadcast %add3A_2488 : i32 to vector<16xi32>
    %add3A_2490 = arith.addi %get3A_1710, %add3A_2489 : vector<16xi32>
    %gather3A_2491 = tpu.vector_load_idx %arg10[%add3A_1702, %add3A_2490] : memref<32x128xf32, #tpu.memory_space<vmem>>[vector<16xi32>, vector<16xi32>], vector<16xf32>,
    %add3A_2492 = arith.constant 47 : i32
    %add3A_2493 = vector.broadcast %add3A_2492 : i32 to vector<16xi32>
    %add3A_2494 = arith.addi %get3A_1710, %add3A_2493 : vector<16xi32>
    %gather3A_2495 = tpu.vector_load_idx %arg10[%add3A_1702, %add3A_2494] : memref<32x128xf32, #tpu.memory_space<vmem>>[vector<16xi32>, vector<16xi32>], vector<16xf32>,
    %add3A_2496 = arith.constant 15 : i32
    %add3A_2497 = vector.broadcast %add3A_2496 : i32 to vector<16xi32>
    %add3A_2498 = arith.addi %get3A_1710, %add3A_2497 : vector<16xi32>
    %gather3A_2499 = tpu.vector_load_idx %arg11[%add3A_1702, %add3A_2498] : memref<32x128xf32, #tpu.memory_space<vmem>>[vector<16xi32>, vector<16xi32>], vector<16xf32>,
    %add3A_2500 = arith.constant 47 : i32
    %add3A_2501 = vector.broadcast %add3A_2500 : i32 to vector<16xi32>
    %add3A_2502 = arith.addi %get3A_1710, %add3A_2501 : vector<16xi32>
    %gather3A_2503 = tpu.vector_load_idx %arg11[%add3A_1702, %add3A_2502] : memref<32x128xf32, #tpu.memory_space<vmem>>[vector<16xi32>, vector<16xi32>], vector<16xf32>,
    %add3A_2504 = arith.constant 15 : i32
    %add3A_2505 = vector.broadcast %add3A_2504 : i32 to vector<16xi32>
    %add3A_2506 = arith.addi %get3A_1714, %add3A_2505 : vector<16xi32>
    %gather3A_2507 = tpu.vector_load_idx %arg12[%add3A_1702, %add3A_2506] : memref<32x128xf32, #tpu.memory_space<vmem>>[vector<16xi32>, vector<16xi32>], vector<16xf32>,
    %add3A_2508 = arith.constant 47 : i32
    %add3A_2509 = vector.broadcast %add3A_2508 : i32 to vector<16xi32>
    %add3A_2510 = arith.addi %get3A_1714, %add3A_2509 : vector<16xi32>
    %gather3A_2511 = tpu.vector_load_idx %arg12[%add3A_1702, %add3A_2510] : memref<32x128xf32, #tpu.memory_space<vmem>>[vector<16xi32>, vector<16xi32>], vector<16xf32>,
    %mul3A_2512 = arith.mulf %gather3A_2491, %gather3A_2507 : vector<16xf32>
    %mul3A_2513 = arith.mulf %gather3A_2495, %gather3A_2511 : vector<16xf32>
    %sub3A_2514 = arith.subf %mul3A_2512, %mul3A_2513 : vector<16xf32>
    %add3A_2515 = arith.addf %sub3A_2514, %gather3A_2499 : vector<16xf32>
    %mul3A_2516 = arith.mulf %gather3A_2491, %gather3A_2511 : vector<16xf32>
    %mul3A_2517 = arith.mulf %gather3A_2495, %gather3A_2507 : vector<16xf32>
    %add3A_2518 = arith.addf %mul3A_2516, %mul3A_2517 : vector<16xf32>
    %add3A_2519 = arith.addf %add3A_2518, %gather3A_2503 : vector<16xf32>
    %broadcast_in_dim3A_2520 = arith.constant 15 : i32
    %broadcast_in_dim3A_2521 = vector.broadcast %broadcast_in_dim3A_2520 : i32 to vector<16xi32>
    %mul3A_2522 = arith.mulf %gather3A_2483, %add3A_2515 : vector<16xf32>
    %mul3A_2523 = arith.mulf %gather3A_2487, %add3A_2519 : vector<16xf32>
    %sub3A_2524 = arith.subf %mul3A_2522, %mul3A_2523 : vector<16xf32>
    tpu.vector_store_idx %arg13[%add3A_1702, %broadcast_in_dim3A_2521], %sub3A_2524 : memref<32x64xf32, #tpu.memory_space<vmem>>[vector<16xi32>, vector<16xi32>], vector<16xf32>,
    %add3A_2525 = arith.constant 32 : i32
    %add3A_2526 = vector.broadcast %add3A_2525 : i32 to vector<16xi32>
    %add3A_2527 = arith.addi %broadcast_in_dim3A_2521, %add3A_2526 : vector<16xi32>
    %mul3A_2528 = arith.mulf %gather3A_2487, %add3A_2515 : vector<16xf32>
    %mul3A_2529 = arith.mulf %gather3A_2483, %add3A_2519 : vector<16xf32>
    %add3A_2530 = arith.addf %mul3A_2528, %mul3A_2529 : vector<16xf32>
    tpu.vector_store_idx %arg13[%add3A_1702, %add3A_2527], %add3A_2530 : memref<32x64xf32, #tpu.memory_space<vmem>>[vector<16xi32>, vector<16xi32>], vector<16xf32>,
    %add3A_2531 = arith.constant 16 : i32
    %add3A_2532 = vector.broadcast %add3A_2531 : i32 to vector<16xi32>
    %add3A_2533 = arith.addi %get3A_1706, %add3A_2532 : vector<16xi32>
    %gather3A_2534 = tpu.vector_load_idx %arg9[%add3A_1702, %add3A_2533] : memref<32x128xf32, #tpu.memory_space<vmem>>[vector<16xi32>, vector<16xi32>], vector<16xf32>,
    %add3A_2535 = arith.constant 48 : i32
    %add3A_2536 = vector.broadcast %add3A_2535 : i32 to vector<16xi32>
    %add3A_2537 = arith.addi %get3A_1706, %add3A_2536 : vector<16xi32>
    %gather3A_2538 = tpu.vector_load_idx %arg9[%add3A_1702, %add3A_2537] : memref<32x128xf32, #tpu.memory_space<vmem>>[vector<16xi32>, vector<16xi32>], vector<16xf32>,
    %add3A_2539 = arith.constant 16 : i32
    %add3A_2540 = vector.broadcast %add3A_2539 : i32 to vector<16xi32>
    %add3A_2541 = arith.addi %get3A_1710, %add3A_2540 : vector<16xi32>
    %gather3A_2542 = tpu.vector_load_idx %arg10[%add3A_1702, %add3A_2541] : memref<32x128xf32, #tpu.memory_space<vmem>>[vector<16xi32>, vector<16xi32>], vector<16xf32>,
    %add3A_2543 = arith.constant 48 : i32
    %add3A_2544 = vector.broadcast %add3A_2543 : i32 to vector<16xi32>
    %add3A_2545 = arith.addi %get3A_1710, %add3A_2544 : vector<16xi32>
    %gather3A_2546 = tpu.vector_load_idx %arg10[%add3A_1702, %add3A_2545] : memref<32x128xf32, #tpu.memory_space<vmem>>[vector<16xi32>, vector<16xi32>], vector<16xf32>,
    %add3A_2547 = arith.constant 16 : i32
    %add3A_2548 = vector.broadcast %add3A_2547 : i32 to vector<16xi32>
    %add3A_2549 = arith.addi %get3A_1710, %add3A_2548 : vector<16xi32>
    %gather3A_2550 = tpu.vector_load_idx %arg11[%add3A_1702, %add3A_2549] : memref<32x128xf32, #tpu.memory_space<vmem>>[vector<16xi32>, vector<16xi32>], vector<16xf32>,
    %add3A_2551 = arith.constant 48 : i32
    %add3A_2552 = vector.broadcast %add3A_2551 : i32 to vector<16xi32>
    %add3A_2553 = arith.addi %get3A_1710, %add3A_2552 : vector<16xi32>
    %gather3A_2554 = tpu.vector_load_idx %arg11[%add3A_1702, %add3A_2553] : memref<32x128xf32, #tpu.memory_space<vmem>>[vector<16xi32>, vector<16xi32>], vector<16xf32>,
    %add3A_2555 = arith.constant 16 : i32
    %add3A_2556 = vector.broadcast %add3A_2555 : i32 to vector<16xi32>
    %add3A_2557 = arith.addi %get3A_1714, %add3A_2556 : vector<16xi32>
    %gather3A_2558 = tpu.vector_load_idx %arg12[%add3A_1702, %add3A_2557] : memref<32x128xf32, #tpu.memory_space<vmem>>[vector<16xi32>, vector<16xi32>], vector<16xf32>,
    %add3A_2559 = arith.constant 48 : i32
    %add3A_2560 = vector.broadcast %add3A_2559 : i32 to vector<16xi32>
    %add3A_2561 = arith.addi %get3A_1714, %add3A_2560 : vector<16xi32>
    %gather3A_2562 = tpu.vector_load_idx %arg12[%add3A_1702, %add3A_2561] : memref<32x128xf32, #tpu.memory_space<vmem>>[vector<16xi32>, vector<16xi32>], vector<16xf32>,
    %mul3A_2563 = arith.mulf %gather3A_2542, %gather3A_2558 : vector<16xf32>
    %mul3A_2564 = arith.mulf %gather3A_2546, %gather3A_2562 : vector<16xf32>
    %sub3A_2565 = arith.subf %mul3A_2563, %mul3A_2564 : vector<16xf32>
    %add3A_2566 = arith.addf %sub3A_2565, %gather3A_2550 : vector<16xf32>
    %mul3A_2567 = arith.mulf %gather3A_2542, %gather3A_2562 : vector<16xf32>
    %mul3A_2568 = arith.mulf %gather3A_2546, %gather3A_2558 : vector<16xf32>
    %add3A_2569 = arith.addf %mul3A_2567, %mul3A_2568 : vector<16xf32>
    %add3A_2570 = arith.addf %add3A_2569, %gather3A_2554 : vector<16xf32>
    %broadcast_in_dim3A_2571 = arith.constant 16 : i32
    %broadcast_in_dim3A_2572 = vector.broadcast %broadcast_in_dim3A_2571 : i32 to vector<16xi32>
    %mul3A_2573 = arith.mulf %gather3A_2534, %add3A_2566 : vector<16xf32>
    %mul3A_2574 = arith.mulf %gather3A_2538, %add3A_2570 : vector<16xf32>
    %sub3A_2575 = arith.subf %mul3A_2573, %mul3A_2574 : vector<16xf32>
    tpu.vector_store_idx %arg13[%add3A_1702, %broadcast_in_dim3A_2572], %sub3A_2575 : memref<32x64xf32, #tpu.memory_space<vmem>>[vector<16xi32>, vector<16xi32>], vector<16xf32>,
    %add3A_2576 = arith.constant 32 : i32
    %add3A_2577 = vector.broadcast %add3A_2576 : i32 to vector<16xi32>
    %add3A_2578 = arith.addi %broadcast_in_dim3A_2572, %add3A_2577 : vector<16xi32>
    %mul3A_2579 = arith.mulf %gather3A_2538, %add3A_2566 : vector<16xf32>
    %mul3A_2580 = arith.mulf %gather3A_2534, %add3A_2570 : vector<16xf32>
    %add3A_2581 = arith.addf %mul3A_2579, %mul3A_2580 : vector<16xf32>
    tpu.vector_store_idx %arg13[%add3A_1702, %add3A_2578], %add3A_2581 : memref<32x64xf32, #tpu.memory_space<vmem>>[vector<16xi32>, vector<16xi32>], vector<16xf32>,
    %add3A_2582 = arith.constant 17 : i32
    %add3A_2583 = vector.broadcast %add3A_2582 : i32 to vector<16xi32>
    %add3A_2584 = arith.addi %get3A_1706, %add3A_2583 : vector<16xi32>
    %gather3A_2585 = tpu.vector_load_idx %arg9[%add3A_1702, %add3A_2584] : memref<32x128xf32, #tpu.memory_space<vmem>>[vector<16xi32>, vector<16xi32>], vector<16xf32>,
    %add3A_2586 = arith.constant 49 : i32
    %add3A_2587 = vector.broadcast %add3A_2586 : i32 to vector<16xi32>
    %add3A_2588 = arith.addi %get3A_1706, %add3A_2587 : vector<16xi32>
    %gather3A_2589 = tpu.vector_load_idx %arg9[%add3A_1702, %add3A_2588] : memref<32x128xf32, #tpu.memory_space<vmem>>[vector<16xi32>, vector<16xi32>], vector<16xf32>,
    %add3A_2590 = arith.constant 17 : i32
    %add3A_2591 = vector.broadcast %add3A_2590 : i32 to vector<16xi32>
    %add3A_2592 = arith.addi %get3A_1710, %add3A_2591 : vector<16xi32>
    %gather3A_2593 = tpu.vector_load_idx %arg10[%add3A_1702, %add3A_2592] : memref<32x128xf32, #tpu.memory_space<vmem>>[vector<16xi32>, vector<16xi32>], vector<16xf32>,
    %add3A_2594 = arith.constant 49 : i32
    %add3A_2595 = vector.broadcast %add3A_2594 : i32 to vector<16xi32>
    %add3A_2596 = arith.addi %get3A_1710, %add3A_2595 : vector<16xi32>
    %gather3A_2597 = tpu.vector_load_idx %arg10[%add3A_1702, %add3A_2596] : memref<32x128xf32, #tpu.memory_space<vmem>>[vector<16xi32>, vector<16xi32>], vector<16xf32>,
    %add3A_2598 = arith.constant 17 : i32
    %add3A_2599 = vector.broadcast %add3A_2598 : i32 to vector<16xi32>
    %add3A_2600 = arith.addi %get3A_1710, %add3A_2599 : vector<16xi32>
    %gather3A_2601 = tpu.vector_load_idx %arg11[%add3A_1702, %add3A_2600] : memref<32x128xf32, #tpu.memory_space<vmem>>[vector<16xi32>, vector<16xi32>], vector<16xf32>,
    %add3A_2602 = arith.constant 49 : i32
    %add3A_2603 = vector.broadcast %add3A_2602 : i32 to vector<16xi32>
    %add3A_2604 = arith.addi %get3A_1710, %add3A_2603 : vector<16xi32>
    %gather3A_2605 = tpu.vector_load_idx %arg11[%add3A_1702, %add3A_2604] : memref<32x128xf32, #tpu.memory_space<vmem>>[vector<16xi32>, vector<16xi32>], vector<16xf32>,
    %add3A_2606 = arith.constant 17 : i32
    %add3A_2607 = vector.broadcast %add3A_2606 : i32 to vector<16xi32>
    %add3A_2608 = arith.addi %get3A_1714, %add3A_2607 : vector<16xi32>
    %gather3A_2609 = tpu.vector_load_idx %arg12[%add3A_1702, %add3A_2608] : memref<32x128xf32, #tpu.memory_space<vmem>>[vector<16xi32>, vector<16xi32>], vector<16xf32>,
    %add3A_2610 = arith.constant 49 : i32
    %add3A_2611 = vector.broadcast %add3A_2610 : i32 to vector<16xi32>
    %add3A_2612 = arith.addi %get3A_1714, %add3A_2611 : vector<16xi32>
    %gather3A_2613 = tpu.vector_load_idx %arg12[%add3A_1702, %add3A_2612] : memref<32x128xf32, #tpu.memory_space<vmem>>[vector<16xi32>, vector<16xi32>], vector<16xf32>,
    %mul3A_2614 = arith.mulf %gather3A_2593, %gather3A_2609 : vector<16xf32>
    %mul3A_2615 = arith.mulf %gather3A_2597, %gather3A_2613 : vector<16xf32>
    %sub3A_2616 = arith.subf %mul3A_2614, %mul3A_2615 : vector<16xf32>
    %add3A_2617 = arith.addf %sub3A_2616, %gather3A_2601 : vector<16xf32>
    %mul3A_2618 = arith.mulf %gather3A_2593, %gather3A_2613 : vector<16xf32>
    %mul3A_2619 = arith.mulf %gather3A_2597, %gather3A_2609 : vector<16xf32>
    %add3A_2620 = arith.addf %mul3A_2618, %mul3A_2619 : vector<16xf32>
    %add3A_2621 = arith.addf %add3A_2620, %gather3A_2605 : vector<16xf32>
    %broadcast_in_dim3A_2622 = arith.constant 17 : i32
    %broadcast_in_dim3A_2623 = vector.broadcast %broadcast_in_dim3A_2622 : i32 to vector<16xi32>
    %mul3A_2624 = arith.mulf %gather3A_2585, %add3A_2617 : vector<16xf32>
    %mul3A_2625 = arith.mulf %gather3A_2589, %add3A_2621 : vector<16xf32>
    %sub3A_2626 = arith.subf %mul3A_2624, %mul3A_2625 : vector<16xf32>
    tpu.vector_store_idx %arg13[%add3A_1702, %broadcast_in_dim3A_2623], %sub3A_2626 : memref<32x64xf32, #tpu.memory_space<vmem>>[vector<16xi32>, vector<16xi32>], vector<16xf32>,
    %add3A_2627 = arith.constant 32 : i32
    %add3A_2628 = vector.broadcast %add3A_2627 : i32 to vector<16xi32>
    %add3A_2629 = arith.addi %broadcast_in_dim3A_2623, %add3A_2628 : vector<16xi32>
    %mul3A_2630 = arith.mulf %gather3A_2589, %add3A_2617 : vector<16xf32>
    %mul3A_2631 = arith.mulf %gather3A_2585, %add3A_2621 : vector<16xf32>
    %add3A_2632 = arith.addf %mul3A_2630, %mul3A_2631 : vector<16xf32>
    tpu.vector_store_idx %arg13[%add3A_1702, %add3A_2629], %add3A_2632 : memref<32x64xf32, #tpu.memory_space<vmem>>[vector<16xi32>, vector<16xi32>], vector<16xf32>,
    %add3A_2633 = arith.constant 18 : i32
    %add3A_2634 = vector.broadcast %add3A_2633 : i32 to vector<16xi32>
    %add3A_2635 = arith.addi %get3A_1706, %add3A_2634 : vector<16xi32>
    %gather3A_2636 = tpu.vector_load_idx %arg9[%add3A_1702, %add3A_2635] : memref<32x128xf32, #tpu.memory_space<vmem>>[vector<16xi32>, vector<16xi32>], vector<16xf32>,
    %add3A_2637 = arith.constant 50 : i32
    %add3A_2638 = vector.broadcast %add3A_2637 : i32 to vector<16xi32>
    %add3A_2639 = arith.addi %get3A_1706, %add3A_2638 : vector<16xi32>
    %gather3A_2640 = tpu.vector_load_idx %arg9[%add3A_1702, %add3A_2639] : memref<32x128xf32, #tpu.memory_space<vmem>>[vector<16xi32>, vector<16xi32>], vector<16xf32>,
    %add3A_2641 = arith.constant 18 : i32
    %add3A_2642 = vector.broadcast %add3A_2641 : i32 to vector<16xi32>
    %add3A_2643 = arith.addi %get3A_1710, %add3A_2642 : vector<16xi32>
    %gather3A_2644 = tpu.vector_load_idx %arg10[%add3A_1702, %add3A_2643] : memref<32x128xf32, #tpu.memory_space<vmem>>[vector<16xi32>, vector<16xi32>], vector<16xf32>,
    %add3A_2645 = arith.constant 50 : i32
    %add3A_2646 = vector.broadcast %add3A_2645 : i32 to vector<16xi32>
    %add3A_2647 = arith.addi %get3A_1710, %add3A_2646 : vector<16xi32>
    %gather3A_2648 = tpu.vector_load_idx %arg10[%add3A_1702, %add3A_2647] : memref<32x128xf32, #tpu.memory_space<vmem>>[vector<16xi32>, vector<16xi32>], vector<16xf32>,
    %add3A_2649 = arith.constant 18 : i32
    %add3A_2650 = vector.broadcast %add3A_2649 : i32 to vector<16xi32>
    %add3A_2651 = arith.addi %get3A_1710, %add3A_2650 : vector<16xi32>
    %gather3A_2652 = tpu.vector_load_idx %arg11[%add3A_1702, %add3A_2651] : memref<32x128xf32, #tpu.memory_space<vmem>>[vector<16xi32>, vector<16xi32>], vector<16xf32>,
    %add3A_2653 = arith.constant 50 : i32
    %add3A_2654 = vector.broadcast %add3A_2653 : i32 to vector<16xi32>
    %add3A_2655 = arith.addi %get3A_1710, %add3A_2654 : vector<16xi32>
    %gather3A_2656 = tpu.vector_load_idx %arg11[%add3A_1702, %add3A_2655] : memref<32x128xf32, #tpu.memory_space<vmem>>[vector<16xi32>, vector<16xi32>], vector<16xf32>,
    %add3A_2657 = arith.constant 18 : i32
    %add3A_2658 = vector.broadcast %add3A_2657 : i32 to vector<16xi32>
    %add3A_2659 = arith.addi %get3A_1714, %add3A_2658 : vector<16xi32>
    %gather3A_2660 = tpu.vector_load_idx %arg12[%add3A_1702, %add3A_2659] : memref<32x128xf32, #tpu.memory_space<vmem>>[vector<16xi32>, vector<16xi32>], vector<16xf32>,
    %add3A_2661 = arith.constant 50 : i32
    %add3A_2662 = vector.broadcast %add3A_2661 : i32 to vector<16xi32>
    %add3A_2663 = arith.addi %get3A_1714, %add3A_2662 : vector<16xi32>
    %gather3A_2664 = tpu.vector_load_idx %arg12[%add3A_1702, %add3A_2663] : memref<32x128xf32, #tpu.memory_space<vmem>>[vector<16xi32>, vector<16xi32>], vector<16xf32>,
    %mul3A_2665 = arith.mulf %gather3A_2644, %gather3A_2660 : vector<16xf32>
    %mul3A_2666 = arith.mulf %gather3A_2648, %gather3A_2664 : vector<16xf32>
    %sub3A_2667 = arith.subf %mul3A_2665, %mul3A_2666 : vector<16xf32>
    %add3A_2668 = arith.addf %sub3A_2667, %gather3A_2652 : vector<16xf32>
    %mul3A_2669 = arith.mulf %gather3A_2644, %gather3A_2664 : vector<16xf32>
    %mul3A_2670 = arith.mulf %gather3A_2648, %gather3A_2660 : vector<16xf32>
    %add3A_2671 = arith.addf %mul3A_2669, %mul3A_2670 : vector<16xf32>
    %add3A_2672 = arith.addf %add3A_2671, %gather3A_2656 : vector<16xf32>
    %broadcast_in_dim3A_2673 = arith.constant 18 : i32
    %broadcast_in_dim3A_2674 = vector.broadcast %broadcast_in_dim3A_2673 : i32 to vector<16xi32>
    %mul3A_2675 = arith.mulf %gather3A_2636, %add3A_2668 : vector<16xf32>
    %mul3A_2676 = arith.mulf %gather3A_2640, %add3A_2672 : vector<16xf32>
    %sub3A_2677 = arith.subf %mul3A_2675, %mul3A_2676 : vector<16xf32>
    tpu.vector_store_idx %arg13[%add3A_1702, %broadcast_in_dim3A_2674], %sub3A_2677 : memref<32x64xf32, #tpu.memory_space<vmem>>[vector<16xi32>, vector<16xi32>], vector<16xf32>,
    %add3A_2678 = arith.constant 32 : i32
    %add3A_2679 = vector.broadcast %add3A_2678 : i32 to vector<16xi32>
    %add3A_2680 = arith.addi %broadcast_in_dim3A_2674, %add3A_2679 : vector<16xi32>
    %mul3A_2681 = arith.mulf %gather3A_2640, %add3A_2668 : vector<16xf32>
    %mul3A_2682 = arith.mulf %gather3A_2636, %add3A_2672 : vector<16xf32>
    %add3A_2683 = arith.addf %mul3A_2681, %mul3A_2682 : vector<16xf32>
    tpu.vector_store_idx %arg13[%add3A_1702, %add3A_2680], %add3A_2683 : memref<32x64xf32, #tpu.memory_space<vmem>>[vector<16xi32>, vector<16xi32>], vector<16xf32>,
    %add3A_2684 = arith.constant 19 : i32
    %add3A_2685 = vector.broadcast %add3A_2684 : i32 to vector<16xi32>
    %add3A_2686 = arith.addi %get3A_1706, %add3A_2685 : vector<16xi32>
    %gather3A_2687 = tpu.vector_load_idx %arg9[%add3A_1702, %add3A_2686] : memref<32x128xf32, #tpu.memory_space<vmem>>[vector<16xi32>, vector<16xi32>], vector<16xf32>,
    %add3A_2688 = arith.constant 51 : i32
    %add3A_2689 = vector.broadcast %add3A_2688 : i32 to vector<16xi32>
    %add3A_2690 = arith.addi %get3A_1706, %add3A_2689 : vector<16xi32>
    %gather3A_2691 = tpu.vector_load_idx %arg9[%add3A_1702, %add3A_2690] : memref<32x128xf32, #tpu.memory_space<vmem>>[vector<16xi32>, vector<16xi32>], vector<16xf32>,
    %add3A_2692 = arith.constant 19 : i32
    %add3A_2693 = vector.broadcast %add3A_2692 : i32 to vector<16xi32>
    %add3A_2694 = arith.addi %get3A_1710, %add3A_2693 : vector<16xi32>
    %gather3A_2695 = tpu.vector_load_idx %arg10[%add3A_1702, %add3A_2694] : memref<32x128xf32, #tpu.memory_space<vmem>>[vector<16xi32>, vector<16xi32>], vector<16xf32>,
    %add3A_2696 = arith.constant 51 : i32
    %add3A_2697 = vector.broadcast %add3A_2696 : i32 to vector<16xi32>
    %add3A_2698 = arith.addi %get3A_1710, %add3A_2697 : vector<16xi32>
    %gather3A_2699 = tpu.vector_load_idx %arg10[%add3A_1702, %add3A_2698] : memref<32x128xf32, #tpu.memory_space<vmem>>[vector<16xi32>, vector<16xi32>], vector<16xf32>,
    %add3A_2700 = arith.constant 19 : i32
    %add3A_2701 = vector.broadcast %add3A_2700 : i32 to vector<16xi32>
    %add3A_2702 = arith.addi %get3A_1710, %add3A_2701 : vector<16xi32>
    %gather3A_2703 = tpu.vector_load_idx %arg11[%add3A_1702, %add3A_2702] : memref<32x128xf32, #tpu.memory_space<vmem>>[vector<16xi32>, vector<16xi32>], vector<16xf32>,
    %add3A_2704 = arith.constant 51 : i32
    %add3A_2705 = vector.broadcast %add3A_2704 : i32 to vector<16xi32>
    %add3A_2706 = arith.addi %get3A_1710, %add3A_2705 : vector<16xi32>
    %gather3A_2707 = tpu.vector_load_idx %arg11[%add3A_1702, %add3A_2706] : memref<32x128xf32, #tpu.memory_space<vmem>>[vector<16xi32>, vector<16xi32>], vector<16xf32>,
    %add3A_2708 = arith.constant 19 : i32
    %add3A_2709 = vector.broadcast %add3A_2708 : i32 to vector<16xi32>
    %add3A_2710 = arith.addi %get3A_1714, %add3A_2709 : vector<16xi32>
    %gather3A_2711 = tpu.vector_load_idx %arg12[%add3A_1702, %add3A_2710] : memref<32x128xf32, #tpu.memory_space<vmem>>[vector<16xi32>, vector<16xi32>], vector<16xf32>,
    %add3A_2712 = arith.constant 51 : i32
    %add3A_2713 = vector.broadcast %add3A_2712 : i32 to vector<16xi32>
    %add3A_2714 = arith.addi %get3A_1714, %add3A_2713 : vector<16xi32>
    %gather3A_2715 = tpu.vector_load_idx %arg12[%add3A_1702, %add3A_2714] : memref<32x128xf32, #tpu.memory_space<vmem>>[vector<16xi32>, vector<16xi32>], vector<16xf32>,
    %mul3A_2716 = arith.mulf %gather3A_2695, %gather3A_2711 : vector<16xf32>
    %mul3A_2717 = arith.mulf %gather3A_2699, %gather3A_2715 : vector<16xf32>
    %sub3A_2718 = arith.subf %mul3A_2716, %mul3A_2717 : vector<16xf32>
    %add3A_2719 = arith.addf %sub3A_2718, %gather3A_2703 : vector<16xf32>
    %mul3A_2720 = arith.mulf %gather3A_2695, %gather3A_2715 : vector<16xf32>
    %mul3A_2721 = arith.mulf %gather3A_2699, %gather3A_2711 : vector<16xf32>
    %add3A_2722 = arith.addf %mul3A_2720, %mul3A_2721 : vector<16xf32>
    %add3A_2723 = arith.addf %add3A_2722, %gather3A_2707 : vector<16xf32>
    %broadcast_in_dim3A_2724 = arith.constant 19 : i32
    %broadcast_in_dim3A_2725 = vector.broadcast %broadcast_in_dim3A_2724 : i32 to vector<16xi32>
    %mul3A_2726 = arith.mulf %gather3A_2687, %add3A_2719 : vector<16xf32>
    %mul3A_2727 = arith.mulf %gather3A_2691, %add3A_2723 : vector<16xf32>
    %sub3A_2728 = arith.subf %mul3A_2726, %mul3A_2727 : vector<16xf32>
    tpu.vector_store_idx %arg13[%add3A_1702, %broadcast_in_dim3A_2725], %sub3A_2728 : memref<32x64xf32, #tpu.memory_space<vmem>>[vector<16xi32>, vector<16xi32>], vector<16xf32>,
    %add3A_2729 = arith.constant 32 : i32
    %add3A_2730 = vector.broadcast %add3A_2729 : i32 to vector<16xi32>
    %add3A_2731 = arith.addi %broadcast_in_dim3A_2725, %add3A_2730 : vector<16xi32>
    %mul3A_2732 = arith.mulf %gather3A_2691, %add3A_2719 : vector<16xf32>
    %mul3A_2733 = arith.mulf %gather3A_2687, %add3A_2723 : vector<16xf32>
    %add3A_2734 = arith.addf %mul3A_2732, %mul3A_2733 : vector<16xf32>
    tpu.vector_store_idx %arg13[%add3A_1702, %add3A_2731], %add3A_2734 : memref<32x64xf32, #tpu.memory_space<vmem>>[vector<16xi32>, vector<16xi32>], vector<16xf32>,
    %add3A_2735 = arith.constant 20 : i32
    %add3A_2736 = vector.broadcast %add3A_2735 : i32 to vector<16xi32>
    %add3A_2737 = arith.addi %get3A_1706, %add3A_2736 : vector<16xi32>
    %gather3A_2738 = tpu.vector_load_idx %arg9[%add3A_1702, %add3A_2737] : memref<32x128xf32, #tpu.memory_space<vmem>>[vector<16xi32>, vector<16xi32>], vector<16xf32>,
    %add3A_2739 = arith.constant 52 : i32
    %add3A_2740 = vector.broadcast %add3A_2739 : i32 to vector<16xi32>
    %add3A_2741 = arith.addi %get3A_1706, %add3A_2740 : vector<16xi32>
    %gather3A_2742 = tpu.vector_load_idx %arg9[%add3A_1702, %add3A_2741] : memref<32x128xf32, #tpu.memory_space<vmem>>[vector<16xi32>, vector<16xi32>], vector<16xf32>,
    %add3A_2743 = arith.constant 20 : i32
    %add3A_2744 = vector.broadcast %add3A_2743 : i32 to vector<16xi32>
    %add3A_2745 = arith.addi %get3A_1710, %add3A_2744 : vector<16xi32>
    %gather3A_2746 = tpu.vector_load_idx %arg10[%add3A_1702, %add3A_2745] : memref<32x128xf32, #tpu.memory_space<vmem>>[vector<16xi32>, vector<16xi32>], vector<16xf32>,
    %add3A_2747 = arith.constant 52 : i32
    %add3A_2748 = vector.broadcast %add3A_2747 : i32 to vector<16xi32>
    %add3A_2749 = arith.addi %get3A_1710, %add3A_2748 : vector<16xi32>
    %gather3A_2750 = tpu.vector_load_idx %arg10[%add3A_1702, %add3A_2749] : memref<32x128xf32, #tpu.memory_space<vmem>>[vector<16xi32>, vector<16xi32>], vector<16xf32>,
    %add3A_2751 = arith.constant 20 : i32
    %add3A_2752 = vector.broadcast %add3A_2751 : i32 to vector<16xi32>
    %add3A_2753 = arith.addi %get3A_1710, %add3A_2752 : vector<16xi32>
    %gather3A_2754 = tpu.vector_load_idx %arg11[%add3A_1702, %add3A_2753] : memref<32x128xf32, #tpu.memory_space<vmem>>[vector<16xi32>, vector<16xi32>], vector<16xf32>,
    %add3A_2755 = arith.constant 52 : i32
    %add3A_2756 = vector.broadcast %add3A_2755 : i32 to vector<16xi32>
    %add3A_2757 = arith.addi %get3A_1710, %add3A_2756 : vector<16xi32>
    %gather3A_2758 = tpu.vector_load_idx %arg11[%add3A_1702, %add3A_2757] : memref<32x128xf32, #tpu.memory_space<vmem>>[vector<16xi32>, vector<16xi32>], vector<16xf32>,
    %add3A_2759 = arith.constant 20 : i32
    %add3A_2760 = vector.broadcast %add3A_2759 : i32 to vector<16xi32>
    %add3A_2761 = arith.addi %get3A_1714, %add3A_2760 : vector<16xi32>
    %gather3A_2762 = tpu.vector_load_idx %arg12[%add3A_1702, %add3A_2761] : memref<32x128xf32, #tpu.memory_space<vmem>>[vector<16xi32>, vector<16xi32>], vector<16xf32>,
    %add3A_2763 = arith.constant 52 : i32
    %add3A_2764 = vector.broadcast %add3A_2763 : i32 to vector<16xi32>
    %add3A_2765 = arith.addi %get3A_1714, %add3A_2764 : vector<16xi32>
    %gather3A_2766 = tpu.vector_load_idx %arg12[%add3A_1702, %add3A_2765] : memref<32x128xf32, #tpu.memory_space<vmem>>[vector<16xi32>, vector<16xi32>], vector<16xf32>,
    %mul3A_2767 = arith.mulf %gather3A_2746, %gather3A_2762 : vector<16xf32>
    %mul3A_2768 = arith.mulf %gather3A_2750, %gather3A_2766 : vector<16xf32>
    %sub3A_2769 = arith.subf %mul3A_2767, %mul3A_2768 : vector<16xf32>
    %add3A_2770 = arith.addf %sub3A_2769, %gather3A_2754 : vector<16xf32>
    %mul3A_2771 = arith.mulf %gather3A_2746, %gather3A_2766 : vector<16xf32>
    %mul3A_2772 = arith.mulf %gather3A_2750, %gather3A_2762 : vector<16xf32>
    %add3A_2773 = arith.addf %mul3A_2771, %mul3A_2772 : vector<16xf32>
    %add3A_2774 = arith.addf %add3A_2773, %gather3A_2758 : vector<16xf32>
    %broadcast_in_dim3A_2775 = arith.constant 20 : i32
    %broadcast_in_dim3A_2776 = vector.broadcast %broadcast_in_dim3A_2775 : i32 to vector<16xi32>
    %mul3A_2777 = arith.mulf %gather3A_2738, %add3A_2770 : vector<16xf32>
    %mul3A_2778 = arith.mulf %gather3A_2742, %add3A_2774 : vector<16xf32>
    %sub3A_2779 = arith.subf %mul3A_2777, %mul3A_2778 : vector<16xf32>
    tpu.vector_store_idx %arg13[%add3A_1702, %broadcast_in_dim3A_2776], %sub3A_2779 : memref<32x64xf32, #tpu.memory_space<vmem>>[vector<16xi32>, vector<16xi32>], vector<16xf32>,
    %add3A_2780 = arith.constant 32 : i32
    %add3A_2781 = vector.broadcast %add3A_2780 : i32 to vector<16xi32>
    %add3A_2782 = arith.addi %broadcast_in_dim3A_2776, %add3A_2781 : vector<16xi32>
    %mul3A_2783 = arith.mulf %gather3A_2742, %add3A_2770 : vector<16xf32>
    %mul3A_2784 = arith.mulf %gather3A_2738, %add3A_2774 : vector<16xf32>
    %add3A_2785 = arith.addf %mul3A_2783, %mul3A_2784 : vector<16xf32>
    tpu.vector_store_idx %arg13[%add3A_1702, %add3A_2782], %add3A_2785 : memref<32x64xf32, #tpu.memory_space<vmem>>[vector<16xi32>, vector<16xi32>], vector<16xf32>,
    %add3A_2786 = arith.constant 21 : i32
    %add3A_2787 = vector.broadcast %add3A_2786 : i32 to vector<16xi32>
    %add3A_2788 = arith.addi %get3A_1706, %add3A_2787 : vector<16xi32>
    %gather3A_2789 = tpu.vector_load_idx %arg9[%add3A_1702, %add3A_2788] : memref<32x128xf32, #tpu.memory_space<vmem>>[vector<16xi32>, vector<16xi32>], vector<16xf32>,
    %add3A_2790 = arith.constant 53 : i32
    %add3A_2791 = vector.broadcast %add3A_2790 : i32 to vector<16xi32>
    %add3A_2792 = arith.addi %get3A_1706, %add3A_2791 : vector<16xi32>
    %gather3A_2793 = tpu.vector_load_idx %arg9[%add3A_1702, %add3A_2792] : memref<32x128xf32, #tpu.memory_space<vmem>>[vector<16xi32>, vector<16xi32>], vector<16xf32>,
    %add3A_2794 = arith.constant 21 : i32
    %add3A_2795 = vector.broadcast %add3A_2794 : i32 to vector<16xi32>
    %add3A_2796 = arith.addi %get3A_1710, %add3A_2795 : vector<16xi32>
    %gather3A_2797 = tpu.vector_load_idx %arg10[%add3A_1702, %add3A_2796] : memref<32x128xf32, #tpu.memory_space<vmem>>[vector<16xi32>, vector<16xi32>], vector<16xf32>,
    %add3A_2798 = arith.constant 53 : i32
    %add3A_2799 = vector.broadcast %add3A_2798 : i32 to vector<16xi32>
    %add3A_2800 = arith.addi %get3A_1710, %add3A_2799 : vector<16xi32>
    %gather3A_2801 = tpu.vector_load_idx %arg10[%add3A_1702, %add3A_2800] : memref<32x128xf32, #tpu.memory_space<vmem>>[vector<16xi32>, vector<16xi32>], vector<16xf32>,
    %add3A_2802 = arith.constant 21 : i32
    %add3A_2803 = vector.broadcast %add3A_2802 : i32 to vector<16xi32>
    %add3A_2804 = arith.addi %get3A_1710, %add3A_2803 : vector<16xi32>
    %gather3A_2805 = tpu.vector_load_idx %arg11[%add3A_1702, %add3A_2804] : memref<32x128xf32, #tpu.memory_space<vmem>>[vector<16xi32>, vector<16xi32>], vector<16xf32>,
    %add3A_2806 = arith.constant 53 : i32
    %add3A_2807 = vector.broadcast %add3A_2806 : i32 to vector<16xi32>
    %add3A_2808 = arith.addi %get3A_1710, %add3A_2807 : vector<16xi32>
    %gather3A_2809 = tpu.vector_load_idx %arg11[%add3A_1702, %add3A_2808] : memref<32x128xf32, #tpu.memory_space<vmem>>[vector<16xi32>, vector<16xi32>], vector<16xf32>,
    %add3A_2810 = arith.constant 21 : i32
    %add3A_2811 = vector.broadcast %add3A_2810 : i32 to vector<16xi32>
    %add3A_2812 = arith.addi %get3A_1714, %add3A_2811 : vector<16xi32>
    %gather3A_2813 = tpu.vector_load_idx %arg12[%add3A_1702, %add3A_2812] : memref<32x128xf32, #tpu.memory_space<vmem>>[vector<16xi32>, vector<16xi32>], vector<16xf32>,
    %add3A_2814 = arith.constant 53 : i32
    %add3A_2815 = vector.broadcast %add3A_2814 : i32 to vector<16xi32>
    %add3A_2816 = arith.addi %get3A_1714, %add3A_2815 : vector<16xi32>
    %gather3A_2817 = tpu.vector_load_idx %arg12[%add3A_1702, %add3A_2816] : memref<32x128xf32, #tpu.memory_space<vmem>>[vector<16xi32>, vector<16xi32>], vector<16xf32>,
    %mul3A_2818 = arith.mulf %gather3A_2797, %gather3A_2813 : vector<16xf32>
    %mul3A_2819 = arith.mulf %gather3A_2801, %gather3A_2817 : vector<16xf32>
    %sub3A_2820 = arith.subf %mul3A_2818, %mul3A_2819 : vector<16xf32>
    %add3A_2821 = arith.addf %sub3A_2820, %gather3A_2805 : vector<16xf32>
    %mul3A_2822 = arith.mulf %gather3A_2797, %gather3A_2817 : vector<16xf32>
    %mul3A_2823 = arith.mulf %gather3A_2801, %gather3A_2813 : vector<16xf32>
    %add3A_2824 = arith.addf %mul3A_2822, %mul3A_2823 : vector<16xf32>
    %add3A_2825 = arith.addf %add3A_2824, %gather3A_2809 : vector<16xf32>
    %broadcast_in_dim3A_2826 = arith.constant 21 : i32
    %broadcast_in_dim3A_2827 = vector.broadcast %broadcast_in_dim3A_2826 : i32 to vector<16xi32>
    %mul3A_2828 = arith.mulf %gather3A_2789, %add3A_2821 : vector<16xf32>
    %mul3A_2829 = arith.mulf %gather3A_2793, %add3A_2825 : vector<16xf32>
    %sub3A_2830 = arith.subf %mul3A_2828, %mul3A_2829 : vector<16xf32>
    tpu.vector_store_idx %arg13[%add3A_1702, %broadcast_in_dim3A_2827], %sub3A_2830 : memref<32x64xf32, #tpu.memory_space<vmem>>[vector<16xi32>, vector<16xi32>], vector<16xf32>,
    %add3A_2831 = arith.constant 32 : i32
    %add3A_2832 = vector.broadcast %add3A_2831 : i32 to vector<16xi32>
    %add3A_2833 = arith.addi %broadcast_in_dim3A_2827, %add3A_2832 : vector<16xi32>
    %mul3A_2834 = arith.mulf %gather3A_2793, %add3A_2821 : vector<16xf32>
    %mul3A_2835 = arith.mulf %gather3A_2789, %add3A_2825 : vector<16xf32>
    %add3A_2836 = arith.addf %mul3A_2834, %mul3A_2835 : vector<16xf32>
    tpu.vector_store_idx %arg13[%add3A_1702, %add3A_2833], %add3A_2836 : memref<32x64xf32, #tpu.memory_space<vmem>>[vector<16xi32>, vector<16xi32>], vector<16xf32>,
    %add3A_2837 = arith.constant 22 : i32
    %add3A_2838 = vector.broadcast %add3A_2837 : i32 to vector<16xi32>
    %add3A_2839 = arith.addi %get3A_1706, %add3A_2838 : vector<16xi32>
    %gather3A_2840 = tpu.vector_load_idx %arg9[%add3A_1702, %add3A_2839] : memref<32x128xf32, #tpu.memory_space<vmem>>[vector<16xi32>, vector<16xi32>], vector<16xf32>,
    %add3A_2841 = arith.constant 54 : i32
    %add3A_2842 = vector.broadcast %add3A_2841 : i32 to vector<16xi32>
    %add3A_2843 = arith.addi %get3A_1706, %add3A_2842 : vector<16xi32>
    %gather3A_2844 = tpu.vector_load_idx %arg9[%add3A_1702, %add3A_2843] : memref<32x128xf32, #tpu.memory_space<vmem>>[vector<16xi32>, vector<16xi32>], vector<16xf32>,
    %add3A_2845 = arith.constant 22 : i32
    %add3A_2846 = vector.broadcast %add3A_2845 : i32 to vector<16xi32>
    %add3A_2847 = arith.addi %get3A_1710, %add3A_2846 : vector<16xi32>
    %gather3A_2848 = tpu.vector_load_idx %arg10[%add3A_1702, %add3A_2847] : memref<32x128xf32, #tpu.memory_space<vmem>>[vector<16xi32>, vector<16xi32>], vector<16xf32>,
    %add3A_2849 = arith.constant 54 : i32
    %add3A_2850 = vector.broadcast %add3A_2849 : i32 to vector<16xi32>
    %add3A_2851 = arith.addi %get3A_1710, %add3A_2850 : vector<16xi32>
    %gather3A_2852 = tpu.vector_load_idx %arg10[%add3A_1702, %add3A_2851] : memref<32x128xf32, #tpu.memory_space<vmem>>[vector<16xi32>, vector<16xi32>], vector<16xf32>,
    %add3A_2853 = arith.constant 22 : i32
    %add3A_2854 = vector.broadcast %add3A_2853 : i32 to vector<16xi32>
    %add3A_2855 = arith.addi %get3A_1710, %add3A_2854 : vector<16xi32>
    %gather3A_2856 = tpu.vector_load_idx %arg11[%add3A_1702, %add3A_2855] : memref<32x128xf32, #tpu.memory_space<vmem>>[vector<16xi32>, vector<16xi32>], vector<16xf32>,
    %add3A_2857 = arith.constant 54 : i32
    %add3A_2858 = vector.broadcast %add3A_2857 : i32 to vector<16xi32>
    %add3A_2859 = arith.addi %get3A_1710, %add3A_2858 : vector<16xi32>
    %gather3A_2860 = tpu.vector_load_idx %arg11[%add3A_1702, %add3A_2859] : memref<32x128xf32, #tpu.memory_space<vmem>>[vector<16xi32>, vector<16xi32>], vector<16xf32>,
    %add3A_2861 = arith.constant 22 : i32
    %add3A_2862 = vector.broadcast %add3A_2861 : i32 to vector<16xi32>
    %add3A_2863 = arith.addi %get3A_1714, %add3A_2862 : vector<16xi32>
    %gather3A_2864 = tpu.vector_load_idx %arg12[%add3A_1702, %add3A_2863] : memref<32x128xf32, #tpu.memory_space<vmem>>[vector<16xi32>, vector<16xi32>], vector<16xf32>,
    %add3A_2865 = arith.constant 54 : i32
    %add3A_2866 = vector.broadcast %add3A_2865 : i32 to vector<16xi32>
    %add3A_2867 = arith.addi %get3A_1714, %add3A_2866 : vector<16xi32>
    %gather3A_2868 = tpu.vector_load_idx %arg12[%add3A_1702, %add3A_2867] : memref<32x128xf32, #tpu.memory_space<vmem>>[vector<16xi32>, vector<16xi32>], vector<16xf32>,
    %mul3A_2869 = arith.mulf %gather3A_2848, %gather3A_2864 : vector<16xf32>
    %mul3A_2870 = arith.mulf %gather3A_2852, %gather3A_2868 : vector<16xf32>
    %sub3A_2871 = arith.subf %mul3A_2869, %mul3A_2870 : vector<16xf32>
    %add3A_2872 = arith.addf %sub3A_2871, %gather3A_2856 : vector<16xf32>
    %mul3A_2873 = arith.mulf %gather3A_2848, %gather3A_2868 : vector<16xf32>
    %mul3A_2874 = arith.mulf %gather3A_2852, %gather3A_2864 : vector<16xf32>
    %add3A_2875 = arith.addf %mul3A_2873, %mul3A_2874 : vector<16xf32>
    %add3A_2876 = arith.addf %add3A_2875, %gather3A_2860 : vector<16xf32>
    %broadcast_in_dim3A_2877 = arith.constant 22 : i32
    %broadcast_in_dim3A_2878 = vector.broadcast %broadcast_in_dim3A_2877 : i32 to vector<16xi32>
    %mul3A_2879 = arith.mulf %gather3A_2840, %add3A_2872 : vector<16xf32>
    %mul3A_2880 = arith.mulf %gather3A_2844, %add3A_2876 : vector<16xf32>
    %sub3A_2881 = arith.subf %mul3A_2879, %mul3A_2880 : vector<16xf32>
    tpu.vector_store_idx %arg13[%add3A_1702, %broadcast_in_dim3A_2878], %sub3A_2881 : memref<32x64xf32, #tpu.memory_space<vmem>>[vector<16xi32>, vector<16xi32>], vector<16xf32>,
    %add3A_2882 = arith.constant 32 : i32
    %add3A_2883 = vector.broadcast %add3A_2882 : i32 to vector<16xi32>
    %add3A_2884 = arith.addi %broadcast_in_dim3A_2878, %add3A_2883 : vector<16xi32>
    %mul3A_2885 = arith.mulf %gather3A_2844, %add3A_2872 : vector<16xf32>
    %mul3A_2886 = arith.mulf %gather3A_2840, %add3A_2876 : vector<16xf32>
    %add3A_2887 = arith.addf %mul3A_2885, %mul3A_2886 : vector<16xf32>
    tpu.vector_store_idx %arg13[%add3A_1702, %add3A_2884], %add3A_2887 : memref<32x64xf32, #tpu.memory_space<vmem>>[vector<16xi32>, vector<16xi32>], vector<16xf32>,
    %add3A_2888 = arith.constant 23 : i32
    %add3A_2889 = vector.broadcast %add3A_2888 : i32 to vector<16xi32>
    %add3A_2890 = arith.addi %get3A_1706, %add3A_2889 : vector<16xi32>
    %gather3A_2891 = tpu.vector_load_idx %arg9[%add3A_1702, %add3A_2890] : memref<32x128xf32, #tpu.memory_space<vmem>>[vector<16xi32>, vector<16xi32>], vector<16xf32>,
    %add3A_2892 = arith.constant 55 : i32
    %add3A_2893 = vector.broadcast %add3A_2892 : i32 to vector<16xi32>
    %add3A_2894 = arith.addi %get3A_1706, %add3A_2893 : vector<16xi32>
    %gather3A_2895 = tpu.vector_load_idx %arg9[%add3A_1702, %add3A_2894] : memref<32x128xf32, #tpu.memory_space<vmem>>[vector<16xi32>, vector<16xi32>], vector<16xf32>,
    %add3A_2896 = arith.constant 23 : i32
    %add3A_2897 = vector.broadcast %add3A_2896 : i32 to vector<16xi32>
    %add3A_2898 = arith.addi %get3A_1710, %add3A_2897 : vector<16xi32>
    %gather3A_2899 = tpu.vector_load_idx %arg10[%add3A_1702, %add3A_2898] : memref<32x128xf32, #tpu.memory_space<vmem>>[vector<16xi32>, vector<16xi32>], vector<16xf32>,
    %add3A_2900 = arith.constant 55 : i32
    %add3A_2901 = vector.broadcast %add3A_2900 : i32 to vector<16xi32>
    %add3A_2902 = arith.addi %get3A_1710, %add3A_2901 : vector<16xi32>
    %gather3A_2903 = tpu.vector_load_idx %arg10[%add3A_1702, %add3A_2902] : memref<32x128xf32, #tpu.memory_space<vmem>>[vector<16xi32>, vector<16xi32>], vector<16xf32>,
    %add3A_2904 = arith.constant 23 : i32
    %add3A_2905 = vector.broadcast %add3A_2904 : i32 to vector<16xi32>
    %add3A_2906 = arith.addi %get3A_1710, %add3A_2905 : vector<16xi32>
    %gather3A_2907 = tpu.vector_load_idx %arg11[%add3A_1702, %add3A_2906] : memref<32x128xf32, #tpu.memory_space<vmem>>[vector<16xi32>, vector<16xi32>], vector<16xf32>,
    %add3A_2908 = arith.constant 55 : i32
    %add3A_2909 = vector.broadcast %add3A_2908 : i32 to vector<16xi32>
    %add3A_2910 = arith.addi %get3A_1710, %add3A_2909 : vector<16xi32>
    %gather3A_2911 = tpu.vector_load_idx %arg11[%add3A_1702, %add3A_2910] : memref<32x128xf32, #tpu.memory_space<vmem>>[vector<16xi32>, vector<16xi32>], vector<16xf32>,
    %add3A_2912 = arith.constant 23 : i32
    %add3A_2913 = vector.broadcast %add3A_2912 : i32 to vector<16xi32>
    %add3A_2914 = arith.addi %get3A_1714, %add3A_2913 : vector<16xi32>
    %gather3A_2915 = tpu.vector_load_idx %arg12[%add3A_1702, %add3A_2914] : memref<32x128xf32, #tpu.memory_space<vmem>>[vector<16xi32>, vector<16xi32>], vector<16xf32>,
    %add3A_2916 = arith.constant 55 : i32
    %add3A_2917 = vector.broadcast %add3A_2916 : i32 to vector<16xi32>
    %add3A_2918 = arith.addi %get3A_1714, %add3A_2917 : vector<16xi32>
    %gather3A_2919 = tpu.vector_load_idx %arg12[%add3A_1702, %add3A_2918] : memref<32x128xf32, #tpu.memory_space<vmem>>[vector<16xi32>, vector<16xi32>], vector<16xf32>,
    %mul3A_2920 = arith.mulf %gather3A_2899, %gather3A_2915 : vector<16xf32>
    %mul3A_2921 = arith.mulf %gather3A_2903, %gather3A_2919 : vector<16xf32>
    %sub3A_2922 = arith.subf %mul3A_2920, %mul3A_2921 : vector<16xf32>
    %add3A_2923 = arith.addf %sub3A_2922, %gather3A_2907 : vector<16xf32>
    %mul3A_2924 = arith.mulf %gather3A_2899, %gather3A_2919 : vector<16xf32>
    %mul3A_2925 = arith.mulf %gather3A_2903, %gather3A_2915 : vector<16xf32>
    %add3A_2926 = arith.addf %mul3A_2924, %mul3A_2925 : vector<16xf32>
    %add3A_2927 = arith.addf %add3A_2926, %gather3A_2911 : vector<16xf32>
    %broadcast_in_dim3A_2928 = arith.constant 23 : i32
    %broadcast_in_dim3A_2929 = vector.broadcast %broadcast_in_dim3A_2928 : i32 to vector<16xi32>
    %mul3A_2930 = arith.mulf %gather3A_2891, %add3A_2923 : vector<16xf32>
    %mul3A_2931 = arith.mulf %gather3A_2895, %add3A_2927 : vector<16xf32>
    %sub3A_2932 = arith.subf %mul3A_2930, %mul3A_2931 : vector<16xf32>
    tpu.vector_store_idx %arg13[%add3A_1702, %broadcast_in_dim3A_2929], %sub3A_2932 : memref<32x64xf32, #tpu.memory_space<vmem>>[vector<16xi32>, vector<16xi32>], vector<16xf32>,
    %add3A_2933 = arith.constant 32 : i32
    %add3A_2934 = vector.broadcast %add3A_2933 : i32 to vector<16xi32>
    %add3A_2935 = arith.addi %broadcast_in_dim3A_2929, %add3A_2934 : vector<16xi32>
    %mul3A_2936 = arith.mulf %gather3A_2895, %add3A_2923 : vector<16xf32>
    %mul3A_2937 = arith.mulf %gather3A_2891, %add3A_2927 : vector<16xf32>
    %add3A_2938 = arith.addf %mul3A_2936, %mul3A_2937 : vector<16xf32>
    tpu.vector_store_idx %arg13[%add3A_1702, %add3A_2935], %add3A_2938 : memref<32x64xf32, #tpu.memory_space<vmem>>[vector<16xi32>, vector<16xi32>], vector<16xf32>,
    %add3A_2939 = arith.constant 24 : i32
    %add3A_2940 = vector.broadcast %add3A_2939 : i32 to vector<16xi32>
    %add3A_2941 = arith.addi %get3A_1706, %add3A_2940 : vector<16xi32>
    %gather3A_2942 = tpu.vector_load_idx %arg9[%add3A_1702, %add3A_2941] : memref<32x128xf32, #tpu.memory_space<vmem>>[vector<16xi32>, vector<16xi32>], vector<16xf32>,
    %add3A_2943 = arith.constant 56 : i32
    %add3A_2944 = vector.broadcast %add3A_2943 : i32 to vector<16xi32>
    %add3A_2945 = arith.addi %get3A_1706, %add3A_2944 : vector<16xi32>
    %gather3A_2946 = tpu.vector_load_idx %arg9[%add3A_1702, %add3A_2945] : memref<32x128xf32, #tpu.memory_space<vmem>>[vector<16xi32>, vector<16xi32>], vector<16xf32>,
    %add3A_2947 = arith.constant 24 : i32
    %add3A_2948 = vector.broadcast %add3A_2947 : i32 to vector<16xi32>
    %add3A_2949 = arith.addi %get3A_1710, %add3A_2948 : vector<16xi32>
    %gather3A_2950 = tpu.vector_load_idx %arg10[%add3A_1702, %add3A_2949] : memref<32x128xf32, #tpu.memory_space<vmem>>[vector<16xi32>, vector<16xi32>], vector<16xf32>,
    %add3A_2951 = arith.constant 56 : i32
    %add3A_2952 = vector.broadcast %add3A_2951 : i32 to vector<16xi32>
    %add3A_2953 = arith.addi %get3A_1710, %add3A_2952 : vector<16xi32>
    %gather3A_2954 = tpu.vector_load_idx %arg10[%add3A_1702, %add3A_2953] : memref<32x128xf32, #tpu.memory_space<vmem>>[vector<16xi32>, vector<16xi32>], vector<16xf32>,
    %add3A_2955 = arith.constant 24 : i32
    %add3A_2956 = vector.broadcast %add3A_2955 : i32 to vector<16xi32>
    %add3A_2957 = arith.addi %get3A_1710, %add3A_2956 : vector<16xi32>
    %gather3A_2958 = tpu.vector_load_idx %arg11[%add3A_1702, %add3A_2957] : memref<32x128xf32, #tpu.memory_space<vmem>>[vector<16xi32>, vector<16xi32>], vector<16xf32>,
    %add3A_2959 = arith.constant 56 : i32
    %add3A_2960 = vector.broadcast %add3A_2959 : i32 to vector<16xi32>
    %add3A_2961 = arith.addi %get3A_1710, %add3A_2960 : vector<16xi32>
    %gather3A_2962 = tpu.vector_load_idx %arg11[%add3A_1702, %add3A_2961] : memref<32x128xf32, #tpu.memory_space<vmem>>[vector<16xi32>, vector<16xi32>], vector<16xf32>,
    %add3A_2963 = arith.constant 24 : i32
    %add3A_2964 = vector.broadcast %add3A_2963 : i32 to vector<16xi32>
    %add3A_2965 = arith.addi %get3A_1714, %add3A_2964 : vector<16xi32>
    %gather3A_2966 = tpu.vector_load_idx %arg12[%add3A_1702, %add3A_2965] : memref<32x128xf32, #tpu.memory_space<vmem>>[vector<16xi32>, vector<16xi32>], vector<16xf32>,
    %add3A_2967 = arith.constant 56 : i32
    %add3A_2968 = vector.broadcast %add3A_2967 : i32 to vector<16xi32>
    %add3A_2969 = arith.addi %get3A_1714, %add3A_2968 : vector<16xi32>
    %gather3A_2970 = tpu.vector_load_idx %arg12[%add3A_1702, %add3A_2969] : memref<32x128xf32, #tpu.memory_space<vmem>>[vector<16xi32>, vector<16xi32>], vector<16xf32>,
    %mul3A_2971 = arith.mulf %gather3A_2950, %gather3A_2966 : vector<16xf32>
    %mul3A_2972 = arith.mulf %gather3A_2954, %gather3A_2970 : vector<16xf32>
    %sub3A_2973 = arith.subf %mul3A_2971, %mul3A_2972 : vector<16xf32>
    %add3A_2974 = arith.addf %sub3A_2973, %gather3A_2958 : vector<16xf32>
    %mul3A_2975 = arith.mulf %gather3A_2950, %gather3A_2970 : vector<16xf32>
    %mul3A_2976 = arith.mulf %gather3A_2954, %gather3A_2966 : vector<16xf32>
    %add3A_2977 = arith.addf %mul3A_2975, %mul3A_2976 : vector<16xf32>
    %add3A_2978 = arith.addf %add3A_2977, %gather3A_2962 : vector<16xf32>
    %broadcast_in_dim3A_2979 = arith.constant 24 : i32
    %broadcast_in_dim3A_2980 = vector.broadcast %broadcast_in_dim3A_2979 : i32 to vector<16xi32>
    %mul3A_2981 = arith.mulf %gather3A_2942, %add3A_2974 : vector<16xf32>
    %mul3A_2982 = arith.mulf %gather3A_2946, %add3A_2978 : vector<16xf32>
    %sub3A_2983 = arith.subf %mul3A_2981, %mul3A_2982 : vector<16xf32>
    tpu.vector_store_idx %arg13[%add3A_1702, %broadcast_in_dim3A_2980], %sub3A_2983 : memref<32x64xf32, #tpu.memory_space<vmem>>[vector<16xi32>, vector<16xi32>], vector<16xf32>,
    %add3A_2984 = arith.constant 32 : i32
    %add3A_2985 = vector.broadcast %add3A_2984 : i32 to vector<16xi32>
    %add3A_2986 = arith.addi %broadcast_in_dim3A_2980, %add3A_2985 : vector<16xi32>
    %mul3A_2987 = arith.mulf %gather3A_2946, %add3A_2974 : vector<16xf32>
    %mul3A_2988 = arith.mulf %gather3A_2942, %add3A_2978 : vector<16xf32>
    %add3A_2989 = arith.addf %mul3A_2987, %mul3A_2988 : vector<16xf32>
    tpu.vector_store_idx %arg13[%add3A_1702, %add3A_2986], %add3A_2989 : memref<32x64xf32, #tpu.memory_space<vmem>>[vector<16xi32>, vector<16xi32>], vector<16xf32>,
    %add3A_2990 = arith.constant 25 : i32
    %add3A_2991 = vector.broadcast %add3A_2990 : i32 to vector<16xi32>
    %add3A_2992 = arith.addi %get3A_1706, %add3A_2991 : vector<16xi32>
    %gather3A_2993 = tpu.vector_load_idx %arg9[%add3A_1702, %add3A_2992] : memref<32x128xf32, #tpu.memory_space<vmem>>[vector<16xi32>, vector<16xi32>], vector<16xf32>,
    %add3A_2994 = arith.constant 57 : i32
    %add3A_2995 = vector.broadcast %add3A_2994 : i32 to vector<16xi32>
    %add3A_2996 = arith.addi %get3A_1706, %add3A_2995 : vector<16xi32>
    %gather3A_2997 = tpu.vector_load_idx %arg9[%add3A_1702, %add3A_2996] : memref<32x128xf32, #tpu.memory_space<vmem>>[vector<16xi32>, vector<16xi32>], vector<16xf32>,
    %add3A_2998 = arith.constant 25 : i32
    %add3A_2999 = vector.broadcast %add3A_2998 : i32 to vector<16xi32>
    %add3A_3000 = arith.addi %get3A_1710, %add3A_2999 : vector<16xi32>
    %gather3A_3001 = tpu.vector_load_idx %arg10[%add3A_1702, %add3A_3000] : memref<32x128xf32, #tpu.memory_space<vmem>>[vector<16xi32>, vector<16xi32>], vector<16xf32>,
    %add3A_3002 = arith.constant 57 : i32
    %add3A_3003 = vector.broadcast %add3A_3002 : i32 to vector<16xi32>
    %add3A_3004 = arith.addi %get3A_1710, %add3A_3003 : vector<16xi32>
    %gather3A_3005 = tpu.vector_load_idx %arg10[%add3A_1702, %add3A_3004] : memref<32x128xf32, #tpu.memory_space<vmem>>[vector<16xi32>, vector<16xi32>], vector<16xf32>,
    %add3A_3006 = arith.constant 25 : i32
    %add3A_3007 = vector.broadcast %add3A_3006 : i32 to vector<16xi32>
    %add3A_3008 = arith.addi %get3A_1710, %add3A_3007 : vector<16xi32>
    %gather3A_3009 = tpu.vector_load_idx %arg11[%add3A_1702, %add3A_3008] : memref<32x128xf32, #tpu.memory_space<vmem>>[vector<16xi32>, vector<16xi32>], vector<16xf32>,
    %add3A_3010 = arith.constant 57 : i32
    %add3A_3011 = vector.broadcast %add3A_3010 : i32 to vector<16xi32>
    %add3A_3012 = arith.addi %get3A_1710, %add3A_3011 : vector<16xi32>
    %gather3A_3013 = tpu.vector_load_idx %arg11[%add3A_1702, %add3A_3012] : memref<32x128xf32, #tpu.memory_space<vmem>>[vector<16xi32>, vector<16xi32>], vector<16xf32>,
    %add3A_3014 = arith.constant 25 : i32
    %add3A_3015 = vector.broadcast %add3A_3014 : i32 to vector<16xi32>
    %add3A_3016 = arith.addi %get3A_1714, %add3A_3015 : vector<16xi32>
    %gather3A_3017 = tpu.vector_load_idx %arg12[%add3A_1702, %add3A_3016] : memref<32x128xf32, #tpu.memory_space<vmem>>[vector<16xi32>, vector<16xi32>], vector<16xf32>,
    %add3A_3018 = arith.constant 57 : i32
    %add3A_3019 = vector.broadcast %add3A_3018 : i32 to vector<16xi32>
    %add3A_3020 = arith.addi %get3A_1714, %add3A_3019 : vector<16xi32>
    %gather3A_3021 = tpu.vector_load_idx %arg12[%add3A_1702, %add3A_3020] : memref<32x128xf32, #tpu.memory_space<vmem>>[vector<16xi32>, vector<16xi32>], vector<16xf32>,
    %mul3A_3022 = arith.mulf %gather3A_3001, %gather3A_3017 : vector<16xf32>
    %mul3A_3023 = arith.mulf %gather3A_3005, %gather3A_3021 : vector<16xf32>
    %sub3A_3024 = arith.subf %mul3A_3022, %mul3A_3023 : vector<16xf32>
    %add3A_3025 = arith.addf %sub3A_3024, %gather3A_3009 : vector<16xf32>
    %mul3A_3026 = arith.mulf %gather3A_3001, %gather3A_3021 : vector<16xf32>
    %mul3A_3027 = arith.mulf %gather3A_3005, %gather3A_3017 : vector<16xf32>
    %add3A_3028 = arith.addf %mul3A_3026, %mul3A_3027 : vector<16xf32>
    %add3A_3029 = arith.addf %add3A_3028, %gather3A_3013 : vector<16xf32>
    %broadcast_in_dim3A_3030 = arith.constant 25 : i32
    %broadcast_in_dim3A_3031 = vector.broadcast %broadcast_in_dim3A_3030 : i32 to vector<16xi32>
    %mul3A_3032 = arith.mulf %gather3A_2993, %add3A_3025 : vector<16xf32>
    %mul3A_3033 = arith.mulf %gather3A_2997, %add3A_3029 : vector<16xf32>
    %sub3A_3034 = arith.subf %mul3A_3032, %mul3A_3033 : vector<16xf32>
    tpu.vector_store_idx %arg13[%add3A_1702, %broadcast_in_dim3A_3031], %sub3A_3034 : memref<32x64xf32, #tpu.memory_space<vmem>>[vector<16xi32>, vector<16xi32>], vector<16xf32>,
    %add3A_3035 = arith.constant 32 : i32
    %add3A_3036 = vector.broadcast %add3A_3035 : i32 to vector<16xi32>
    %add3A_3037 = arith.addi %broadcast_in_dim3A_3031, %add3A_3036 : vector<16xi32>
    %mul3A_3038 = arith.mulf %gather3A_2997, %add3A_3025 : vector<16xf32>
    %mul3A_3039 = arith.mulf %gather3A_2993, %add3A_3029 : vector<16xf32>
    %add3A_3040 = arith.addf %mul3A_3038, %mul3A_3039 : vector<16xf32>
    tpu.vector_store_idx %arg13[%add3A_1702, %add3A_3037], %add3A_3040 : memref<32x64xf32, #tpu.memory_space<vmem>>[vector<16xi32>, vector<16xi32>], vector<16xf32>,
    %add3A_3041 = arith.constant 26 : i32
    %add3A_3042 = vector.broadcast %add3A_3041 : i32 to vector<16xi32>
    %add3A_3043 = arith.addi %get3A_1706, %add3A_3042 : vector<16xi32>
    %gather3A_3044 = tpu.vector_load_idx %arg9[%add3A_1702, %add3A_3043] : memref<32x128xf32, #tpu.memory_space<vmem>>[vector<16xi32>, vector<16xi32>], vector<16xf32>,
    %add3A_3045 = arith.constant 58 : i32
    %add3A_3046 = vector.broadcast %add3A_3045 : i32 to vector<16xi32>
    %add3A_3047 = arith.addi %get3A_1706, %add3A_3046 : vector<16xi32>
    %gather3A_3048 = tpu.vector_load_idx %arg9[%add3A_1702, %add3A_3047] : memref<32x128xf32, #tpu.memory_space<vmem>>[vector<16xi32>, vector<16xi32>], vector<16xf32>,
    %add3A_3049 = arith.constant 26 : i32
    %add3A_3050 = vector.broadcast %add3A_3049 : i32 to vector<16xi32>
    %add3A_3051 = arith.addi %get3A_1710, %add3A_3050 : vector<16xi32>
    %gather3A_3052 = tpu.vector_load_idx %arg10[%add3A_1702, %add3A_3051] : memref<32x128xf32, #tpu.memory_space<vmem>>[vector<16xi32>, vector<16xi32>], vector<16xf32>,
    %add3A_3053 = arith.constant 58 : i32
    %add3A_3054 = vector.broadcast %add3A_3053 : i32 to vector<16xi32>
    %add3A_3055 = arith.addi %get3A_1710, %add3A_3054 : vector<16xi32>
    %gather3A_3056 = tpu.vector_load_idx %arg10[%add3A_1702, %add3A_3055] : memref<32x128xf32, #tpu.memory_space<vmem>>[vector<16xi32>, vector<16xi32>], vector<16xf32>,
    %add3A_3057 = arith.constant 26 : i32
    %add3A_3058 = vector.broadcast %add3A_3057 : i32 to vector<16xi32>
    %add3A_3059 = arith.addi %get3A_1710, %add3A_3058 : vector<16xi32>
    %gather3A_3060 = tpu.vector_load_idx %arg11[%add3A_1702, %add3A_3059] : memref<32x128xf32, #tpu.memory_space<vmem>>[vector<16xi32>, vector<16xi32>], vector<16xf32>,
    %add3A_3061 = arith.constant 58 : i32
    %add3A_3062 = vector.broadcast %add3A_3061 : i32 to vector<16xi32>
    %add3A_3063 = arith.addi %get3A_1710, %add3A_3062 : vector<16xi32>
    %gather3A_3064 = tpu.vector_load_idx %arg11[%add3A_1702, %add3A_3063] : memref<32x128xf32, #tpu.memory_space<vmem>>[vector<16xi32>, vector<16xi32>], vector<16xf32>,
    %add3A_3065 = arith.constant 26 : i32
    %add3A_3066 = vector.broadcast %add3A_3065 : i32 to vector<16xi32>
    %add3A_3067 = arith.addi %get3A_1714, %add3A_3066 : vector<16xi32>
    %gather3A_3068 = tpu.vector_load_idx %arg12[%add3A_1702, %add3A_3067] : memref<32x128xf32, #tpu.memory_space<vmem>>[vector<16xi32>, vector<16xi32>], vector<16xf32>,
    %add3A_3069 = arith.constant 58 : i32
    %add3A_3070 = vector.broadcast %add3A_3069 : i32 to vector<16xi32>
    %add3A_3071 = arith.addi %get3A_1714, %add3A_3070 : vector<16xi32>
    %gather3A_3072 = tpu.vector_load_idx %arg12[%add3A_1702, %add3A_3071] : memref<32x128xf32, #tpu.memory_space<vmem>>[vector<16xi32>, vector<16xi32>], vector<16xf32>,
    %mul3A_3073 = arith.mulf %gather3A_3052, %gather3A_3068 : vector<16xf32>
    %mul3A_3074 = arith.mulf %gather3A_3056, %gather3A_3072 : vector<16xf32>
    %sub3A_3075 = arith.subf %mul3A_3073, %mul3A_3074 : vector<16xf32>
    %add3A_3076 = arith.addf %sub3A_3075, %gather3A_3060 : vector<16xf32>
    %mul3A_3077 = arith.mulf %gather3A_3052, %gather3A_3072 : vector<16xf32>
    %mul3A_3078 = arith.mulf %gather3A_3056, %gather3A_3068 : vector<16xf32>
    %add3A_3079 = arith.addf %mul3A_3077, %mul3A_3078 : vector<16xf32>
    %add3A_3080 = arith.addf %add3A_3079, %gather3A_3064 : vector<16xf32>
    %broadcast_in_dim3A_3081 = arith.constant 26 : i32
    %broadcast_in_dim3A_3082 = vector.broadcast %broadcast_in_dim3A_3081 : i32 to vector<16xi32>
    %mul3A_3083 = arith.mulf %gather3A_3044, %add3A_3076 : vector<16xf32>
    %mul3A_3084 = arith.mulf %gather3A_3048, %add3A_3080 : vector<16xf32>
    %sub3A_3085 = arith.subf %mul3A_3083, %mul3A_3084 : vector<16xf32>
    tpu.vector_store_idx %arg13[%add3A_1702, %broadcast_in_dim3A_3082], %sub3A_3085 : memref<32x64xf32, #tpu.memory_space<vmem>>[vector<16xi32>, vector<16xi32>], vector<16xf32>,
    %add3A_3086 = arith.constant 32 : i32
    %add3A_3087 = vector.broadcast %add3A_3086 : i32 to vector<16xi32>
    %add3A_3088 = arith.addi %broadcast_in_dim3A_3082, %add3A_3087 : vector<16xi32>
    %mul3A_3089 = arith.mulf %gather3A_3048, %add3A_3076 : vector<16xf32>
    %mul3A_3090 = arith.mulf %gather3A_3044, %add3A_3080 : vector<16xf32>
    %add3A_3091 = arith.addf %mul3A_3089, %mul3A_3090 : vector<16xf32>
    tpu.vector_store_idx %arg13[%add3A_1702, %add3A_3088], %add3A_3091 : memref<32x64xf32, #tpu.memory_space<vmem>>[vector<16xi32>, vector<16xi32>], vector<16xf32>,
    %add3A_3092 = arith.constant 27 : i32
    %add3A_3093 = vector.broadcast %add3A_3092 : i32 to vector<16xi32>
    %add3A_3094 = arith.addi %get3A_1706, %add3A_3093 : vector<16xi32>
    %gather3A_3095 = tpu.vector_load_idx %arg9[%add3A_1702, %add3A_3094] : memref<32x128xf32, #tpu.memory_space<vmem>>[vector<16xi32>, vector<16xi32>], vector<16xf32>,
    %add3A_3096 = arith.constant 59 : i32
    %add3A_3097 = vector.broadcast %add3A_3096 : i32 to vector<16xi32>
    %add3A_3098 = arith.addi %get3A_1706, %add3A_3097 : vector<16xi32>
    %gather3A_3099 = tpu.vector_load_idx %arg9[%add3A_1702, %add3A_3098] : memref<32x128xf32, #tpu.memory_space<vmem>>[vector<16xi32>, vector<16xi32>], vector<16xf32>,
    %add3A_3100 = arith.constant 27 : i32
    %add3A_3101 = vector.broadcast %add3A_3100 : i32 to vector<16xi32>
    %add3A_3102 = arith.addi %get3A_1710, %add3A_3101 : vector<16xi32>
    %gather3A_3103 = tpu.vector_load_idx %arg10[%add3A_1702, %add3A_3102] : memref<32x128xf32, #tpu.memory_space<vmem>>[vector<16xi32>, vector<16xi32>], vector<16xf32>,
    %add3A_3104 = arith.constant 59 : i32
    %add3A_3105 = vector.broadcast %add3A_3104 : i32 to vector<16xi32>
    %add3A_3106 = arith.addi %get3A_1710, %add3A_3105 : vector<16xi32>
    %gather3A_3107 = tpu.vector_load_idx %arg10[%add3A_1702, %add3A_3106] : memref<32x128xf32, #tpu.memory_space<vmem>>[vector<16xi32>, vector<16xi32>], vector<16xf32>,
    %add3A_3108 = arith.constant 27 : i32
    %add3A_3109 = vector.broadcast %add3A_3108 : i32 to vector<16xi32>
    %add3A_3110 = arith.addi %get3A_1710, %add3A_3109 : vector<16xi32>
    %gather3A_3111 = tpu.vector_load_idx %arg11[%add3A_1702, %add3A_3110] : memref<32x128xf32, #tpu.memory_space<vmem>>[vector<16xi32>, vector<16xi32>], vector<16xf32>,
    %add3A_3112 = arith.constant 59 : i32
    %add3A_3113 = vector.broadcast %add3A_3112 : i32 to vector<16xi32>
    %add3A_3114 = arith.addi %get3A_1710, %add3A_3113 : vector<16xi32>
    %gather3A_3115 = tpu.vector_load_idx %arg11[%add3A_1702, %add3A_3114] : memref<32x128xf32, #tpu.memory_space<vmem>>[vector<16xi32>, vector<16xi32>], vector<16xf32>,
    %add3A_3116 = arith.constant 27 : i32
    %add3A_3117 = vector.broadcast %add3A_3116 : i32 to vector<16xi32>
    %add3A_3118 = arith.addi %get3A_1714, %add3A_3117 : vector<16xi32>
    %gather3A_3119 = tpu.vector_load_idx %arg12[%add3A_1702, %add3A_3118] : memref<32x128xf32, #tpu.memory_space<vmem>>[vector<16xi32>, vector<16xi32>], vector<16xf32>,
    %add3A_3120 = arith.constant 59 : i32
    %add3A_3121 = vector.broadcast %add3A_3120 : i32 to vector<16xi32>
    %add3A_3122 = arith.addi %get3A_1714, %add3A_3121 : vector<16xi32>
    %gather3A_3123 = tpu.vector_load_idx %arg12[%add3A_1702, %add3A_3122] : memref<32x128xf32, #tpu.memory_space<vmem>>[vector<16xi32>, vector<16xi32>], vector<16xf32>,
    %mul3A_3124 = arith.mulf %gather3A_3103, %gather3A_3119 : vector<16xf32>
    %mul3A_3125 = arith.mulf %gather3A_3107, %gather3A_3123 : vector<16xf32>
    %sub3A_3126 = arith.subf %mul3A_3124, %mul3A_3125 : vector<16xf32>
    %add3A_3127 = arith.addf %sub3A_3126, %gather3A_3111 : vector<16xf32>
    %mul3A_3128 = arith.mulf %gather3A_3103, %gather3A_3123 : vector<16xf32>
    %mul3A_3129 = arith.mulf %gather3A_3107, %gather3A_3119 : vector<16xf32>
    %add3A_3130 = arith.addf %mul3A_3128, %mul3A_3129 : vector<16xf32>
    %add3A_3131 = arith.addf %add3A_3130, %gather3A_3115 : vector<16xf32>
    %broadcast_in_dim3A_3132 = arith.constant 27 : i32
    %broadcast_in_dim3A_3133 = vector.broadcast %broadcast_in_dim3A_3132 : i32 to vector<16xi32>
    %mul3A_3134 = arith.mulf %gather3A_3095, %add3A_3127 : vector<16xf32>
    %mul3A_3135 = arith.mulf %gather3A_3099, %add3A_3131 : vector<16xf32>
    %sub3A_3136 = arith.subf %mul3A_3134, %mul3A_3135 : vector<16xf32>
    tpu.vector_store_idx %arg13[%add3A_1702, %broadcast_in_dim3A_3133], %sub3A_3136 : memref<32x64xf32, #tpu.memory_space<vmem>>[vector<16xi32>, vector<16xi32>], vector<16xf32>,
    %add3A_3137 = arith.constant 32 : i32
    %add3A_3138 = vector.broadcast %add3A_3137 : i32 to vector<16xi32>
    %add3A_3139 = arith.addi %broadcast_in_dim3A_3133, %add3A_3138 : vector<16xi32>
    %mul3A_3140 = arith.mulf %gather3A_3099, %add3A_3127 : vector<16xf32>
    %mul3A_3141 = arith.mulf %gather3A_3095, %add3A_3131 : vector<16xf32>
    %add3A_3142 = arith.addf %mul3A_3140, %mul3A_3141 : vector<16xf32>
    tpu.vector_store_idx %arg13[%add3A_1702, %add3A_3139], %add3A_3142 : memref<32x64xf32, #tpu.memory_space<vmem>>[vector<16xi32>, vector<16xi32>], vector<16xf32>,
    %add3A_3143 = arith.constant 28 : i32
    %add3A_3144 = vector.broadcast %add3A_3143 : i32 to vector<16xi32>
    %add3A_3145 = arith.addi %get3A_1706, %add3A_3144 : vector<16xi32>
    %gather3A_3146 = tpu.vector_load_idx %arg9[%add3A_1702, %add3A_3145] : memref<32x128xf32, #tpu.memory_space<vmem>>[vector<16xi32>, vector<16xi32>], vector<16xf32>,
    %add3A_3147 = arith.constant 60 : i32
    %add3A_3148 = vector.broadcast %add3A_3147 : i32 to vector<16xi32>
    %add3A_3149 = arith.addi %get3A_1706, %add3A_3148 : vector<16xi32>
    %gather3A_3150 = tpu.vector_load_idx %arg9[%add3A_1702, %add3A_3149] : memref<32x128xf32, #tpu.memory_space<vmem>>[vector<16xi32>, vector<16xi32>], vector<16xf32>,
    %add3A_3151 = arith.constant 28 : i32
    %add3A_3152 = vector.broadcast %add3A_3151 : i32 to vector<16xi32>
    %add3A_3153 = arith.addi %get3A_1710, %add3A_3152 : vector<16xi32>
    %gather3A_3154 = tpu.vector_load_idx %arg10[%add3A_1702, %add3A_3153] : memref<32x128xf32, #tpu.memory_space<vmem>>[vector<16xi32>, vector<16xi32>], vector<16xf32>,
    %add3A_3155 = arith.constant 60 : i32
    %add3A_3156 = vector.broadcast %add3A_3155 : i32 to vector<16xi32>
    %add3A_3157 = arith.addi %get3A_1710, %add3A_3156 : vector<16xi32>
    %gather3A_3158 = tpu.vector_load_idx %arg10[%add3A_1702, %add3A_3157] : memref<32x128xf32, #tpu.memory_space<vmem>>[vector<16xi32>, vector<16xi32>], vector<16xf32>,
    %add3A_3159 = arith.constant 28 : i32
    %add3A_3160 = vector.broadcast %add3A_3159 : i32 to vector<16xi32>
    %add3A_3161 = arith.addi %get3A_1710, %add3A_3160 : vector<16xi32>
    %gather3A_3162 = tpu.vector_load_idx %arg11[%add3A_1702, %add3A_3161] : memref<32x128xf32, #tpu.memory_space<vmem>>[vector<16xi32>, vector<16xi32>], vector<16xf32>,
    %add3A_3163 = arith.constant 60 : i32
    %add3A_3164 = vector.broadcast %add3A_3163 : i32 to vector<16xi32>
    %add3A_3165 = arith.addi %get3A_1710, %add3A_3164 : vector<16xi32>
    %gather3A_3166 = tpu.vector_load_idx %arg11[%add3A_1702, %add3A_3165] : memref<32x128xf32, #tpu.memory_space<vmem>>[vector<16xi32>, vector<16xi32>], vector<16xf32>,
    %add3A_3167 = arith.constant 28 : i32
    %add3A_3168 = vector.broadcast %add3A_3167 : i32 to vector<16xi32>
    %add3A_3169 = arith.addi %get3A_1714, %add3A_3168 : vector<16xi32>
    %gather3A_3170 = tpu.vector_load_idx %arg12[%add3A_1702, %add3A_3169] : memref<32x128xf32, #tpu.memory_space<vmem>>[vector<16xi32>, vector<16xi32>], vector<16xf32>,
    %add3A_3171 = arith.constant 60 : i32
    %add3A_3172 = vector.broadcast %add3A_3171 : i32 to vector<16xi32>
    %add3A_3173 = arith.addi %get3A_1714, %add3A_3172 : vector<16xi32>
    %gather3A_3174 = tpu.vector_load_idx %arg12[%add3A_1702, %add3A_3173] : memref<32x128xf32, #tpu.memory_space<vmem>>[vector<16xi32>, vector<16xi32>], vector<16xf32>,
    %mul3A_3175 = arith.mulf %gather3A_3154, %gather3A_3170 : vector<16xf32>
    %mul3A_3176 = arith.mulf %gather3A_3158, %gather3A_3174 : vector<16xf32>
    %sub3A_3177 = arith.subf %mul3A_3175, %mul3A_3176 : vector<16xf32>
    %add3A_3178 = arith.addf %sub3A_3177, %gather3A_3162 : vector<16xf32>
    %mul3A_3179 = arith.mulf %gather3A_3154, %gather3A_3174 : vector<16xf32>
    %mul3A_3180 = arith.mulf %gather3A_3158, %gather3A_3170 : vector<16xf32>
    %add3A_3181 = arith.addf %mul3A_3179, %mul3A_3180 : vector<16xf32>
    %add3A_3182 = arith.addf %add3A_3181, %gather3A_3166 : vector<16xf32>
    %broadcast_in_dim3A_3183 = arith.constant 28 : i32
    %broadcast_in_dim3A_3184 = vector.broadcast %broadcast_in_dim3A_3183 : i32 to vector<16xi32>
    %mul3A_3185 = arith.mulf %gather3A_3146, %add3A_3178 : vector<16xf32>
    %mul3A_3186 = arith.mulf %gather3A_3150, %add3A_3182 : vector<16xf32>
    %sub3A_3187 = arith.subf %mul3A_3185, %mul3A_3186 : vector<16xf32>
    tpu.vector_store_idx %arg13[%add3A_1702, %broadcast_in_dim3A_3184], %sub3A_3187 : memref<32x64xf32, #tpu.memory_space<vmem>>[vector<16xi32>, vector<16xi32>], vector<16xf32>,
    %add3A_3188 = arith.constant 32 : i32
    %add3A_3189 = vector.broadcast %add3A_3188 : i32 to vector<16xi32>
    %add3A_3190 = arith.addi %broadcast_in_dim3A_3184, %add3A_3189 : vector<16xi32>
    %mul3A_3191 = arith.mulf %gather3A_3150, %add3A_3178 : vector<16xf32>
    %mul3A_3192 = arith.mulf %gather3A_3146, %add3A_3182 : vector<16xf32>
    %add3A_3193 = arith.addf %mul3A_3191, %mul3A_3192 : vector<16xf32>
    tpu.vector_store_idx %arg13[%add3A_1702, %add3A_3190], %add3A_3193 : memref<32x64xf32, #tpu.memory_space<vmem>>[vector<16xi32>, vector<16xi32>], vector<16xf32>,
    %add3A_3194 = arith.constant 29 : i32
    %add3A_3195 = vector.broadcast %add3A_3194 : i32 to vector<16xi32>
    %add3A_3196 = arith.addi %get3A_1706, %add3A_3195 : vector<16xi32>
    %gather3A_3197 = tpu.vector_load_idx %arg9[%add3A_1702, %add3A_3196] : memref<32x128xf32, #tpu.memory_space<vmem>>[vector<16xi32>, vector<16xi32>], vector<16xf32>,
    %add3A_3198 = arith.constant 61 : i32
    %add3A_3199 = vector.broadcast %add3A_3198 : i32 to vector<16xi32>
    %add3A_3200 = arith.addi %get3A_1706, %add3A_3199 : vector<16xi32>
    %gather3A_3201 = tpu.vector_load_idx %arg9[%add3A_1702, %add3A_3200] : memref<32x128xf32, #tpu.memory_space<vmem>>[vector<16xi32>, vector<16xi32>], vector<16xf32>,
    %add3A_3202 = arith.constant 29 : i32
    %add3A_3203 = vector.broadcast %add3A_3202 : i32 to vector<16xi32>
    %add3A_3204 = arith.addi %get3A_1710, %add3A_3203 : vector<16xi32>
    %gather3A_3205 = tpu.vector_load_idx %arg10[%add3A_1702, %add3A_3204] : memref<32x128xf32, #tpu.memory_space<vmem>>[vector<16xi32>, vector<16xi32>], vector<16xf32>,
    %add3A_3206 = arith.constant 61 : i32
    %add3A_3207 = vector.broadcast %add3A_3206 : i32 to vector<16xi32>
    %add3A_3208 = arith.addi %get3A_1710, %add3A_3207 : vector<16xi32>
    %gather3A_3209 = tpu.vector_load_idx %arg10[%add3A_1702, %add3A_3208] : memref<32x128xf32, #tpu.memory_space<vmem>>[vector<16xi32>, vector<16xi32>], vector<16xf32>,
    %add3A_3210 = arith.constant 29 : i32
    %add3A_3211 = vector.broadcast %add3A_3210 : i32 to vector<16xi32>
    %add3A_3212 = arith.addi %get3A_1710, %add3A_3211 : vector<16xi32>
    %gather3A_3213 = tpu.vector_load_idx %arg11[%add3A_1702, %add3A_3212] : memref<32x128xf32, #tpu.memory_space<vmem>>[vector<16xi32>, vector<16xi32>], vector<16xf32>,
    %add3A_3214 = arith.constant 61 : i32
    %add3A_3215 = vector.broadcast %add3A_3214 : i32 to vector<16xi32>
    %add3A_3216 = arith.addi %get3A_1710, %add3A_3215 : vector<16xi32>
    %gather3A_3217 = tpu.vector_load_idx %arg11[%add3A_1702, %add3A_3216] : memref<32x128xf32, #tpu.memory_space<vmem>>[vector<16xi32>, vector<16xi32>], vector<16xf32>,
    %add3A_3218 = arith.constant 29 : i32
    %add3A_3219 = vector.broadcast %add3A_3218 : i32 to vector<16xi32>
    %add3A_3220 = arith.addi %get3A_1714, %add3A_3219 : vector<16xi32>
    %gather3A_3221 = tpu.vector_load_idx %arg12[%add3A_1702, %add3A_3220] : memref<32x128xf32, #tpu.memory_space<vmem>>[vector<16xi32>, vector<16xi32>], vector<16xf32>,
    %add3A_3222 = arith.constant 61 : i32
    %add3A_3223 = vector.broadcast %add3A_3222 : i32 to vector<16xi32>
    %add3A_3224 = arith.addi %get3A_1714, %add3A_3223 : vector<16xi32>
    %gather3A_3225 = tpu.vector_load_idx %arg12[%add3A_1702, %add3A_3224] : memref<32x128xf32, #tpu.memory_space<vmem>>[vector<16xi32>, vector<16xi32>], vector<16xf32>,
    %mul3A_3226 = arith.mulf %gather3A_3205, %gather3A_3221 : vector<16xf32>
    %mul3A_3227 = arith.mulf %gather3A_3209, %gather3A_3225 : vector<16xf32>
    %sub3A_3228 = arith.subf %mul3A_3226, %mul3A_3227 : vector<16xf32>
    %add3A_3229 = arith.addf %sub3A_3228, %gather3A_3213 : vector<16xf32>
    %mul3A_3230 = arith.mulf %gather3A_3205, %gather3A_3225 : vector<16xf32>
    %mul3A_3231 = arith.mulf %gather3A_3209, %gather3A_3221 : vector<16xf32>
    %add3A_3232 = arith.addf %mul3A_3230, %mul3A_3231 : vector<16xf32>
    %add3A_3233 = arith.addf %add3A_3232, %gather3A_3217 : vector<16xf32>
    %broadcast_in_dim3A_3234 = arith.constant 29 : i32
    %broadcast_in_dim3A_3235 = vector.broadcast %broadcast_in_dim3A_3234 : i32 to vector<16xi32>
    %mul3A_3236 = arith.mulf %gather3A_3197, %add3A_3229 : vector<16xf32>
    %mul3A_3237 = arith.mulf %gather3A_3201, %add3A_3233 : vector<16xf32>
    %sub3A_3238 = arith.subf %mul3A_3236, %mul3A_3237 : vector<16xf32>
    tpu.vector_store_idx %arg13[%add3A_1702, %broadcast_in_dim3A_3235], %sub3A_3238 : memref<32x64xf32, #tpu.memory_space<vmem>>[vector<16xi32>, vector<16xi32>], vector<16xf32>,
    %add3A_3239 = arith.constant 32 : i32
    %add3A_3240 = vector.broadcast %add3A_3239 : i32 to vector<16xi32>
    %add3A_3241 = arith.addi %broadcast_in_dim3A_3235, %add3A_3240 : vector<16xi32>
    %mul3A_3242 = arith.mulf %gather3A_3201, %add3A_3229 : vector<16xf32>
    %mul3A_3243 = arith.mulf %gather3A_3197, %add3A_3233 : vector<16xf32>
    %add3A_3244 = arith.addf %mul3A_3242, %mul3A_3243 : vector<16xf32>
    tpu.vector_store_idx %arg13[%add3A_1702, %add3A_3241], %add3A_3244 : memref<32x64xf32, #tpu.memory_space<vmem>>[vector<16xi32>, vector<16xi32>], vector<16xf32>,
    %add3A_3245 = arith.constant 30 : i32
    %add3A_3246 = vector.broadcast %add3A_3245 : i32 to vector<16xi32>
    %add3A_3247 = arith.addi %get3A_1706, %add3A_3246 : vector<16xi32>
    %gather3A_3248 = tpu.vector_load_idx %arg9[%add3A_1702, %add3A_3247] : memref<32x128xf32, #tpu.memory_space<vmem>>[vector<16xi32>, vector<16xi32>], vector<16xf32>,
    %add3A_3249 = arith.constant 62 : i32
    %add3A_3250 = vector.broadcast %add3A_3249 : i32 to vector<16xi32>
    %add3A_3251 = arith.addi %get3A_1706, %add3A_3250 : vector<16xi32>
    %gather3A_3252 = tpu.vector_load_idx %arg9[%add3A_1702, %add3A_3251] : memref<32x128xf32, #tpu.memory_space<vmem>>[vector<16xi32>, vector<16xi32>], vector<16xf32>,
    %add3A_3253 = arith.constant 30 : i32
    %add3A_3254 = vector.broadcast %add3A_3253 : i32 to vector<16xi32>
    %add3A_3255 = arith.addi %get3A_1710, %add3A_3254 : vector<16xi32>
    %gather3A_3256 = tpu.vector_load_idx %arg10[%add3A_1702, %add3A_3255] : memref<32x128xf32, #tpu.memory_space<vmem>>[vector<16xi32>, vector<16xi32>], vector<16xf32>,
    %add3A_3257 = arith.constant 62 : i32
    %add3A_3258 = vector.broadcast %add3A_3257 : i32 to vector<16xi32>
    %add3A_3259 = arith.addi %get3A_1710, %add3A_3258 : vector<16xi32>
    %gather3A_3260 = tpu.vector_load_idx %arg10[%add3A_1702, %add3A_3259] : memref<32x128xf32, #tpu.memory_space<vmem>>[vector<16xi32>, vector<16xi32>], vector<16xf32>,
    %add3A_3261 = arith.constant 30 : i32
    %add3A_3262 = vector.broadcast %add3A_3261 : i32 to vector<16xi32>
    %add3A_3263 = arith.addi %get3A_1710, %add3A_3262 : vector<16xi32>
    %gather3A_3264 = tpu.vector_load_idx %arg11[%add3A_1702, %add3A_3263] : memref<32x128xf32, #tpu.memory_space<vmem>>[vector<16xi32>, vector<16xi32>], vector<16xf32>,
    %add3A_3265 = arith.constant 62 : i32
    %add3A_3266 = vector.broadcast %add3A_3265 : i32 to vector<16xi32>
    %add3A_3267 = arith.addi %get3A_1710, %add3A_3266 : vector<16xi32>
    %gather3A_3268 = tpu.vector_load_idx %arg11[%add3A_1702, %add3A_3267] : memref<32x128xf32, #tpu.memory_space<vmem>>[vector<16xi32>, vector<16xi32>], vector<16xf32>,
    %add3A_3269 = arith.constant 30 : i32
    %add3A_3270 = vector.broadcast %add3A_3269 : i32 to vector<16xi32>
    %add3A_3271 = arith.addi %get3A_1714, %add3A_3270 : vector<16xi32>
    %gather3A_3272 = tpu.vector_load_idx %arg12[%add3A_1702, %add3A_3271] : memref<32x128xf32, #tpu.memory_space<vmem>>[vector<16xi32>, vector<16xi32>], vector<16xf32>,
    %add3A_3273 = arith.constant 62 : i32
    %add3A_3274 = vector.broadcast %add3A_3273 : i32 to vector<16xi32>
    %add3A_3275 = arith.addi %get3A_1714, %add3A_3274 : vector<16xi32>
    %gather3A_3276 = tpu.vector_load_idx %arg12[%add3A_1702, %add3A_3275] : memref<32x128xf32, #tpu.memory_space<vmem>>[vector<16xi32>, vector<16xi32>], vector<16xf32>,
    %mul3A_3277 = arith.mulf %gather3A_3256, %gather3A_3272 : vector<16xf32>
    %mul3A_3278 = arith.mulf %gather3A_3260, %gather3A_3276 : vector<16xf32>
    %sub3A_3279 = arith.subf %mul3A_3277, %mul3A_3278 : vector<16xf32>
    %add3A_3280 = arith.addf %sub3A_3279, %gather3A_3264 : vector<16xf32>
    %mul3A_3281 = arith.mulf %gather3A_3256, %gather3A_3276 : vector<16xf32>
    %mul3A_3282 = arith.mulf %gather3A_3260, %gather3A_3272 : vector<16xf32>
    %add3A_3283 = arith.addf %mul3A_3281, %mul3A_3282 : vector<16xf32>
    %add3A_3284 = arith.addf %add3A_3283, %gather3A_3268 : vector<16xf32>
    %broadcast_in_dim3A_3285 = arith.constant 30 : i32
    %broadcast_in_dim3A_3286 = vector.broadcast %broadcast_in_dim3A_3285 : i32 to vector<16xi32>
    %mul3A_3287 = arith.mulf %gather3A_3248, %add3A_3280 : vector<16xf32>
    %mul3A_3288 = arith.mulf %gather3A_3252, %add3A_3284 : vector<16xf32>
    %sub3A_3289 = arith.subf %mul3A_3287, %mul3A_3288 : vector<16xf32>
    tpu.vector_store_idx %arg13[%add3A_1702, %broadcast_in_dim3A_3286], %sub3A_3289 : memref<32x64xf32, #tpu.memory_space<vmem>>[vector<16xi32>, vector<16xi32>], vector<16xf32>,
    %add3A_3290 = arith.constant 32 : i32
    %add3A_3291 = vector.broadcast %add3A_3290 : i32 to vector<16xi32>
    %add3A_3292 = arith.addi %broadcast_in_dim3A_3286, %add3A_3291 : vector<16xi32>
    %mul3A_3293 = arith.mulf %gather3A_3252, %add3A_3280 : vector<16xf32>
    %mul3A_3294 = arith.mulf %gather3A_3248, %add3A_3284 : vector<16xf32>
    %add3A_3295 = arith.addf %mul3A_3293, %mul3A_3294 : vector<16xf32>
    tpu.vector_store_idx %arg13[%add3A_1702, %add3A_3292], %add3A_3295 : memref<32x64xf32, #tpu.memory_space<vmem>>[vector<16xi32>, vector<16xi32>], vector<16xf32>,
    %add3A_3296 = arith.constant 31 : i32
    %add3A_3297 = vector.broadcast %add3A_3296 : i32 to vector<16xi32>
    %add3A_3298 = arith.addi %get3A_1706, %add3A_3297 : vector<16xi32>
    %gather3A_3299 = tpu.vector_load_idx %arg9[%add3A_1702, %add3A_3298] : memref<32x128xf32, #tpu.memory_space<vmem>>[vector<16xi32>, vector<16xi32>], vector<16xf32>,
    %add3A_3300 = arith.constant 63 : i32
    %add3A_3301 = vector.broadcast %add3A_3300 : i32 to vector<16xi32>
    %add3A_3302 = arith.addi %get3A_1706, %add3A_3301 : vector<16xi32>
    %gather3A_3303 = tpu.vector_load_idx %arg9[%add3A_1702, %add3A_3302] : memref<32x128xf32, #tpu.memory_space<vmem>>[vector<16xi32>, vector<16xi32>], vector<16xf32>,
    %add3A_3304 = arith.constant 31 : i32
    %add3A_3305 = vector.broadcast %add3A_3304 : i32 to vector<16xi32>
    %add3A_3306 = arith.addi %get3A_1710, %add3A_3305 : vector<16xi32>
    %gather3A_3307 = tpu.vector_load_idx %arg10[%add3A_1702, %add3A_3306] : memref<32x128xf32, #tpu.memory_space<vmem>>[vector<16xi32>, vector<16xi32>], vector<16xf32>,
    %add3A_3308 = arith.constant 63 : i32
    %add3A_3309 = vector.broadcast %add3A_3308 : i32 to vector<16xi32>
    %add3A_3310 = arith.addi %get3A_1710, %add3A_3309 : vector<16xi32>
    %gather3A_3311 = tpu.vector_load_idx %arg10[%add3A_1702, %add3A_3310] : memref<32x128xf32, #tpu.memory_space<vmem>>[vector<16xi32>, vector<16xi32>], vector<16xf32>,
    %add3A_3312 = arith.constant 31 : i32
    %add3A_3313 = vector.broadcast %add3A_3312 : i32 to vector<16xi32>
    %add3A_3314 = arith.addi %get3A_1710, %add3A_3313 : vector<16xi32>
    %gather3A_3315 = tpu.vector_load_idx %arg11[%add3A_1702, %add3A_3314] : memref<32x128xf32, #tpu.memory_space<vmem>>[vector<16xi32>, vector<16xi32>], vector<16xf32>,
    %add3A_3316 = arith.constant 63 : i32
    %add3A_3317 = vector.broadcast %add3A_3316 : i32 to vector<16xi32>
    %add3A_3318 = arith.addi %get3A_1710, %add3A_3317 : vector<16xi32>
    %gather3A_3319 = tpu.vector_load_idx %arg11[%add3A_1702, %add3A_3318] : memref<32x128xf32, #tpu.memory_space<vmem>>[vector<16xi32>, vector<16xi32>], vector<16xf32>,
    %add3A_3320 = arith.constant 31 : i32
    %add3A_3321 = vector.broadcast %add3A_3320 : i32 to vector<16xi32>
    %add3A_3322 = arith.addi %get3A_1714, %add3A_3321 : vector<16xi32>
    %gather3A_3323 = tpu.vector_load_idx %arg12[%add3A_1702, %add3A_3322] : memref<32x128xf32, #tpu.memory_space<vmem>>[vector<16xi32>, vector<16xi32>], vector<16xf32>,
    %add3A_3324 = arith.constant 63 : i32
    %add3A_3325 = vector.broadcast %add3A_3324 : i32 to vector<16xi32>
    %add3A_3326 = arith.addi %get3A_1714, %add3A_3325 : vector<16xi32>
    %gather3A_3327 = tpu.vector_load_idx %arg12[%add3A_1702, %add3A_3326] : memref<32x128xf32, #tpu.memory_space<vmem>>[vector<16xi32>, vector<16xi32>], vector<16xf32>,
    %mul3A_3328 = arith.mulf %gather3A_3307, %gather3A_3323 : vector<16xf32>
    %mul3A_3329 = arith.mulf %gather3A_3311, %gather3A_3327 : vector<16xf32>
    %sub3A_3330 = arith.subf %mul3A_3328, %mul3A_3329 : vector<16xf32>
    %add3A_3331 = arith.addf %sub3A_3330, %gather3A_3315 : vector<16xf32>
    %mul3A_3332 = arith.mulf %gather3A_3307, %gather3A_3327 : vector<16xf32>
    %mul3A_3333 = arith.mulf %gather3A_3311, %gather3A_3323 : vector<16xf32>
    %add3A_3334 = arith.addf %mul3A_3332, %mul3A_3333 : vector<16xf32>
    %add3A_3335 = arith.addf %add3A_3334, %gather3A_3319 : vector<16xf32>
    %broadcast_in_dim3A_3336 = arith.constant 31 : i32
    %broadcast_in_dim3A_3337 = vector.broadcast %broadcast_in_dim3A_3336 : i32 to vector<16xi32>
    %mul3A_3338 = arith.mulf %gather3A_3299, %add3A_3331 : vector<16xf32>
    %mul3A_3339 = arith.mulf %gather3A_3303, %add3A_3335 : vector<16xf32>
    %sub3A_3340 = arith.subf %mul3A_3338, %mul3A_3339 : vector<16xf32>
    tpu.vector_store_idx %arg13[%add3A_1702, %broadcast_in_dim3A_3337], %sub3A_3340 : memref<32x64xf32, #tpu.memory_space<vmem>>[vector<16xi32>, vector<16xi32>], vector<16xf32>,
    %add3A_3341 = arith.constant 32 : i32
    %add3A_3342 = vector.broadcast %add3A_3341 : i32 to vector<16xi32>
    %add3A_3343 = arith.addi %broadcast_in_dim3A_3337, %add3A_3342 : vector<16xi32>
    %mul3A_3344 = arith.mulf %gather3A_3303, %add3A_3331 : vector<16xf32>
    %mul3A_3345 = arith.mulf %gather3A_3299, %add3A_3335 : vector<16xf32>
    %add3A_3346 = arith.addf %mul3A_3344, %mul3A_3345 : vector<16xf32>
    tpu.vector_store_idx %arg13[%add3A_1702, %add3A_3343], %add3A_3346 : memref<32x64xf32, #tpu.memory_space<vmem>>[vector<16xi32>, vector<16xi32>], vector<16xf32>,
    "tpu.region"() ({
      %run_scoped3A = tpu.sem_alloc : memref<!tpu.dma_semaphore, #tpu.memory_space<semaphore_mem>>
      %dma_start3A_3347 = arith.constant 0 : i32
      %dma_start3A_3348 = tpu.memref_slice %arg7[%mul3A_2, %dma_start3A_3347] : memref<1024x64xf32, #tpu.memory_space<hbm>> -> memref<32x64xf32, #tpu.memory_space<hbm>>
      %dma_start3A_3349 = arith.constant 0 : i32
      %dma_start3A_3350 = tpu.memref_slice %arg7[%mul3A_2, %dma_start3A_3349] : memref<1024x64xf32, #tpu.memory_space<hbm>> -> memref<32x64xf32, #tpu.memory_space<hbm>>
      tpu.enqueue_dma source(%arg13 : memref<32x64xf32, #tpu.memory_space<vmem>>) target(%dma_start3A_3350 : memref<32x64xf32, #tpu.memory_space<hbm>>) target_semaphore(%run_scoped3A : memref<!tpu.dma_semaphore, #tpu.memory_space<semaphore_mem>>)
      %dma_wait3A_3351 = arith.constant 0 : i32
      %dma_wait3A_3352 = tpu.memref_slice %arg7[%mul3A_2, %dma_wait3A_3351] : memref<1024x64xf32, #tpu.memory_space<hbm>> -> memref<32x64xf32, #tpu.memory_space<hbm>>
      %dma_wait3A_3353 = arith.constant 0 : i32
      %dma_wait3A_3354 = tpu.memref_slice %arg7[%mul3A_2, %dma_wait3A_3353] : memref<1024x64xf32, #tpu.memory_space<hbm>> -> memref<32x64xf32, #tpu.memory_space<hbm>>
      tpu.wait_dma2 semaphore(%run_scoped3A : memref<!tpu.dma_semaphore, #tpu.memory_space<semaphore_mem>>) src(%arg13 : memref<32x64xf32, #tpu.memory_space<vmem>>) dst(%dma_wait3A_3354 : memref<32x64xf32, #tpu.memory_space<hbm>>)
      tpu.yield
    }) : () -> ()
    return
  }
}

module attributes {stable_mosaic.version = 14 : i64} {
  func.func @_mm_body(%arg0: i32, %arg1: memref<1024x64xf32, #tpu.memory_space<vmem>>, %arg2: memref<4096x64xf32, #tpu.memory_space<vmem>>, %arg3: memref<1024x4096xf32, #tpu.memory_space<vmem>>) attributes {dimension_semantics = [#tpu.dimension_semantics<arbitrary>], iteration_bounds = array<i64: 25>, scalar_prefetch = 0 : i64, scratch_operands = 0 : i64, tpu.core_type = #tpu.core_type<tc>, window_params = [{pipeline_mode = #tpu.pipeline_mode<synchronous>, transform_indices = @transform_0, window_bounds = array<i64: 1024, 64>}, {transform_indices = @transform_1, window_bounds = array<i64: 4096, 64>}, {transform_indices = @transform_2, window_bounds = array<i64: 1024, 4096>}]} {
    %get3A = arith.constant 0 : index
    %get3A_0 = arith.constant 0 : index
    %get3A_1 = vector.load %arg1[%get3A, %get3A_0] : memref<1024x64xf32, #tpu.memory_space<vmem>>, vector<1024x64xf32>
    %get3A_2 = arith.constant 0 : index
    %get3A_3 = arith.constant 0 : index
    %get3A_4 = vector.load %arg2[%get3A_2, %get3A_3] : memref<4096x64xf32, #tpu.memory_space<vmem>>, vector<4096x64xf32>
    %dot_general3A = arith.constant dense<0.000000e+00> : vector<1024x4096xf32>
    %dot_general3A_5 = tpu.matmul %get3A_1, %get3A_4, %dot_general3A {dimension_numbers = #tpu.dot_dimension_numbers<[1], [1], [0], [0], [0, 0, 1, 0], [], []>, transpose_lhs_hint = false} : vector<1024x64xf32>, vector<4096x64xf32>, vector<1024x4096xf32> -> vector<1024x4096xf32>
    %swap3A = arith.constant 0 : index
    %swap3A_6 = arith.constant 0 : index
    %swap3A_7 = vector.load %arg3[%swap3A, %swap3A_6] : memref<1024x4096xf32, #tpu.memory_space<vmem>>, vector<1024x4096xf32>
    tpu.vector_store %arg3[%swap3A, %swap3A_6], %dot_general3A_5 {strides = array<i32>} : memref<1024x4096xf32, #tpu.memory_space<vmem>>, vector<1024x4096xf32>,
    return
  }
  func.func @transform_0(%arg0: i32) -> (i32, i32) {
    %c0_i32 = arith.constant 0 : i32
    %c0_i32_0 = arith.constant 0 : i32
    %c0_i32_1 = arith.constant 0 : i32
    return %c0_i32, %c0_i32_0 : i32, i32
  }
  func.func @transform_1(%arg0: i32) -> (i32, i32) {
    %c0_i32 = arith.constant 0 : i32
    %c0_i32_0 = arith.constant 0 : i32
    return %arg0, %c0_i32 : i32, i32
  }
  func.func @transform_2(%arg0: i32) -> (i32, i32) {
    %c0_i32 = arith.constant 0 : i32
    %c0_i32_0 = arith.constant 0 : i32
    return %c0_i32, %arg0 : i32, i32
  }
}

</mosaic_0001>

<sc_bundles>
// kernel: kernel.4.cloned.1.call-start
scs
__scs_entry_jumppad:
0x0: {  	(pc) =	sbr.rel $0x88, $3  }
0x1: {  	(tag) =	ssettag $0x0;
	lr =	simm.s32 $0x1  }
0x2: {  	[smem:$0x3F9C] =	sst lr;
	_ =	strace $0xD0000000  }
0x3: {  	_ = 	snop  }
0x4: {  	_ = 	snop  }
0x5: {  	_ = 	snop  }
0x6: {  	_ = 	snop  }
0x7: {  	_ = 	snop  }
__scs_overlays_trampoline_lowered:
0x8: {  	[smem:$0x3FAB] =	sst s0  }
0x9: {  	[smem:$0x3FAC] =	sst s1  }
0xa: {  	[smem:$0x3FAD] =	sst s2  }
0xb: {  	[smem:$0x3FAE] =	sst s3  }
0xc: {  	[smem:$0x3FAF] =	sst s4  }
0xd: {  	[smem:$0x3FB0] =	sst s5  }
0xe: {  	[smem:$0x3FB1] =	sst s6  }
0xf: {  	[smem:$0x3FB2] =	sst s7  }
0x10: {  	[smem:$0x3FB3] =	sst s8  }
0x11: {  	[smem:$0x3FB4] =	sst s9;
	s0 =	simm.s32 @!p0 $0x0  }
0x12: {  	s1 =	sld [smem:$0x3F9A];
	s0 =	simm.s32 @p0 $0x1  }
0x13: {  	[smem:$0x3FB5] =	sst s0;
	s0 =	simm.s32 @!p1 $0x0  }
0x14: {  	s2 =	sld [smem:$0x3F99];
	s0 =	simm.s32 @p1 $0x1  }
0x15: {  	[smem:$0x3FB6] =	sst s0;
	s0 =	simm.s32 @!p2 $0x0  }
0x16: {  	s3 =	sld [smem:$0x3FDB];
	s0 =	simm.s32 @p2 $0x1  }
0x17: {  	s4 =	simm.s32 $0x1BF5;
	[smem:$0x3FB8] =	sst s0  }
0x18: {  	s0 =	sld [smem:$0x3F9B];
	_ =	swait.ge [sflag:s4], $0x0  }
0x19: {  	s7 =	sld [smem:$0x3F9C]  }
0x1a: {  	s8 =	sadd.s32 $0xFFFFE003, lr  }
0x1b: {  	s9 =	sadd.s32 $0xFFFFFEF7, lr;
	s5 =	simm.s32 $0xFFFFFFFF;
	p2 =	slt.u32 s8, $0xFFFFF086  }
0x1c: {  	p1 =	slt.u32 s9, $0xF7A;
	s5 =	simm.s32 @!p2 $0x0  }
0x1d: {  	s5 =	simm.s32 @p1 $0x1;
	p0 =	seq.s32 s7, s2  }
0x1e: {  	s7 =	smul.u32 @!p0 $0xF7A, s2;
	p2 =	seq.s32 @!p0 s5, $0x0  }
0x1f: {  	s9 =	smul.u32 $0xF7A, s1;
	s8 =	simm.s32 @!p0 $0x1BF5;
	p2 =	por !p2, p0  }
0x20: {  	[sflag:s8] =	ssyncset.s32 @!p0 $0xFFFFF086;
	s6 =	sadd.s32 @!p0 s3, s7;
	s7 =	simm.s32 @!p0 $0x108  }
0x21: {  	s3 =	sadd.s32 s3, s9;
	s6 =	sadd.s32 @!p0 $0x88, s6;
	s7 =	simm.s32 @p2 $0x1082  }
0x22: {  	[simem:s7], [sflag:s8] =	dma.local @!p0 [hbm:s6], $0xF7A  }
0x23: {  	s9 =	sor.u32 $0xD0000000, s2;
	s6 =	simm.s32 $0x108;
	_ =	swait.ge @!p0 [sflag:s8], $0x0  }
0x24: {  	s3 =	sadd.s32 $0x88, s3;
	s6 =	simm.s32 @!p1 $0x1082;
	[sflag:s4] =	ssyncset.s32 $0xFFFFF086  }
0x25: {  	[simem:s6], [sflag:s4] =	dma.local [hbm:s3], $0xF7A  }
0x26: {  	[smem:$0x3F9C] =	sst s1;
	(tag) =	ssettag s2;
	_ =	strace s9  }
0x27: {  	s1 =	sld [smem:$0x3FAC]  }
0x28: {  	s2 =	sld [smem:$0x3FAD]  }
0x29: {  	s4 =	sld [smem:$0x3FAF]  }
0x2a: {  	p0 =	seq.s32 s5, $0x0;
	s5 =	sld [smem:$0x3FB0]  }
0x2b: {  	s6 =	sld [smem:$0x3FB1]  }
0x2c: {  	s7 =	sld [smem:$0x3FB2]  }
0x2d: {  	s3 =	simm.s32 $0x108;
	s8 =	sld [smem:$0x3FB3]  }
0x2e: {  	s3 =	simm.s32 @!p0 $0x1082;
	s9 =	sld [smem:$0x3FB4]  }
0x2f: {  	lr =	sadd.s32 s0, s3;
	s0 =	sld [smem:$0x3FAB]  }
0x30: {  	s3 =	sld [smem:$0x3FAE]  }
0x31: {  	[smem:$0x3FB7] =	sst s10  }
0x32: {  	s10 =	sld [smem:$0x3FB5];
	_ =	sdelay $0x3  }
0x33: {  	p0 =	seq.s32 s10, $0x1;
	s10 =	sld [smem:$0x3FB7];
	_ =	sdelay $0x3  }
0x34: {  	[smem:$0x3FB7] =	sst s10  }
0x35: {  	s10 =	sld [smem:$0x3FB6];
	_ =	sdelay $0x3  }
0x36: {  	p1 =	seq.s32 s10, $0x1;
	s10 =	sld [smem:$0x3FB7];
	_ =	sdelay $0x3  }
0x37: {  	[smem:$0x3FB7] =	sst s10  }
0x38: {  	s10 =	sld [smem:$0x3FB8]  }
0x39: {  	_ = 	snop;
	(pc) =	sbr.ind lr, $3  }
0x3a: {  	_ = 	snop  }
0x3b: {  	_ = 	snop  }
0x3c: {  	p2 =	seq.s32 s10, $0x1;
	s10 =	sld [smem:$0x3FB7]  }
0x3d: {  	_ =	shalt  }
0x3e: {  	_ =	shalt  }
0x3f: {  	_ =	shalt  }
0x40: {  	_ =	shalt  }
0x41: {  	_ =	shalt  }
0x42: {  	_ =	shalt  }
0x43: {  	_ =	shalt  }
0x44: {  	_ =	shalt  }
0x45: {  	_ =	shalt  }
0x46: {  	_ =	shalt  }
0x47: {  	_ =	shalt  }
0x48: {  	_ =	shalt  }
0x49: {  	_ =	shalt  }
0x4a: {  	_ =	shalt  }
0x4b: {  	_ =	shalt  }
0x4c: {  	_ =	shalt  }
0x4d: {  	_ =	shalt  }
0x4e: {  	_ =	shalt  }
0x4f: {  	_ =	shalt  }
0x50: {  	_ =	shalt  }
0x51: {  	_ =	shalt  }
0x52: {  	_ =	shalt  }
0x53: {  	_ =	shalt  }
0x54: {  	_ =	shalt  }
0x55: {  	_ =	shalt  }
0x56: {  	_ =	shalt  }
0x57: {  	_ =	shalt  }
0x58: {  	_ =	shalt  }
0x59: {  	_ =	shalt  }
0x5a: {  	_ =	shalt  }
0x5b: {  	_ =	shalt  }
0x5c: {  	_ =	shalt  }
0x5d: {  	_ =	shalt  }
0x5e: {  	_ =	shalt  }
0x5f: {  	_ =	shalt  }
0x60: {  	_ =	shalt  }
0x61: {  	_ =	shalt  }
0x62: {  	_ =	shalt  }
0x63: {  	_ =	shalt  }
0x64: {  	_ =	shalt  }
0x65: {  	_ =	shalt  }
0x66: {  	_ =	shalt  }
0x67: {  	_ =	shalt  }
0x68: {  	_ =	shalt  }
0x69: {  	_ =	shalt  }
0x6a: {  	_ =	shalt  }
0x6b: {  	_ =	shalt  }
0x6c: {  	_ =	shalt  }
0x6d: {  	_ =	shalt  }
0x6e: {  	_ =	shalt  }
0x6f: {  	_ =	shalt  }
0x70: {  	_ =	shalt  }
0x71: {  	_ =	shalt  }
0x72: {  	_ =	shalt  }
0x73: {  	_ =	shalt  }
0x74: {  	_ =	shalt  }
0x75: {  	_ =	shalt  }
0x76: {  	_ =	shalt  }
0x77: {  	_ =	shalt  }
0x78: {  	_ =	shalt  }
0x79: {  	_ =	shalt  }
0x7a: {  	_ =	shalt  }
0x7b: {  	_ =	shalt  }
0x7c: {  	_ =	shalt  }
0x7d: {  	_ =	shalt  }
0x7e: {  	_ =	shalt  }
0x7f: {  	_ =	shalt  }
0x80: {  	_ =	shalt  }
0x81: {  	_ =	shalt  }
0x82: {  	_ =	shalt  }
0x83: {  	_ =	shalt  }
0x84: {  	_ =	shalt  }
0x85: {  	_ =	shalt  }
0x86: {  	_ =	shalt  }
0x87: {  	_ =	shalt  }
.Lfunc_end0:
.L_simem_size_0:
called_computation_lowered:
.L_overlay_start_0:
0x88: {  	s2 =	sld [smem:$0x3FD9]  }
0x89: {  	s3 =	sld [smem:$0x3FFE];
	_ =	sdelay $0x1  }
0x8a: {  	s1 =	srdreg.scid  }
0x8b: {  	s0 =	sand.u32 $0x1, s1  }
0x8c: {  	s16 =	sshll.u32 s0, $0xA;
	s2 =	sadd.s32 s3, s2  }
0x8d: {  	s2 =	sadd.s32 s2, s16  }
0x8e: {  	[smem:$0x3FC3] =	sst s2  }
0x8f: {  	_ = 	snop  }
0x90: {  	(tm) =	ssettm $0x1  }
0x91: {  	s17 =	sld [smem:$0x3FFB];
	_ =	sdelay $0x3  }
0x92: {  	_ =	strace s17  }
0x93: {  	s2 =	sld [smem:$0x3FFC];
	_ =	sdelay $0x3  }
0x94: {  	_ =	strace s2  }
0x95: {  	s2 =	sld [smem:$0x3FFD];
	_ =	sdelay $0x3  }
0x96: {  	_ =	strace s2  }
0x97: {  	_ =	strace $0x8FFFFFFF  }
0x98: {  	s18 =	sld [smem:$0x3FDB];
	_ =	sdelay $0x1  }
0x99: {  	s19 =	simm.s32 $_scs_section_size  }
0x9a: {  	s4 =	simm.s32 $_size__tile_overlayer_lowered;
	s5 =	simm.s32 $_tile_overlayer_lowered  }
0x9b: {  	s22 =	simm.s32 $0x1BFF;
	s21 =	sshll.u32 s5, $0x1;
	s2 =	sadd.s32 s19, s18  }
0x9c: {  	s6 =	simm.s32 $0x0;
	s20 =	sshll.u32 s4, $0x1;
	s4 =	sadd.s32 s21, s2  }
0x9d: {  	[timem:s6], [sflag:s22] =	dma.local [hbm:s4], s20  }
0x9e: {  	_ =	swait.ge [sflag:s22], s20  }
0x9f: {  	s3 =	ssub.s32 $0x0, s20;
	[sflag:s22] =	ssyncset.done $0x0  }
0xa0: {  	[sflag:s22] =	ssyncadd.s32 s3;
	_ =	sdelay $0x1  }
0xa1: {  	s23 =	simm.s32 $0x1B8B  }
0xa2: {  	_ =	swait.ge [sflag:s23], $0x1  }
0xa3: {  	[sflag:s23] =	ssyncset.done $0x0  }
0xa4: {  	s25 =	simm.s32 $0x1B8E;
	s24 =	sld [smem:$0x3FFE];
	[sflag:s23] =	ssyncadd.s32 $0xFFFFFFFF  }
0xa5: {  	s26 =	simm.s32 $execute0_lowered;
	[smem:$0x3FD2] =	sst s25  }
0xa6: {  	s4 =	sshll.u32 s26, $0x1;
	_ =	strace $0x80000046;
	[dreg:$0x1] =	wrdreg $0xFFFFFFFF  }
0xa7: {  	s28 =	simm.s32 $_size_execute0_lowered;
	s2 =	sadd.s32 s2, s4;
	[dreg:$0x0] =	wrdreg $0x0  }
0xa8: {  	s4 =	sshll.u32 s28, $0x1;
	[dreg:$0x2] =	wrdreg s2  }
0xa9: {  	[dreg:$0x3] =	wrdreg s4  }
0xaa: {  	[dreg:$0x4] =	wrdreg $0xC0  }
0xab: {  	_ =	task [dreg:s6], $0x5FFFF  }
0xac: {  	[dreg:$0x1] =	wrdreg $0xFFFFFFFF  }
0xad: {  	[dreg:$0x0] =	wrdreg $0x60  }
0xae: {  	[dreg:$0x2] =	wrdreg s24  }
0xaf: {  	[dreg:$0x3] =	wrdreg $0x9  }
0xb0: {  	_ =	task.clear_ibuf [dreg:s6], $0x4FFFF;
	_ =	strace $0x90000046  }
0xb1: {  	s29 =	simm.s32 $0x9;
	_ =	strace $0x80000048  }
0xb2: {  	_ =	swait.ge [sflag:s29], $0x1  }
0xb3: {  	[sflag:s29] =	ssyncadd.s32 $0xFFFFFFFF  }
0xb4: {  	_ =	strace $0x90000048  }
0xb5: {  	_ =	sfence  }
0xb6: {  	s30 =	sld [smem:$0x0];
	_ =	sdelay $0x2  }
0xb7: {  	s31 =	sshll.u32 s1, $0xD;
	s1 =	sshrl.u32 s1, $0x2  }
0xb8: {  	s3 =	sand.u32 $0x4000, s31;
	s1 =	sadd.s32 s1, s30  }
0xb9: {  	s0 =	sor.u32 s3, s0;
	s1 =	sshll.u32 s1, $0x11  }
0xba: {  	s0 =	sor.u32 s1, s0  }
0xbb: {  	s0 =	sadd.s32 $0x8F2B, s0  }
0xbc: {  	[sflag:s0] =	ssyncadd.remote.s32 $0x1  }
0xbd: {  	_ =	sfence.sel $0xFFFF  }
0xbe: {  	[dreg:$0x0] =	wrdreg $0xFFFFFFFF;
	(pc) =	sbr.abs _section_cstart, $3  }
0xbf: {  	[dreg:$0x1] =	wrdreg $0xFFFFFFFF  }
0xc0: {  	_ =	task.clear_ibuf [dreg:s6], $0x2FFFF;
	_ =	strace $0x9FFFFFFF  }
0xc1: {  	(tm) =	ssettm $0x7FFFFFFF  }
tec
execute0_lowered:
.L_overlay_start_1:
0x0: {  	(tag) =	ssettag $0x1  }
0x1: {  	v0 =	vlaneseq.u32  }
0x2: {  	v0 =	vmul.u32 $0x80, v0;
	_ =	sdelay $0x1  }
0x3: {  	v1 =	vor.u32 $0x20, v0;
	v18 =	vor.u32 $0x9, v0;
	v19 =	vor.u32 $0x29, v0  }
0x4: {  	v20 =	vor.u32 $0xA, v0;
	v21 =	vor.u32 $0x2A, v0;
	v22 =	vor.u32 $0xB, v0  }
0x5: {  	v23 =	vor.u32 $0x2B, v0;
	v24 =	vor.u32 $0xC, v0;
	v25 =	vor.u32 $0x2C, v0  }
0x6: {  	v26 =	vor.u32 $0xD, v0;
	v27 =	vor.u32 $0x2D, v0;
	[tilespmem:$0x1FEF0] =	vst v1;
	v1 =	vor.u32 $0x1, v0  }
0x7: {  	v28 =	vor.u32 $0xE, v0;
	v29 =	vor.u32 $0x2E, v0;
	[tilespmem:$0x1FF00] =	vst v1;
	v1 =	vor.u32 $0x21, v0  }
0x8: {  	v30 =	vor.u32 $0xF, v0;
	v31 =	vor.u32 $0x2F, v0;
	[tilespmem:$0x1FF10] =	vst v1;
	v1 =	vor.u32 $0x2, v0  }
0x9: {  	v32 =	vor.u32 $0x10, v0;
	v33 =	vor.u32 $0x30, v0;
	[tilespmem:$0x1FF20] =	vst v1;
	v1 =	vor.u32 $0x22, v0  }
0xa: {  	v34 =	vor.u32 $0x11, v0;
	v35 =	vor.u32 $0x31, v0;
	[tilespmem:$0x1FF30] =	vst v1;
	v1 =	vor.u32 $0x3, v0  }
0xb: {  	v36 =	vor.u32 $0x12, v0;
	v37 =	vor.u32 $0x32, v0;
	[tilespmem:$0x1FF40] =	vst v1;
	v1 =	vor.u32 $0x23, v0  }
0xc: {  	s1 =	rddreg [dreg:$0x0];
	v38 =	vor.u32 $0x13, v0;
	v39 =	vor.u32 $0x33, v0;
	[tilespmem:$0x1FF50] =	vst v1;
	v1 =	vor.u32 $0x4, v0  }
0xd: {  	s0 =	rddreg [dreg:$0x1];
	s2 =	simm.s32 $0x0;
	v40 =	vor.u32 $0x14, v0;
	v41 =	vor.u32 $0x34, v0;
	[tilespmem:$0x1FF60] =	vst v1;
	v1 =	vor.u32 $0x24, v0  }
0xe: {  	s4 =	srdreg.scid;
	s3 =	stileid.u32;
	s11 =	simm.s32 $0x20;
	v42 =	vor.u32 $0x15, v0;
	v43 =	vor.u32 $0x35, v0;
	[tilespmem:$0x1FF70] =	vst v1;
	v1 =	vor.u32 $0x5, v0  }
0xf: {  	s12 =	simm.s32 $0x400;
	s13 =	simm.s32 $0x100;
	s14 =	simm.s32 $0x1400;
	v44 =	vor.u32 $0x16, v0;
	v45 =	vor.u32 $0x36, v0;
	[tilespmem:$0x1FF80] =	vst v1;
	v1 =	vor.u32 $0x25, v0  }
0x10: {  	s15 =	simm.s32 $0x2400;
	s16 =	simm.s32 $0x200;
	s17 =	simm.s32 $0x3400;
	v46 =	vor.u32 $0x17, v0;
	v47 =	vor.u32 $0x37, v0;
	[tilespmem:$0x1FF90] =	vst v1;
	v1 =	vor.u32 $0x6, v0  }
0x11: {  	s18 =	simm.s32 $0x1;
	s19 =	simm.s32 $0x4400;
	[smem:$0x7FF] =	sst s2;
	v48 =	vor.u32 $0x18, v0;
	v49 =	vor.u32 $0x38, v0;
	[tilespmem:$0x1FFA0] =	vst v1;
	v1 =	vor.u32 $0x26, v0  }
0x12: {  	s7 =	sand.u32 $0x1, s4;
	s6 =	sshll.u32 s3, $0x1;
	s4 =	sadd.s32 $0x17A00, s1;
	v50 =	vor.u32 $0x19, v0;
	v51 =	vor.u32 $0x39, v0;
	[tilespmem:$0x1FFB0] =	vst v1;
	v1 =	vor.u32 $0x7, v0  }
0x13: {  	s5 =	sadd.s32 $0x4000, s1;
	s8 =	sor.u32 s7, s6;
	s6 =	sadd.s32 $0x2000, s1;
	v52 =	vor.u32 $0x1A, v0;
	v53 =	vor.u32 $0x3A, v0;
	[tilespmem:$0x1FFC0] =	vst v1;
	v1 =	vor.u32 $0x27, v0  }
0x14: {  	s7 =	ssub.s32 $0x2, s7;
	s9 =	sshll.u32 s8, $0x7;
	s8 =	sshll.u32 s8, $0x9;
	v54 =	vor.u32 $0x1B, v0;
	v55 =	vor.u32 $0x3B, v0;
	[tilespmem:$0x1FFD0] =	vst v1;
	v1 =	vor.u32 $0x8, v0  }
0x15: {  	s10 =	sshrl.u32 s7, $0x1;
	v56 =	vor.u32 $0x1C, v0;
	v57 =	vor.u32 $0x3C, v0;
	s9 =	sadd.s32 s9, s1;
	s8 =	sadd.s32 s8, s1;
	[tilespmem:$0x1FFE0] =	vst v1;
	v1 =	vor.u32 $0x28, v0  }
0x16: {  	v58 =	vor.u32 $0x1D, v0;
	v59 =	vor.u32 $0x3D, v0;
	v60 =	vor.u32 $0x1E, v0;
	s10 =	ssub.s32 s7, s10;
	s7 =	sadd.s32 $0xDB000, s9;
	s8 =	sadd.s32 $0xDC000, s8;
	[tilespmem:$0x1FFF0] =	vst v1  }
0x17: {  	v61 =	vor.u32 $0x3E, v0;
	v62 =	vor.u32 $0x1F, v0;
	v63 =	vor.u32 $0x3F, v0;
	s9 =	smax.u32 s10, $0x1;
	s10 =	simm.s32 $0x2;
	_ =	strace $0x80000047  }
.LBB2_1:
0x18: {  	[tilespmem:s2], [sflag:$0x2] =	stream.linear.gather [hbm4b:s7+s2], $0x300, $0x38;
	[tilespmem:$0x5400] =	vst v63  }
0x19: {  	_ =	swait.ge [sflag:s10], $0x300  }
0x1a: {  	[sflag:s10] =	ssyncset.done $0x0  }
0x1b: {  	[sflag:s10] =	ssyncadd.s32 $0xFFFFFD00  }
0x1c: {  	[tilespmem:s12], [sflag:$0x1] =	stream.indirect.gather [hbm4b:s4+s11], $0x80, s2, s11, $0xb8;
	[tilespmem:$0x5400] =	vst v63  }
0x1d: {  	_ = 	snop  }
0x1e: {  	[tilespmem:s14], [sflag:$0x1] =	stream.indirect.gather [hbm4b:s1+s11], $0x80, s13, s11, $0xb8;
	[tilespmem:$0x5400] =	vst v63  }
0x1f: {  	_ = 	snop  }
0x20: {  	[tilespmem:s15], [sflag:$0x1] =	stream.indirect.gather [hbm4b:s6+s11], $0x80, s13, s11, $0xb8;
	[tilespmem:$0x5400] =	vst v63  }
0x21: {  	_ = 	snop  }
0x22: {  	[tilespmem:s17], [sflag:$0x1] =	stream.indirect.gather [hbm4b:s5+s11], $0x80, s16, s11, $0xb8;
	[tilespmem:$0x5400] =	vst v63  }
0x23: {  	_ =	swait.ge [sflag:s18], $0x1000  }
0x24: {  	[sflag:s18] =	ssyncset.done $0x0  }
0x25: {  	[sflag:s18] =	ssyncadd.s32 $0xFFFFF000  }
0x26: {  	_ =	swait.ge [sflag:s18], $0x1000  }
0x27: {  	[sflag:s18] =	ssyncset.done $0x0  }
0x28: {  	[sflag:s18] =	ssyncadd.s32 $0xFFFFF000  }
0x29: {  	_ =	swait.ge [sflag:s18], $0x1000  }
0x2a: {  	[sflag:s18] =	ssyncset.done $0x0  }
0x2b: {  	[sflag:s18] =	ssyncadd.s32 $0xFFFFF000  }
0x2c: {  	_ =	swait.ge [sflag:s18], $0x1000  }
0x2d: {  	[sflag:s18] =	ssyncset.done $0x0  }
0x2e: {  	[sflag:s18] =	ssyncadd.s32 $0xFFFFF000  }
0x2f: {  	v3 =	vld [tilespmem:$0x180]  }
0x30: {  	v14 =	vld [tilespmem:$0x1FEF0]  }
0x31: {  	v2 =	vld [tilespmem:$0x280];
	_ =	sdelay $0x2  }
0x32: {  	v4 =	vadd.s32 v0, v3  }
0x33: {  	v5 =	vadd.s32 v14, v3  }
0x34: {  	v6 =	vadd.s32 v0, v2  }
0x35: {  	v7 =	vadd.s32 v14, v2  }
0x36: {  	v1 =	vld [tilespmem:$0x80]  }
0x37: {  	v8 =	vld.idx.msk [tilespmem:v4+s14+$0x0], $0xffff  }
0x38: {  	v9 =	vld.idx.msk [tilespmem:v5+s14+$0x0], $0xffff  }
0x39: {  	v6 =	vld.idx.msk [tilespmem:v6+s17+$0x0], $0xffff  }
0x3a: {  	v7 =	vld.idx.msk [tilespmem:v7+s17+$0x0], $0xffff  }
0x3b: {  	v10 =	vadd.s32 v0, v1  }
0x3c: {  	v11 =	vadd.s32 v14, v1;
	_ =	sdelay $0x1  }
0x3d: {  	v4 =	vld.idx.msk [tilespmem:v4+s15+$0x0], $0xffff  }
0x3e: {  	v5 =	vld.idx.msk [tilespmem:v5+s15+$0x0], $0xffff;
	v12 =	vmul.f32 v6, v8;
	v13 =	vmul.f32 v7, v9  }
0x3f: {  	v10 =	vld.idx.msk [tilespmem:v10+s12+$0x0], $0xffff;
	v7 =	vmul.f32 v7, v8;
	v6 =	vmul.f32 v6, v9  }
0x40: {  	v15 =	vld.idx.msk [tilespmem:v11+s12+$0x0], $0xffff;
	v12 =	vsub.f32 v12, v13  }
0x41: {  	v6 =	vadd.f32 v7, v6  }
0x42: {  	v4 =	vadd.f32 v12, v4  }
0x43: {  	v16 =	vld [tilespmem:$0x1FF10];
	v5 =	vadd.f32 v6, v5  }
0x44: {  	v6 =	vmul.f32 v4, v10  }
0x45: {  	v7 =	vmul.f32 v5, v15;
	v4 =	vmul.f32 v4, v15;
	v15 =	vld [tilespmem:$0x1FF00];
	_ =	sdelay $0x2  }
0x46: {  	v12 =	vadd.s32 v16, v2;
	v5 =	vmul.f32 v5, v10  }
0x47: {  	v6 =	vsub.f32 v6, v7;
	v7 =	vadd.s32 v16, v3  }
0x48: {  	v4 =	vadd.f32 v5, v4;
	v8 =	vadd.s32 v15, v3  }
0x49: {  	[tilespmem:v0+s19+$0x0] =	vst.idx.msk $0xffff, v6;
	v13 =	vadd.s32 v15, v2  }
0x4a: {  	[tilespmem:v14+s19+$0x0] =	vst.idx.msk $0xffff, v4  }
0x4b: {  	v6 =	vld.idx.msk [tilespmem:v12+s17+$0x0], $0xffff  }
0x4c: {  	v9 =	vld.idx.msk [tilespmem:v7+s14+$0x0], $0xffff  }
0x4d: {  	v4 =	vld.idx.msk [tilespmem:v8+s14+$0x0], $0xffff  }
0x4e: {  	v10 =	vadd.s32 v15, v1;
	v5 =	vld.idx.msk [tilespmem:v13+s17+$0x0], $0xffff  }
0x4f: {  	v11 =	vadd.s32 v16, v1;
	_ =	sdelay $0x1  }
0x50: {  	v7 =	vld.idx.msk [tilespmem:v7+s15+$0x0], $0xffff  }
0x51: {  	v8 =	vld.idx.msk [tilespmem:v8+s15+$0x0], $0xffff  }
0x52: {  	v10 =	vld.idx.msk [tilespmem:v10+s12+$0x0], $0xffff;
	v13 =	vmul.f32 v6, v9;
	v12 =	vmul.f32 v5, v4  }
0x53: {  	v4 =	vmul.f32 v6, v4;
	v6 =	vld.idx.msk [tilespmem:v11+s12+$0x0], $0xffff  }
0x54: {  	v5 =	vmul.f32 v5, v9;
	v13 =	vsub.f32 v12, v13;
	_ =	sdelay $0x1  }
0x55: {  	v17 =	vld [tilespmem:$0x1FF30];
	v4 =	vadd.f32 v4, v5;
	v14 =	vadd.f32 v13, v8;
	_ =	sdelay $0x1  }
0x56: {  	v4 =	vadd.f32 v4, v7;
	v7 =	vmul.f32 v14, v10;
	v5 =	vmul.f32 v14, v6;
	v14 =	vld [tilespmem:$0x1FF20];
	_ =	sdelay $0x1  }
0x57: {  	v8 =	vmul.f32 v4, v6  }
0x58: {  	v13 =	vadd.s32 v17, v2;
	v4 =	vmul.f32 v4, v10  }
0x59: {  	v7 =	vsub.f32 v7, v8;
	v8 =	vadd.s32 v17, v3  }
0x5a: {  	v4 =	vadd.f32 v4, v5;
	v6 =	vadd.s32 v14, v3  }
0x5b: {  	[tilespmem:v15+s19+$0x0] =	vst.idx.msk $0xffff, v7;
	v12 =	vadd.s32 v14, v2  }
0x5c: {  	[tilespmem:v16+s19+$0x0] =	vst.idx.msk $0xffff, v4  }
0x5d: {  	v7 =	vld.idx.msk [tilespmem:v13+s17+$0x0], $0xffff  }
0x5e: {  	v9 =	vld.idx.msk [tilespmem:v8+s14+$0x0], $0xffff  }
0x5f: {  	v4 =	vld.idx.msk [tilespmem:v6+s14+$0x0], $0xffff  }
0x60: {  	v5 =	vld.idx.msk [tilespmem:v12+s17+$0x0], $0xffff  }
0x61: {  	v10 =	vadd.s32 v14, v1  }
0x62: {  	v11 =	vadd.s32 v17, v1;
	_ =	sdelay $0x1  }
0x63: {  	v8 =	vld.idx.msk [tilespmem:v8+s15+$0x0], $0xffff  }
0x64: {  	v6 =	vld.idx.msk [tilespmem:v6+s15+$0x0], $0xffff;
	v13 =	vmul.f32 v7, v9;
	v12 =	vmul.f32 v5, v4  }
0x65: {  	v10 =	vld.idx.msk [tilespmem:v10+s12+$0x0], $0xffff;
	v4 =	vmul.f32 v7, v4;
	v5 =	vmul.f32 v5, v9  }
0x66: {  	v7 =	vld.idx.msk [tilespmem:v11+s12+$0x0], $0xffff  }
0x67: {  	v16 =	vld [tilespmem:$0x1FF50];
	v15 =	vsub.f32 v12, v13;
	v4 =	vadd.f32 v4, v5;
	_ =	sdelay $0x1  }
0x68: {  	v12 =	vadd.f32 v15, v6;
	v4 =	vadd.f32 v4, v8;
	v15 =	vld [tilespmem:$0x1FF40];
	_ =	sdelay $0x1  }
0x69: {  	v6 =	vmul.f32 v12, v10;
	v8 =	vmul.f32 v4, v7  }
0x6a: {  	v5 =	vmul.f32 v12, v7;
	v4 =	vmul.f32 v4, v10;
	v12 =	vadd.s32 v16, v2  }
0x6b: {  	v6 =	vsub.f32 v6, v8;
	v8 =	vadd.s32 v16, v3  }
0x6c: {  	v4 =	vadd.f32 v4, v5;
	v7 =	vadd.s32 v15, v3  }
0x6d: {  	v13 =	vadd.s32 v15, v2;
	[tilespmem:v14+s19+$0x0] =	vst.idx.msk $0xffff, v6  }
0x6e: {  	[tilespmem:v17+s19+$0x0] =	vst.idx.msk $0xffff, v4  }
0x6f: {  	v6 =	vld.idx.msk [tilespmem:v12+s17+$0x0], $0xffff  }
0x70: {  	v9 =	vld.idx.msk [tilespmem:v8+s14+$0x0], $0xffff  }
0x71: {  	v4 =	vld.idx.msk [tilespmem:v7+s14+$0x0], $0xffff  }
0x72: {  	v10 =	vadd.s32 v15, v1;
	v5 =	vld.idx.msk [tilespmem:v13+s17+$0x0], $0xffff  }
0x73: {  	v11 =	vadd.s32 v16, v1;
	_ =	sdelay $0x1  }
0x74: {  	v8 =	vld.idx.msk [tilespmem:v8+s15+$0x0], $0xffff  }
0x75: {  	v7 =	vld.idx.msk [tilespmem:v7+s15+$0x0], $0xffff  }
0x76: {  	v10 =	vld.idx.msk [tilespmem:v10+s12+$0x0], $0xffff;
	v13 =	vmul.f32 v6, v9;
	v12 =	vmul.f32 v5, v4  }
0x77: {  	v4 =	vmul.f32 v6, v4;
	v6 =	vld.idx.msk [tilespmem:v11+s12+$0x0], $0xffff  }
0x78: {  	v5 =	vmul.f32 v5, v9;
	v13 =	vsub.f32 v12, v13;
	_ =	sdelay $0x1  }
0x79: {  	v17 =	vld [tilespmem:$0x1FF70];
	v4 =	vadd.f32 v4, v5;
	v14 =	vadd.f32 v13, v7;
	_ =	sdelay $0x1  }
0x7a: {  	v4 =	vadd.f32 v4, v8;
	v7 =	vmul.f32 v14, v10;
	v5 =	vmul.f32 v14, v6;
	v14 =	vld [tilespmem:$0x1FF60];
	_ =	sdelay $0x1  }
0x7b: {  	v8 =	vmul.f32 v4, v6  }
0x7c: {  	v13 =	vadd.s32 v17, v2;
	v4 =	vmul.f32 v4, v10  }
0x7d: {  	v7 =	vsub.f32 v7, v8;
	v8 =	vadd.s32 v17, v3  }
0x7e: {  	v4 =	vadd.f32 v4, v5;
	v6 =	vadd.s32 v14, v3  }
0x7f: {  	[tilespmem:v15+s19+$0x0] =	vst.idx.msk $0xffff, v7;
	v12 =	vadd.s32 v14, v2  }
0x80: {  	[tilespmem:v16+s19+$0x0] =	vst.idx.msk $0xffff, v4  }
0x81: {  	v7 =	vld.idx.msk [tilespmem:v13+s17+$0x0], $0xffff  }
0x82: {  	v9 =	vld.idx.msk [tilespmem:v8+s14+$0x0], $0xffff  }
0x83: {  	v4 =	vld.idx.msk [tilespmem:v6+s14+$0x0], $0xffff  }
0x84: {  	v5 =	vld.idx.msk [tilespmem:v12+s17+$0x0], $0xffff  }
0x85: {  	v10 =	vadd.s32 v14, v1  }
0x86: {  	v11 =	vadd.s32 v17, v1;
	_ =	sdelay $0x1  }
0x87: {  	v8 =	vld.idx.msk [tilespmem:v8+s15+$0x0], $0xffff  }
0x88: {  	v6 =	vld.idx.msk [tilespmem:v6+s15+$0x0], $0xffff;
	v13 =	vmul.f32 v7, v9;
	v12 =	vmul.f32 v5, v4  }
0x89: {  	v10 =	vld.idx.msk [tilespmem:v10+s12+$0x0], $0xffff;
	v4 =	vmul.f32 v7, v4;
	v5 =	vmul.f32 v5, v9  }
0x8a: {  	v7 =	vld.idx.msk [tilespmem:v11+s12+$0x0], $0xffff  }
0x8b: {  	v16 =	vld [tilespmem:$0x1FF90];
	v15 =	vsub.f32 v12, v13;
	v4 =	vadd.f32 v4, v5;
	_ =	sdelay $0x1  }
0x8c: {  	v12 =	vadd.f32 v15, v6;
	v4 =	vadd.f32 v4, v8;
	v15 =	vld [tilespmem:$0x1FF80];
	_ =	sdelay $0x1  }
0x8d: {  	v6 =	vmul.f32 v12, v10;
	v8 =	vmul.f32 v4, v7  }
0x8e: {  	v5 =	vmul.f32 v12, v7;
	v4 =	vmul.f32 v4, v10;
	v12 =	vadd.s32 v16, v2  }
0x8f: {  	v6 =	vsub.f32 v6, v8;
	v8 =	vadd.s32 v16, v3  }
0x90: {  	v4 =	vadd.f32 v4, v5;
	v7 =	vadd.s32 v15, v3  }
0x91: {  	v13 =	vadd.s32 v15, v2;
	[tilespmem:v14+s19+$0x0] =	vst.idx.msk $0xffff, v6  }
0x92: {  	[tilespmem:v17+s19+$0x0] =	vst.idx.msk $0xffff, v4  }
0x93: {  	v6 =	vld.idx.msk [tilespmem:v12+s17+$0x0], $0xffff  }
0x94: {  	v9 =	vld.idx.msk [tilespmem:v8+s14+$0x0], $0xffff  }
0x95: {  	v4 =	vld.idx.msk [tilespmem:v7+s14+$0x0], $0xffff  }
0x96: {  	v10 =	vadd.s32 v15, v1;
	v5 =	vld.idx.msk [tilespmem:v13+s17+$0x0], $0xffff  }
0x97: {  	v11 =	vadd.s32 v16, v1;
	_ =	sdelay $0x1  }
0x98: {  	v8 =	vld.idx.msk [tilespmem:v8+s15+$0x0], $0xffff  }
0x99: {  	v7 =	vld.idx.msk [tilespmem:v7+s15+$0x0], $0xffff  }
0x9a: {  	v10 =	vld.idx.msk [tilespmem:v10+s12+$0x0], $0xffff;
	v13 =	vmul.f32 v6, v9;
	v12 =	vmul.f32 v5, v4  }
0x9b: {  	v4 =	vmul.f32 v6, v4;
	v6 =	vld.idx.msk [tilespmem:v11+s12+$0x0], $0xffff  }
0x9c: {  	v5 =	vmul.f32 v5, v9;
	v13 =	vsub.f32 v12, v13;
	_ =	sdelay $0x1  }
0x9d: {  	v17 =	vld [tilespmem:$0x1FFB0];
	v4 =	vadd.f32 v4, v5;
	v14 =	vadd.f32 v13, v7;
	_ =	sdelay $0x1  }
0x9e: {  	v4 =	vadd.f32 v4, v8;
	v7 =	vmul.f32 v14, v10;
	v5 =	vmul.f32 v14, v6;
	v14 =	vld [tilespmem:$0x1FFA0];
	_ =	sdelay $0x1  }
0x9f: {  	v8 =	vmul.f32 v4, v6  }
0xa0: {  	v13 =	vadd.s32 v17, v2;
	v4 =	vmul.f32 v4, v10  }
0xa1: {  	v7 =	vsub.f32 v7, v8;
	v8 =	vadd.s32 v17, v3  }
0xa2: {  	v4 =	vadd.f32 v4, v5;
	v6 =	vadd.s32 v14, v3  }
0xa3: {  	[tilespmem:v15+s19+$0x0] =	vst.idx.msk $0xffff, v7;
	v12 =	vadd.s32 v14, v2  }
0xa4: {  	[tilespmem:v16+s19+$0x0] =	vst.idx.msk $0xffff, v4  }
0xa5: {  	v7 =	vld.idx.msk [tilespmem:v13+s17+$0x0], $0xffff  }
0xa6: {  	v9 =	vld.idx.msk [tilespmem:v8+s14+$0x0], $0xffff  }
0xa7: {  	v4 =	vld.idx.msk [tilespmem:v6+s14+$0x0], $0xffff  }
0xa8: {  	v5 =	vld.idx.msk [tilespmem:v12+s17+$0x0], $0xffff  }
0xa9: {  	v10 =	vadd.s32 v14, v1  }
0xaa: {  	v11 =	vadd.s32 v17, v1;
	_ =	sdelay $0x1  }
0xab: {  	v8 =	vld.idx.msk [tilespmem:v8+s15+$0x0], $0xffff  }
0xac: {  	v6 =	vld.idx.msk [tilespmem:v6+s15+$0x0], $0xffff;
	v13 =	vmul.f32 v7, v9;
	v12 =	vmul.f32 v5, v4  }
0xad: {  	v10 =	vld.idx.msk [tilespmem:v10+s12+$0x0], $0xffff;
	v4 =	vmul.f32 v7, v4;
	v5 =	vmul.f32 v5, v9  }
0xae: {  	v7 =	vld.idx.msk [tilespmem:v11+s12+$0x0], $0xffff  }
0xaf: {  	v16 =	vld [tilespmem:$0x1FFD0];
	v15 =	vsub.f32 v12, v13;
	v4 =	vadd.f32 v4, v5;
	_ =	sdelay $0x1  }
0xb0: {  	v12 =	vadd.f32 v15, v6;
	v4 =	vadd.f32 v4, v8;
	v15 =	vld [tilespmem:$0x1FFC0];
	_ =	sdelay $0x1  }
0xb1: {  	v6 =	vmul.f32 v12, v10;
	v8 =	vmul.f32 v4, v7  }
0xb2: {  	v5 =	vmul.f32 v12, v7;
	v4 =	vmul.f32 v4, v10;
	v12 =	vadd.s32 v16, v2  }
0xb3: {  	v6 =	vsub.f32 v6, v8;
	v8 =	vadd.s32 v16, v3  }
0xb4: {  	v4 =	vadd.f32 v4, v5;
	v7 =	vadd.s32 v15, v3  }
0xb5: {  	v13 =	vadd.s32 v15, v2;
	[tilespmem:v14+s19+$0x0] =	vst.idx.msk $0xffff, v6  }
0xb6: {  	[tilespmem:v17+s19+$0x0] =	vst.idx.msk $0xffff, v4  }
0xb7: {  	v6 =	vld.idx.msk [tilespmem:v12+s17+$0x0], $0xffff  }
0xb8: {  	v9 =	vld.idx.msk [tilespmem:v8+s14+$0x0], $0xffff  }
0xb9: {  	v4 =	vld.idx.msk [tilespmem:v7+s14+$0x0], $0xffff  }
0xba: {  	v10 =	vadd.s32 v15, v1;
	v5 =	vld.idx.msk [tilespmem:v13+s17+$0x0], $0xffff  }
0xbb: {  	v11 =	vadd.s32 v16, v1;
	_ =	sdelay $0x1  }
0xbc: {  	v8 =	vld.idx.msk [tilespmem:v8+s15+$0x0], $0xffff  }
0xbd: {  	v7 =	vld.idx.msk [tilespmem:v7+s15+$0x0], $0xffff  }
0xbe: {  	v10 =	vld.idx.msk [tilespmem:v10+s12+$0x0], $0xffff;
	v13 =	vmul.f32 v6, v9;
	v12 =	vmul.f32 v5, v4  }
0xbf: {  	v4 =	vmul.f32 v6, v4;
	v6 =	vld.idx.msk [tilespmem:v11+s12+$0x0], $0xffff  }
0xc0: {  	v5 =	vmul.f32 v5, v9;
	v13 =	vsub.f32 v12, v13;
	_ =	sdelay $0x1  }
0xc1: {  	v17 =	vld [tilespmem:$0x1FFF0];
	v4 =	vadd.f32 v4, v5;
	v14 =	vadd.f32 v13, v7;
	_ =	sdelay $0x1  }
0xc2: {  	v4 =	vadd.f32 v4, v8;
	v7 =	vmul.f32 v14, v10;
	v5 =	vmul.f32 v14, v6;
	v14 =	vld [tilespmem:$0x1FFE0];
	_ =	sdelay $0x1  }
0xc3: {  	v8 =	vmul.f32 v4, v6  }
0xc4: {  	v13 =	vadd.s32 v17, v2;
	v4 =	vmul.f32 v4, v10  }
0xc5: {  	v7 =	vsub.f32 v7, v8;
	v8 =	vadd.s32 v17, v3  }
0xc6: {  	v4 =	vadd.f32 v4, v5;
	v6 =	vadd.s32 v14, v3  }
0xc7: {  	[tilespmem:v15+s19+$0x0] =	vst.idx.msk $0xffff, v7;
	v12 =	vadd.s32 v14, v2  }
0xc8: {  	[tilespmem:v16+s19+$0x0] =	vst.idx.msk $0xffff, v4  }
0xc9: {  	v7 =	vld.idx.msk [tilespmem:v13+s17+$0x0], $0xffff  }
0xca: {  	v9 =	vld.idx.msk [tilespmem:v8+s14+$0x0], $0xffff  }
0xcb: {  	v4 =	vld.idx.msk [tilespmem:v6+s14+$0x0], $0xffff  }
0xcc: {  	v5 =	vld.idx.msk [tilespmem:v12+s17+$0x0], $0xffff  }
0xcd: {  	v11 =	vadd.s32 v17, v1  }
0xce: {  	v10 =	vadd.s32 v14, v1;
	_ =	sdelay $0x1  }
0xcf: {  	v8 =	vld.idx.msk [tilespmem:v8+s15+$0x0], $0xffff  }
0xd0: {  	v6 =	vld.idx.msk [tilespmem:v6+s15+$0x0], $0xffff;
	v13 =	vmul.f32 v7, v9;
	v12 =	vmul.f32 v5, v4  }
0xd1: {  	v15 =	vld.idx.msk [tilespmem:v11+s12+$0x0], $0xffff;
	v4 =	vmul.f32 v7, v4;
	v5 =	vmul.f32 v5, v9  }
0xd2: {  	v10 =	vld.idx.msk [tilespmem:v10+s12+$0x0], $0xffff  }
0xd3: {  	v12 =	vsub.f32 v12, v13;
	v4 =	vadd.f32 v4, v5;
	_ =	sdelay $0x1  }
0xd4: {  	v13 =	vadd.f32 v12, v6;
	v4 =	vadd.f32 v4, v8;
	_ =	sdelay $0x1  }
0xd5: {  	v6 =	vmul.f32 v13, v10;
	v8 =	vmul.f32 v4, v15  }
0xd6: {  	v5 =	vmul.f32 v13, v15;
	v4 =	vmul.f32 v4, v10;
	v15 =	vadd.s32 v18, v3  }
0xd7: {  	v12 =	vadd.s32 v19, v3;
	v6 =	vsub.f32 v6, v8  }
0xd8: {  	v13 =	vadd.s32 v18, v2;
	v4 =	vadd.f32 v4, v5  }
0xd9: {  	[tilespmem:v14+s19+$0x0] =	vst.idx.msk $0xffff, v6;
	v14 =	vadd.s32 v19, v2  }
0xda: {  	[tilespmem:v17+s19+$0x0] =	vst.idx.msk $0xffff, v4  }
0xdb: {  	v4 =	vld.idx.msk [tilespmem:v15+s14+$0x0], $0xffff  }
0xdc: {  	v9 =	vld.idx.msk [tilespmem:v12+s14+$0x0], $0xffff  }
0xdd: {  	v5 =	vld.idx.msk [tilespmem:v13+s17+$0x0], $0xffff  }
0xde: {  	v10 =	vadd.s32 v18, v1;
	v6 =	vld.idx.msk [tilespmem:v14+s17+$0x0], $0xffff  }
0xdf: {  	v11 =	vadd.s32 v19, v1;
	_ =	sdelay $0x1  }
0xe0: {  	v7 =	vld.idx.msk [tilespmem:v15+s15+$0x0], $0xffff  }
0xe1: {  	v8 =	vld.idx.msk [tilespmem:v12+s15+$0x0], $0xffff;
	v12 =	vmul.f32 v5, v4;
	v5 =	vmul.f32 v5, v9  }
0xe2: {  	v10 =	vld.idx.msk [tilespmem:v10+s12+$0x0], $0xffff;
	v13 =	vmul.f32 v6, v9;
	v4 =	vmul.f32 v6, v4  }
0xe3: {  	v15 =	vld.idx.msk [tilespmem:v11+s12+$0x0], $0xffff  }
0xe4: {  	v13 =	vsub.f32 v12, v13;
	v4 =	vadd.f32 v4, v5;
	_ =	sdelay $0x1  }
0xe5: {  	v14 =	vadd.f32 v13, v7;
	v4 =	vadd.f32 v4, v8;
	_ =	sdelay $0x1  }
0xe6: {  	v7 =	vmul.f32 v14, v10;
	v8 =	vmul.f32 v4, v15  }
0xe7: {  	v5 =	vmul.f32 v14, v15;
	v4 =	vmul.f32 v4, v10;
	v15 =	vadd.s32 v20, v3  }
0xe8: {  	v12 =	vadd.s32 v21, v3;
	v7 =	vsub.f32 v7, v8  }
0xe9: {  	v13 =	vadd.s32 v20, v2;
	v4 =	vadd.f32 v4, v5  }
0xea: {  	v14 =	vadd.s32 v21, v2;
	[tilespmem:v18+s19+$0x0] =	vst.idx.msk $0xffff, v7  }
0xeb: {  	[tilespmem:v19+s19+$0x0] =	vst.idx.msk $0xffff, v4  }
0xec: {  	v4 =	vld.idx.msk [tilespmem:v15+s14+$0x0], $0xffff  }
0xed: {  	v9 =	vld.idx.msk [tilespmem:v12+s14+$0x0], $0xffff  }
0xee: {  	v5 =	vld.idx.msk [tilespmem:v13+s17+$0x0], $0xffff  }
0xef: {  	v7 =	vld.idx.msk [tilespmem:v14+s17+$0x0], $0xffff  }
0xf0: {  	v10 =	vadd.s32 v20, v1  }
0xf1: {  	v11 =	vadd.s32 v21, v1;
	_ =	sdelay $0x1  }
0xf2: {  	v6 =	vld.idx.msk [tilespmem:v15+s15+$0x0], $0xffff  }
0xf3: {  	v8 =	vld.idx.msk [tilespmem:v12+s15+$0x0], $0xffff;
	v12 =	vmul.f32 v5, v4;
	v13 =	vmul.f32 v7, v9  }
0xf4: {  	v10 =	vld.idx.msk [tilespmem:v10+s12+$0x0], $0xffff;
	v4 =	vmul.f32 v7, v4;
	v5 =	vmul.f32 v5, v9  }
0xf5: {  	v15 =	vld.idx.msk [tilespmem:v11+s12+$0x0], $0xffff  }
0xf6: {  	v13 =	vsub.f32 v12, v13;
	v4 =	vadd.f32 v4, v5;
	_ =	sdelay $0x1  }
0xf7: {  	v14 =	vadd.f32 v13, v6;
	v4 =	vadd.f32 v4, v8;
	_ =	sdelay $0x1  }
0xf8: {  	v6 =	vmul.f32 v14, v10;
	v8 =	vmul.f32 v4, v15  }
0xf9: {  	v5 =	vmul.f32 v14, v15;
	v4 =	vmul.f32 v4, v10;
	v15 =	vadd.s32 v22, v3  }
0xfa: {  	v12 =	vadd.s32 v23, v3;
	v6 =	vsub.f32 v6, v8  }
0xfb: {  	v13 =	vadd.s32 v22, v2;
	v4 =	vadd.f32 v4, v5  }
0xfc: {  	v14 =	vadd.s32 v23, v2;
	[tilespmem:v20+s19+$0x0] =	vst.idx.msk $0xffff, v6  }
0xfd: {  	[tilespmem:v21+s19+$0x0] =	vst.idx.msk $0xffff, v4  }
0xfe: {  	v4 =	vld.idx.msk [tilespmem:v15+s14+$0x0], $0xffff  }
0xff: {  	v9 =	vld.idx.msk [tilespmem:v12+s14+$0x0], $0xffff  }
0x100: {  	v5 =	vld.idx.msk [tilespmem:v13+s17+$0x0], $0xffff  }
0x101: {  	v6 =	vld.idx.msk [tilespmem:v14+s17+$0x0], $0xffff  }
0x102: {  	v10 =	vadd.s32 v22, v1  }
0x103: {  	v11 =	vadd.s32 v23, v1;
	_ =	sdelay $0x1  }
0x104: {  	v7 =	vld.idx.msk [tilespmem:v15+s15+$0x0], $0xffff  }
0x105: {  	v8 =	vld.idx.msk [tilespmem:v12+s15+$0x0], $0xffff;
	v12 =	vmul.f32 v5, v4;
	v13 =	vmul.f32 v6, v9  }
0x106: {  	v10 =	vld.idx.msk [tilespmem:v10+s12+$0x0], $0xffff;
	v4 =	vmul.f32 v6, v4;
	v5 =	vmul.f32 v5, v9  }
0x107: {  	v15 =	vld.idx.msk [tilespmem:v11+s12+$0x0], $0xffff  }
0x108: {  	v13 =	vsub.f32 v12, v13;
	v4 =	vadd.f32 v4, v5;
	_ =	sdelay $0x1  }
0x109: {  	v14 =	vadd.f32 v13, v7;
	v4 =	vadd.f32 v4, v8;
	_ =	sdelay $0x1  }
0x10a: {  	v7 =	vmul.f32 v14, v10;
	v8 =	vmul.f32 v4, v15  }
0x10b: {  	v5 =	vmul.f32 v14, v15;
	v4 =	vmul.f32 v4, v10;
	v15 =	vadd.s32 v24, v3  }
0x10c: {  	v12 =	vadd.s32 v25, v3;
	v7 =	vsub.f32 v7, v8  }
0x10d: {  	v13 =	vadd.s32 v24, v2;
	v4 =	vadd.f32 v4, v5  }
0x10e: {  	v14 =	vadd.s32 v25, v2;
	[tilespmem:v22+s19+$0x0] =	vst.idx.msk $0xffff, v7  }
0x10f: {  	[tilespmem:v23+s19+$0x0] =	vst.idx.msk $0xffff, v4  }
0x110: {  	v4 =	vld.idx.msk [tilespmem:v15+s14+$0x0], $0xffff  }
0x111: {  	v9 =	vld.idx.msk [tilespmem:v12+s14+$0x0], $0xffff  }
0x112: {  	v5 =	vld.idx.msk [tilespmem:v13+s17+$0x0], $0xffff  }
0x113: {  	v7 =	vld.idx.msk [tilespmem:v14+s17+$0x0], $0xffff  }
0x114: {  	v10 =	vadd.s32 v24, v1  }
0x115: {  	v11 =	vadd.s32 v25, v1;
	_ =	sdelay $0x1  }
0x116: {  	v6 =	vld.idx.msk [tilespmem:v15+s15+$0x0], $0xffff  }
0x117: {  	v8 =	vld.idx.msk [tilespmem:v12+s15+$0x0], $0xffff;
	v12 =	vmul.f32 v5, v4;
	v13 =	vmul.f32 v7, v9  }
0x118: {  	v10 =	vld.idx.msk [tilespmem:v10+s12+$0x0], $0xffff;
	v4 =	vmul.f32 v7, v4;
	v5 =	vmul.f32 v5, v9  }
0x119: {  	v15 =	vld.idx.msk [tilespmem:v11+s12+$0x0], $0xffff  }
0x11a: {  	v13 =	vsub.f32 v12, v13;
	v4 =	vadd.f32 v4, v5;
	_ =	sdelay $0x1  }
0x11b: {  	v14 =	vadd.f32 v13, v6;
	v4 =	vadd.f32 v4, v8;
	_ =	sdelay $0x1  }
0x11c: {  	v6 =	vmul.f32 v14, v10;
	v8 =	vmul.f32 v4, v15  }
0x11d: {  	v5 =	vmul.f32 v14, v15;
	v4 =	vmul.f32 v4, v10;
	v15 =	vadd.s32 v26, v3  }
0x11e: {  	v12 =	vadd.s32 v27, v3;
	v6 =	vsub.f32 v6, v8  }
0x11f: {  	v13 =	vadd.s32 v26, v2;
	v4 =	vadd.f32 v4, v5  }
0x120: {  	v14 =	vadd.s32 v27, v2;
	[tilespmem:v24+s19+$0x0] =	vst.idx.msk $0xffff, v6  }
0x121: {  	[tilespmem:v25+s19+$0x0] =	vst.idx.msk $0xffff, v4  }
0x122: {  	v4 =	vld.idx.msk [tilespmem:v15+s14+$0x0], $0xffff  }
0x123: {  	v9 =	vld.idx.msk [tilespmem:v12+s14+$0x0], $0xffff  }
0x124: {  	v5 =	vld.idx.msk [tilespmem:v13+s17+$0x0], $0xffff  }
0x125: {  	v6 =	vld.idx.msk [tilespmem:v14+s17+$0x0], $0xffff  }
0x126: {  	v10 =	vadd.s32 v26, v1  }
0x127: {  	v11 =	vadd.s32 v27, v1;
	_ =	sdelay $0x1  }
0x128: {  	v7 =	vld.idx.msk [tilespmem:v15+s15+$0x0], $0xffff  }
0x129: {  	v8 =	vld.idx.msk [tilespmem:v12+s15+$0x0], $0xffff;
	v12 =	vmul.f32 v5, v4;
	v13 =	vmul.f32 v6, v9  }
0x12a: {  	v10 =	vld.idx.msk [tilespmem:v10+s12+$0x0], $0xffff;
	v4 =	vmul.f32 v6, v4;
	v5 =	vmul.f32 v5, v9  }
0x12b: {  	v15 =	vld.idx.msk [tilespmem:v11+s12+$0x0], $0xffff  }
0x12c: {  	v12 =	vsub.f32 v12, v13;
	v4 =	vadd.f32 v4, v5;
	_ =	sdelay $0x1  }
0x12d: {  	v13 =	vadd.f32 v12, v7;
	v4 =	vadd.f32 v4, v8;
	_ =	sdelay $0x1  }
0x12e: {  	v7 =	vmul.f32 v13, v10;
	v8 =	vmul.f32 v4, v15  }
0x12f: {  	v14 =	vadd.s32 v28, v1;
	v5 =	vmul.f32 v13, v15;
	v4 =	vmul.f32 v4, v10  }
0x130: {  	v15 =	vadd.s32 v29, v1;
	v7 =	vsub.f32 v7, v8  }
0x131: {  	v12 =	vadd.s32 v28, v3;
	v4 =	vadd.f32 v4, v5  }
0x132: {  	v13 =	vadd.s32 v29, v3;
	[tilespmem:v26+s19+$0x0] =	vst.idx.msk $0xffff, v7  }
0x133: {  	[tilespmem:v27+s19+$0x0] =	vst.idx.msk $0xffff, v4  }
0x134: {  	v4 =	vld.idx.msk [tilespmem:v14+s12+$0x0], $0xffff  }
0x135: {  	v6 =	vld.idx.msk [tilespmem:v15+s12+$0x0], $0xffff;
	v14 =	vadd.s32 v28, v2  }
0x136: {  	v9 =	vld.idx.msk [tilespmem:v12+s14+$0x0], $0xffff;
	v15 =	vadd.s32 v29, v2  }
0x137: {  	v11 =	vld.idx.msk [tilespmem:v13+s14+$0x0], $0xffff  }
0x138: {  	v5 =	vld.idx.msk [tilespmem:v12+s15+$0x0], $0xffff  }
0x139: {  	v7 =	vld.idx.msk [tilespmem:v13+s15+$0x0], $0xffff  }
0x13a: {  	v8 =	vld.idx.msk [tilespmem:v14+s17+$0x0], $0xffff  }
0x13b: {  	v10 =	vld.idx.msk [tilespmem:v15+s17+$0x0], $0xffff;
	_ =	sdelay $0x4  }
0x13c: {  	v12 =	vmul.f32 v8, v9;
	v13 =	vmul.f32 v10, v11  }
0x13d: {  	v9 =	vmul.f32 v10, v9;
	v8 =	vmul.f32 v8, v11;
	_ =	sdelay $0x1  }
0x13e: {  	v12 =	vsub.f32 v12, v13;
	v8 =	vadd.f32 v9, v8;
	_ =	sdelay $0x1  }
0x13f: {  	v5 =	vadd.f32 v12, v5;
	v7 =	vadd.f32 v8, v7;
	_ =	sdelay $0x1  }
0x140: {  	v13 =	vmul.f32 v5, v4;
	v14 =	vmul.f32 v7, v6  }
0x141: {  	v5 =	vmul.f32 v5, v6;
	v4 =	vmul.f32 v7, v4;
	v6 =	vadd.s32 v30, v3  }
0x142: {  	v12 =	vadd.s32 v31, v3;
	v15 =	vsub.f32 v13, v14  }
0x143: {  	v4 =	vadd.f32 v4, v5;
	v13 =	vadd.s32 v30, v2  }
0x144: {  	v14 =	vadd.s32 v31, v2;
	[tilespmem:v28+s19+$0x0] =	vst.idx.msk $0xffff, v15  }
0x145: {  	[tilespmem:v29+s19+$0x0] =	vst.idx.msk $0xffff, v4  }
0x146: {  	v4 =	vld.idx.msk [tilespmem:v6+s14+$0x0], $0xffff  }
0x147: {  	v9 =	vld.idx.msk [tilespmem:v12+s14+$0x0], $0xffff  }
0x148: {  	v5 =	vld.idx.msk [tilespmem:v13+s17+$0x0], $0xffff  }
0x149: {  	v7 =	vld.idx.msk [tilespmem:v14+s17+$0x0], $0xffff  }
0x14a: {  	v10 =	vadd.s32 v30, v1  }
0x14b: {  	v11 =	vadd.s32 v31, v1;
	_ =	sdelay $0x1  }
0x14c: {  	v6 =	vld.idx.msk [tilespmem:v6+s15+$0x0], $0xffff  }
0x14d: {  	v8 =	vld.idx.msk [tilespmem:v12+s15+$0x0], $0xffff;
	v12 =	vmul.f32 v5, v4;
	v13 =	vmul.f32 v7, v9  }
0x14e: {  	v10 =	vld.idx.msk [tilespmem:v10+s12+$0x0], $0xffff;
	v4 =	vmul.f32 v7, v4;
	v5 =	vmul.f32 v5, v9  }
0x14f: {  	v15 =	vld.idx.msk [tilespmem:v11+s12+$0x0], $0xffff  }
0x150: {  	v13 =	vsub.f32 v12, v13;
	v4 =	vadd.f32 v4, v5;
	_ =	sdelay $0x1  }
0x151: {  	v14 =	vadd.f32 v13, v6;
	v4 =	vadd.f32 v4, v8;
	_ =	sdelay $0x1  }
0x152: {  	v6 =	vmul.f32 v14, v10;
	v8 =	vmul.f32 v4, v15  }
0x153: {  	v5 =	vmul.f32 v14, v15;
	v4 =	vmul.f32 v4, v10;
	v15 =	vadd.s32 v32, v3  }
0x154: {  	v12 =	vadd.s32 v33, v3;
	v6 =	vsub.f32 v6, v8  }
0x155: {  	v13 =	vadd.s32 v32, v2;
	v4 =	vadd.f32 v4, v5  }
0x156: {  	v14 =	vadd.s32 v33, v2;
	[tilespmem:v30+s19+$0x0] =	vst.idx.msk $0xffff, v6  }
0x157: {  	[tilespmem:v31+s19+$0x0] =	vst.idx.msk $0xffff, v4  }
0x158: {  	v4 =	vld.idx.msk [tilespmem:v15+s14+$0x0], $0xffff  }
0x159: {  	v9 =	vld.idx.msk [tilespmem:v12+s14+$0x0], $0xffff  }
0x15a: {  	v5 =	vld.idx.msk [tilespmem:v13+s17+$0x0], $0xffff  }
0x15b: {  	v6 =	vld.idx.msk [tilespmem:v14+s17+$0x0], $0xffff  }
0x15c: {  	v10 =	vadd.s32 v32, v1  }
0x15d: {  	v11 =	vadd.s32 v33, v1;
	_ =	sdelay $0x1  }
0x15e: {  	v7 =	vld.idx.msk [tilespmem:v15+s15+$0x0], $0xffff  }
0x15f: {  	v8 =	vld.idx.msk [tilespmem:v12+s15+$0x0], $0xffff;
	v12 =	vmul.f32 v5, v4;
	v13 =	vmul.f32 v6, v9  }
0x160: {  	v10 =	vld.idx.msk [tilespmem:v10+s12+$0x0], $0xffff;
	v4 =	vmul.f32 v6, v4;
	v5 =	vmul.f32 v5, v9  }
0x161: {  	v15 =	vld.idx.msk [tilespmem:v11+s12+$0x0], $0xffff  }
0x162: {  	v13 =	vsub.f32 v12, v13;
	v4 =	vadd.f32 v4, v5;
	_ =	sdelay $0x1  }
0x163: {  	v14 =	vadd.f32 v13, v7;
	v4 =	vadd.f32 v4, v8;
	_ =	sdelay $0x1  }
0x164: {  	v7 =	vmul.f32 v14, v10;
	v8 =	vmul.f32 v4, v15  }
0x165: {  	v5 =	vmul.f32 v14, v15;
	v4 =	vmul.f32 v4, v10;
	v15 =	vadd.s32 v34, v3  }
0x166: {  	v12 =	vadd.s32 v35, v3;
	v7 =	vsub.f32 v7, v8  }
0x167: {  	v13 =	vadd.s32 v34, v2;
	v4 =	vadd.f32 v4, v5  }
0x168: {  	v14 =	vadd.s32 v35, v2;
	[tilespmem:v32+s19+$0x0] =	vst.idx.msk $0xffff, v7  }
0x169: {  	[tilespmem:v33+s19+$0x0] =	vst.idx.msk $0xffff, v4  }
0x16a: {  	v4 =	vld.idx.msk [tilespmem:v15+s14+$0x0], $0xffff  }
0x16b: {  	v9 =	vld.idx.msk [tilespmem:v12+s14+$0x0], $0xffff  }
0x16c: {  	v5 =	vld.idx.msk [tilespmem:v13+s17+$0x0], $0xffff  }
0x16d: {  	v7 =	vld.idx.msk [tilespmem:v14+s17+$0x0], $0xffff  }
0x16e: {  	v10 =	vadd.s32 v34, v1  }
0x16f: {  	v11 =	vadd.s32 v35, v1;
	_ =	sdelay $0x1  }
0x170: {  	v6 =	vld.idx.msk [tilespmem:v15+s15+$0x0], $0xffff  }
0x171: {  	v8 =	vld.idx.msk [tilespmem:v12+s15+$0x0], $0xffff;
	v12 =	vmul.f32 v5, v4;
	v13 =	vmul.f32 v7, v9  }
0x172: {  	v10 =	vld.idx.msk [tilespmem:v10+s12+$0x0], $0xffff;
	v4 =	vmul.f32 v7, v4;
	v5 =	vmul.f32 v5, v9  }
0x173: {  	v15 =	vld.idx.msk [tilespmem:v11+s12+$0x0], $0xffff  }
0x174: {  	v13 =	vsub.f32 v12, v13;
	v4 =	vadd.f32 v4, v5;
	_ =	sdelay $0x1  }
0x175: {  	v14 =	vadd.f32 v13, v6;
	v4 =	vadd.f32 v4, v8;
	_ =	sdelay $0x1  }
0x176: {  	v6 =	vmul.f32 v14, v10;
	v8 =	vmul.f32 v4, v15  }
0x177: {  	v5 =	vmul.f32 v14, v15;
	v4 =	vmul.f32 v4, v10;
	v15 =	vadd.s32 v36, v3  }
0x178: {  	v12 =	vadd.s32 v37, v3;
	v6 =	vsub.f32 v6, v8  }
0x179: {  	v13 =	vadd.s32 v36, v2;
	v4 =	vadd.f32 v4, v5  }
0x17a: {  	v14 =	vadd.s32 v37, v2;
	[tilespmem:v34+s19+$0x0] =	vst.idx.msk $0xffff, v6  }
0x17b: {  	[tilespmem:v35+s19+$0x0] =	vst.idx.msk $0xffff, v4  }
0x17c: {  	v4 =	vld.idx.msk [tilespmem:v15+s14+$0x0], $0xffff  }
0x17d: {  	v9 =	vld.idx.msk [tilespmem:v12+s14+$0x0], $0xffff  }
0x17e: {  	v5 =	vld.idx.msk [tilespmem:v13+s17+$0x0], $0xffff  }
0x17f: {  	v6 =	vld.idx.msk [tilespmem:v14+s17+$0x0], $0xffff  }
0x180: {  	v10 =	vadd.s32 v36, v1  }
0x181: {  	v11 =	vadd.s32 v37, v1;
	_ =	sdelay $0x1  }
0x182: {  	v7 =	vld.idx.msk [tilespmem:v15+s15+$0x0], $0xffff  }
0x183: {  	v8 =	vld.idx.msk [tilespmem:v12+s15+$0x0], $0xffff;
	v12 =	vmul.f32 v5, v4;
	v13 =	vmul.f32 v6, v9  }
0x184: {  	v10 =	vld.idx.msk [tilespmem:v10+s12+$0x0], $0xffff;
	v4 =	vmul.f32 v6, v4;
	v5 =	vmul.f32 v5, v9  }
0x185: {  	v15 =	vld.idx.msk [tilespmem:v11+s12+$0x0], $0xffff  }
0x186: {  	v13 =	vsub.f32 v12, v13;
	v4 =	vadd.f32 v4, v5;
	_ =	sdelay $0x1  }
0x187: {  	v14 =	vadd.f32 v13, v7;
	v4 =	vadd.f32 v4, v8;
	_ =	sdelay $0x1  }
0x188: {  	v7 =	vmul.f32 v14, v10;
	v8 =	vmul.f32 v4, v15  }
0x189: {  	v5 =	vmul.f32 v14, v15;
	v4 =	vmul.f32 v4, v10;
	v15 =	vadd.s32 v38, v3  }
0x18a: {  	v12 =	vadd.s32 v39, v3;
	v7 =	vsub.f32 v7, v8  }
0x18b: {  	v13 =	vadd.s32 v38, v2;
	v4 =	vadd.f32 v4, v5  }
0x18c: {  	v14 =	vadd.s32 v39, v2;
	[tilespmem:v36+s19+$0x0] =	vst.idx.msk $0xffff, v7  }
0x18d: {  	[tilespmem:v37+s19+$0x0] =	vst.idx.msk $0xffff, v4  }
0x18e: {  	v4 =	vld.idx.msk [tilespmem:v15+s14+$0x0], $0xffff  }
0x18f: {  	v9 =	vld.idx.msk [tilespmem:v12+s14+$0x0], $0xffff  }
0x190: {  	v5 =	vld.idx.msk [tilespmem:v13+s17+$0x0], $0xffff  }
0x191: {  	v7 =	vld.idx.msk [tilespmem:v14+s17+$0x0], $0xffff  }
0x192: {  	v10 =	vadd.s32 v38, v1  }
0x193: {  	v11 =	vadd.s32 v39, v1;
	_ =	sdelay $0x1  }
0x194: {  	v6 =	vld.idx.msk [tilespmem:v15+s15+$0x0], $0xffff  }
0x195: {  	v8 =	vld.idx.msk [tilespmem:v12+s15+$0x0], $0xffff;
	v12 =	vmul.f32 v5, v4;
	v13 =	vmul.f32 v7, v9  }
0x196: {  	v10 =	vld.idx.msk [tilespmem:v10+s12+$0x0], $0xffff;
	v4 =	vmul.f32 v7, v4;
	v5 =	vmul.f32 v5, v9  }
0x197: {  	v15 =	vld.idx.msk [tilespmem:v11+s12+$0x0], $0xffff  }
0x198: {  	v13 =	vsub.f32 v12, v13;
	v4 =	vadd.f32 v4, v5;
	_ =	sdelay $0x1  }
0x199: {  	v14 =	vadd.f32 v13, v6;
	v4 =	vadd.f32 v4, v8;
	_ =	sdelay $0x1  }
0x19a: {  	v6 =	vmul.f32 v14, v10;
	v8 =	vmul.f32 v4, v15  }
0x19b: {  	v5 =	vmul.f32 v14, v15;
	v4 =	vmul.f32 v4, v10;
	v15 =	vadd.s32 v40, v3  }
0x19c: {  	v12 =	vadd.s32 v41, v3;
	v6 =	vsub.f32 v6, v8  }
0x19d: {  	v13 =	vadd.s32 v40, v2;
	v4 =	vadd.f32 v4, v5  }
0x19e: {  	v14 =	vadd.s32 v41, v2;
	[tilespmem:v38+s19+$0x0] =	vst.idx.msk $0xffff, v6  }
0x19f: {  	[tilespmem:v39+s19+$0x0] =	vst.idx.msk $0xffff, v4  }
0x1a0: {  	v4 =	vld.idx.msk [tilespmem:v15+s14+$0x0], $0xffff  }
0x1a1: {  	v9 =	vld.idx.msk [tilespmem:v12+s14+$0x0], $0xffff  }
0x1a2: {  	v5 =	vld.idx.msk [tilespmem:v13+s17+$0x0], $0xffff  }
0x1a3: {  	v6 =	vld.idx.msk [tilespmem:v14+s17+$0x0], $0xffff  }
0x1a4: {  	v10 =	vadd.s32 v40, v1  }
0x1a5: {  	v11 =	vadd.s32 v41, v1;
	_ =	sdelay $0x1  }
0x1a6: {  	v7 =	vld.idx.msk [tilespmem:v15+s15+$0x0], $0xffff  }
0x1a7: {  	v8 =	vld.idx.msk [tilespmem:v12+s15+$0x0], $0xffff;
	v12 =	vmul.f32 v5, v4;
	v13 =	vmul.f32 v6, v9  }
0x1a8: {  	v10 =	vld.idx.msk [tilespmem:v10+s12+$0x0], $0xffff;
	v4 =	vmul.f32 v6, v4;
	v5 =	vmul.f32 v5, v9  }
0x1a9: {  	v15 =	vld.idx.msk [tilespmem:v11+s12+$0x0], $0xffff  }
0x1aa: {  	v13 =	vsub.f32 v12, v13;
	v4 =	vadd.f32 v4, v5;
	_ =	sdelay $0x1  }
0x1ab: {  	v14 =	vadd.f32 v13, v7;
	v4 =	vadd.f32 v4, v8;
	_ =	sdelay $0x1  }
0x1ac: {  	v7 =	vmul.f32 v14, v10;
	v8 =	vmul.f32 v4, v15  }
0x1ad: {  	v5 =	vmul.f32 v14, v15;
	v4 =	vmul.f32 v4, v10;
	v15 =	vadd.s32 v42, v3  }
0x1ae: {  	v12 =	vadd.s32 v43, v3;
	v7 =	vsub.f32 v7, v8  }
0x1af: {  	v13 =	vadd.s32 v42, v2;
	v4 =	vadd.f32 v4, v5  }
0x1b0: {  	v14 =	vadd.s32 v43, v2;
	[tilespmem:v40+s19+$0x0] =	vst.idx.msk $0xffff, v7  }
0x1b1: {  	[tilespmem:v41+s19+$0x0] =	vst.idx.msk $0xffff, v4  }
0x1b2: {  	v4 =	vld.idx.msk [tilespmem:v15+s14+$0x0], $0xffff  }
0x1b3: {  	v9 =	vld.idx.msk [tilespmem:v12+s14+$0x0], $0xffff  }
0x1b4: {  	v5 =	vld.idx.msk [tilespmem:v13+s17+$0x0], $0xffff  }
0x1b5: {  	v7 =	vld.idx.msk [tilespmem:v14+s17+$0x0], $0xffff  }
0x1b6: {  	v10 =	vadd.s32 v42, v1  }
0x1b7: {  	v11 =	vadd.s32 v43, v1;
	_ =	sdelay $0x1  }
0x1b8: {  	v6 =	vld.idx.msk [tilespmem:v15+s15+$0x0], $0xffff  }
0x1b9: {  	v8 =	vld.idx.msk [tilespmem:v12+s15+$0x0], $0xffff;
	v12 =	vmul.f32 v5, v4;
	v13 =	vmul.f32 v7, v9  }
0x1ba: {  	v10 =	vld.idx.msk [tilespmem:v10+s12+$0x0], $0xffff;
	v4 =	vmul.f32 v7, v4;
	v5 =	vmul.f32 v5, v9  }
0x1bb: {  	v15 =	vld.idx.msk [tilespmem:v11+s12+$0x0], $0xffff  }
0x1bc: {  	v13 =	vsub.f32 v12, v13;
	v4 =	vadd.f32 v4, v5;
	_ =	sdelay $0x1  }
0x1bd: {  	v14 =	vadd.f32 v13, v6;
	v4 =	vadd.f32 v4, v8;
	_ =	sdelay $0x1  }
0x1be: {  	v6 =	vmul.f32 v14, v10;
	v8 =	vmul.f32 v4, v15  }
0x1bf: {  	v5 =	vmul.f32 v14, v15;
	v4 =	vmul.f32 v4, v10;
	v15 =	vadd.s32 v44, v3  }
0x1c0: {  	v12 =	vadd.s32 v45, v3;
	v6 =	vsub.f32 v6, v8  }
0x1c1: {  	v13 =	vadd.s32 v44, v2;
	v4 =	vadd.f32 v4, v5  }
0x1c2: {  	v14 =	vadd.s32 v45, v2;
	[tilespmem:v42+s19+$0x0] =	vst.idx.msk $0xffff, v6  }
0x1c3: {  	[tilespmem:v43+s19+$0x0] =	vst.idx.msk $0xffff, v4  }
0x1c4: {  	v4 =	vld.idx.msk [tilespmem:v15+s14+$0x0], $0xffff  }
0x1c5: {  	v9 =	vld.idx.msk [tilespmem:v12+s14+$0x0], $0xffff  }
0x1c6: {  	v5 =	vld.idx.msk [tilespmem:v13+s17+$0x0], $0xffff  }
0x1c7: {  	v6 =	vld.idx.msk [tilespmem:v14+s17+$0x0], $0xffff  }
0x1c8: {  	v10 =	vadd.s32 v44, v1  }
0x1c9: {  	v11 =	vadd.s32 v45, v1;
	_ =	sdelay $0x1  }
0x1ca: {  	v7 =	vld.idx.msk [tilespmem:v15+s15+$0x0], $0xffff  }
0x1cb: {  	v8 =	vld.idx.msk [tilespmem:v12+s15+$0x0], $0xffff;
	v12 =	vmul.f32 v5, v4;
	v13 =	vmul.f32 v6, v9  }
0x1cc: {  	v10 =	vld.idx.msk [tilespmem:v10+s12+$0x0], $0xffff;
	v4 =	vmul.f32 v6, v4;
	v5 =	vmul.f32 v5, v9  }
0x1cd: {  	v15 =	vld.idx.msk [tilespmem:v11+s12+$0x0], $0xffff  }
0x1ce: {  	v13 =	vsub.f32 v12, v13;
	v4 =	vadd.f32 v4, v5;
	_ =	sdelay $0x1  }
0x1cf: {  	v14 =	vadd.f32 v13, v7;
	v4 =	vadd.f32 v4, v8;
	_ =	sdelay $0x1  }
0x1d0: {  	v7 =	vmul.f32 v14, v10;
	v8 =	vmul.f32 v4, v15  }
0x1d1: {  	v5 =	vmul.f32 v14, v15;
	v4 =	vmul.f32 v4, v10;
	v15 =	vadd.s32 v46, v3  }
0x1d2: {  	v12 =	vadd.s32 v47, v3;
	v7 =	vsub.f32 v7, v8  }
0x1d3: {  	v13 =	vadd.s32 v46, v2;
	v4 =	vadd.f32 v4, v5  }
0x1d4: {  	v14 =	vadd.s32 v47, v2;
	[tilespmem:v44+s19+$0x0] =	vst.idx.msk $0xffff, v7  }
0x1d5: {  	[tilespmem:v45+s19+$0x0] =	vst.idx.msk $0xffff, v4  }
0x1d6: {  	v4 =	vld.idx.msk [tilespmem:v15+s14+$0x0], $0xffff  }
0x1d7: {  	v9 =	vld.idx.msk [tilespmem:v12+s14+$0x0], $0xffff  }
0x1d8: {  	v5 =	vld.idx.msk [tilespmem:v13+s17+$0x0], $0xffff  }
0x1d9: {  	v7 =	vld.idx.msk [tilespmem:v14+s17+$0x0], $0xffff  }
0x1da: {  	v10 =	vadd.s32 v46, v1  }
0x1db: {  	v11 =	vadd.s32 v47, v1;
	_ =	sdelay $0x1  }
0x1dc: {  	v6 =	vld.idx.msk [tilespmem:v15+s15+$0x0], $0xffff  }
0x1dd: {  	v8 =	vld.idx.msk [tilespmem:v12+s15+$0x0], $0xffff;
	v12 =	vmul.f32 v5, v4;
	v13 =	vmul.f32 v7, v9  }
0x1de: {  	v10 =	vld.idx.msk [tilespmem:v10+s12+$0x0], $0xffff;
	v4 =	vmul.f32 v7, v4;
	v5 =	vmul.f32 v5, v9  }
0x1df: {  	v15 =	vld.idx.msk [tilespmem:v11+s12+$0x0], $0xffff  }
0x1e0: {  	v13 =	vsub.f32 v12, v13;
	v4 =	vadd.f32 v4, v5;
	_ =	sdelay $0x1  }
0x1e1: {  	v14 =	vadd.f32 v13, v6;
	v4 =	vadd.f32 v4, v8;
	_ =	sdelay $0x1  }
0x1e2: {  	v6 =	vmul.f32 v14, v10;
	v8 =	vmul.f32 v4, v15  }
0x1e3: {  	v5 =	vmul.f32 v14, v15;
	v4 =	vmul.f32 v4, v10;
	v15 =	vadd.s32 v48, v3  }
0x1e4: {  	v12 =	vadd.s32 v49, v3;
	v6 =	vsub.f32 v6, v8  }
0x1e5: {  	v13 =	vadd.s32 v48, v2;
	v4 =	vadd.f32 v4, v5  }
0x1e6: {  	v14 =	vadd.s32 v49, v2;
	[tilespmem:v46+s19+$0x0] =	vst.idx.msk $0xffff, v6  }
0x1e7: {  	[tilespmem:v47+s19+$0x0] =	vst.idx.msk $0xffff, v4  }
0x1e8: {  	v4 =	vld.idx.msk [tilespmem:v15+s14+$0x0], $0xffff  }
0x1e9: {  	v9 =	vld.idx.msk [tilespmem:v12+s14+$0x0], $0xffff  }
0x1ea: {  	v5 =	vld.idx.msk [tilespmem:v13+s17+$0x0], $0xffff  }
0x1eb: {  	v6 =	vld.idx.msk [tilespmem:v14+s17+$0x0], $0xffff  }
0x1ec: {  	v10 =	vadd.s32 v48, v1  }
0x1ed: {  	v11 =	vadd.s32 v49, v1;
	_ =	sdelay $0x1  }
0x1ee: {  	v7 =	vld.idx.msk [tilespmem:v15+s15+$0x0], $0xffff  }
0x1ef: {  	v8 =	vld.idx.msk [tilespmem:v12+s15+$0x0], $0xffff;
	v12 =	vmul.f32 v5, v4;
	v13 =	vmul.f32 v6, v9  }
0x1f0: {  	v10 =	vld.idx.msk [tilespmem:v10+s12+$0x0], $0xffff;
	v4 =	vmul.f32 v6, v4;
	v5 =	vmul.f32 v5, v9  }
0x1f1: {  	v15 =	vld.idx.msk [tilespmem:v11+s12+$0x0], $0xffff  }
0x1f2: {  	v13 =	vsub.f32 v12, v13;
	v4 =	vadd.f32 v4, v5;
	_ =	sdelay $0x1  }
0x1f3: {  	v14 =	vadd.f32 v13, v7;
	v4 =	vadd.f32 v4, v8;
	_ =	sdelay $0x1  }
0x1f4: {  	v7 =	vmul.f32 v14, v10;
	v8 =	vmul.f32 v4, v15  }
0x1f5: {  	v5 =	vmul.f32 v14, v15;
	v4 =	vmul.f32 v4, v10;
	v15 =	vadd.s32 v50, v3  }
0x1f6: {  	v12 =	vadd.s32 v51, v3;
	v7 =	vsub.f32 v7, v8  }
0x1f7: {  	v13 =	vadd.s32 v50, v2;
	v4 =	vadd.f32 v4, v5  }
0x1f8: {  	v14 =	vadd.s32 v51, v2;
	[tilespmem:v48+s19+$0x0] =	vst.idx.msk $0xffff, v7  }
0x1f9: {  	[tilespmem:v49+s19+$0x0] =	vst.idx.msk $0xffff, v4  }
0x1fa: {  	v4 =	vld.idx.msk [tilespmem:v15+s14+$0x0], $0xffff  }
0x1fb: {  	v9 =	vld.idx.msk [tilespmem:v12+s14+$0x0], $0xffff  }
0x1fc: {  	v5 =	vld.idx.msk [tilespmem:v13+s17+$0x0], $0xffff  }
0x1fd: {  	v7 =	vld.idx.msk [tilespmem:v14+s17+$0x0], $0xffff  }
0x1fe: {  	v10 =	vadd.s32 v50, v1  }
0x1ff: {  	v11 =	vadd.s32 v51, v1;
	_ =	sdelay $0x1  }
0x200: {  	v6 =	vld.idx.msk [tilespmem:v15+s15+$0x0], $0xffff  }
0x201: {  	v8 =	vld.idx.msk [tilespmem:v12+s15+$0x0], $0xffff;
	v12 =	vmul.f32 v5, v4;
	v13 =	vmul.f32 v7, v9  }
0x202: {  	v10 =	vld.idx.msk [tilespmem:v10+s12+$0x0], $0xffff;
	v4 =	vmul.f32 v7, v4;
	v5 =	vmul.f32 v5, v9  }
0x203: {  	v15 =	vld.idx.msk [tilespmem:v11+s12+$0x0], $0xffff  }
0x204: {  	v13 =	vsub.f32 v12, v13;
	v4 =	vadd.f32 v4, v5;
	_ =	sdelay $0x1  }
0x205: {  	v14 =	vadd.f32 v13, v6;
	v4 =	vadd.f32 v4, v8;
	_ =	sdelay $0x1  }
0x206: {  	v6 =	vmul.f32 v14, v10;
	v8 =	vmul.f32 v4, v15  }
0x207: {  	v5 =	vmul.f32 v14, v15;
	v4 =	vmul.f32 v4, v10;
	v15 =	vadd.s32 v52, v3  }
0x208: {  	v12 =	vadd.s32 v53, v3;
	v6 =	vsub.f32 v6, v8  }
0x209: {  	v13 =	vadd.s32 v52, v2;
	v4 =	vadd.f32 v4, v5  }
0x20a: {  	v14 =	vadd.s32 v53, v2;
	[tilespmem:v50+s19+$0x0] =	vst.idx.msk $0xffff, v6  }
0x20b: {  	[tilespmem:v51+s19+$0x0] =	vst.idx.msk $0xffff, v4  }
0x20c: {  	v4 =	vld.idx.msk [tilespmem:v15+s14+$0x0], $0xffff  }
0x20d: {  	v9 =	vld.idx.msk [tilespmem:v12+s14+$0x0], $0xffff  }
0x20e: {  	v5 =	vld.idx.msk [tilespmem:v13+s17+$0x0], $0xffff  }
0x20f: {  	v6 =	vld.idx.msk [tilespmem:v14+s17+$0x0], $0xffff  }
0x210: {  	v10 =	vadd.s32 v52, v1  }
0x211: {  	v11 =	vadd.s32 v53, v1;
	_ =	sdelay $0x1  }
0x212: {  	v7 =	vld.idx.msk [tilespmem:v15+s15+$0x0], $0xffff  }
0x213: {  	v8 =	vld.idx.msk [tilespmem:v12+s15+$0x0], $0xffff;
	v12 =	vmul.f32 v5, v4;
	v13 =	vmul.f32 v6, v9  }
0x214: {  	v10 =	vld.idx.msk [tilespmem:v10+s12+$0x0], $0xffff;
	v4 =	vmul.f32 v6, v4;
	v5 =	vmul.f32 v5, v9  }
0x215: {  	v15 =	vld.idx.msk [tilespmem:v11+s12+$0x0], $0xffff  }
0x216: {  	v13 =	vsub.f32 v12, v13;
	v4 =	vadd.f32 v4, v5;
	_ =	sdelay $0x1  }
0x217: {  	v14 =	vadd.f32 v13, v7;
	v4 =	vadd.f32 v4, v8;
	_ =	sdelay $0x1  }
0x218: {  	v7 =	vmul.f32 v14, v10;
	v8 =	vmul.f32 v4, v15  }
0x219: {  	v5 =	vmul.f32 v14, v15;
	v4 =	vmul.f32 v4, v10;
	v15 =	vadd.s32 v54, v3  }
0x21a: {  	v12 =	vadd.s32 v55, v3;
	v7 =	vsub.f32 v7, v8  }
0x21b: {  	v13 =	vadd.s32 v54, v2;
	v4 =	vadd.f32 v4, v5  }
0x21c: {  	v14 =	vadd.s32 v55, v2;
	[tilespmem:v52+s19+$0x0] =	vst.idx.msk $0xffff, v7  }
0x21d: {  	[tilespmem:v53+s19+$0x0] =	vst.idx.msk $0xffff, v4  }
0x21e: {  	v4 =	vld.idx.msk [tilespmem:v15+s14+$0x0], $0xffff  }
0x21f: {  	v9 =	vld.idx.msk [tilespmem:v12+s14+$0x0], $0xffff  }
0x220: {  	v5 =	vld.idx.msk [tilespmem:v13+s17+$0x0], $0xffff  }
0x221: {  	v7 =	vld.idx.msk [tilespmem:v14+s17+$0x0], $0xffff  }
0x222: {  	v10 =	vadd.s32 v54, v1  }
0x223: {  	v11 =	vadd.s32 v55, v1;
	_ =	sdelay $0x1  }
0x224: {  	v6 =	vld.idx.msk [tilespmem:v15+s15+$0x0], $0xffff  }
0x225: {  	v8 =	vld.idx.msk [tilespmem:v12+s15+$0x0], $0xffff;
	v12 =	vmul.f32 v5, v4;
	v13 =	vmul.f32 v7, v9  }
0x226: {  	v10 =	vld.idx.msk [tilespmem:v10+s12+$0x0], $0xffff;
	v4 =	vmul.f32 v7, v4;
	v5 =	vmul.f32 v5, v9  }
0x227: {  	v15 =	vld.idx.msk [tilespmem:v11+s12+$0x0], $0xffff  }
0x228: {  	v13 =	vsub.f32 v12, v13;
	v4 =	vadd.f32 v4, v5;
	_ =	sdelay $0x1  }
0x229: {  	v14 =	vadd.f32 v13, v6;
	v4 =	vadd.f32 v4, v8;
	_ =	sdelay $0x1  }
0x22a: {  	v6 =	vmul.f32 v14, v10;
	v8 =	vmul.f32 v4, v15  }
0x22b: {  	v5 =	vmul.f32 v14, v15;
	v4 =	vmul.f32 v4, v10;
	v15 =	vadd.s32 v56, v3  }
0x22c: {  	v12 =	vadd.s32 v57, v3;
	v6 =	vsub.f32 v6, v8  }
0x22d: {  	v13 =	vadd.s32 v56, v2;
	v4 =	vadd.f32 v4, v5  }
0x22e: {  	v14 =	vadd.s32 v57, v2;
	[tilespmem:v54+s19+$0x0] =	vst.idx.msk $0xffff, v6  }
0x22f: {  	[tilespmem:v55+s19+$0x0] =	vst.idx.msk $0xffff, v4  }
0x230: {  	v4 =	vld.idx.msk [tilespmem:v15+s14+$0x0], $0xffff  }
0x231: {  	v9 =	vld.idx.msk [tilespmem:v12+s14+$0x0], $0xffff  }
0x232: {  	v5 =	vld.idx.msk [tilespmem:v13+s17+$0x0], $0xffff  }
0x233: {  	v6 =	vld.idx.msk [tilespmem:v14+s17+$0x0], $0xffff  }
0x234: {  	v10 =	vadd.s32 v56, v1  }
0x235: {  	v11 =	vadd.s32 v57, v1;
	_ =	sdelay $0x1  }
0x236: {  	v7 =	vld.idx.msk [tilespmem:v15+s15+$0x0], $0xffff  }
0x237: {  	v8 =	vld.idx.msk [tilespmem:v12+s15+$0x0], $0xffff;
	v12 =	vmul.f32 v5, v4;
	v13 =	vmul.f32 v6, v9  }
0x238: {  	v10 =	vld.idx.msk [tilespmem:v10+s12+$0x0], $0xffff;
	v4 =	vmul.f32 v6, v4;
	v5 =	vmul.f32 v5, v9  }
0x239: {  	v15 =	vld.idx.msk [tilespmem:v11+s12+$0x0], $0xffff  }
0x23a: {  	v13 =	vsub.f32 v12, v13;
	v4 =	vadd.f32 v4, v5;
	_ =	sdelay $0x1  }
0x23b: {  	v14 =	vadd.f32 v13, v7;
	v4 =	vadd.f32 v4, v8;
	_ =	sdelay $0x1  }
0x23c: {  	v7 =	vmul.f32 v14, v10;
	v8 =	vmul.f32 v4, v15  }
0x23d: {  	v5 =	vmul.f32 v14, v15;
	v4 =	vmul.f32 v4, v10;
	v15 =	vadd.s32 v58, v3  }
0x23e: {  	v12 =	vadd.s32 v59, v3;
	v7 =	vsub.f32 v7, v8  }
0x23f: {  	v13 =	vadd.s32 v58, v2;
	v4 =	vadd.f32 v4, v5  }
0x240: {  	v14 =	vadd.s32 v59, v2;
	[tilespmem:v56+s19+$0x0] =	vst.idx.msk $0xffff, v7  }
0x241: {  	[tilespmem:v57+s19+$0x0] =	vst.idx.msk $0xffff, v4  }
0x242: {  	v4 =	vld.idx.msk [tilespmem:v15+s14+$0x0], $0xffff  }
0x243: {  	v9 =	vld.idx.msk [tilespmem:v12+s14+$0x0], $0xffff  }
0x244: {  	v5 =	vld.idx.msk [tilespmem:v13+s17+$0x0], $0xffff  }
0x245: {  	v7 =	vld.idx.msk [tilespmem:v14+s17+$0x0], $0xffff  }
0x246: {  	v10 =	vadd.s32 v58, v1  }
0x247: {  	v11 =	vadd.s32 v59, v1;
	_ =	sdelay $0x1  }
0x248: {  	v6 =	vld.idx.msk [tilespmem:v15+s15+$0x0], $0xffff  }
0x249: {  	v8 =	vld.idx.msk [tilespmem:v12+s15+$0x0], $0xffff;
	v12 =	vmul.f32 v5, v4;
	v13 =	vmul.f32 v7, v9  }
0x24a: {  	v10 =	vld.idx.msk [tilespmem:v10+s12+$0x0], $0xffff;
	v4 =	vmul.f32 v7, v4;
	v5 =	vmul.f32 v5, v9  }
0x24b: {  	v15 =	vld.idx.msk [tilespmem:v11+s12+$0x0], $0xffff  }
0x24c: {  	v13 =	vsub.f32 v12, v13;
	v4 =	vadd.f32 v4, v5;
	_ =	sdelay $0x1  }
0x24d: {  	v14 =	vadd.f32 v13, v6;
	v4 =	vadd.f32 v4, v8;
	_ =	sdelay $0x1  }
0x24e: {  	v6 =	vmul.f32 v14, v10;
	v8 =	vmul.f32 v4, v15  }
0x24f: {  	v5 =	vmul.f32 v14, v15;
	v4 =	vmul.f32 v4, v10;
	v15 =	vadd.s32 v60, v3  }
0x250: {  	v12 =	vadd.s32 v61, v3;
	v6 =	vsub.f32 v6, v8  }
0x251: {  	v13 =	vadd.s32 v60, v2;
	v4 =	vadd.f32 v4, v5  }
0x252: {  	v14 =	vadd.s32 v61, v2;
	[tilespmem:v58+s19+$0x0] =	vst.idx.msk $0xffff, v6  }
0x253: {  	[tilespmem:v59+s19+$0x0] =	vst.idx.msk $0xffff, v4  }
0x254: {  	v4 =	vld.idx.msk [tilespmem:v15+s14+$0x0], $0xffff  }
0x255: {  	v9 =	vld.idx.msk [tilespmem:v12+s14+$0x0], $0xffff  }
0x256: {  	v5 =	vld.idx.msk [tilespmem:v13+s17+$0x0], $0xffff  }
0x257: {  	v6 =	vld.idx.msk [tilespmem:v14+s17+$0x0], $0xffff  }
0x258: {  	v10 =	vadd.s32 v60, v1  }
0x259: {  	v11 =	vadd.s32 v61, v1;
	_ =	sdelay $0x1  }
0x25a: {  	v7 =	vld.idx.msk [tilespmem:v15+s15+$0x0], $0xffff  }
0x25b: {  	v8 =	vld.idx.msk [tilespmem:v12+s15+$0x0], $0xffff;
	v12 =	vmul.f32 v5, v4;
	v13 =	vmul.f32 v6, v9  }
0x25c: {  	v10 =	vld.idx.msk [tilespmem:v10+s12+$0x0], $0xffff;
	v4 =	vmul.f32 v6, v4;
	v5 =	vmul.f32 v5, v9  }
0x25d: {  	v15 =	vld.idx.msk [tilespmem:v11+s12+$0x0], $0xffff  }
0x25e: {  	v13 =	vsub.f32 v12, v13;
	v4 =	vadd.f32 v4, v5;
	_ =	sdelay $0x1  }
0x25f: {  	v14 =	vadd.f32 v13, v7;
	v4 =	vadd.f32 v4, v8;
	_ =	sdelay $0x1  }
0x260: {  	v7 =	vmul.f32 v14, v10;
	v8 =	vmul.f32 v4, v15  }
0x261: {  	v5 =	vmul.f32 v14, v15;
	v4 =	vmul.f32 v4, v10;
	v15 =	vadd.s32 v62, v3  }
0x262: {  	v3 =	vadd.s32 v63, v3;
	v7 =	vsub.f32 v7, v8  }
0x263: {  	v11 =	vadd.s32 v62, v2;
	v4 =	vadd.f32 v4, v5  }
0x264: {  	v2 =	vadd.s32 v63, v2;
	[tilespmem:v60+s19+$0x0] =	vst.idx.msk $0xffff, v7  }
0x265: {  	[tilespmem:v61+s19+$0x0] =	vst.idx.msk $0xffff, v4  }
0x266: {  	v4 =	vld.idx.msk [tilespmem:v15+s14+$0x0], $0xffff  }
0x267: {  	v7 =	vld.idx.msk [tilespmem:v3+s14+$0x0], $0xffff  }
0x268: {  	v5 =	vld.idx.msk [tilespmem:v11+s17+$0x0], $0xffff  }
0x269: {  	v2 =	vld.idx.msk [tilespmem:v2+s17+$0x0], $0xffff  }
0x26a: {  	v12 =	vadd.s32 v62, v1  }
0x26b: {  	v1 =	vadd.s32 v63, v1;
	_ =	sdelay $0x1  }
0x26c: {  	v6 =	vld.idx.msk [tilespmem:v15+s15+$0x0], $0xffff  }
0x26d: {  	v3 =	vld.idx.msk [tilespmem:v3+s15+$0x0], $0xffff;
	v13 =	vmul.f32 v5, v4;
	v14 =	vmul.f32 v2, v7  }
0x26e: {  	v8 =	vld.idx.msk [tilespmem:v12+s12+$0x0], $0xffff;
	v2 =	vmul.f32 v2, v4;
	v15 =	vmul.f32 v5, v7  }
0x26f: {  	v1 =	vld.idx.msk [tilespmem:v1+s12+$0x0], $0xffff  }
0x270: {  	v10 =	vsub.f32 v13, v14;
	v2 =	vadd.f32 v2, v15;
	_ =	sdelay $0x1  }
0x271: {  	v11 =	vadd.f32 v10, v6;
	v2 =	vadd.f32 v2, v3;
	_ =	sdelay $0x1  }
0x272: {  	v3 =	vmul.f32 v11, v8;
	v12 =	vmul.f32 v2, v1  }
0x273: {  	v1 =	vmul.f32 v11, v1;
	v2 =	vmul.f32 v2, v8  }
0x274: {  	v3 =	vsub.f32 v3, v12  }
0x275: {  	v1 =	vadd.f32 v2, v1  }
0x276: {  	[tilespmem:v62+s19+$0x0] =	vst.idx.msk $0xffff, v3  }
0x277: {  	[tilespmem:v63+s19+$0x0] =	vst.idx.msk $0xffff, v1  }
0x278: {  	v2 =	vld [tilespmem:$0x190]  }
0x279: {  	v3 =	vld [tilespmem:$0x290];
	_ =	sdelay $0x2  }
0x27a: {  	v4 =	vor.u32 $0x800, v0  }
0x27b: {  	v5 =	vadd.s32 v4, v2  }
0x27c: {  	v6 =	vor.u32 $0x820, v0;
	v13 =	vadd.s32 v4, v3  }
0x27d: {  	v14 =	vadd.s32 v6, v3  }
0x27e: {  	v1 =	vld [tilespmem:$0x90];
	v9 =	vadd.s32 v6, v2;
	_ =	sdelay $0x1  }
0x27f: {  	v10 =	vld.idx.msk [tilespmem:v5+s14+$0x0], $0xffff  }
0x280: {  	v7 =	vld.idx.msk [tilespmem:v13+s17+$0x0], $0xffff  }
0x281: {  	v8 =	vld.idx.msk [tilespmem:v14+s17+$0x0], $0xffff  }
0x282: {  	v11 =	vadd.s32 v4, v1;
	v12 =	vld.idx.msk [tilespmem:v9+s14+$0x0], $0xffff  }
0x283: {  	v13 =	vadd.s32 v6, v1;
	_ =	sdelay $0x1  }
0x284: {  	v5 =	vld.idx.msk [tilespmem:v5+s15+$0x0], $0xffff  }
0x285: {  	v9 =	vld.idx.msk [tilespmem:v9+s15+$0x0], $0xffff;
	v14 =	vmul.f32 v7, v10;
	v10 =	vmul.f32 v8, v10  }
0x286: {  	v11 =	vld.idx.msk [tilespmem:v11+s12+$0x0], $0xffff;
	v8 =	vmul.f32 v8, v12;
	v7 =	vmul.f32 v7, v12  }
0x287: {  	v12 =	vld.idx.msk [tilespmem:v13+s12+$0x0], $0xffff  }
0x288: {  	v8 =	vsub.f32 v14, v8;
	v7 =	vadd.f32 v10, v7;
	_ =	sdelay $0x1  }
0x289: {  	v5 =	vadd.f32 v8, v5;
	v7 =	vadd.f32 v7, v9;
	_ =	sdelay $0x1  }
0x28a: {  	v10 =	vor.u32 $0x801, v0;
	v8 =	vmul.f32 v5, v11;
	v9 =	vmul.f32 v7, v12  }
0x28b: {  	v5 =	vmul.f32 v5, v12;
	v7 =	vmul.f32 v7, v11;
	v11 =	vadd.s32 v10, v2  }
0x28c: {  	v12 =	vadd.s32 v10, v3;
	v8 =	vsub.f32 v8, v9;
	v9 =	vor.u32 $0x821, v0  }
0x28d: {  	v5 =	vadd.f32 v7, v5;
	v15 =	vadd.s32 v9, v3  }
0x28e: {  	[tilespmem:v4+s19+$0x0] =	vst.idx.msk $0xffff, v8;
	v4 =	vadd.s32 v9, v2  }
0x28f: {  	[tilespmem:v6+s19+$0x0] =	vst.idx.msk $0xffff, v5  }
0x290: {  	v5 =	vld.idx.msk [tilespmem:v11+s14+$0x0], $0xffff  }
0x291: {  	v6 =	vld.idx.msk [tilespmem:v12+s17+$0x0], $0xffff  }
0x292: {  	v7 =	vld.idx.msk [tilespmem:v15+s17+$0x0], $0xffff  }
0x293: {  	v8 =	vadd.s32 v10, v1;
	v12 =	vld.idx.msk [tilespmem:v4+s14+$0x0], $0xffff  }
0x294: {  	v13 =	vadd.s32 v9, v1;
	_ =	sdelay $0x1  }
0x295: {  	v11 =	vld.idx.msk [tilespmem:v11+s15+$0x0], $0xffff  }
0x296: {  	v4 =	vld.idx.msk [tilespmem:v4+s15+$0x0], $0xffff;
	v14 =	vmul.f32 v6, v5;
	v5 =	vmul.f32 v7, v5  }
0x297: {  	v8 =	vld.idx.msk [tilespmem:v8+s12+$0x0], $0xffff;
	v7 =	vmul.f32 v7, v12;
	v6 =	vmul.f32 v6, v12  }
0x298: {  	v12 =	vld.idx.msk [tilespmem:v13+s12+$0x0], $0xffff  }
0x299: {  	v7 =	vsub.f32 v14, v7;
	v5 =	vadd.f32 v5, v6;
	_ =	sdelay $0x1  }
0x29a: {  	v13 =	vadd.f32 v7, v11;
	v4 =	vadd.f32 v5, v4;
	_ =	sdelay $0x1  }
0x29b: {  	v11 =	vor.u32 $0x802, v0;
	v14 =	vmul.f32 v13, v8;
	v15 =	vmul.f32 v4, v12  }
0x29c: {  	v6 =	vmul.f32 v13, v12;
	v4 =	vmul.f32 v4, v8;
	v8 =	vadd.s32 v11, v2  }
0x29d: {  	v7 =	vor.u32 $0x822, v0;
	v12 =	vadd.s32 v11, v3;
	v5 =	vsub.f32 v14, v15  }
0x29e: {  	v13 =	vadd.s32 v7, v3;
	v4 =	vadd.f32 v4, v6  }
0x29f: {  	[tilespmem:v10+s19+$0x0] =	vst.idx.msk $0xffff, v5;
	v5 =	vadd.s32 v7, v2  }
0x2a0: {  	[tilespmem:v9+s19+$0x0] =	vst.idx.msk $0xffff, v4  }
0x2a1: {  	v4 =	vld.idx.msk [tilespmem:v8+s14+$0x0], $0xffff  }
0x2a2: {  	v9 =	vld.idx.msk [tilespmem:v12+s17+$0x0], $0xffff  }
0x2a3: {  	v6 =	vld.idx.msk [tilespmem:v13+s17+$0x0], $0xffff  }
0x2a4: {  	v10 =	vadd.s32 v11, v1;
	v12 =	vld.idx.msk [tilespmem:v5+s14+$0x0], $0xffff  }
0x2a5: {  	v13 =	vadd.s32 v7, v1;
	_ =	sdelay $0x1  }
0x2a6: {  	v8 =	vld.idx.msk [tilespmem:v8+s15+$0x0], $0xffff  }
0x2a7: {  	v5 =	vld.idx.msk [tilespmem:v5+s15+$0x0], $0xffff;
	v14 =	vmul.f32 v9, v4;
	v4 =	vmul.f32 v6, v4  }
0x2a8: {  	v10 =	vld.idx.msk [tilespmem:v10+s12+$0x0], $0xffff;
	v6 =	vmul.f32 v6, v12;
	v9 =	vmul.f32 v9, v12  }
0x2a9: {  	v12 =	vld.idx.msk [tilespmem:v13+s12+$0x0], $0xffff  }
0x2aa: {  	v6 =	vsub.f32 v14, v6;
	v4 =	vadd.f32 v4, v9;
	_ =	sdelay $0x1  }
0x2ab: {  	v6 =	vadd.f32 v6, v8;
	v4 =	vadd.f32 v4, v5;
	_ =	sdelay $0x1  }
0x2ac: {  	v9 =	vor.u32 $0x803, v0;
	v14 =	vmul.f32 v6, v10;
	v15 =	vmul.f32 v4, v12  }
0x2ad: {  	v6 =	vmul.f32 v6, v12;
	v4 =	vmul.f32 v4, v10;
	v10 =	vadd.s32 v9, v2  }
0x2ae: {  	v8 =	vor.u32 $0x823, v0;
	v12 =	vadd.s32 v9, v3;
	v5 =	vsub.f32 v14, v15  }
0x2af: {  	v13 =	vadd.s32 v8, v3;
	v4 =	vadd.f32 v4, v6  }
0x2b0: {  	[tilespmem:v11+s19+$0x0] =	vst.idx.msk $0xffff, v5;
	v5 =	vadd.s32 v8, v2  }
0x2b1: {  	[tilespmem:v7+s19+$0x0] =	vst.idx.msk $0xffff, v4  }
0x2b2: {  	v4 =	vld.idx.msk [tilespmem:v10+s14+$0x0], $0xffff  }
0x2b3: {  	v7 =	vld.idx.msk [tilespmem:v12+s17+$0x0], $0xffff  }
0x2b4: {  	v6 =	vld.idx.msk [tilespmem:v13+s17+$0x0], $0xffff  }
0x2b5: {  	v11 =	vadd.s32 v9, v1;
	v12 =	vld.idx.msk [tilespmem:v5+s14+$0x0], $0xffff  }
0x2b6: {  	v13 =	vadd.s32 v8, v1;
	_ =	sdelay $0x1  }
0x2b7: {  	v10 =	vld.idx.msk [tilespmem:v10+s15+$0x0], $0xffff  }
0x2b8: {  	v5 =	vld.idx.msk [tilespmem:v5+s15+$0x0], $0xffff;
	v14 =	vmul.f32 v7, v4;
	v4 =	vmul.f32 v6, v4  }
0x2b9: {  	v11 =	vld.idx.msk [tilespmem:v11+s12+$0x0], $0xffff;
	v6 =	vmul.f32 v6, v12;
	v7 =	vmul.f32 v7, v12  }
0x2ba: {  	v12 =	vld.idx.msk [tilespmem:v13+s12+$0x0], $0xffff  }
0x2bb: {  	v6 =	vsub.f32 v14, v6;
	v4 =	vadd.f32 v4, v7;
	_ =	sdelay $0x1  }
0x2bc: {  	v6 =	vadd.f32 v6, v10;
	v4 =	vadd.f32 v4, v5;
	_ =	sdelay $0x1  }
0x2bd: {  	v10 =	vor.u32 $0x804, v0;
	v14 =	vmul.f32 v6, v11;
	v15 =	vmul.f32 v4, v12  }
0x2be: {  	v6 =	vmul.f32 v6, v12;
	v4 =	vmul.f32 v4, v11;
	v11 =	vadd.s32 v10, v2  }
0x2bf: {  	v7 =	vor.u32 $0x824, v0;
	v12 =	vadd.s32 v10, v3;
	v5 =	vsub.f32 v14, v15  }
0x2c0: {  	v13 =	vadd.s32 v7, v3;
	v4 =	vadd.f32 v4, v6  }
0x2c1: {  	[tilespmem:v9+s19+$0x0] =	vst.idx.msk $0xffff, v5;
	v5 =	vadd.s32 v7, v2  }
0x2c2: {  	[tilespmem:v8+s19+$0x0] =	vst.idx.msk $0xffff, v4  }
0x2c3: {  	v4 =	vld.idx.msk [tilespmem:v11+s14+$0x0], $0xffff  }
0x2c4: {  	v8 =	vld.idx.msk [tilespmem:v12+s17+$0x0], $0xffff  }
0x2c5: {  	v6 =	vld.idx.msk [tilespmem:v13+s17+$0x0], $0xffff  }
0x2c6: {  	v9 =	vadd.s32 v10, v1;
	v12 =	vld.idx.msk [tilespmem:v5+s14+$0x0], $0xffff  }
0x2c7: {  	v13 =	vadd.s32 v7, v1;
	_ =	sdelay $0x1  }
0x2c8: {  	v11 =	vld.idx.msk [tilespmem:v11+s15+$0x0], $0xffff  }
0x2c9: {  	v5 =	vld.idx.msk [tilespmem:v5+s15+$0x0], $0xffff;
	v14 =	vmul.f32 v8, v4;
	v4 =	vmul.f32 v6, v4  }
0x2ca: {  	v9 =	vld.idx.msk [tilespmem:v9+s12+$0x0], $0xffff;
	v6 =	vmul.f32 v6, v12;
	v8 =	vmul.f32 v8, v12  }
0x2cb: {  	v12 =	vld.idx.msk [tilespmem:v13+s12+$0x0], $0xffff  }
0x2cc: {  	v6 =	vsub.f32 v14, v6;
	v4 =	vadd.f32 v4, v8;
	_ =	sdelay $0x1  }
0x2cd: {  	v6 =	vadd.f32 v6, v11;
	v4 =	vadd.f32 v4, v5;
	_ =	sdelay $0x1  }
0x2ce: {  	v11 =	vor.u32 $0x805, v0;
	v14 =	vmul.f32 v6, v9;
	v15 =	vmul.f32 v4, v12  }
0x2cf: {  	v6 =	vmul.f32 v6, v12;
	v4 =	vmul.f32 v4, v9;
	v9 =	vadd.s32 v11, v2  }
0x2d0: {  	v8 =	vor.u32 $0x825, v0;
	v12 =	vadd.s32 v11, v3;
	v5 =	vsub.f32 v14, v15  }
0x2d1: {  	v13 =	vadd.s32 v8, v3;
	v4 =	vadd.f32 v4, v6  }
0x2d2: {  	[tilespmem:v10+s19+$0x0] =	vst.idx.msk $0xffff, v5;
	v5 =	vadd.s32 v8, v2  }
0x2d3: {  	[tilespmem:v7+s19+$0x0] =	vst.idx.msk $0xffff, v4  }
0x2d4: {  	v4 =	vld.idx.msk [tilespmem:v9+s14+$0x0], $0xffff  }
0x2d5: {  	v7 =	vld.idx.msk [tilespmem:v12+s17+$0x0], $0xffff  }
0x2d6: {  	v6 =	vld.idx.msk [tilespmem:v13+s17+$0x0], $0xffff  }
0x2d7: {  	v10 =	vadd.s32 v11, v1;
	v12 =	vld.idx.msk [tilespmem:v5+s14+$0x0], $0xffff  }
0x2d8: {  	v13 =	vadd.s32 v8, v1;
	_ =	sdelay $0x1  }
0x2d9: {  	v9 =	vld.idx.msk [tilespmem:v9+s15+$0x0], $0xffff  }
0x2da: {  	v5 =	vld.idx.msk [tilespmem:v5+s15+$0x0], $0xffff;
	v14 =	vmul.f32 v7, v4;
	v4 =	vmul.f32 v6, v4  }
0x2db: {  	v10 =	vld.idx.msk [tilespmem:v10+s12+$0x0], $0xffff;
	v6 =	vmul.f32 v6, v12;
	v7 =	vmul.f32 v7, v12  }
0x2dc: {  	v12 =	vld.idx.msk [tilespmem:v13+s12+$0x0], $0xffff  }
0x2dd: {  	v6 =	vsub.f32 v14, v6;
	v4 =	vadd.f32 v4, v7;
	_ =	sdelay $0x1  }
0x2de: {  	v6 =	vadd.f32 v6, v9;
	v4 =	vadd.f32 v4, v5;
	_ =	sdelay $0x1  }
0x2df: {  	v9 =	vor.u32 $0x806, v0;
	v14 =	vmul.f32 v6, v10;
	v15 =	vmul.f32 v4, v12  }
0x2e0: {  	v6 =	vmul.f32 v6, v12;
	v4 =	vmul.f32 v4, v10;
	v10 =	vadd.s32 v9, v2  }
0x2e1: {  	v7 =	vor.u32 $0x826, v0;
	v12 =	vadd.s32 v9, v3;
	v5 =	vsub.f32 v14, v15  }
0x2e2: {  	v13 =	vadd.s32 v7, v3;
	v4 =	vadd.f32 v4, v6  }
0x2e3: {  	[tilespmem:v11+s19+$0x0] =	vst.idx.msk $0xffff, v5;
	v5 =	vadd.s32 v7, v2  }
0x2e4: {  	[tilespmem:v8+s19+$0x0] =	vst.idx.msk $0xffff, v4  }
0x2e5: {  	v4 =	vld.idx.msk [tilespmem:v10+s14+$0x0], $0xffff  }
0x2e6: {  	v8 =	vld.idx.msk [tilespmem:v12+s17+$0x0], $0xffff  }
0x2e7: {  	v6 =	vld.idx.msk [tilespmem:v13+s17+$0x0], $0xffff  }
0x2e8: {  	v11 =	vadd.s32 v9, v1;
	v12 =	vld.idx.msk [tilespmem:v5+s14+$0x0], $0xffff  }
0x2e9: {  	v13 =	vadd.s32 v7, v1;
	_ =	sdelay $0x1  }
0x2ea: {  	v10 =	vld.idx.msk [tilespmem:v10+s15+$0x0], $0xffff  }
0x2eb: {  	v5 =	vld.idx.msk [tilespmem:v5+s15+$0x0], $0xffff;
	v14 =	vmul.f32 v8, v4;
	v4 =	vmul.f32 v6, v4  }
0x2ec: {  	v11 =	vld.idx.msk [tilespmem:v11+s12+$0x0], $0xffff;
	v6 =	vmul.f32 v6, v12;
	v8 =	vmul.f32 v8, v12  }
0x2ed: {  	v12 =	vld.idx.msk [tilespmem:v13+s12+$0x0], $0xffff  }
0x2ee: {  	v6 =	vsub.f32 v14, v6;
	v4 =	vadd.f32 v4, v8;
	_ =	sdelay $0x1  }
0x2ef: {  	v6 =	vadd.f32 v6, v10;
	v4 =	vadd.f32 v4, v5;
	_ =	sdelay $0x1  }
0x2f0: {  	v10 =	vor.u32 $0x807, v0;
	v14 =	vmul.f32 v6, v11;
	v15 =	vmul.f32 v4, v12  }
0x2f1: {  	v6 =	vmul.f32 v6, v12;
	v4 =	vmul.f32 v4, v11;
	v11 =	vadd.s32 v10, v2  }
0x2f2: {  	v8 =	vor.u32 $0x827, v0;
	v12 =	vadd.s32 v10, v3;
	v5 =	vsub.f32 v14, v15  }
0x2f3: {  	v13 =	vadd.s32 v8, v3;
	v4 =	vadd.f32 v4, v6  }
0x2f4: {  	[tilespmem:v9+s19+$0x0] =	vst.idx.msk $0xffff, v5;
	v5 =	vadd.s32 v8, v2  }
0x2f5: {  	[tilespmem:v7+s19+$0x0] =	vst.idx.msk $0xffff, v4  }
0x2f6: {  	v4 =	vld.idx.msk [tilespmem:v11+s14+$0x0], $0xffff  }
0x2f7: {  	v7 =	vld.idx.msk [tilespmem:v12+s17+$0x0], $0xffff  }
0x2f8: {  	v6 =	vld.idx.msk [tilespmem:v13+s17+$0x0], $0xffff  }
0x2f9: {  	v9 =	vadd.s32 v10, v1;
	v12 =	vld.idx.msk [tilespmem:v5+s14+$0x0], $0xffff  }
0x2fa: {  	v13 =	vadd.s32 v8, v1;
	_ =	sdelay $0x1  }
0x2fb: {  	v11 =	vld.idx.msk [tilespmem:v11+s15+$0x0], $0xffff  }
0x2fc: {  	v5 =	vld.idx.msk [tilespmem:v5+s15+$0x0], $0xffff;
	v14 =	vmul.f32 v7, v4;
	v4 =	vmul.f32 v6, v4  }
0x2fd: {  	v9 =	vld.idx.msk [tilespmem:v9+s12+$0x0], $0xffff;
	v6 =	vmul.f32 v6, v12;
	v7 =	vmul.f32 v7, v12  }
0x2fe: {  	v12 =	vld.idx.msk [tilespmem:v13+s12+$0x0], $0xffff  }
0x2ff: {  	v6 =	vsub.f32 v14, v6;
	v4 =	vadd.f32 v4, v7;
	_ =	sdelay $0x1  }
0x300: {  	v6 =	vadd.f32 v6, v11;
	v4 =	vadd.f32 v4, v5;
	_ =	sdelay $0x1  }
0x301: {  	v11 =	vor.u32 $0x808, v0;
	v14 =	vmul.f32 v6, v9;
	v15 =	vmul.f32 v4, v12  }
0x302: {  	v6 =	vmul.f32 v6, v12;
	v4 =	vmul.f32 v4, v9;
	v9 =	vadd.s32 v11, v2  }
0x303: {  	v7 =	vor.u32 $0x828, v0;
	v12 =	vadd.s32 v11, v3;
	v5 =	vsub.f32 v14, v15  }
0x304: {  	v13 =	vadd.s32 v7, v3;
	v4 =	vadd.f32 v4, v6  }
0x305: {  	[tilespmem:v10+s19+$0x0] =	vst.idx.msk $0xffff, v5;
	v5 =	vadd.s32 v7, v2  }
0x306: {  	[tilespmem:v8+s19+$0x0] =	vst.idx.msk $0xffff, v4  }
0x307: {  	v4 =	vld.idx.msk [tilespmem:v9+s14+$0x0], $0xffff  }
0x308: {  	v8 =	vld.idx.msk [tilespmem:v12+s17+$0x0], $0xffff  }
0x309: {  	v6 =	vld.idx.msk [tilespmem:v13+s17+$0x0], $0xffff  }
0x30a: {  	v10 =	vadd.s32 v11, v1;
	v12 =	vld.idx.msk [tilespmem:v5+s14+$0x0], $0xffff  }
0x30b: {  	v13 =	vadd.s32 v7, v1;
	_ =	sdelay $0x1  }
0x30c: {  	v9 =	vld.idx.msk [tilespmem:v9+s15+$0x0], $0xffff  }
0x30d: {  	v5 =	vld.idx.msk [tilespmem:v5+s15+$0x0], $0xffff;
	v14 =	vmul.f32 v8, v4;
	v4 =	vmul.f32 v6, v4  }
0x30e: {  	v10 =	vld.idx.msk [tilespmem:v10+s12+$0x0], $0xffff;
	v6 =	vmul.f32 v6, v12;
	v8 =	vmul.f32 v8, v12  }
0x30f: {  	v12 =	vld.idx.msk [tilespmem:v13+s12+$0x0], $0xffff  }
0x310: {  	v6 =	vsub.f32 v14, v6;
	v4 =	vadd.f32 v4, v8;
	_ =	sdelay $0x1  }
0x311: {  	v6 =	vadd.f32 v6, v9;
	v4 =	vadd.f32 v4, v5;
	_ =	sdelay $0x1  }
0x312: {  	v9 =	vor.u32 $0x809, v0;
	v14 =	vmul.f32 v6, v10;
	v15 =	vmul.f32 v4, v12  }
0x313: {  	v6 =	vmul.f32 v6, v12;
	v4 =	vmul.f32 v4, v10;
	v10 =	vadd.s32 v9, v2  }
0x314: {  	v8 =	vor.u32 $0x829, v0;
	v12 =	vadd.s32 v9, v3;
	v5 =	vsub.f32 v14, v15  }
0x315: {  	v13 =	vadd.s32 v8, v3;
	v4 =	vadd.f32 v4, v6  }
0x316: {  	[tilespmem:v11+s19+$0x0] =	vst.idx.msk $0xffff, v5;
	v5 =	vadd.s32 v8, v2  }
0x317: {  	[tilespmem:v7+s19+$0x0] =	vst.idx.msk $0xffff, v4  }
0x318: {  	v4 =	vld.idx.msk [tilespmem:v10+s14+$0x0], $0xffff  }
0x319: {  	v7 =	vld.idx.msk [tilespmem:v12+s17+$0x0], $0xffff  }
0x31a: {  	v6 =	vld.idx.msk [tilespmem:v13+s17+$0x0], $0xffff  }
0x31b: {  	v11 =	vadd.s32 v9, v1;
	v12 =	vld.idx.msk [tilespmem:v5+s14+$0x0], $0xffff  }
0x31c: {  	v13 =	vadd.s32 v8, v1;
	_ =	sdelay $0x1  }
0x31d: {  	v10 =	vld.idx.msk [tilespmem:v10+s15+$0x0], $0xffff  }
0x31e: {  	v5 =	vld.idx.msk [tilespmem:v5+s15+$0x0], $0xffff;
	v14 =	vmul.f32 v7, v4;
	v4 =	vmul.f32 v6, v4  }
0x31f: {  	v11 =	vld.idx.msk [tilespmem:v11+s12+$0x0], $0xffff;
	v6 =	vmul.f32 v6, v12;
	v7 =	vmul.f32 v7, v12  }
0x320: {  	v12 =	vld.idx.msk [tilespmem:v13+s12+$0x0], $0xffff  }
0x321: {  	v6 =	vsub.f32 v14, v6;
	v4 =	vadd.f32 v4, v7;
	_ =	sdelay $0x1  }
0x322: {  	v6 =	vadd.f32 v6, v10;
	v4 =	vadd.f32 v4, v5;
	_ =	sdelay $0x1  }
0x323: {  	v10 =	vor.u32 $0x80A, v0;
	v14 =	vmul.f32 v6, v11;
	v15 =	vmul.f32 v4, v12  }
0x324: {  	v6 =	vmul.f32 v6, v12;
	v4 =	vmul.f32 v4, v11;
	v11 =	vadd.s32 v10, v2  }
0x325: {  	v7 =	vor.u32 $0x82A, v0;
	v12 =	vadd.s32 v10, v3;
	v5 =	vsub.f32 v14, v15  }
0x326: {  	v13 =	vadd.s32 v7, v3;
	v4 =	vadd.f32 v4, v6  }
0x327: {  	[tilespmem:v9+s19+$0x0] =	vst.idx.msk $0xffff, v5;
	v5 =	vadd.s32 v7, v2  }
0x328: {  	[tilespmem:v8+s19+$0x0] =	vst.idx.msk $0xffff, v4  }
0x329: {  	v4 =	vld.idx.msk [tilespmem:v11+s14+$0x0], $0xffff  }
0x32a: {  	v8 =	vld.idx.msk [tilespmem:v12+s17+$0x0], $0xffff  }
0x32b: {  	v6 =	vld.idx.msk [tilespmem:v13+s17+$0x0], $0xffff  }
0x32c: {  	v9 =	vadd.s32 v10, v1;
	v12 =	vld.idx.msk [tilespmem:v5+s14+$0x0], $0xffff  }
0x32d: {  	v13 =	vadd.s32 v7, v1;
	_ =	sdelay $0x1  }
0x32e: {  	v11 =	vld.idx.msk [tilespmem:v11+s15+$0x0], $0xffff  }
0x32f: {  	v5 =	vld.idx.msk [tilespmem:v5+s15+$0x0], $0xffff;
	v14 =	vmul.f32 v8, v4;
	v4 =	vmul.f32 v6, v4  }
0x330: {  	v9 =	vld.idx.msk [tilespmem:v9+s12+$0x0], $0xffff;
	v6 =	vmul.f32 v6, v12;
	v8 =	vmul.f32 v8, v12  }
0x331: {  	v12 =	vld.idx.msk [tilespmem:v13+s12+$0x0], $0xffff  }
0x332: {  	v6 =	vsub.f32 v14, v6;
	v4 =	vadd.f32 v4, v8;
	_ =	sdelay $0x1  }
0x333: {  	v6 =	vadd.f32 v6, v11;
	v4 =	vadd.f32 v4, v5;
	_ =	sdelay $0x1  }
0x334: {  	v11 =	vor.u32 $0x80B, v0;
	v14 =	vmul.f32 v6, v9;
	v15 =	vmul.f32 v4, v12  }
0x335: {  	v6 =	vmul.f32 v6, v12;
	v4 =	vmul.f32 v4, v9;
	v9 =	vadd.s32 v11, v2  }
0x336: {  	v8 =	vor.u32 $0x82B, v0;
	v12 =	vadd.s32 v11, v3;
	v5 =	vsub.f32 v14, v15  }
0x337: {  	v13 =	vadd.s32 v8, v3;
	v4 =	vadd.f32 v4, v6  }
0x338: {  	[tilespmem:v10+s19+$0x0] =	vst.idx.msk $0xffff, v5;
	v5 =	vadd.s32 v8, v2  }
0x339: {  	[tilespmem:v7+s19+$0x0] =	vst.idx.msk $0xffff, v4  }
0x33a: {  	v4 =	vld.idx.msk [tilespmem:v9+s14+$0x0], $0xffff  }
0x33b: {  	v7 =	vld.idx.msk [tilespmem:v12+s17+$0x0], $0xffff  }
0x33c: {  	v6 =	vld.idx.msk [tilespmem:v13+s17+$0x0], $0xffff  }
0x33d: {  	v10 =	vadd.s32 v11, v1;
	v12 =	vld.idx.msk [tilespmem:v5+s14+$0x0], $0xffff  }
0x33e: {  	v13 =	vadd.s32 v8, v1;
	_ =	sdelay $0x1  }
0x33f: {  	v9 =	vld.idx.msk [tilespmem:v9+s15+$0x0], $0xffff  }
0x340: {  	v5 =	vld.idx.msk [tilespmem:v5+s15+$0x0], $0xffff;
	v14 =	vmul.f32 v7, v4;
	v4 =	vmul.f32 v6, v4  }
0x341: {  	v10 =	vld.idx.msk [tilespmem:v10+s12+$0x0], $0xffff;
	v6 =	vmul.f32 v6, v12;
	v7 =	vmul.f32 v7, v12  }
0x342: {  	v12 =	vld.idx.msk [tilespmem:v13+s12+$0x0], $0xffff  }
0x343: {  	v6 =	vsub.f32 v14, v6;
	v4 =	vadd.f32 v4, v7;
	_ =	sdelay $0x1  }
0x344: {  	v6 =	vadd.f32 v6, v9;
	v4 =	vadd.f32 v4, v5;
	_ =	sdelay $0x1  }
0x345: {  	v9 =	vor.u32 $0x80C, v0;
	v14 =	vmul.f32 v6, v10;
	v15 =	vmul.f32 v4, v12  }
0x346: {  	v6 =	vmul.f32 v6, v12;
	v4 =	vmul.f32 v4, v10;
	v10 =	vadd.s32 v9, v2  }
0x347: {  	v7 =	vor.u32 $0x82C, v0;
	v12 =	vadd.s32 v9, v3;
	v5 =	vsub.f32 v14, v15  }
0x348: {  	v13 =	vadd.s32 v7, v3;
	v4 =	vadd.f32 v4, v6  }
0x349: {  	[tilespmem:v11+s19+$0x0] =	vst.idx.msk $0xffff, v5;
	v5 =	vadd.s32 v7, v2  }
0x34a: {  	[tilespmem:v8+s19+$0x0] =	vst.idx.msk $0xffff, v4  }
0x34b: {  	v4 =	vld.idx.msk [tilespmem:v10+s14+$0x0], $0xffff  }
0x34c: {  	v8 =	vld.idx.msk [tilespmem:v12+s17+$0x0], $0xffff  }
0x34d: {  	v6 =	vld.idx.msk [tilespmem:v13+s17+$0x0], $0xffff  }
0x34e: {  	v11 =	vadd.s32 v9, v1;
	v12 =	vld.idx.msk [tilespmem:v5+s14+$0x0], $0xffff  }
0x34f: {  	v13 =	vadd.s32 v7, v1;
	_ =	sdelay $0x1  }
0x350: {  	v10 =	vld.idx.msk [tilespmem:v10+s15+$0x0], $0xffff  }
0x351: {  	v5 =	vld.idx.msk [tilespmem:v5+s15+$0x0], $0xffff;
	v14 =	vmul.f32 v8, v4;
	v4 =	vmul.f32 v6, v4  }
0x352: {  	v11 =	vld.idx.msk [tilespmem:v11+s12+$0x0], $0xffff;
	v6 =	vmul.f32 v6, v12;
	v8 =	vmul.f32 v8, v12  }
0x353: {  	v12 =	vld.idx.msk [tilespmem:v13+s12+$0x0], $0xffff  }
0x354: {  	v6 =	vsub.f32 v14, v6;
	v4 =	vadd.f32 v4, v8;
	_ =	sdelay $0x1  }
0x355: {  	v6 =	vadd.f32 v6, v10;
	v4 =	vadd.f32 v4, v5;
	_ =	sdelay $0x1  }
0x356: {  	v10 =	vor.u32 $0x80D, v0;
	v14 =	vmul.f32 v6, v11;
	v15 =	vmul.f32 v4, v12  }
0x357: {  	v6 =	vmul.f32 v6, v12;
	v4 =	vmul.f32 v4, v11;
	v11 =	vadd.s32 v10, v2  }
0x358: {  	v8 =	vor.u32 $0x82D, v0;
	v12 =	vadd.s32 v10, v3;
	v5 =	vsub.f32 v14, v15  }
0x359: {  	v13 =	vadd.s32 v8, v3;
	v4 =	vadd.f32 v4, v6  }
0x35a: {  	[tilespmem:v9+s19+$0x0] =	vst.idx.msk $0xffff, v5;
	v5 =	vadd.s32 v8, v2  }
0x35b: {  	[tilespmem:v7+s19+$0x0] =	vst.idx.msk $0xffff, v4  }
0x35c: {  	v4 =	vld.idx.msk [tilespmem:v11+s14+$0x0], $0xffff  }
0x35d: {  	v7 =	vld.idx.msk [tilespmem:v12+s17+$0x0], $0xffff  }
0x35e: {  	v6 =	vld.idx.msk [tilespmem:v13+s17+$0x0], $0xffff  }
0x35f: {  	v9 =	vadd.s32 v10, v1;
	v12 =	vld.idx.msk [tilespmem:v5+s14+$0x0], $0xffff  }
0x360: {  	v13 =	vadd.s32 v8, v1;
	_ =	sdelay $0x1  }
0x361: {  	v11 =	vld.idx.msk [tilespmem:v11+s15+$0x0], $0xffff  }
0x362: {  	v5 =	vld.idx.msk [tilespmem:v5+s15+$0x0], $0xffff;
	v14 =	vmul.f32 v7, v4;
	v4 =	vmul.f32 v6, v4  }
0x363: {  	v9 =	vld.idx.msk [tilespmem:v9+s12+$0x0], $0xffff;
	v6 =	vmul.f32 v6, v12;
	v7 =	vmul.f32 v7, v12  }
0x364: {  	v12 =	vld.idx.msk [tilespmem:v13+s12+$0x0], $0xffff  }
0x365: {  	v6 =	vsub.f32 v14, v6;
	v4 =	vadd.f32 v4, v7;
	_ =	sdelay $0x1  }
0x366: {  	v6 =	vadd.f32 v6, v11;
	v4 =	vadd.f32 v4, v5;
	_ =	sdelay $0x1  }
0x367: {  	v11 =	vor.u32 $0x80E, v0;
	v14 =	vmul.f32 v6, v9;
	v15 =	vmul.f32 v4, v12  }
0x368: {  	v6 =	vmul.f32 v6, v12;
	v4 =	vmul.f32 v4, v9;
	v9 =	vadd.s32 v11, v2  }
0x369: {  	v7 =	vor.u32 $0x82E, v0;
	v12 =	vadd.s32 v11, v3;
	v5 =	vsub.f32 v14, v15  }
0x36a: {  	v13 =	vadd.s32 v7, v3;
	v4 =	vadd.f32 v4, v6  }
0x36b: {  	[tilespmem:v10+s19+$0x0] =	vst.idx.msk $0xffff, v5;
	v5 =	vadd.s32 v7, v2  }
0x36c: {  	[tilespmem:v8+s19+$0x0] =	vst.idx.msk $0xffff, v4  }
0x36d: {  	v4 =	vld.idx.msk [tilespmem:v9+s14+$0x0], $0xffff  }
0x36e: {  	v8 =	vld.idx.msk [tilespmem:v12+s17+$0x0], $0xffff  }
0x36f: {  	v6 =	vld.idx.msk [tilespmem:v13+s17+$0x0], $0xffff  }
0x370: {  	v10 =	vadd.s32 v11, v1;
	v12 =	vld.idx.msk [tilespmem:v5+s14+$0x0], $0xffff  }
0x371: {  	v13 =	vadd.s32 v7, v1;
	_ =	sdelay $0x1  }
0x372: {  	v9 =	vld.idx.msk [tilespmem:v9+s15+$0x0], $0xffff  }
0x373: {  	v5 =	vld.idx.msk [tilespmem:v5+s15+$0x0], $0xffff;
	v14 =	vmul.f32 v8, v4;
	v4 =	vmul.f32 v6, v4  }
0x374: {  	v10 =	vld.idx.msk [tilespmem:v10+s12+$0x0], $0xffff;
	v6 =	vmul.f32 v6, v12;
	v8 =	vmul.f32 v8, v12  }
0x375: {  	v12 =	vld.idx.msk [tilespmem:v13+s12+$0x0], $0xffff  }
0x376: {  	v6 =	vsub.f32 v14, v6;
	v4 =	vadd.f32 v4, v8;
	_ =	sdelay $0x1  }
0x377: {  	v6 =	vadd.f32 v6, v9;
	v4 =	vadd.f32 v4, v5;
	_ =	sdelay $0x1  }
0x378: {  	v9 =	vor.u32 $0x80F, v0;
	v14 =	vmul.f32 v6, v10;
	v15 =	vmul.f32 v4, v12  }
0x379: {  	v6 =	vmul.f32 v6, v12;
	v4 =	vmul.f32 v4, v10;
	v10 =	vadd.s32 v9, v2  }
0x37a: {  	v8 =	vor.u32 $0x82F, v0;
	v12 =	vadd.s32 v9, v3;
	v5 =	vsub.f32 v14, v15  }
0x37b: {  	v13 =	vadd.s32 v8, v3;
	v4 =	vadd.f32 v4, v6  }
0x37c: {  	[tilespmem:v11+s19+$0x0] =	vst.idx.msk $0xffff, v5;
	v5 =	vadd.s32 v8, v2  }
0x37d: {  	[tilespmem:v7+s19+$0x0] =	vst.idx.msk $0xffff, v4  }
0x37e: {  	v4 =	vld.idx.msk [tilespmem:v10+s14+$0x0], $0xffff  }
0x37f: {  	v7 =	vld.idx.msk [tilespmem:v12+s17+$0x0], $0xffff  }
0x380: {  	v6 =	vld.idx.msk [tilespmem:v13+s17+$0x0], $0xffff  }
0x381: {  	v11 =	vadd.s32 v9, v1;
	v12 =	vld.idx.msk [tilespmem:v5+s14+$0x0], $0xffff  }
0x382: {  	v13 =	vadd.s32 v8, v1;
	_ =	sdelay $0x1  }
0x383: {  	v10 =	vld.idx.msk [tilespmem:v10+s15+$0x0], $0xffff  }
0x384: {  	v5 =	vld.idx.msk [tilespmem:v5+s15+$0x0], $0xffff;
	v14 =	vmul.f32 v7, v4;
	v4 =	vmul.f32 v6, v4  }
0x385: {  	v11 =	vld.idx.msk [tilespmem:v11+s12+$0x0], $0xffff;
	v6 =	vmul.f32 v6, v12;
	v7 =	vmul.f32 v7, v12  }
0x386: {  	v12 =	vld.idx.msk [tilespmem:v13+s12+$0x0], $0xffff  }
0x387: {  	v6 =	vsub.f32 v14, v6;
	v4 =	vadd.f32 v4, v7;
	_ =	sdelay $0x1  }
0x388: {  	v6 =	vadd.f32 v6, v10;
	v4 =	vadd.f32 v4, v5;
	_ =	sdelay $0x1  }
0x389: {  	v10 =	vor.u32 $0x810, v0;
	v14 =	vmul.f32 v6, v11;
	v15 =	vmul.f32 v4, v12  }
0x38a: {  	v6 =	vmul.f32 v6, v12;
	v4 =	vmul.f32 v4, v11;
	v11 =	vadd.s32 v10, v2  }
0x38b: {  	v7 =	vor.u32 $0x830, v0;
	v12 =	vadd.s32 v10, v3;
	v5 =	vsub.f32 v14, v15  }
0x38c: {  	v13 =	vadd.s32 v7, v3;
	v4 =	vadd.f32 v4, v6  }
0x38d: {  	[tilespmem:v9+s19+$0x0] =	vst.idx.msk $0xffff, v5;
	v5 =	vadd.s32 v7, v2  }
0x38e: {  	[tilespmem:v8+s19+$0x0] =	vst.idx.msk $0xffff, v4  }
0x38f: {  	v4 =	vld.idx.msk [tilespmem:v11+s14+$0x0], $0xffff  }
0x390: {  	v8 =	vld.idx.msk [tilespmem:v12+s17+$0x0], $0xffff  }
0x391: {  	v6 =	vld.idx.msk [tilespmem:v13+s17+$0x0], $0xffff  }
0x392: {  	v9 =	vadd.s32 v10, v1;
	v12 =	vld.idx.msk [tilespmem:v5+s14+$0x0], $0xffff  }
0x393: {  	v13 =	vadd.s32 v7, v1;
	_ =	sdelay $0x1  }
0x394: {  	v11 =	vld.idx.msk [tilespmem:v11+s15+$0x0], $0xffff  }
0x395: {  	v5 =	vld.idx.msk [tilespmem:v5+s15+$0x0], $0xffff;
	v14 =	vmul.f32 v8, v4;
	v4 =	vmul.f32 v6, v4  }
0x396: {  	v9 =	vld.idx.msk [tilespmem:v9+s12+$0x0], $0xffff;
	v6 =	vmul.f32 v6, v12;
	v8 =	vmul.f32 v8, v12  }
0x397: {  	v12 =	vld.idx.msk [tilespmem:v13+s12+$0x0], $0xffff  }
0x398: {  	v6 =	vsub.f32 v14, v6;
	v4 =	vadd.f32 v4, v8;
	_ =	sdelay $0x1  }
0x399: {  	v6 =	vadd.f32 v6, v11;
	v4 =	vadd.f32 v4, v5;
	_ =	sdelay $0x1  }
0x39a: {  	v11 =	vor.u32 $0x811, v0;
	v14 =	vmul.f32 v6, v9;
	v15 =	vmul.f32 v4, v12  }
0x39b: {  	v6 =	vmul.f32 v6, v12;
	v4 =	vmul.f32 v4, v9;
	v9 =	vadd.s32 v11, v2  }
0x39c: {  	v8 =	vor.u32 $0x831, v0;
	v12 =	vadd.s32 v11, v3;
	v5 =	vsub.f32 v14, v15  }
0x39d: {  	v13 =	vadd.s32 v8, v3;
	v4 =	vadd.f32 v4, v6  }
0x39e: {  	[tilespmem:v10+s19+$0x0] =	vst.idx.msk $0xffff, v5;
	v5 =	vadd.s32 v8, v2  }
0x39f: {  	[tilespmem:v7+s19+$0x0] =	vst.idx.msk $0xffff, v4  }
0x3a0: {  	v4 =	vld.idx.msk [tilespmem:v9+s14+$0x0], $0xffff  }
0x3a1: {  	v7 =	vld.idx.msk [tilespmem:v12+s17+$0x0], $0xffff  }
0x3a2: {  	v6 =	vld.idx.msk [tilespmem:v13+s17+$0x0], $0xffff  }
0x3a3: {  	v10 =	vadd.s32 v11, v1;
	v12 =	vld.idx.msk [tilespmem:v5+s14+$0x0], $0xffff  }
0x3a4: {  	v13 =	vadd.s32 v8, v1;
	_ =	sdelay $0x1  }
0x3a5: {  	v9 =	vld.idx.msk [tilespmem:v9+s15+$0x0], $0xffff  }
0x3a6: {  	v5 =	vld.idx.msk [tilespmem:v5+s15+$0x0], $0xffff;
	v14 =	vmul.f32 v7, v4;
	v4 =	vmul.f32 v6, v4  }
0x3a7: {  	v10 =	vld.idx.msk [tilespmem:v10+s12+$0x0], $0xffff;
	v6 =	vmul.f32 v6, v12;
	v7 =	vmul.f32 v7, v12  }
0x3a8: {  	v12 =	vld.idx.msk [tilespmem:v13+s12+$0x0], $0xffff  }
0x3a9: {  	v6 =	vsub.f32 v14, v6;
	v4 =	vadd.f32 v4, v7;
	_ =	sdelay $0x1  }
0x3aa: {  	v6 =	vadd.f32 v6, v9;
	v4 =	vadd.f32 v4, v5;
	_ =	sdelay $0x1  }
0x3ab: {  	v9 =	vor.u32 $0x812, v0;
	v14 =	vmul.f32 v6, v10;
	v15 =	vmul.f32 v4, v12  }
0x3ac: {  	v6 =	vmul.f32 v6, v12;
	v4 =	vmul.f32 v4, v10;
	v10 =	vadd.s32 v9, v2  }
0x3ad: {  	v7 =	vor.u32 $0x832, v0;
	v12 =	vadd.s32 v9, v3;
	v5 =	vsub.f32 v14, v15  }
0x3ae: {  	v13 =	vadd.s32 v7, v3;
	v4 =	vadd.f32 v4, v6  }
0x3af: {  	[tilespmem:v11+s19+$0x0] =	vst.idx.msk $0xffff, v5;
	v5 =	vadd.s32 v7, v2  }
0x3b0: {  	[tilespmem:v8+s19+$0x0] =	vst.idx.msk $0xffff, v4  }
0x3b1: {  	v4 =	vld.idx.msk [tilespmem:v10+s14+$0x0], $0xffff  }
0x3b2: {  	v8 =	vld.idx.msk [tilespmem:v12+s17+$0x0], $0xffff  }
0x3b3: {  	v6 =	vld.idx.msk [tilespmem:v13+s17+$0x0], $0xffff  }
0x3b4: {  	v11 =	vadd.s32 v9, v1;
	v12 =	vld.idx.msk [tilespmem:v5+s14+$0x0], $0xffff  }
0x3b5: {  	v13 =	vadd.s32 v7, v1;
	_ =	sdelay $0x1  }
0x3b6: {  	v10 =	vld.idx.msk [tilespmem:v10+s15+$0x0], $0xffff  }
0x3b7: {  	v5 =	vld.idx.msk [tilespmem:v5+s15+$0x0], $0xffff;
	v14 =	vmul.f32 v8, v4;
	v4 =	vmul.f32 v6, v4  }
0x3b8: {  	v11 =	vld.idx.msk [tilespmem:v11+s12+$0x0], $0xffff;
	v6 =	vmul.f32 v6, v12;
	v8 =	vmul.f32 v8, v12  }
0x3b9: {  	v12 =	vld.idx.msk [tilespmem:v13+s12+$0x0], $0xffff  }
0x3ba: {  	v6 =	vsub.f32 v14, v6;
	v4 =	vadd.f32 v4, v8;
	_ =	sdelay $0x1  }
0x3bb: {  	v6 =	vadd.f32 v6, v10;
	v4 =	vadd.f32 v4, v5;
	_ =	sdelay $0x1  }
0x3bc: {  	v10 =	vor.u32 $0x813, v0;
	v14 =	vmul.f32 v6, v11;
	v15 =	vmul.f32 v4, v12  }
0x3bd: {  	v6 =	vmul.f32 v6, v12;
	v4 =	vmul.f32 v4, v11;
	v11 =	vadd.s32 v10, v2  }
0x3be: {  	v8 =	vor.u32 $0x833, v0;
	v12 =	vadd.s32 v10, v3;
	v5 =	vsub.f32 v14, v15  }
0x3bf: {  	v13 =	vadd.s32 v8, v3;
	v4 =	vadd.f32 v4, v6  }
0x3c0: {  	[tilespmem:v9+s19+$0x0] =	vst.idx.msk $0xffff, v5;
	v5 =	vadd.s32 v8, v2  }
0x3c1: {  	[tilespmem:v7+s19+$0x0] =	vst.idx.msk $0xffff, v4  }
0x3c2: {  	v4 =	vld.idx.msk [tilespmem:v11+s14+$0x0], $0xffff  }
0x3c3: {  	v7 =	vld.idx.msk [tilespmem:v12+s17+$0x0], $0xffff  }
0x3c4: {  	v6 =	vld.idx.msk [tilespmem:v13+s17+$0x0], $0xffff  }
0x3c5: {  	v9 =	vadd.s32 v10, v1;
	v12 =	vld.idx.msk [tilespmem:v5+s14+$0x0], $0xffff  }
0x3c6: {  	v13 =	vadd.s32 v8, v1;
	_ =	sdelay $0x1  }
0x3c7: {  	v11 =	vld.idx.msk [tilespmem:v11+s15+$0x0], $0xffff  }
0x3c8: {  	v5 =	vld.idx.msk [tilespmem:v5+s15+$0x0], $0xffff;
	v14 =	vmul.f32 v7, v4;
	v4 =	vmul.f32 v6, v4  }
0x3c9: {  	v9 =	vld.idx.msk [tilespmem:v9+s12+$0x0], $0xffff;
	v6 =	vmul.f32 v6, v12;
	v7 =	vmul.f32 v7, v12  }
0x3ca: {  	v12 =	vld.idx.msk [tilespmem:v13+s12+$0x0], $0xffff  }
0x3cb: {  	v6 =	vsub.f32 v14, v6;
	v4 =	vadd.f32 v4, v7;
	_ =	sdelay $0x1  }
0x3cc: {  	v6 =	vadd.f32 v6, v11;
	v4 =	vadd.f32 v4, v5;
	_ =	sdelay $0x1  }
0x3cd: {  	v11 =	vor.u32 $0x814, v0;
	v14 =	vmul.f32 v6, v9;
	v15 =	vmul.f32 v4, v12  }
0x3ce: {  	v6 =	vmul.f32 v6, v12;
	v4 =	vmul.f32 v4, v9;
	v9 =	vadd.s32 v11, v2  }
0x3cf: {  	v7 =	vor.u32 $0x834, v0;
	v12 =	vadd.s32 v11, v3;
	v5 =	vsub.f32 v14, v15  }
0x3d0: {  	v13 =	vadd.s32 v7, v3;
	v4 =	vadd.f32 v4, v6  }
0x3d1: {  	[tilespmem:v10+s19+$0x0] =	vst.idx.msk $0xffff, v5;
	v5 =	vadd.s32 v7, v2  }
0x3d2: {  	[tilespmem:v8+s19+$0x0] =	vst.idx.msk $0xffff, v4  }
0x3d3: {  	v4 =	vld.idx.msk [tilespmem:v9+s14+$0x0], $0xffff  }
0x3d4: {  	v8 =	vld.idx.msk [tilespmem:v12+s17+$0x0], $0xffff  }
0x3d5: {  	v6 =	vld.idx.msk [tilespmem:v13+s17+$0x0], $0xffff  }
0x3d6: {  	v10 =	vadd.s32 v11, v1;
	v12 =	vld.idx.msk [tilespmem:v5+s14+$0x0], $0xffff  }
0x3d7: {  	v13 =	vadd.s32 v7, v1;
	_ =	sdelay $0x1  }
0x3d8: {  	v9 =	vld.idx.msk [tilespmem:v9+s15+$0x0], $0xffff  }
0x3d9: {  	v5 =	vld.idx.msk [tilespmem:v5+s15+$0x0], $0xffff;
	v14 =	vmul.f32 v8, v4;
	v4 =	vmul.f32 v6, v4  }
0x3da: {  	v10 =	vld.idx.msk [tilespmem:v10+s12+$0x0], $0xffff;
	v6 =	vmul.f32 v6, v12;
	v8 =	vmul.f32 v8, v12  }
0x3db: {  	v12 =	vld.idx.msk [tilespmem:v13+s12+$0x0], $0xffff  }
0x3dc: {  	v6 =	vsub.f32 v14, v6;
	v4 =	vadd.f32 v4, v8;
	_ =	sdelay $0x1  }
0x3dd: {  	v6 =	vadd.f32 v6, v9;
	v4 =	vadd.f32 v4, v5;
	_ =	sdelay $0x1  }
0x3de: {  	v9 =	vor.u32 $0x815, v0;
	v14 =	vmul.f32 v6, v10;
	v15 =	vmul.f32 v4, v12  }
0x3df: {  	v6 =	vmul.f32 v6, v12;
	v4 =	vmul.f32 v4, v10;
	v10 =	vadd.s32 v9, v2  }
0x3e0: {  	v8 =	vor.u32 $0x835, v0;
	v12 =	vadd.s32 v9, v3;
	v5 =	vsub.f32 v14, v15  }
0x3e1: {  	v13 =	vadd.s32 v8, v3;
	v4 =	vadd.f32 v4, v6  }
0x3e2: {  	[tilespmem:v11+s19+$0x0] =	vst.idx.msk $0xffff, v5;
	v5 =	vadd.s32 v8, v2  }
0x3e3: {  	[tilespmem:v7+s19+$0x0] =	vst.idx.msk $0xffff, v4  }
0x3e4: {  	v4 =	vld.idx.msk [tilespmem:v10+s14+$0x0], $0xffff  }
0x3e5: {  	v7 =	vld.idx.msk [tilespmem:v12+s17+$0x0], $0xffff  }
0x3e6: {  	v6 =	vld.idx.msk [tilespmem:v13+s17+$0x0], $0xffff  }
0x3e7: {  	v11 =	vadd.s32 v9, v1;
	v12 =	vld.idx.msk [tilespmem:v5+s14+$0x0], $0xffff  }
0x3e8: {  	v13 =	vadd.s32 v8, v1;
	_ =	sdelay $0x1  }
0x3e9: {  	v10 =	vld.idx.msk [tilespmem:v10+s15+$0x0], $0xffff  }
0x3ea: {  	v5 =	vld.idx.msk [tilespmem:v5+s15+$0x0], $0xffff;
	v14 =	vmul.f32 v7, v4;
	v4 =	vmul.f32 v6, v4  }
0x3eb: {  	v11 =	vld.idx.msk [tilespmem:v11+s12+$0x0], $0xffff;
	v6 =	vmul.f32 v6, v12;
	v7 =	vmul.f32 v7, v12  }
0x3ec: {  	v12 =	vld.idx.msk [tilespmem:v13+s12+$0x0], $0xffff  }
0x3ed: {  	v6 =	vsub.f32 v14, v6;
	v4 =	vadd.f32 v4, v7;
	_ =	sdelay $0x1  }
0x3ee: {  	v6 =	vadd.f32 v6, v10;
	v4 =	vadd.f32 v4, v5;
	_ =	sdelay $0x1  }
0x3ef: {  	v10 =	vor.u32 $0x816, v0;
	v14 =	vmul.f32 v6, v11;
	v15 =	vmul.f32 v4, v12  }
0x3f0: {  	v6 =	vmul.f32 v6, v12;
	v4 =	vmul.f32 v4, v11;
	v11 =	vadd.s32 v10, v2  }
0x3f1: {  	v7 =	vor.u32 $0x836, v0;
	v12 =	vadd.s32 v10, v3;
	v5 =	vsub.f32 v14, v15  }
0x3f2: {  	v13 =	vadd.s32 v7, v3;
	v4 =	vadd.f32 v4, v6  }
0x3f3: {  	[tilespmem:v9+s19+$0x0] =	vst.idx.msk $0xffff, v5;
	v5 =	vadd.s32 v7, v2  }
0x3f4: {  	[tilespmem:v8+s19+$0x0] =	vst.idx.msk $0xffff, v4  }
0x3f5: {  	v4 =	vld.idx.msk [tilespmem:v11+s14+$0x0], $0xffff  }
0x3f6: {  	v8 =	vld.idx.msk [tilespmem:v12+s17+$0x0], $0xffff  }
0x3f7: {  	v6 =	vld.idx.msk [tilespmem:v13+s17+$0x0], $0xffff  }
0x3f8: {  	v9 =	vadd.s32 v10, v1;
	v12 =	vld.idx.msk [tilespmem:v5+s14+$0x0], $0xffff  }
0x3f9: {  	v13 =	vadd.s32 v7, v1;
	_ =	sdelay $0x1  }
0x3fa: {  	v11 =	vld.idx.msk [tilespmem:v11+s15+$0x0], $0xffff  }
0x3fb: {  	v5 =	vld.idx.msk [tilespmem:v5+s15+$0x0], $0xffff;
	v14 =	vmul.f32 v8, v4;
	v4 =	vmul.f32 v6, v4  }
0x3fc: {  	v9 =	vld.idx.msk [tilespmem:v9+s12+$0x0], $0xffff;
	v6 =	vmul.f32 v6, v12;
	v8 =	vmul.f32 v8, v12  }
0x3fd: {  	v12 =	vld.idx.msk [tilespmem:v13+s12+$0x0], $0xffff  }
0x3fe: {  	v6 =	vsub.f32 v14, v6;
	v4 =	vadd.f32 v4, v8;
	_ =	sdelay $0x1  }
0x3ff: {  	v6 =	vadd.f32 v6, v11;
	v4 =	vadd.f32 v4, v5;
	_ =	sdelay $0x1  }
0x400: {  	v11 =	vor.u32 $0x817, v0;
	v14 =	vmul.f32 v6, v9;
	v15 =	vmul.f32 v4, v12  }
0x401: {  	v6 =	vmul.f32 v6, v12;
	v4 =	vmul.f32 v4, v9;
	v9 =	vadd.s32 v11, v2  }
0x402: {  	v8 =	vor.u32 $0x837, v0;
	v12 =	vadd.s32 v11, v3;
	v5 =	vsub.f32 v14, v15  }
0x403: {  	v13 =	vadd.s32 v8, v3;
	v4 =	vadd.f32 v4, v6  }
0x404: {  	[tilespmem:v10+s19+$0x0] =	vst.idx.msk $0xffff, v5;
	v5 =	vadd.s32 v8, v2  }
0x405: {  	[tilespmem:v7+s19+$0x0] =	vst.idx.msk $0xffff, v4  }
0x406: {  	v4 =	vld.idx.msk [tilespmem:v9+s14+$0x0], $0xffff  }
0x407: {  	v7 =	vld.idx.msk [tilespmem:v12+s17+$0x0], $0xffff  }
0x408: {  	v6 =	vld.idx.msk [tilespmem:v13+s17+$0x0], $0xffff  }
0x409: {  	v10 =	vadd.s32 v11, v1;
	v12 =	vld.idx.msk [tilespmem:v5+s14+$0x0], $0xffff  }
0x40a: {  	v13 =	vadd.s32 v8, v1;
	_ =	sdelay $0x1  }
0x40b: {  	v9 =	vld.idx.msk [tilespmem:v9+s15+$0x0], $0xffff  }
0x40c: {  	v5 =	vld.idx.msk [tilespmem:v5+s15+$0x0], $0xffff;
	v14 =	vmul.f32 v7, v4;
	v4 =	vmul.f32 v6, v4  }
0x40d: {  	v10 =	vld.idx.msk [tilespmem:v10+s12+$0x0], $0xffff;
	v6 =	vmul.f32 v6, v12;
	v7 =	vmul.f32 v7, v12  }
0x40e: {  	v12 =	vld.idx.msk [tilespmem:v13+s12+$0x0], $0xffff  }
0x40f: {  	v6 =	vsub.f32 v14, v6;
	v4 =	vadd.f32 v4, v7;
	_ =	sdelay $0x1  }
0x410: {  	v6 =	vadd.f32 v6, v9;
	v4 =	vadd.f32 v4, v5;
	_ =	sdelay $0x1  }
0x411: {  	v9 =	vor.u32 $0x818, v0;
	v14 =	vmul.f32 v6, v10;
	v15 =	vmul.f32 v4, v12  }
0x412: {  	v6 =	vmul.f32 v6, v12;
	v4 =	vmul.f32 v4, v10;
	v10 =	vadd.s32 v9, v2  }
0x413: {  	v7 =	vor.u32 $0x838, v0;
	v12 =	vadd.s32 v9, v3;
	v5 =	vsub.f32 v14, v15  }
0x414: {  	v13 =	vadd.s32 v7, v3;
	v4 =	vadd.f32 v4, v6  }
0x415: {  	[tilespmem:v11+s19+$0x0] =	vst.idx.msk $0xffff, v5;
	v5 =	vadd.s32 v7, v2  }
0x416: {  	[tilespmem:v8+s19+$0x0] =	vst.idx.msk $0xffff, v4  }
0x417: {  	v4 =	vld.idx.msk [tilespmem:v10+s14+$0x0], $0xffff  }
0x418: {  	v8 =	vld.idx.msk [tilespmem:v12+s17+$0x0], $0xffff  }
0x419: {  	v6 =	vld.idx.msk [tilespmem:v13+s17+$0x0], $0xffff  }
0x41a: {  	v11 =	vadd.s32 v9, v1;
	v12 =	vld.idx.msk [tilespmem:v5+s14+$0x0], $0xffff  }
0x41b: {  	v13 =	vadd.s32 v7, v1;
	_ =	sdelay $0x1  }
0x41c: {  	v10 =	vld.idx.msk [tilespmem:v10+s15+$0x0], $0xffff  }
0x41d: {  	v5 =	vld.idx.msk [tilespmem:v5+s15+$0x0], $0xffff;
	v14 =	vmul.f32 v8, v4;
	v4 =	vmul.f32 v6, v4  }
0x41e: {  	v11 =	vld.idx.msk [tilespmem:v11+s12+$0x0], $0xffff;
	v6 =	vmul.f32 v6, v12;
	v8 =	vmul.f32 v8, v12  }
0x41f: {  	v12 =	vld.idx.msk [tilespmem:v13+s12+$0x0], $0xffff  }
0x420: {  	v6 =	vsub.f32 v14, v6;
	v4 =	vadd.f32 v4, v8;
	_ =	sdelay $0x1  }
0x421: {  	v6 =	vadd.f32 v6, v10;
	v4 =	vadd.f32 v4, v5;
	_ =	sdelay $0x1  }
0x422: {  	v10 =	vor.u32 $0x819, v0;
	v14 =	vmul.f32 v6, v11;
	v15 =	vmul.f32 v4, v12  }
0x423: {  	v6 =	vmul.f32 v6, v12;
	v4 =	vmul.f32 v4, v11;
	v11 =	vadd.s32 v10, v2  }
0x424: {  	v8 =	vor.u32 $0x839, v0;
	v12 =	vadd.s32 v10, v3;
	v5 =	vsub.f32 v14, v15  }
0x425: {  	v13 =	vadd.s32 v8, v3;
	v4 =	vadd.f32 v4, v6  }
0x426: {  	[tilespmem:v9+s19+$0x0] =	vst.idx.msk $0xffff, v5;
	v5 =	vadd.s32 v8, v2  }
0x427: {  	[tilespmem:v7+s19+$0x0] =	vst.idx.msk $0xffff, v4  }
0x428: {  	v4 =	vld.idx.msk [tilespmem:v11+s14+$0x0], $0xffff  }
0x429: {  	v7 =	vld.idx.msk [tilespmem:v12+s17+$0x0], $0xffff  }
0x42a: {  	v6 =	vld.idx.msk [tilespmem:v13+s17+$0x0], $0xffff  }
0x42b: {  	v9 =	vadd.s32 v10, v1;
	v12 =	vld.idx.msk [tilespmem:v5+s14+$0x0], $0xffff  }
0x42c: {  	v13 =	vadd.s32 v8, v1;
	_ =	sdelay $0x1  }
0x42d: {  	v11 =	vld.idx.msk [tilespmem:v11+s15+$0x0], $0xffff  }
0x42e: {  	v5 =	vld.idx.msk [tilespmem:v5+s15+$0x0], $0xffff;
	v14 =	vmul.f32 v7, v4;
	v4 =	vmul.f32 v6, v4  }
0x42f: {  	v9 =	vld.idx.msk [tilespmem:v9+s12+$0x0], $0xffff;
	v6 =	vmul.f32 v6, v12;
	v7 =	vmul.f32 v7, v12  }
0x430: {  	v12 =	vld.idx.msk [tilespmem:v13+s12+$0x0], $0xffff  }
0x431: {  	v6 =	vsub.f32 v14, v6;
	v4 =	vadd.f32 v4, v7;
	_ =	sdelay $0x1  }
0x432: {  	v6 =	vadd.f32 v6, v11;
	v4 =	vadd.f32 v4, v5;
	_ =	sdelay $0x1  }
0x433: {  	v11 =	vor.u32 $0x81A, v0;
	v14 =	vmul.f32 v6, v9;
	v15 =	vmul.f32 v4, v12  }
0x434: {  	v6 =	vmul.f32 v6, v12;
	v4 =	vmul.f32 v4, v9;
	v9 =	vadd.s32 v11, v2  }
0x435: {  	v7 =	vor.u32 $0x83A, v0;
	v12 =	vadd.s32 v11, v3;
	v5 =	vsub.f32 v14, v15  }
0x436: {  	v13 =	vadd.s32 v7, v3;
	v4 =	vadd.f32 v4, v6  }
0x437: {  	[tilespmem:v10+s19+$0x0] =	vst.idx.msk $0xffff, v5;
	v5 =	vadd.s32 v7, v2  }
0x438: {  	[tilespmem:v8+s19+$0x0] =	vst.idx.msk $0xffff, v4  }
0x439: {  	v4 =	vld.idx.msk [tilespmem:v9+s14+$0x0], $0xffff  }
0x43a: {  	v8 =	vld.idx.msk [tilespmem:v12+s17+$0x0], $0xffff  }
0x43b: {  	v6 =	vld.idx.msk [tilespmem:v13+s17+$0x0], $0xffff  }
0x43c: {  	v10 =	vadd.s32 v11, v1;
	v12 =	vld.idx.msk [tilespmem:v5+s14+$0x0], $0xffff  }
0x43d: {  	v13 =	vadd.s32 v7, v1;
	_ =	sdelay $0x1  }
0x43e: {  	v9 =	vld.idx.msk [tilespmem:v9+s15+$0x0], $0xffff  }
0x43f: {  	v5 =	vld.idx.msk [tilespmem:v5+s15+$0x0], $0xffff;
	v14 =	vmul.f32 v8, v4;
	v4 =	vmul.f32 v6, v4  }
0x440: {  	v10 =	vld.idx.msk [tilespmem:v10+s12+$0x0], $0xffff;
	v6 =	vmul.f32 v6, v12;
	v8 =	vmul.f32 v8, v12  }
0x441: {  	v12 =	vld.idx.msk [tilespmem:v13+s12+$0x0], $0xffff  }
0x442: {  	v6 =	vsub.f32 v14, v6;
	v4 =	vadd.f32 v4, v8;
	_ =	sdelay $0x1  }
0x443: {  	v6 =	vadd.f32 v6, v9;
	v4 =	vadd.f32 v4, v5;
	_ =	sdelay $0x1  }
0x444: {  	v9 =	vor.u32 $0x81B, v0;
	v14 =	vmul.f32 v6, v10;
	v15 =	vmul.f32 v4, v12  }
0x445: {  	v6 =	vmul.f32 v6, v12;
	v4 =	vmul.f32 v4, v10;
	v10 =	vadd.s32 v9, v2  }
0x446: {  	v8 =	vor.u32 $0x83B, v0;
	v12 =	vadd.s32 v9, v3;
	v5 =	vsub.f32 v14, v15  }
0x447: {  	v13 =	vadd.s32 v8, v3;
	v4 =	vadd.f32 v4, v6  }
0x448: {  	[tilespmem:v11+s19+$0x0] =	vst.idx.msk $0xffff, v5;
	v5 =	vadd.s32 v8, v2  }
0x449: {  	[tilespmem:v7+s19+$0x0] =	vst.idx.msk $0xffff, v4  }
0x44a: {  	v4 =	vld.idx.msk [tilespmem:v10+s14+$0x0], $0xffff  }
0x44b: {  	v7 =	vld.idx.msk [tilespmem:v12+s17+$0x0], $0xffff  }
0x44c: {  	v6 =	vld.idx.msk [tilespmem:v13+s17+$0x0], $0xffff  }
0x44d: {  	v11 =	vadd.s32 v9, v1;
	v12 =	vld.idx.msk [tilespmem:v5+s14+$0x0], $0xffff  }
0x44e: {  	v13 =	vadd.s32 v8, v1;
	_ =	sdelay $0x1  }
0x44f: {  	v10 =	vld.idx.msk [tilespmem:v10+s15+$0x0], $0xffff  }
0x450: {  	v5 =	vld.idx.msk [tilespmem:v5+s15+$0x0], $0xffff;
	v14 =	vmul.f32 v7, v4;
	v4 =	vmul.f32 v6, v4  }
0x451: {  	v11 =	vld.idx.msk [tilespmem:v11+s12+$0x0], $0xffff;
	v6 =	vmul.f32 v6, v12;
	v7 =	vmul.f32 v7, v12  }
0x452: {  	v12 =	vld.idx.msk [tilespmem:v13+s12+$0x0], $0xffff  }
0x453: {  	v6 =	vsub.f32 v14, v6;
	v4 =	vadd.f32 v4, v7;
	_ =	sdelay $0x1  }
0x454: {  	v6 =	vadd.f32 v6, v10;
	v4 =	vadd.f32 v4, v5;
	_ =	sdelay $0x1  }
0x455: {  	v10 =	vor.u32 $0x81C, v0;
	v14 =	vmul.f32 v6, v11;
	v15 =	vmul.f32 v4, v12  }
0x456: {  	v6 =	vmul.f32 v6, v12;
	v4 =	vmul.f32 v4, v11;
	v11 =	vadd.s32 v10, v2  }
0x457: {  	v7 =	vor.u32 $0x83C, v0;
	v12 =	vadd.s32 v10, v3;
	v5 =	vsub.f32 v14, v15  }
0x458: {  	v13 =	vadd.s32 v7, v3;
	v4 =	vadd.f32 v4, v6  }
0x459: {  	[tilespmem:v9+s19+$0x0] =	vst.idx.msk $0xffff, v5;
	v5 =	vadd.s32 v7, v2  }
0x45a: {  	[tilespmem:v8+s19+$0x0] =	vst.idx.msk $0xffff, v4  }
0x45b: {  	v4 =	vld.idx.msk [tilespmem:v11+s14+$0x0], $0xffff  }
0x45c: {  	v8 =	vld.idx.msk [tilespmem:v12+s17+$0x0], $0xffff  }
0x45d: {  	v6 =	vld.idx.msk [tilespmem:v13+s17+$0x0], $0xffff  }
0x45e: {  	v9 =	vadd.s32 v10, v1;
	v12 =	vld.idx.msk [tilespmem:v5+s14+$0x0], $0xffff  }
0x45f: {  	v13 =	vadd.s32 v7, v1;
	_ =	sdelay $0x1  }
0x460: {  	v11 =	vld.idx.msk [tilespmem:v11+s15+$0x0], $0xffff  }
0x461: {  	v5 =	vld.idx.msk [tilespmem:v5+s15+$0x0], $0xffff;
	v14 =	vmul.f32 v8, v4;
	v4 =	vmul.f32 v6, v4  }
0x462: {  	v9 =	vld.idx.msk [tilespmem:v9+s12+$0x0], $0xffff;
	v6 =	vmul.f32 v6, v12;
	v8 =	vmul.f32 v8, v12  }
0x463: {  	v12 =	vld.idx.msk [tilespmem:v13+s12+$0x0], $0xffff  }
0x464: {  	v6 =	vsub.f32 v14, v6;
	v4 =	vadd.f32 v4, v8;
	_ =	sdelay $0x1  }
0x465: {  	v6 =	vadd.f32 v6, v11;
	v4 =	vadd.f32 v4, v5;
	_ =	sdelay $0x1  }
0x466: {  	v11 =	vor.u32 $0x81D, v0;
	v14 =	vmul.f32 v6, v9;
	v15 =	vmul.f32 v4, v12  }
0x467: {  	v6 =	vmul.f32 v6, v12;
	v4 =	vmul.f32 v4, v9;
	v9 =	vadd.s32 v11, v2  }
0x468: {  	v8 =	vor.u32 $0x83D, v0;
	v12 =	vadd.s32 v11, v3;
	v5 =	vsub.f32 v14, v15  }
0x469: {  	v13 =	vadd.s32 v8, v3;
	v4 =	vadd.f32 v4, v6  }
0x46a: {  	[tilespmem:v10+s19+$0x0] =	vst.idx.msk $0xffff, v5;
	v5 =	vadd.s32 v8, v2  }
0x46b: {  	[tilespmem:v7+s19+$0x0] =	vst.idx.msk $0xffff, v4  }
0x46c: {  	v4 =	vld.idx.msk [tilespmem:v9+s14+$0x0], $0xffff  }
0x46d: {  	v7 =	vld.idx.msk [tilespmem:v12+s17+$0x0], $0xffff  }
0x46e: {  	v6 =	vld.idx.msk [tilespmem:v13+s17+$0x0], $0xffff  }
0x46f: {  	v10 =	vadd.s32 v11, v1;
	v12 =	vld.idx.msk [tilespmem:v5+s14+$0x0], $0xffff  }
0x470: {  	v13 =	vadd.s32 v8, v1;
	_ =	sdelay $0x1  }
0x471: {  	v9 =	vld.idx.msk [tilespmem:v9+s15+$0x0], $0xffff  }
0x472: {  	v5 =	vld.idx.msk [tilespmem:v5+s15+$0x0], $0xffff;
	v14 =	vmul.f32 v7, v4;
	v4 =	vmul.f32 v6, v4  }
0x473: {  	v10 =	vld.idx.msk [tilespmem:v10+s12+$0x0], $0xffff;
	v6 =	vmul.f32 v6, v12;
	v7 =	vmul.f32 v7, v12  }
0x474: {  	v12 =	vld.idx.msk [tilespmem:v13+s12+$0x0], $0xffff  }
0x475: {  	v6 =	vsub.f32 v14, v6;
	v4 =	vadd.f32 v4, v7;
	_ =	sdelay $0x1  }
0x476: {  	v6 =	vadd.f32 v6, v9;
	v4 =	vadd.f32 v4, v5;
	_ =	sdelay $0x1  }
0x477: {  	v9 =	vor.u32 $0x81E, v0;
	v14 =	vmul.f32 v6, v10;
	v15 =	vmul.f32 v4, v12  }
0x478: {  	v6 =	vmul.f32 v6, v12;
	v4 =	vmul.f32 v4, v10;
	v10 =	vadd.s32 v9, v2  }
0x479: {  	v7 =	vor.u32 $0x83E, v0;
	v12 =	vadd.s32 v9, v3;
	v5 =	vsub.f32 v14, v15  }
0x47a: {  	v13 =	vadd.s32 v7, v3;
	v4 =	vadd.f32 v4, v6  }
0x47b: {  	[tilespmem:v11+s19+$0x0] =	vst.idx.msk $0xffff, v5;
	v5 =	vadd.s32 v7, v2  }
0x47c: {  	[tilespmem:v8+s19+$0x0] =	vst.idx.msk $0xffff, v4  }
0x47d: {  	v4 =	vld.idx.msk [tilespmem:v10+s14+$0x0], $0xffff  }
0x47e: {  	v8 =	vld.idx.msk [tilespmem:v12+s17+$0x0], $0xffff  }
0x47f: {  	v6 =	vld.idx.msk [tilespmem:v13+s17+$0x0], $0xffff  }
0x480: {  	v11 =	vadd.s32 v9, v1;
	v12 =	vld.idx.msk [tilespmem:v5+s14+$0x0], $0xffff  }
0x481: {  	v13 =	vadd.s32 v7, v1;
	_ =	sdelay $0x1  }
0x482: {  	v10 =	vld.idx.msk [tilespmem:v10+s15+$0x0], $0xffff  }
0x483: {  	v5 =	vld.idx.msk [tilespmem:v5+s15+$0x0], $0xffff;
	v14 =	vmul.f32 v8, v4;
	v4 =	vmul.f32 v6, v4  }
0x484: {  	v11 =	vld.idx.msk [tilespmem:v11+s12+$0x0], $0xffff;
	v6 =	vmul.f32 v6, v12;
	v8 =	vmul.f32 v8, v12  }
0x485: {  	v12 =	vld.idx.msk [tilespmem:v13+s12+$0x0], $0xffff  }
0x486: {  	v6 =	vsub.f32 v14, v6;
	v4 =	vadd.f32 v4, v8;
	_ =	sdelay $0x1  }
0x487: {  	v6 =	vadd.f32 v6, v10;
	v4 =	vadd.f32 v4, v5;
	_ =	sdelay $0x1  }
0x488: {  	v10 =	vor.u32 $0x81F, v0;
	v14 =	vmul.f32 v6, v11;
	v15 =	vmul.f32 v4, v12  }
0x489: {  	v6 =	vmul.f32 v6, v12;
	v4 =	vmul.f32 v4, v11;
	v11 =	vadd.s32 v10, v2  }
0x48a: {  	v8 =	vor.u32 $0x83F, v0;
	v12 =	vadd.s32 v10, v3;
	v5 =	vsub.f32 v14, v15  }
0x48b: {  	v3 =	vadd.s32 v8, v3;
	v4 =	vadd.f32 v4, v6  }
0x48c: {  	v2 =	vadd.s32 v8, v2;
	[tilespmem:v9+s19+$0x0] =	vst.idx.msk $0xffff, v5  }
0x48d: {  	[tilespmem:v7+s19+$0x0] =	vst.idx.msk $0xffff, v4  }
0x48e: {  	v4 =	vld.idx.msk [tilespmem:v11+s14+$0x0], $0xffff  }
0x48f: {  	v5 =	vld.idx.msk [tilespmem:v12+s17+$0x0], $0xffff  }
0x490: {  	v3 =	vld.idx.msk [tilespmem:v3+s17+$0x0], $0xffff  }
0x491: {  	v12 =	vadd.s32 v10, v1;
	v7 =	vld.idx.msk [tilespmem:v2+s14+$0x0], $0xffff  }
0x492: {  	v1 =	vadd.s32 v8, v1;
	_ =	sdelay $0x1  }
0x493: {  	v9 =	vld.idx.msk [tilespmem:v11+s15+$0x0], $0xffff  }
0x494: {  	v2 =	vld.idx.msk [tilespmem:v2+s15+$0x0], $0xffff;
	v13 =	vmul.f32 v5, v4;
	v4 =	vmul.f32 v3, v4  }
0x495: {  	v3 =	vmul.f32 v3, v7;
	v5 =	vmul.f32 v5, v7;
	v6 =	vld.idx.msk [tilespmem:v12+s12+$0x0], $0xffff  }
0x496: {  	v1 =	vld.idx.msk [tilespmem:v1+s12+$0x0], $0xffff  }
0x497: {  	v3 =	vsub.f32 v13, v3;
	v4 =	vadd.f32 v4, v5;
	_ =	sdelay $0x1  }
0x498: {  	v3 =	vadd.f32 v3, v9;
	v2 =	vadd.f32 v4, v2;
	_ =	sdelay $0x1  }
0x499: {  	v14 =	vmul.f32 v3, v6;
	v15 =	vmul.f32 v2, v1  }
0x49a: {  	v1 =	vmul.f32 v3, v1;
	v2 =	vmul.f32 v2, v6  }
0x49b: {  	v3 =	vsub.f32 v14, v15  }
0x49c: {  	v1 =	vadd.f32 v2, v1  }
0x49d: {  	p0 =	sne.s32 s9, $0x1;
	[tilespmem:v10+s19+$0x0] =	vst.idx.msk $0xffff, v3  }
.Ltmp0:
0x49e: {  	[tilespmem:v8+s19+$0x0] =	vst.idx.msk $0xffff, v1;
	(pc) =	sbr.rel @p0 .LBB2_1-.Ltmp0, $4  }
0x49f: {  	[hbm4b:s8+s2] =	stream.linear.scatter [tilespmem:s19], [sflag:$0x2], $0x1000, $0x38;
	[tilespmem:$0x5400] =	vst v63  }
0x4a0: {  	_ =	swait.ge [sflag:s10], $0x1000  }
0x4a1: {  	[sflag:s10] =	ssyncset.done $0x0  }
0x4a2: {  	s9 =	sadd.s32 $0xFFFFFFFF, s9;
	[sflag:s10] =	ssyncadd.s32 $0xFFFFF000  }
0x4a3: {  	_ =	sfence.sel $0x180000  }
0x4a4: {  	[bflag:$0x0] =	sbarrier.arrive $0xFFFF  }
0x4a5: {  	p0 =	sne.s32 s3, $0x0;
	_ =	strace $0x90000047  }
0x4a6: {  	s0 =	sadd.s32 @!p0 $0x100000, s0;
	[bflag:$0x2] =	sbarrier.arrive $0xFFFF  }
0x4a7: {  	[sflag:s0] =	ssyncadd.tile.s32 @!p0 $0x1;
	_ =	shalt  }
.Lfunc_end2:
_tile_overlayer_lowered:
.L_overlay_start_2:
0x4a8: {  	(tag) =	ssettag $0x2  }
0x4a9: {  	s0 =	rddreg [dreg:$0x0];
	s2 =	stileid.u32  }
0x4aa: {  	s1 =	rddreg [dreg:$0x1];
	p0 =	sne.s32 s2, $0x0  }
0x4ab: {  	s3 =	rddreg [dreg:$0x2];
	[bflag:$0x3] =	sbarrier.arrive $0xFFFF;
	s2 =	simm.s32 @!p0 $0x1C02  }
0x4ac: {  	[timem:s3], [sflag:s2] =	dma.local @!p0 [hbm:s0], s1  }
0x4ad: {  	s0 =	simm.s32 @!p0 $0x2  }
0x4ae: {  	_ =	swait.ge @!p0 [sflag:s0], s1  }
0x4af: {  	s1 =	ssub.s32 @!p0 $0x0, s1;
	[sflag:s0] =	ssyncset.done @!p0 $0x0  }
0x4b0: {  	[sflag:s0] =	ssyncadd.s32 @!p0 s1  }
0x4b1: {  	[bflag:$0x3] =	sbarrier.arrive $0xFFFF  }
0x4b2: {  	_ =	shalt  }

</sc_bundles>
